<compile_context>
chip_gen: v7x
topology: tpu7x:2x2x1
jax: 0.10.2.dev20260603
libtpu: 0.0.44.dev20260713+nightly
codegen_flags: <defaults>
</compile_context>

<pallas_src>
import functools

import jax
import jax.numpy as jnp
from jax import lax
from jax.experimental import pallas as pl
from jax.experimental.pallas import tpu as pltpu
from jax.experimental.pallas import tpu_sc as plsc

N = 255
NNZ_PAD = 768
TBL = 2048


def _sc_extract(coo_packed):
    mesh = plsc.VectorSubcoreMesh(core_axis_name="c", subcore_axis_name="s")

    @functools.partial(
        pl.kernel,
        out_type=jax.ShapeDtypeStruct((2 * TBL,), jnp.float32),
        mesh=mesh,
        compiler_params=pltpu.CompilerParams(needs_layout_passes=False),
        scratch_types=[
            pltpu.VMEM((6, NNZ_PAD), jnp.int32),
            pltpu.VMEM((2 * TBL,), jnp.float32),
        ],
    )
    def k(coo_hbm, out_hbm, coo_v, tbl_v):
        @pl.when((lax.axis_index("c") == 0) & (lax.axis_index("s") == 0))
        def _():
            pltpu.sync_copy(coo_hbm, coo_v)
            zero = jnp.zeros((16,), jnp.float32)
            for j in range(2 * TBL // 16):
                tbl_v[pl.ds(j * 16, 16)] = zero
            for m in range(2):
                base = m * TBL
                for j in range(NNZ_PAD // 16):
                    r = coo_v[3 * m, pl.ds(j * 16, 16)]
                    c = coo_v[3 * m + 1, pl.ds(j * 16, 16)]
                    v = plsc.bitcast(coo_v[3 * m + 2, pl.ds(j * 16, 16)],
                                     jnp.float32)
                    idx = base + r * 8 + (c - r + 1)
                    plsc.store_scatter(tbl_v, [idx], v)
            pltpu.sync_copy(tbl_v, out_hbm)

    return k(coo_packed)

    return k(rows_sm, cols_sm, vals_sm, rows_sp, cols_sp, vals_sp)


def _band_apply(coef, y):
    return (coef[:, 0:1] * jnp.roll(y, 1, axis=0)
            + coef[:, 1:2] * y
            + coef[:, 2:3] * jnp.roll(y, -1, axis=0))


def _make_body(bc):
    def tile_period(tbl_ref):
        return jnp.concatenate([tbl_ref[...][:N]] * bc, axis=0)

    def body(tbl_sm, tbl_sp, h_ref,
             We0, be0, We1, be1, We2, be2, Wd0, bd0, Wd1, bd1, Wd2, bd2,
             out_ref, coef_sm, coef_sp):
        @pl.when(pl.program_id(0) == 0)
        def _():
            coef_sm[...] = tile_period(tbl_sm)
            coef_sp[...] = tile_period(tbl_sp)

        csm = coef_sm[...]
        csp = coef_sp[...]
        x = h_ref[...]
        for W, b, coef in ((We0, be0, csm), (We1, be1, csm), (We2, be2, csm),
                           (Wd0, bd0, csp), (Wd1, bd1, csp), (Wd2, bd2, csp)):
            y = jnp.dot(x, W[...], preferred_element_type=jnp.float32) + b[...]
            x = jnp.maximum(_band_apply(coef, y), 0.0)
        out_ref[...] = x

    return body


def kernel(H, We0, be0, We1, be1, We2, be2, Wd0, bd0, Wd1, bd1, Wd2, bd2,
           sm_rows, sm_cols, sm_vals, sp_rows, sp_cols, sp_vals):
    B = H.shape[0]
    bc = 16
    blk = bc * N

    def pad_nnz(a):
        pad = NNZ_PAD - a.shape[0]
        if a.dtype == jnp.int32:
            return jnp.pad(a, (0, pad), constant_values=N)
        return jnp.pad(a.view(jnp.int32), (0, pad))

    coo_packed = jnp.stack([pad_nnz(a) for a in
                            (sm_rows, sm_cols, sm_vals,
                             sp_rows, sp_cols, sp_vals)])
    tbl = _sc_extract(coo_packed)
    tbl_sm = tbl[:TBL].reshape(TBL // 8, 8)
    tbl_sp = tbl[TBL:].reshape(TBL // 8, 8)

    weights = [We0, We1, We2, Wd0, Wd1, Wd2]
    biases = [b.reshape(1, -1) for b in (be0, be1, be2, bd0, bd1, bd2)]

    full = lambda a: pl.BlockSpec(a.shape, lambda i: (0, 0))
    in_specs = [full(tbl_sm), full(tbl_sp),
                pl.BlockSpec((blk, 2), lambda i: (i, 0))]
    for W, b in zip(weights, biases):
        in_specs += [full(W), full(b)]

    inputs = [tbl_sm, tbl_sp, H.reshape(B * N, 2)]
    for W, b in zip(weights, biases):
        inputs += [W, b]

    out = pl.pallas_call(
        _make_body(bc),
        grid=(B // bc,),
        in_specs=in_specs,
        out_specs=pl.BlockSpec((blk, 2), lambda i: (i, 0)),
        out_shape=jax.ShapeDtypeStruct((B * N, 2), jnp.float32),
        scratch_shapes=[pltpu.VMEM((blk, 8), jnp.float32),
                        pltpu.VMEM((blk, 8), jnp.float32)],
    )(*inputs)
    return out.reshape(B, N, 2)

# --- scband reference (transcript-rebuilt; emitter-appended) ---
"""Pipeline reference for scband-model-43069932045089 (READ-ONLY COPY).

The authoritative reference and input builder live on the scoring server;
editing this copy changes nothing except your own understanding.
"""

import jax, jax.numpy as jnp
import numpy as np

N = 255

def _build_dad():
    A = np.zeros((N, N), dtype=np.float32)
    i = np.arange(N - 1)
    A[i, i + 1] = 1.0
    A[i + 1, i] = 1.0
    A = A + np.eye(N, dtype=np.float32)
    d = A.sum(1)
    dinv = 1.0 / np.sqrt(d)
    DADsm = A * dinv[:, None] * dinv[None, :]
    DADsp = 2.0 * np.eye(N, dtype=np.float32) - DADsm
    return DADsm, DADsp

def _coo(M):
    r, c = np.nonzero(M)
    return jnp.asarray(r, jnp.int32), jnp.asarray(c, jnp.int32), jnp.asarray(M[r, c], jnp.float32)

def setup_inputs(seed: int = 0):
    key = jax.random.key(seed)
    ks = jax.random.split(key, 8)
    DADsm, DADsp = _build_dad()
    sm_r, sm_c, sm_v = _coo(DADsm)
    sp_r, sp_c, sp_v = _coo(DADsp)
    dims_enc = [(2, 400), (400, 300), (300, 100)]
    dims_dec = [(100, 300), (300, 400), (400, 2)]
    inp = {"H": jax.random.normal(ks[0], (64, N, 2), dtype=jnp.float32)}
    for j, (a, b) in enumerate(dims_enc):
        inp["We%d" % j] = jax.random.normal(ks[1 + j], (a, b), dtype=jnp.float32) / np.sqrt(a)
        inp["be%d" % j] = jnp.zeros((b,), jnp.float32)
    for j, (a, b) in enumerate(dims_dec):
        inp["Wd%d" % j] = jax.random.normal(ks[4 + j], (a, b), dtype=jnp.float32) / np.sqrt(a)
        inp["bd%d" % j] = jnp.zeros((b,), jnp.float32)
    inp.update({"sm_rows": sm_r, "sm_cols": sm_c, "sm_vals": sm_v,
                "sp_rows": sp_r, "sp_cols": sp_c, "sp_vals": sp_v})
    return inp

def _spmm(rows, cols, vals, X):
    # sparse (N,N) @ dense (N,d) via gather + segment-sum (SparseCore-friendly)
    return jax.ops.segment_sum(vals[:, None] * X[cols], rows, num_segments=N)

def reference(H, We0, be0, We1, be1, We2, be2, Wd0, bd0, Wd1, bd1, Wd2, bd2,
              sm_rows, sm_cols, sm_vals, sp_rows, sp_cols, sp_vals):
    enc = [(We0, be0), (We1, be1), (We2, be2)]
    dec = [(Wd0, bd0), (Wd1, bd1), (Wd2, bd2)]
    x = H
    # Laplacian smoothing encoder: relu(DADsm @ Dense(x)) per batch element
    for W, b in enc:
        y = x @ W + b
        x = jax.nn.relu(jax.vmap(lambda yi: _spmm(sm_rows, sm_cols, sm_vals, yi))(y))
    # Laplacian sharpening decoder: relu(DADsp @ Dense(x)) per batch element
    for W, b in dec:
        y = x @ W + b
        x = jax.nn.relu(jax.vmap(lambda yi: _spmm(sp_rows, sp_cols, sp_vals, yi))(y))
    return x

if __name__ == "__main__":
    import jax
    _d = setup_inputs()
    print(jax.jit(kernel)(*tuple(_d.values())))

</pallas_src>

<mosaic_0001>
#map = affine_map<(d0, d1) -> (0, 0)>
#map1 = affine_map<(d0, d1) -> (0)>
module attributes {stable_mosaic.version = 14 : i64} {
  func.func @k(%arg0: i32, %arg1: i32, %arg2: memref<6x768xi32, #tpu.memory_space<hbm>>, %arg3: memref<4096xf32, #tpu.memory_space<hbm>>, %arg4: memref<6x768xi32, #tpu.memory_space<vmem>>, %arg5: memref<4096xf32, #tpu.memory_space<vmem>>) attributes {dimension_semantics = [#tpu.dimension_semantics<core_parallel>, #tpu.dimension_semantics<subcore_parallel>], iteration_bounds = array<i64: 2, 16>, scalar_prefetch = 0 : i64, scratch_operands = 2 : i64, tpu.core_type = #tpu.core_type<sc_vector_subcore>, window_params = [{transform_indices = #map}, {transform_indices = #map1}]} {
    %eq3A = arith.constant 0 : i32
    %eq3A_0 = arith.cmpi eq, %arg0, %eq3A : i32
    %eq3A_1 = arith.constant 0 : i32
    %eq3A_2 = arith.cmpi eq, %arg1, %eq3A_1 : i32
    %and3A = arith.andi %eq3A_0, %eq3A_2 : i1
    %convert_element_type3A = arith.extui %and3A : i1 to i32
    %cond3A = arith.constant 0 : i32
    %cond3A_3 = arith.cmpi ne, %convert_element_type3A, %cond3A : i32
    scf.if %cond3A_3 {
      "tpu.region"() ({
        %run_scoped3A = tpu.sem_alloc : memref<!tpu.dma_semaphore, #tpu.memory_space<semaphore_mem>>
        tpu.enqueue_dma source(%arg2 : memref<6x768xi32, #tpu.memory_space<hbm>>) target(%arg4 : memref<6x768xi32, #tpu.memory_space<vmem>>) target_semaphore(%run_scoped3A : memref<!tpu.dma_semaphore, #tpu.memory_space<semaphore_mem>>)
        tpu.wait_dma2 semaphore(%run_scoped3A : memref<!tpu.dma_semaphore, #tpu.memory_space<semaphore_mem>>) src(%arg2 : memref<6x768xi32, #tpu.memory_space<hbm>>) dst(%arg4 : memref<6x768xi32, #tpu.memory_space<vmem>>)
        tpu.yield
      }) : () -> ()
      %broadcast_in_dim3A = arith.constant 0.000000e+00 : f32
      %broadcast_in_dim3A_4 = vector.broadcast %broadcast_in_dim3A : f32 to vector<16xf32>
      %swap3A = arith.constant 0 : index
      %swap3A_5 = tpu.vector_load %arg5[%swap3A] {strides = array<i32>} : memref<4096xf32, #tpu.memory_space<vmem>>, vector<16xf32>,
      tpu.vector_store %arg5[%swap3A], %broadcast_in_dim3A_4 {strides = array<i32>} : memref<4096xf32, #tpu.memory_space<vmem>>, vector<16xf32>,
      %swap3A_6 = arith.constant 16 : index
      %swap3A_7 = tpu.vector_load %arg5[%swap3A_6] {strides = array<i32>} : memref<4096xf32, #tpu.memory_space<vmem>>, vector<16xf32>,
      tpu.vector_store %arg5[%swap3A_6], %broadcast_in_dim3A_4 {strides = array<i32>} : memref<4096xf32, #tpu.memory_space<vmem>>, vector<16xf32>,
      %swap3A_8 = arith.constant 32 : index
      %swap3A_9 = tpu.vector_load %arg5[%swap3A_8] {strides = array<i32>} : memref<4096xf32, #tpu.memory_space<vmem>>, vector<16xf32>,
      tpu.vector_store %arg5[%swap3A_8], %broadcast_in_dim3A_4 {strides = array<i32>} : memref<4096xf32, #tpu.memory_space<vmem>>, vector<16xf32>,
      %swap3A_10 = arith.constant 48 : index
      %swap3A_11 = tpu.vector_load %arg5[%swap3A_10] {strides = array<i32>} : memref<4096xf32, #tpu.memory_space<vmem>>, vector<16xf32>,
      tpu.vector_store %arg5[%swap3A_10], %broadcast_in_dim3A_4 {strides = array<i32>} : memref<4096xf32, #tpu.memory_space<vmem>>, vector<16xf32>,
      %swap3A_12 = arith.constant 64 : index
      %swap3A_13 = tpu.vector_load %arg5[%swap3A_12] {strides = array<i32>} : memref<4096xf32, #tpu.memory_space<vmem>>, vector<16xf32>,
      tpu.vector_store %arg5[%swap3A_12], %broadcast_in_dim3A_4 {strides = array<i32>} : memref<4096xf32, #tpu.memory_space<vmem>>, vector<16xf32>,
      %swap3A_14 = arith.constant 80 : index
      %swap3A_15 = tpu.vector_load %arg5[%swap3A_14] {strides = array<i32>} : memref<4096xf32, #tpu.memory_space<vmem>>, vector<16xf32>,
      tpu.vector_store %arg5[%swap3A_14], %broadcast_in_dim3A_4 {strides = array<i32>} : memref<4096xf32, #tpu.memory_space<vmem>>, vector<16xf32>,
      %swap3A_16 = arith.constant 96 : index
      %swap3A_17 = tpu.vector_load %arg5[%swap3A_16] {strides = array<i32>} : memref<4096xf32, #tpu.memory_space<vmem>>, vector<16xf32>,
      tpu.vector_store %arg5[%swap3A_16], %broadcast_in_dim3A_4 {strides = array<i32>} : memref<4096xf32, #tpu.memory_space<vmem>>, vector<16xf32>,
      %swap3A_18 = arith.constant 112 : index
      %swap3A_19 = tpu.vector_load %arg5[%swap3A_18] {strides = array<i32>} : memref<4096xf32, #tpu.memory_space<vmem>>, vector<16xf32>,
      tpu.vector_store %arg5[%swap3A_18], %broadcast_in_dim3A_4 {strides = array<i32>} : memref<4096xf32, #tpu.memory_space<vmem>>, vector<16xf32>,
      %swap3A_20 = arith.constant 128 : index
      %swap3A_21 = tpu.vector_load %arg5[%swap3A_20] {strides = array<i32>} : memref<4096xf32, #tpu.memory_space<vmem>>, vector<16xf32>,
      tpu.vector_store %arg5[%swap3A_20], %broadcast_in_dim3A_4 {strides = array<i32>} : memref<4096xf32, #tpu.memory_space<vmem>>, vector<16xf32>,
      %swap3A_22 = arith.constant 144 : index
      %swap3A_23 = tpu.vector_load %arg5[%swap3A_22] {strides = array<i32>} : memref<4096xf32, #tpu.memory_space<vmem>>, vector<16xf32>,
      tpu.vector_store %arg5[%swap3A_22], %broadcast_in_dim3A_4 {strides = array<i32>} : memref<4096xf32, #tpu.memory_space<vmem>>, vector<16xf32>,
      %swap3A_24 = arith.constant 160 : index
      %swap3A_25 = tpu.vector_load %arg5[%swap3A_24] {strides = array<i32>} : memref<4096xf32, #tpu.memory_space<vmem>>, vector<16xf32>,
      tpu.vector_store %arg5[%swap3A_24], %broadcast_in_dim3A_4 {strides = array<i32>} : memref<4096xf32, #tpu.memory_space<vmem>>, vector<16xf32>,
      %swap3A_26 = arith.constant 176 : index
      %swap3A_27 = tpu.vector_load %arg5[%swap3A_26] {strides = array<i32>} : memref<4096xf32, #tpu.memory_space<vmem>>, vector<16xf32>,
      tpu.vector_store %arg5[%swap3A_26], %broadcast_in_dim3A_4 {strides = array<i32>} : memref<4096xf32, #tpu.memory_space<vmem>>, vector<16xf32>,
      %swap3A_28 = arith.constant 192 : index
      %swap3A_29 = tpu.vector_load %arg5[%swap3A_28] {strides = array<i32>} : memref<4096xf32, #tpu.memory_space<vmem>>, vector<16xf32>,
      tpu.vector_store %arg5[%swap3A_28], %broadcast_in_dim3A_4 {strides = array<i32>} : memref<4096xf32, #tpu.memory_space<vmem>>, vector<16xf32>,
      %swap3A_30 = arith.constant 208 : index
      %swap3A_31 = tpu.vector_load %arg5[%swap3A_30] {strides = array<i32>} : memref<4096xf32, #tpu.memory_space<vmem>>, vector<16xf32>,
      tpu.vector_store %arg5[%swap3A_30], %broadcast_in_dim3A_4 {strides = array<i32>} : memref<4096xf32, #tpu.memory_space<vmem>>, vector<16xf32>,
      %swap3A_32 = arith.constant 224 : index
      %swap3A_33 = tpu.vector_load %arg5[%swap3A_32] {strides = array<i32>} : memref<4096xf32, #tpu.memory_space<vmem>>, vector<16xf32>,
      tpu.vector_store %arg5[%swap3A_32], %broadcast_in_dim3A_4 {strides = array<i32>} : memref<4096xf32, #tpu.memory_space<vmem>>, vector<16xf32>,
      %swap3A_34 = arith.constant 240 : index
      %swap3A_35 = tpu.vector_load %arg5[%swap3A_34] {strides = array<i32>} : memref<4096xf32, #tpu.memory_space<vmem>>, vector<16xf32>,
      tpu.vector_store %arg5[%swap3A_34], %broadcast_in_dim3A_4 {strides = array<i32>} : memref<4096xf32, #tpu.memory_space<vmem>>, vector<16xf32>,
      %swap3A_36 = arith.constant 256 : index
      %swap3A_37 = tpu.vector_load %arg5[%swap3A_36] {strides = array<i32>} : memref<4096xf32, #tpu.memory_space<vmem>>, vector<16xf32>,
      tpu.vector_store %arg5[%swap3A_36], %broadcast_in_dim3A_4 {strides = array<i32>} : memref<4096xf32, #tpu.memory_space<vmem>>, vector<16xf32>,
      %swap3A_38 = arith.constant 272 : index
      %swap3A_39 = tpu.vector_load %arg5[%swap3A_38] {strides = array<i32>} : memref<4096xf32, #tpu.memory_space<vmem>>, vector<16xf32>,
      tpu.vector_store %arg5[%swap3A_38], %broadcast_in_dim3A_4 {strides = array<i32>} : memref<4096xf32, #tpu.memory_space<vmem>>, vector<16xf32>,
      %swap3A_40 = arith.constant 288 : index
      %swap3A_41 = tpu.vector_load %arg5[%swap3A_40] {strides = array<i32>} : memref<4096xf32, #tpu.memory_space<vmem>>, vector<16xf32>,
      tpu.vector_store %arg5[%swap3A_40], %broadcast_in_dim3A_4 {strides = array<i32>} : memref<4096xf32, #tpu.memory_space<vmem>>, vector<16xf32>,
      %swap3A_42 = arith.constant 304 : index
      %swap3A_43 = tpu.vector_load %arg5[%swap3A_42] {strides = array<i32>} : memref<4096xf32, #tpu.memory_space<vmem>>, vector<16xf32>,
      tpu.vector_store %arg5[%swap3A_42], %broadcast_in_dim3A_4 {strides = array<i32>} : memref<4096xf32, #tpu.memory_space<vmem>>, vector<16xf32>,
      %swap3A_44 = arith.constant 320 : index
      %swap3A_45 = tpu.vector_load %arg5[%swap3A_44] {strides = array<i32>} : memref<4096xf32, #tpu.memory_space<vmem>>, vector<16xf32>,
      tpu.vector_store %arg5[%swap3A_44], %broadcast_in_dim3A_4 {strides = array<i32>} : memref<4096xf32, #tpu.memory_space<vmem>>, vector<16xf32>,
      %swap3A_46 = arith.constant 336 : index
      %swap3A_47 = tpu.vector_load %arg5[%swap3A_46] {strides = array<i32>} : memref<4096xf32, #tpu.memory_space<vmem>>, vector<16xf32>,
      tpu.vector_store %arg5[%swap3A_46], %broadcast_in_dim3A_4 {strides = array<i32>} : memref<4096xf32, #tpu.memory_space<vmem>>, vector<16xf32>,
      %swap3A_48 = arith.constant 352 : index
      %swap3A_49 = tpu.vector_load %arg5[%swap3A_48] {strides = array<i32>} : memref<4096xf32, #tpu.memory_space<vmem>>, vector<16xf32>,
      tpu.vector_store %arg5[%swap3A_48], %broadcast_in_dim3A_4 {strides = array<i32>} : memref<4096xf32, #tpu.memory_space<vmem>>, vector<16xf32>,
      %swap3A_50 = arith.constant 368 : index
      %swap3A_51 = tpu.vector_load %arg5[%swap3A_50] {strides = array<i32>} : memref<4096xf32, #tpu.memory_space<vmem>>, vector<16xf32>,
      tpu.vector_store %arg5[%swap3A_50], %broadcast_in_dim3A_4 {strides = array<i32>} : memref<4096xf32, #tpu.memory_space<vmem>>, vector<16xf32>,
      %swap3A_52 = arith.constant 384 : index
      %swap3A_53 = tpu.vector_load %arg5[%swap3A_52] {strides = array<i32>} : memref<4096xf32, #tpu.memory_space<vmem>>, vector<16xf32>,
      tpu.vector_store %arg5[%swap3A_52], %broadcast_in_dim3A_4 {strides = array<i32>} : memref<4096xf32, #tpu.memory_space<vmem>>, vector<16xf32>,
      %swap3A_54 = arith.constant 400 : index
      %swap3A_55 = tpu.vector_load %arg5[%swap3A_54] {strides = array<i32>} : memref<4096xf32, #tpu.memory_space<vmem>>, vector<16xf32>,
      tpu.vector_store %arg5[%swap3A_54], %broadcast_in_dim3A_4 {strides = array<i32>} : memref<4096xf32, #tpu.memory_space<vmem>>, vector<16xf32>,
      %swap3A_56 = arith.constant 416 : index
      %swap3A_57 = tpu.vector_load %arg5[%swap3A_56] {strides = array<i32>} : memref<4096xf32, #tpu.memory_space<vmem>>, vector<16xf32>,
      tpu.vector_store %arg5[%swap3A_56], %broadcast_in_dim3A_4 {strides = array<i32>} : memref<4096xf32, #tpu.memory_space<vmem>>, vector<16xf32>,
      %swap3A_58 = arith.constant 432 : index
      %swap3A_59 = tpu.vector_load %arg5[%swap3A_58] {strides = array<i32>} : memref<4096xf32, #tpu.memory_space<vmem>>, vector<16xf32>,
      tpu.vector_store %arg5[%swap3A_58], %broadcast_in_dim3A_4 {strides = array<i32>} : memref<4096xf32, #tpu.memory_space<vmem>>, vector<16xf32>,
      %swap3A_60 = arith.constant 448 : index
      %swap3A_61 = tpu.vector_load %arg5[%swap3A_60] {strides = array<i32>} : memref<4096xf32, #tpu.memory_space<vmem>>, vector<16xf32>,
      tpu.vector_store %arg5[%swap3A_60], %broadcast_in_dim3A_4 {strides = array<i32>} : memref<4096xf32, #tpu.memory_space<vmem>>, vector<16xf32>,
      %swap3A_62 = arith.constant 464 : index
      %swap3A_63 = tpu.vector_load %arg5[%swap3A_62] {strides = array<i32>} : memref<4096xf32, #tpu.memory_space<vmem>>, vector<16xf32>,
      tpu.vector_store %arg5[%swap3A_62], %broadcast_in_dim3A_4 {strides = array<i32>} : memref<4096xf32, #tpu.memory_space<vmem>>, vector<16xf32>,
      %swap3A_64 = arith.constant 480 : index
      %swap3A_65 = tpu.vector_load %arg5[%swap3A_64] {strides = array<i32>} : memref<4096xf32, #tpu.memory_space<vmem>>, vector<16xf32>,
      tpu.vector_store %arg5[%swap3A_64], %broadcast_in_dim3A_4 {strides = array<i32>} : memref<4096xf32, #tpu.memory_space<vmem>>, vector<16xf32>,
      %swap3A_66 = arith.constant 496 : index
      %swap3A_67 = tpu.vector_load %arg5[%swap3A_66] {strides = array<i32>} : memref<4096xf32, #tpu.memory_space<vmem>>, vector<16xf32>,
      tpu.vector_store %arg5[%swap3A_66], %broadcast_in_dim3A_4 {strides = array<i32>} : memref<4096xf32, #tpu.memory_space<vmem>>, vector<16xf32>,
      %swap3A_68 = arith.constant 512 : index
      %swap3A_69 = tpu.vector_load %arg5[%swap3A_68] {strides = array<i32>} : memref<4096xf32, #tpu.memory_space<vmem>>, vector<16xf32>,
      tpu.vector_store %arg5[%swap3A_68], %broadcast_in_dim3A_4 {strides = array<i32>} : memref<4096xf32, #tpu.memory_space<vmem>>, vector<16xf32>,
      %swap3A_70 = arith.constant 528 : index
      %swap3A_71 = tpu.vector_load %arg5[%swap3A_70] {strides = array<i32>} : memref<4096xf32, #tpu.memory_space<vmem>>, vector<16xf32>,
      tpu.vector_store %arg5[%swap3A_70], %broadcast_in_dim3A_4 {strides = array<i32>} : memref<4096xf32, #tpu.memory_space<vmem>>, vector<16xf32>,
      %swap3A_72 = arith.constant 544 : index
      %swap3A_73 = tpu.vector_load %arg5[%swap3A_72] {strides = array<i32>} : memref<4096xf32, #tpu.memory_space<vmem>>, vector<16xf32>,
      tpu.vector_store %arg5[%swap3A_72], %broadcast_in_dim3A_4 {strides = array<i32>} : memref<4096xf32, #tpu.memory_space<vmem>>, vector<16xf32>,
      %swap3A_74 = arith.constant 560 : index
      %swap3A_75 = tpu.vector_load %arg5[%swap3A_74] {strides = array<i32>} : memref<4096xf32, #tpu.memory_space<vmem>>, vector<16xf32>,
      tpu.vector_store %arg5[%swap3A_74], %broadcast_in_dim3A_4 {strides = array<i32>} : memref<4096xf32, #tpu.memory_space<vmem>>, vector<16xf32>,
      %swap3A_76 = arith.constant 576 : index
      %swap3A_77 = tpu.vector_load %arg5[%swap3A_76] {strides = array<i32>} : memref<4096xf32, #tpu.memory_space<vmem>>, vector<16xf32>,
      tpu.vector_store %arg5[%swap3A_76], %broadcast_in_dim3A_4 {strides = array<i32>} : memref<4096xf32, #tpu.memory_space<vmem>>, vector<16xf32>,
      %swap3A_78 = arith.constant 592 : index
      %swap3A_79 = tpu.vector_load %arg5[%swap3A_78] {strides = array<i32>} : memref<4096xf32, #tpu.memory_space<vmem>>, vector<16xf32>,
      tpu.vector_store %arg5[%swap3A_78], %broadcast_in_dim3A_4 {strides = array<i32>} : memref<4096xf32, #tpu.memory_space<vmem>>, vector<16xf32>,
      %swap3A_80 = arith.constant 608 : index
      %swap3A_81 = tpu.vector_load %arg5[%swap3A_80] {strides = array<i32>} : memref<4096xf32, #tpu.memory_space<vmem>>, vector<16xf32>,
      tpu.vector_store %arg5[%swap3A_80], %broadcast_in_dim3A_4 {strides = array<i32>} : memref<4096xf32, #tpu.memory_space<vmem>>, vector<16xf32>,
      %swap3A_82 = arith.constant 624 : index
      %swap3A_83 = tpu.vector_load %arg5[%swap3A_82] {strides = array<i32>} : memref<4096xf32, #tpu.memory_space<vmem>>, vector<16xf32>,
      tpu.vector_store %arg5[%swap3A_82], %broadcast_in_dim3A_4 {strides = array<i32>} : memref<4096xf32, #tpu.memory_space<vmem>>, vector<16xf32>,
      %swap3A_84 = arith.constant 640 : index
      %swap3A_85 = tpu.vector_load %arg5[%swap3A_84] {strides = array<i32>} : memref<4096xf32, #tpu.memory_space<vmem>>, vector<16xf32>,
      tpu.vector_store %arg5[%swap3A_84], %broadcast_in_dim3A_4 {strides = array<i32>} : memref<4096xf32, #tpu.memory_space<vmem>>, vector<16xf32>,
      %swap3A_86 = arith.constant 656 : index
      %swap3A_87 = tpu.vector_load %arg5[%swap3A_86] {strides = array<i32>} : memref<4096xf32, #tpu.memory_space<vmem>>, vector<16xf32>,
      tpu.vector_store %arg5[%swap3A_86], %broadcast_in_dim3A_4 {strides = array<i32>} : memref<4096xf32, #tpu.memory_space<vmem>>, vector<16xf32>,
      %swap3A_88 = arith.constant 672 : index
      %swap3A_89 = tpu.vector_load %arg5[%swap3A_88] {strides = array<i32>} : memref<4096xf32, #tpu.memory_space<vmem>>, vector<16xf32>,
      tpu.vector_store %arg5[%swap3A_88], %broadcast_in_dim3A_4 {strides = array<i32>} : memref<4096xf32, #tpu.memory_space<vmem>>, vector<16xf32>,
      %swap3A_90 = arith.constant 688 : index
      %swap3A_91 = tpu.vector_load %arg5[%swap3A_90] {strides = array<i32>} : memref<4096xf32, #tpu.memory_space<vmem>>, vector<16xf32>,
      tpu.vector_store %arg5[%swap3A_90], %broadcast_in_dim3A_4 {strides = array<i32>} : memref<4096xf32, #tpu.memory_space<vmem>>, vector<16xf32>,
      %swap3A_92 = arith.constant 704 : index
      %swap3A_93 = tpu.vector_load %arg5[%swap3A_92] {strides = array<i32>} : memref<4096xf32, #tpu.memory_space<vmem>>, vector<16xf32>,
      tpu.vector_store %arg5[%swap3A_92], %broadcast_in_dim3A_4 {strides = array<i32>} : memref<4096xf32, #tpu.memory_space<vmem>>, vector<16xf32>,
      %swap3A_94 = arith.constant 720 : index
      %swap3A_95 = tpu.vector_load %arg5[%swap3A_94] {strides = array<i32>} : memref<4096xf32, #tpu.memory_space<vmem>>, vector<16xf32>,
      tpu.vector_store %arg5[%swap3A_94], %broadcast_in_dim3A_4 {strides = array<i32>} : memref<4096xf32, #tpu.memory_space<vmem>>, vector<16xf32>,
      %swap3A_96 = arith.constant 736 : index
      %swap3A_97 = tpu.vector_load %arg5[%swap3A_96] {strides = array<i32>} : memref<4096xf32, #tpu.memory_space<vmem>>, vector<16xf32>,
      tpu.vector_store %arg5[%swap3A_96], %broadcast_in_dim3A_4 {strides = array<i32>} : memref<4096xf32, #tpu.memory_space<vmem>>, vector<16xf32>,
      %swap3A_98 = arith.constant 752 : index
      %swap3A_99 = tpu.vector_load %arg5[%swap3A_98] {strides = array<i32>} : memref<4096xf32, #tpu.memory_space<vmem>>, vector<16xf32>,
      tpu.vector_store %arg5[%swap3A_98], %broadcast_in_dim3A_4 {strides = array<i32>} : memref<4096xf32, #tpu.memory_space<vmem>>, vector<16xf32>,
      %swap3A_100 = arith.constant 768 : index
      %swap3A_101 = tpu.vector_load %arg5[%swap3A_100] {strides = array<i32>} : memref<4096xf32, #tpu.memory_space<vmem>>, vector<16xf32>,
      tpu.vector_store %arg5[%swap3A_100], %broadcast_in_dim3A_4 {strides = array<i32>} : memref<4096xf32, #tpu.memory_space<vmem>>, vector<16xf32>,
      %swap3A_102 = arith.constant 784 : index
      %swap3A_103 = tpu.vector_load %arg5[%swap3A_102] {strides = array<i32>} : memref<4096xf32, #tpu.memory_space<vmem>>, vector<16xf32>,
      tpu.vector_store %arg5[%swap3A_102], %broadcast_in_dim3A_4 {strides = array<i32>} : memref<4096xf32, #tpu.memory_space<vmem>>, vector<16xf32>,
      %swap3A_104 = arith.constant 800 : index
      %swap3A_105 = tpu.vector_load %arg5[%swap3A_104] {strides = array<i32>} : memref<4096xf32, #tpu.memory_space<vmem>>, vector<16xf32>,
      tpu.vector_store %arg5[%swap3A_104], %broadcast_in_dim3A_4 {strides = array<i32>} : memref<4096xf32, #tpu.memory_space<vmem>>, vector<16xf32>,
      %swap3A_106 = arith.constant 816 : index
      %swap3A_107 = tpu.vector_load %arg5[%swap3A_106] {strides = array<i32>} : memref<4096xf32, #tpu.memory_space<vmem>>, vector<16xf32>,
      tpu.vector_store %arg5[%swap3A_106], %broadcast_in_dim3A_4 {strides = array<i32>} : memref<4096xf32, #tpu.memory_space<vmem>>, vector<16xf32>,
      %swap3A_108 = arith.constant 832 : index
      %swap3A_109 = tpu.vector_load %arg5[%swap3A_108] {strides = array<i32>} : memref<4096xf32, #tpu.memory_space<vmem>>, vector<16xf32>,
      tpu.vector_store %arg5[%swap3A_108], %broadcast_in_dim3A_4 {strides = array<i32>} : memref<4096xf32, #tpu.memory_space<vmem>>, vector<16xf32>,
      %swap3A_110 = arith.constant 848 : index
      %swap3A_111 = tpu.vector_load %arg5[%swap3A_110] {strides = array<i32>} : memref<4096xf32, #tpu.memory_space<vmem>>, vector<16xf32>,
      tpu.vector_store %arg5[%swap3A_110], %broadcast_in_dim3A_4 {strides = array<i32>} : memref<4096xf32, #tpu.memory_space<vmem>>, vector<16xf32>,
      %swap3A_112 = arith.constant 864 : index
      %swap3A_113 = tpu.vector_load %arg5[%swap3A_112] {strides = array<i32>} : memref<4096xf32, #tpu.memory_space<vmem>>, vector<16xf32>,
      tpu.vector_store %arg5[%swap3A_112], %broadcast_in_dim3A_4 {strides = array<i32>} : memref<4096xf32, #tpu.memory_space<vmem>>, vector<16xf32>,
      %swap3A_114 = arith.constant 880 : index
      %swap3A_115 = tpu.vector_load %arg5[%swap3A_114] {strides = array<i32>} : memref<4096xf32, #tpu.memory_space<vmem>>, vector<16xf32>,
      tpu.vector_store %arg5[%swap3A_114], %broadcast_in_dim3A_4 {strides = array<i32>} : memref<4096xf32, #tpu.memory_space<vmem>>, vector<16xf32>,
      %swap3A_116 = arith.constant 896 : index
      %swap3A_117 = tpu.vector_load %arg5[%swap3A_116] {strides = array<i32>} : memref<4096xf32, #tpu.memory_space<vmem>>, vector<16xf32>,
      tpu.vector_store %arg5[%swap3A_116], %broadcast_in_dim3A_4 {strides = array<i32>} : memref<4096xf32, #tpu.memory_space<vmem>>, vector<16xf32>,
      %swap3A_118 = arith.constant 912 : index
      %swap3A_119 = tpu.vector_load %arg5[%swap3A_118] {strides = array<i32>} : memref<4096xf32, #tpu.memory_space<vmem>>, vector<16xf32>,
      tpu.vector_store %arg5[%swap3A_118], %broadcast_in_dim3A_4 {strides = array<i32>} : memref<4096xf32, #tpu.memory_space<vmem>>, vector<16xf32>,
      %swap3A_120 = arith.constant 928 : index
      %swap3A_121 = tpu.vector_load %arg5[%swap3A_120] {strides = array<i32>} : memref<4096xf32, #tpu.memory_space<vmem>>, vector<16xf32>,
      tpu.vector_store %arg5[%swap3A_120], %broadcast_in_dim3A_4 {strides = array<i32>} : memref<4096xf32, #tpu.memory_space<vmem>>, vector<16xf32>,
      %swap3A_122 = arith.constant 944 : index
      %swap3A_123 = tpu.vector_load %arg5[%swap3A_122] {strides = array<i32>} : memref<4096xf32, #tpu.memory_space<vmem>>, vector<16xf32>,
      tpu.vector_store %arg5[%swap3A_122], %broadcast_in_dim3A_4 {strides = array<i32>} : memref<4096xf32, #tpu.memory_space<vmem>>, vector<16xf32>,
      %swap3A_124 = arith.constant 960 : index
      %swap3A_125 = tpu.vector_load %arg5[%swap3A_124] {strides = array<i32>} : memref<4096xf32, #tpu.memory_space<vmem>>, vector<16xf32>,
      tpu.vector_store %arg5[%swap3A_124], %broadcast_in_dim3A_4 {strides = array<i32>} : memref<4096xf32, #tpu.memory_space<vmem>>, vector<16xf32>,
      %swap3A_126 = arith.constant 976 : index
      %swap3A_127 = tpu.vector_load %arg5[%swap3A_126] {strides = array<i32>} : memref<4096xf32, #tpu.memory_space<vmem>>, vector<16xf32>,
      tpu.vector_store %arg5[%swap3A_126], %broadcast_in_dim3A_4 {strides = array<i32>} : memref<4096xf32, #tpu.memory_space<vmem>>, vector<16xf32>,
      %swap3A_128 = arith.constant 992 : index
      %swap3A_129 = tpu.vector_load %arg5[%swap3A_128] {strides = array<i32>} : memref<4096xf32, #tpu.memory_space<vmem>>, vector<16xf32>,
      tpu.vector_store %arg5[%swap3A_128], %broadcast_in_dim3A_4 {strides = array<i32>} : memref<4096xf32, #tpu.memory_space<vmem>>, vector<16xf32>,
      %swap3A_130 = arith.constant 1008 : index
      %swap3A_131 = tpu.vector_load %arg5[%swap3A_130] {strides = array<i32>} : memref<4096xf32, #tpu.memory_space<vmem>>, vector<16xf32>,
      tpu.vector_store %arg5[%swap3A_130], %broadcast_in_dim3A_4 {strides = array<i32>} : memref<4096xf32, #tpu.memory_space<vmem>>, vector<16xf32>,
      %swap3A_132 = arith.constant 1024 : index
      %swap3A_133 = tpu.vector_load %arg5[%swap3A_132] {strides = array<i32>} : memref<4096xf32, #tpu.memory_space<vmem>>, vector<16xf32>,
      tpu.vector_store %arg5[%swap3A_132], %broadcast_in_dim3A_4 {strides = array<i32>} : memref<4096xf32, #tpu.memory_space<vmem>>, vector<16xf32>,
      %swap3A_134 = arith.constant 1040 : index
      %swap3A_135 = tpu.vector_load %arg5[%swap3A_134] {strides = array<i32>} : memref<4096xf32, #tpu.memory_space<vmem>>, vector<16xf32>,
      tpu.vector_store %arg5[%swap3A_134], %broadcast_in_dim3A_4 {strides = array<i32>} : memref<4096xf32, #tpu.memory_space<vmem>>, vector<16xf32>,
      %swap3A_136 = arith.constant 1056 : index
      %swap3A_137 = tpu.vector_load %arg5[%swap3A_136] {strides = array<i32>} : memref<4096xf32, #tpu.memory_space<vmem>>, vector<16xf32>,
      tpu.vector_store %arg5[%swap3A_136], %broadcast_in_dim3A_4 {strides = array<i32>} : memref<4096xf32, #tpu.memory_space<vmem>>, vector<16xf32>,
      %swap3A_138 = arith.constant 1072 : index
      %swap3A_139 = tpu.vector_load %arg5[%swap3A_138] {strides = array<i32>} : memref<4096xf32, #tpu.memory_space<vmem>>, vector<16xf32>,
      tpu.vector_store %arg5[%swap3A_138], %broadcast_in_dim3A_4 {strides = array<i32>} : memref<4096xf32, #tpu.memory_space<vmem>>, vector<16xf32>,
      %swap3A_140 = arith.constant 1088 : index
      %swap3A_141 = tpu.vector_load %arg5[%swap3A_140] {strides = array<i32>} : memref<4096xf32, #tpu.memory_space<vmem>>, vector<16xf32>,
      tpu.vector_store %arg5[%swap3A_140], %broadcast_in_dim3A_4 {strides = array<i32>} : memref<4096xf32, #tpu.memory_space<vmem>>, vector<16xf32>,
      %swap3A_142 = arith.constant 1104 : index
      %swap3A_143 = tpu.vector_load %arg5[%swap3A_142] {strides = array<i32>} : memref<4096xf32, #tpu.memory_space<vmem>>, vector<16xf32>,
      tpu.vector_store %arg5[%swap3A_142], %broadcast_in_dim3A_4 {strides = array<i32>} : memref<4096xf32, #tpu.memory_space<vmem>>, vector<16xf32>,
      %swap3A_144 = arith.constant 1120 : index
      %swap3A_145 = tpu.vector_load %arg5[%swap3A_144] {strides = array<i32>} : memref<4096xf32, #tpu.memory_space<vmem>>, vector<16xf32>,
      tpu.vector_store %arg5[%swap3A_144], %broadcast_in_dim3A_4 {strides = array<i32>} : memref<4096xf32, #tpu.memory_space<vmem>>, vector<16xf32>,
      %swap3A_146 = arith.constant 1136 : index
      %swap3A_147 = tpu.vector_load %arg5[%swap3A_146] {strides = array<i32>} : memref<4096xf32, #tpu.memory_space<vmem>>, vector<16xf32>,
      tpu.vector_store %arg5[%swap3A_146], %broadcast_in_dim3A_4 {strides = array<i32>} : memref<4096xf32, #tpu.memory_space<vmem>>, vector<16xf32>,
      %swap3A_148 = arith.constant 1152 : index
      %swap3A_149 = tpu.vector_load %arg5[%swap3A_148] {strides = array<i32>} : memref<4096xf32, #tpu.memory_space<vmem>>, vector<16xf32>,
      tpu.vector_store %arg5[%swap3A_148], %broadcast_in_dim3A_4 {strides = array<i32>} : memref<4096xf32, #tpu.memory_space<vmem>>, vector<16xf32>,
      %swap3A_150 = arith.constant 1168 : index
      %swap3A_151 = tpu.vector_load %arg5[%swap3A_150] {strides = array<i32>} : memref<4096xf32, #tpu.memory_space<vmem>>, vector<16xf32>,
      tpu.vector_store %arg5[%swap3A_150], %broadcast_in_dim3A_4 {strides = array<i32>} : memref<4096xf32, #tpu.memory_space<vmem>>, vector<16xf32>,
      %swap3A_152 = arith.constant 1184 : index
      %swap3A_153 = tpu.vector_load %arg5[%swap3A_152] {strides = array<i32>} : memref<4096xf32, #tpu.memory_space<vmem>>, vector<16xf32>,
      tpu.vector_store %arg5[%swap3A_152], %broadcast_in_dim3A_4 {strides = array<i32>} : memref<4096xf32, #tpu.memory_space<vmem>>, vector<16xf32>,
      %swap3A_154 = arith.constant 1200 : index
      %swap3A_155 = tpu.vector_load %arg5[%swap3A_154] {strides = array<i32>} : memref<4096xf32, #tpu.memory_space<vmem>>, vector<16xf32>,
      tpu.vector_store %arg5[%swap3A_154], %broadcast_in_dim3A_4 {strides = array<i32>} : memref<4096xf32, #tpu.memory_space<vmem>>, vector<16xf32>,
      %swap3A_156 = arith.constant 1216 : index
      %swap3A_157 = tpu.vector_load %arg5[%swap3A_156] {strides = array<i32>} : memref<4096xf32, #tpu.memory_space<vmem>>, vector<16xf32>,
      tpu.vector_store %arg5[%swap3A_156], %broadcast_in_dim3A_4 {strides = array<i32>} : memref<4096xf32, #tpu.memory_space<vmem>>, vector<16xf32>,
      %swap3A_158 = arith.constant 1232 : index
      %swap3A_159 = tpu.vector_load %arg5[%swap3A_158] {strides = array<i32>} : memref<4096xf32, #tpu.memory_space<vmem>>, vector<16xf32>,
      tpu.vector_store %arg5[%swap3A_158], %broadcast_in_dim3A_4 {strides = array<i32>} : memref<4096xf32, #tpu.memory_space<vmem>>, vector<16xf32>,
      %swap3A_160 = arith.constant 1248 : index
      %swap3A_161 = tpu.vector_load %arg5[%swap3A_160] {strides = array<i32>} : memref<4096xf32, #tpu.memory_space<vmem>>, vector<16xf32>,
      tpu.vector_store %arg5[%swap3A_160], %broadcast_in_dim3A_4 {strides = array<i32>} : memref<4096xf32, #tpu.memory_space<vmem>>, vector<16xf32>,
      %swap3A_162 = arith.constant 1264 : index
      %swap3A_163 = tpu.vector_load %arg5[%swap3A_162] {strides = array<i32>} : memref<4096xf32, #tpu.memory_space<vmem>>, vector<16xf32>,
      tpu.vector_store %arg5[%swap3A_162], %broadcast_in_dim3A_4 {strides = array<i32>} : memref<4096xf32, #tpu.memory_space<vmem>>, vector<16xf32>,
      %swap3A_164 = arith.constant 1280 : index
      %swap3A_165 = tpu.vector_load %arg5[%swap3A_164] {strides = array<i32>} : memref<4096xf32, #tpu.memory_space<vmem>>, vector<16xf32>,
      tpu.vector_store %arg5[%swap3A_164], %broadcast_in_dim3A_4 {strides = array<i32>} : memref<4096xf32, #tpu.memory_space<vmem>>, vector<16xf32>,
      %swap3A_166 = arith.constant 1296 : index
      %swap3A_167 = tpu.vector_load %arg5[%swap3A_166] {strides = array<i32>} : memref<4096xf32, #tpu.memory_space<vmem>>, vector<16xf32>,
      tpu.vector_store %arg5[%swap3A_166], %broadcast_in_dim3A_4 {strides = array<i32>} : memref<4096xf32, #tpu.memory_space<vmem>>, vector<16xf32>,
      %swap3A_168 = arith.constant 1312 : index
      %swap3A_169 = tpu.vector_load %arg5[%swap3A_168] {strides = array<i32>} : memref<4096xf32, #tpu.memory_space<vmem>>, vector<16xf32>,
      tpu.vector_store %arg5[%swap3A_168], %broadcast_in_dim3A_4 {strides = array<i32>} : memref<4096xf32, #tpu.memory_space<vmem>>, vector<16xf32>,
      %swap3A_170 = arith.constant 1328 : index
      %swap3A_171 = tpu.vector_load %arg5[%swap3A_170] {strides = array<i32>} : memref<4096xf32, #tpu.memory_space<vmem>>, vector<16xf32>,
      tpu.vector_store %arg5[%swap3A_170], %broadcast_in_dim3A_4 {strides = array<i32>} : memref<4096xf32, #tpu.memory_space<vmem>>, vector<16xf32>,
      %swap3A_172 = arith.constant 1344 : index
      %swap3A_173 = tpu.vector_load %arg5[%swap3A_172] {strides = array<i32>} : memref<4096xf32, #tpu.memory_space<vmem>>, vector<16xf32>,
      tpu.vector_store %arg5[%swap3A_172], %broadcast_in_dim3A_4 {strides = array<i32>} : memref<4096xf32, #tpu.memory_space<vmem>>, vector<16xf32>,
      %swap3A_174 = arith.constant 1360 : index
      %swap3A_175 = tpu.vector_load %arg5[%swap3A_174] {strides = array<i32>} : memref<4096xf32, #tpu.memory_space<vmem>>, vector<16xf32>,
      tpu.vector_store %arg5[%swap3A_174], %broadcast_in_dim3A_4 {strides = array<i32>} : memref<4096xf32, #tpu.memory_space<vmem>>, vector<16xf32>,
      %swap3A_176 = arith.constant 1376 : index
      %swap3A_177 = tpu.vector_load %arg5[%swap3A_176] {strides = array<i32>} : memref<4096xf32, #tpu.memory_space<vmem>>, vector<16xf32>,
      tpu.vector_store %arg5[%swap3A_176], %broadcast_in_dim3A_4 {strides = array<i32>} : memref<4096xf32, #tpu.memory_space<vmem>>, vector<16xf32>,
      %swap3A_178 = arith.constant 1392 : index
      %swap3A_179 = tpu.vector_load %arg5[%swap3A_178] {strides = array<i32>} : memref<4096xf32, #tpu.memory_space<vmem>>, vector<16xf32>,
      tpu.vector_store %arg5[%swap3A_178], %broadcast_in_dim3A_4 {strides = array<i32>} : memref<4096xf32, #tpu.memory_space<vmem>>, vector<16xf32>,
      %swap3A_180 = arith.constant 1408 : index
      %swap3A_181 = tpu.vector_load %arg5[%swap3A_180] {strides = array<i32>} : memref<4096xf32, #tpu.memory_space<vmem>>, vector<16xf32>,
      tpu.vector_store %arg5[%swap3A_180], %broadcast_in_dim3A_4 {strides = array<i32>} : memref<4096xf32, #tpu.memory_space<vmem>>, vector<16xf32>,
      %swap3A_182 = arith.constant 1424 : index
      %swap3A_183 = tpu.vector_load %arg5[%swap3A_182] {strides = array<i32>} : memref<4096xf32, #tpu.memory_space<vmem>>, vector<16xf32>,
      tpu.vector_store %arg5[%swap3A_182], %broadcast_in_dim3A_4 {strides = array<i32>} : memref<4096xf32, #tpu.memory_space<vmem>>, vector<16xf32>,
      %swap3A_184 = arith.constant 1440 : index
      %swap3A_185 = tpu.vector_load %arg5[%swap3A_184] {strides = array<i32>} : memref<4096xf32, #tpu.memory_space<vmem>>, vector<16xf32>,
      tpu.vector_store %arg5[%swap3A_184], %broadcast_in_dim3A_4 {strides = array<i32>} : memref<4096xf32, #tpu.memory_space<vmem>>, vector<16xf32>,
      %swap3A_186 = arith.constant 1456 : index
      %swap3A_187 = tpu.vector_load %arg5[%swap3A_186] {strides = array<i32>} : memref<4096xf32, #tpu.memory_space<vmem>>, vector<16xf32>,
      tpu.vector_store %arg5[%swap3A_186], %broadcast_in_dim3A_4 {strides = array<i32>} : memref<4096xf32, #tpu.memory_space<vmem>>, vector<16xf32>,
      %swap3A_188 = arith.constant 1472 : index
      %swap3A_189 = tpu.vector_load %arg5[%swap3A_188] {strides = array<i32>} : memref<4096xf32, #tpu.memory_space<vmem>>, vector<16xf32>,
      tpu.vector_store %arg5[%swap3A_188], %broadcast_in_dim3A_4 {strides = array<i32>} : memref<4096xf32, #tpu.memory_space<vmem>>, vector<16xf32>,
      %swap3A_190 = arith.constant 1488 : index
      %swap3A_191 = tpu.vector_load %arg5[%swap3A_190] {strides = array<i32>} : memref<4096xf32, #tpu.memory_space<vmem>>, vector<16xf32>,
      tpu.vector_store %arg5[%swap3A_190], %broadcast_in_dim3A_4 {strides = array<i32>} : memref<4096xf32, #tpu.memory_space<vmem>>, vector<16xf32>,
      %swap3A_192 = arith.constant 1504 : index
      %swap3A_193 = tpu.vector_load %arg5[%swap3A_192] {strides = array<i32>} : memref<4096xf32, #tpu.memory_space<vmem>>, vector<16xf32>,
      tpu.vector_store %arg5[%swap3A_192], %broadcast_in_dim3A_4 {strides = array<i32>} : memref<4096xf32, #tpu.memory_space<vmem>>, vector<16xf32>,
      %swap3A_194 = arith.constant 1520 : index
      %swap3A_195 = tpu.vector_load %arg5[%swap3A_194] {strides = array<i32>} : memref<4096xf32, #tpu.memory_space<vmem>>, vector<16xf32>,
      tpu.vector_store %arg5[%swap3A_194], %broadcast_in_dim3A_4 {strides = array<i32>} : memref<4096xf32, #tpu.memory_space<vmem>>, vector<16xf32>,
      %swap3A_196 = arith.constant 1536 : index
      %swap3A_197 = tpu.vector_load %arg5[%swap3A_196] {strides = array<i32>} : memref<4096xf32, #tpu.memory_space<vmem>>, vector<16xf32>,
      tpu.vector_store %arg5[%swap3A_196], %broadcast_in_dim3A_4 {strides = array<i32>} : memref<4096xf32, #tpu.memory_space<vmem>>, vector<16xf32>,
      %swap3A_198 = arith.constant 1552 : index
      %swap3A_199 = tpu.vector_load %arg5[%swap3A_198] {strides = array<i32>} : memref<4096xf32, #tpu.memory_space<vmem>>, vector<16xf32>,
      tpu.vector_store %arg5[%swap3A_198], %broadcast_in_dim3A_4 {strides = array<i32>} : memref<4096xf32, #tpu.memory_space<vmem>>, vector<16xf32>,
      %swap3A_200 = arith.constant 1568 : index
      %swap3A_201 = tpu.vector_load %arg5[%swap3A_200] {strides = array<i32>} : memref<4096xf32, #tpu.memory_space<vmem>>, vector<16xf32>,
      tpu.vector_store %arg5[%swap3A_200], %broadcast_in_dim3A_4 {strides = array<i32>} : memref<4096xf32, #tpu.memory_space<vmem>>, vector<16xf32>,
      %swap3A_202 = arith.constant 1584 : index
      %swap3A_203 = tpu.vector_load %arg5[%swap3A_202] {strides = array<i32>} : memref<4096xf32, #tpu.memory_space<vmem>>, vector<16xf32>,
      tpu.vector_store %arg5[%swap3A_202], %broadcast_in_dim3A_4 {strides = array<i32>} : memref<4096xf32, #tpu.memory_space<vmem>>, vector<16xf32>,
      %swap3A_204 = arith.constant 1600 : index
      %swap3A_205 = tpu.vector_load %arg5[%swap3A_204] {strides = array<i32>} : memref<4096xf32, #tpu.memory_space<vmem>>, vector<16xf32>,
      tpu.vector_store %arg5[%swap3A_204], %broadcast_in_dim3A_4 {strides = array<i32>} : memref<4096xf32, #tpu.memory_space<vmem>>, vector<16xf32>,
      %swap3A_206 = arith.constant 1616 : index
      %swap3A_207 = tpu.vector_load %arg5[%swap3A_206] {strides = array<i32>} : memref<4096xf32, #tpu.memory_space<vmem>>, vector<16xf32>,
      tpu.vector_store %arg5[%swap3A_206], %broadcast_in_dim3A_4 {strides = array<i32>} : memref<4096xf32, #tpu.memory_space<vmem>>, vector<16xf32>,
      %swap3A_208 = arith.constant 1632 : index
      %swap3A_209 = tpu.vector_load %arg5[%swap3A_208] {strides = array<i32>} : memref<4096xf32, #tpu.memory_space<vmem>>, vector<16xf32>,
      tpu.vector_store %arg5[%swap3A_208], %broadcast_in_dim3A_4 {strides = array<i32>} : memref<4096xf32, #tpu.memory_space<vmem>>, vector<16xf32>,
      %swap3A_210 = arith.constant 1648 : index
      %swap3A_211 = tpu.vector_load %arg5[%swap3A_210] {strides = array<i32>} : memref<4096xf32, #tpu.memory_space<vmem>>, vector<16xf32>,
      tpu.vector_store %arg5[%swap3A_210], %broadcast_in_dim3A_4 {strides = array<i32>} : memref<4096xf32, #tpu.memory_space<vmem>>, vector<16xf32>,
      %swap3A_212 = arith.constant 1664 : index
      %swap3A_213 = tpu.vector_load %arg5[%swap3A_212] {strides = array<i32>} : memref<4096xf32, #tpu.memory_space<vmem>>, vector<16xf32>,
      tpu.vector_store %arg5[%swap3A_212], %broadcast_in_dim3A_4 {strides = array<i32>} : memref<4096xf32, #tpu.memory_space<vmem>>, vector<16xf32>,
      %swap3A_214 = arith.constant 1680 : index
      %swap3A_215 = tpu.vector_load %arg5[%swap3A_214] {strides = array<i32>} : memref<4096xf32, #tpu.memory_space<vmem>>, vector<16xf32>,
      tpu.vector_store %arg5[%swap3A_214], %broadcast_in_dim3A_4 {strides = array<i32>} : memref<4096xf32, #tpu.memory_space<vmem>>, vector<16xf32>,
      %swap3A_216 = arith.constant 1696 : index
      %swap3A_217 = tpu.vector_load %arg5[%swap3A_216] {strides = array<i32>} : memref<4096xf32, #tpu.memory_space<vmem>>, vector<16xf32>,
      tpu.vector_store %arg5[%swap3A_216], %broadcast_in_dim3A_4 {strides = array<i32>} : memref<4096xf32, #tpu.memory_space<vmem>>, vector<16xf32>,
      %swap3A_218 = arith.constant 1712 : index
      %swap3A_219 = tpu.vector_load %arg5[%swap3A_218] {strides = array<i32>} : memref<4096xf32, #tpu.memory_space<vmem>>, vector<16xf32>,
      tpu.vector_store %arg5[%swap3A_218], %broadcast_in_dim3A_4 {strides = array<i32>} : memref<4096xf32, #tpu.memory_space<vmem>>, vector<16xf32>,
      %swap3A_220 = arith.constant 1728 : index
      %swap3A_221 = tpu.vector_load %arg5[%swap3A_220] {strides = array<i32>} : memref<4096xf32, #tpu.memory_space<vmem>>, vector<16xf32>,
      tpu.vector_store %arg5[%swap3A_220], %broadcast_in_dim3A_4 {strides = array<i32>} : memref<4096xf32, #tpu.memory_space<vmem>>, vector<16xf32>,
      %swap3A_222 = arith.constant 1744 : index
      %swap3A_223 = tpu.vector_load %arg5[%swap3A_222] {strides = array<i32>} : memref<4096xf32, #tpu.memory_space<vmem>>, vector<16xf32>,
      tpu.vector_store %arg5[%swap3A_222], %broadcast_in_dim3A_4 {strides = array<i32>} : memref<4096xf32, #tpu.memory_space<vmem>>, vector<16xf32>,
      %swap3A_224 = arith.constant 1760 : index
      %swap3A_225 = tpu.vector_load %arg5[%swap3A_224] {strides = array<i32>} : memref<4096xf32, #tpu.memory_space<vmem>>, vector<16xf32>,
      tpu.vector_store %arg5[%swap3A_224], %broadcast_in_dim3A_4 {strides = array<i32>} : memref<4096xf32, #tpu.memory_space<vmem>>, vector<16xf32>,
      %swap3A_226 = arith.constant 1776 : index
      %swap3A_227 = tpu.vector_load %arg5[%swap3A_226] {strides = array<i32>} : memref<4096xf32, #tpu.memory_space<vmem>>, vector<16xf32>,
      tpu.vector_store %arg5[%swap3A_226], %broadcast_in_dim3A_4 {strides = array<i32>} : memref<4096xf32, #tpu.memory_space<vmem>>, vector<16xf32>,
      %swap3A_228 = arith.constant 1792 : index
      %swap3A_229 = tpu.vector_load %arg5[%swap3A_228] {strides = array<i32>} : memref<4096xf32, #tpu.memory_space<vmem>>, vector<16xf32>,
      tpu.vector_store %arg5[%swap3A_228], %broadcast_in_dim3A_4 {strides = array<i32>} : memref<4096xf32, #tpu.memory_space<vmem>>, vector<16xf32>,
      %swap3A_230 = arith.constant 1808 : index
      %swap3A_231 = tpu.vector_load %arg5[%swap3A_230] {strides = array<i32>} : memref<4096xf32, #tpu.memory_space<vmem>>, vector<16xf32>,
      tpu.vector_store %arg5[%swap3A_230], %broadcast_in_dim3A_4 {strides = array<i32>} : memref<4096xf32, #tpu.memory_space<vmem>>, vector<16xf32>,
      %swap3A_232 = arith.constant 1824 : index
      %swap3A_233 = tpu.vector_load %arg5[%swap3A_232] {strides = array<i32>} : memref<4096xf32, #tpu.memory_space<vmem>>, vector<16xf32>,
      tpu.vector_store %arg5[%swap3A_232], %broadcast_in_dim3A_4 {strides = array<i32>} : memref<4096xf32, #tpu.memory_space<vmem>>, vector<16xf32>,
      %swap3A_234 = arith.constant 1840 : index
      %swap3A_235 = tpu.vector_load %arg5[%swap3A_234] {strides = array<i32>} : memref<4096xf32, #tpu.memory_space<vmem>>, vector<16xf32>,
      tpu.vector_store %arg5[%swap3A_234], %broadcast_in_dim3A_4 {strides = array<i32>} : memref<4096xf32, #tpu.memory_space<vmem>>, vector<16xf32>,
      %swap3A_236 = arith.constant 1856 : index
      %swap3A_237 = tpu.vector_load %arg5[%swap3A_236] {strides = array<i32>} : memref<4096xf32, #tpu.memory_space<vmem>>, vector<16xf32>,
      tpu.vector_store %arg5[%swap3A_236], %broadcast_in_dim3A_4 {strides = array<i32>} : memref<4096xf32, #tpu.memory_space<vmem>>, vector<16xf32>,
      %swap3A_238 = arith.constant 1872 : index
      %swap3A_239 = tpu.vector_load %arg5[%swap3A_238] {strides = array<i32>} : memref<4096xf32, #tpu.memory_space<vmem>>, vector<16xf32>,
      tpu.vector_store %arg5[%swap3A_238], %broadcast_in_dim3A_4 {strides = array<i32>} : memref<4096xf32, #tpu.memory_space<vmem>>, vector<16xf32>,
      %swap3A_240 = arith.constant 1888 : index
      %swap3A_241 = tpu.vector_load %arg5[%swap3A_240] {strides = array<i32>} : memref<4096xf32, #tpu.memory_space<vmem>>, vector<16xf32>,
      tpu.vector_store %arg5[%swap3A_240], %broadcast_in_dim3A_4 {strides = array<i32>} : memref<4096xf32, #tpu.memory_space<vmem>>, vector<16xf32>,
      %swap3A_242 = arith.constant 1904 : index
      %swap3A_243 = tpu.vector_load %arg5[%swap3A_242] {strides = array<i32>} : memref<4096xf32, #tpu.memory_space<vmem>>, vector<16xf32>,
      tpu.vector_store %arg5[%swap3A_242], %broadcast_in_dim3A_4 {strides = array<i32>} : memref<4096xf32, #tpu.memory_space<vmem>>, vector<16xf32>,
      %swap3A_244 = arith.constant 1920 : index
      %swap3A_245 = tpu.vector_load %arg5[%swap3A_244] {strides = array<i32>} : memref<4096xf32, #tpu.memory_space<vmem>>, vector<16xf32>,
      tpu.vector_store %arg5[%swap3A_244], %broadcast_in_dim3A_4 {strides = array<i32>} : memref<4096xf32, #tpu.memory_space<vmem>>, vector<16xf32>,
      %swap3A_246 = arith.constant 1936 : index
      %swap3A_247 = tpu.vector_load %arg5[%swap3A_246] {strides = array<i32>} : memref<4096xf32, #tpu.memory_space<vmem>>, vector<16xf32>,
      tpu.vector_store %arg5[%swap3A_246], %broadcast_in_dim3A_4 {strides = array<i32>} : memref<4096xf32, #tpu.memory_space<vmem>>, vector<16xf32>,
      %swap3A_248 = arith.constant 1952 : index
      %swap3A_249 = tpu.vector_load %arg5[%swap3A_248] {strides = array<i32>} : memref<4096xf32, #tpu.memory_space<vmem>>, vector<16xf32>,
      tpu.vector_store %arg5[%swap3A_248], %broadcast_in_dim3A_4 {strides = array<i32>} : memref<4096xf32, #tpu.memory_space<vmem>>, vector<16xf32>,
      %swap3A_250 = arith.constant 1968 : index
      %swap3A_251 = tpu.vector_load %arg5[%swap3A_250] {strides = array<i32>} : memref<4096xf32, #tpu.memory_space<vmem>>, vector<16xf32>,
      tpu.vector_store %arg5[%swap3A_250], %broadcast_in_dim3A_4 {strides = array<i32>} : memref<4096xf32, #tpu.memory_space<vmem>>, vector<16xf32>,
      %swap3A_252 = arith.constant 1984 : index
      %swap3A_253 = tpu.vector_load %arg5[%swap3A_252] {strides = array<i32>} : memref<4096xf32, #tpu.memory_space<vmem>>, vector<16xf32>,
      tpu.vector_store %arg5[%swap3A_252], %broadcast_in_dim3A_4 {strides = array<i32>} : memref<4096xf32, #tpu.memory_space<vmem>>, vector<16xf32>,
      %swap3A_254 = arith.constant 2000 : index
      %swap3A_255 = tpu.vector_load %arg5[%swap3A_254] {strides = array<i32>} : memref<4096xf32, #tpu.memory_space<vmem>>, vector<16xf32>,
      tpu.vector_store %arg5[%swap3A_254], %broadcast_in_dim3A_4 {strides = array<i32>} : memref<4096xf32, #tpu.memory_space<vmem>>, vector<16xf32>,
      %swap3A_256 = arith.constant 2016 : index
      %swap3A_257 = tpu.vector_load %arg5[%swap3A_256] {strides = array<i32>} : memref<4096xf32, #tpu.memory_space<vmem>>, vector<16xf32>,
      tpu.vector_store %arg5[%swap3A_256], %broadcast_in_dim3A_4 {strides = array<i32>} : memref<4096xf32, #tpu.memory_space<vmem>>, vector<16xf32>,
      %swap3A_258 = arith.constant 2032 : index
      %swap3A_259 = tpu.vector_load %arg5[%swap3A_258] {strides = array<i32>} : memref<4096xf32, #tpu.memory_space<vmem>>, vector<16xf32>,
      tpu.vector_store %arg5[%swap3A_258], %broadcast_in_dim3A_4 {strides = array<i32>} : memref<4096xf32, #tpu.memory_space<vmem>>, vector<16xf32>,
      %swap3A_260 = arith.constant 2048 : index
      %swap3A_261 = tpu.vector_load %arg5[%swap3A_260] {strides = array<i32>} : memref<4096xf32, #tpu.memory_space<vmem>>, vector<16xf32>,
      tpu.vector_store %arg5[%swap3A_260], %broadcast_in_dim3A_4 {strides = array<i32>} : memref<4096xf32, #tpu.memory_space<vmem>>, vector<16xf32>,
      %swap3A_262 = arith.constant 2064 : index
      %swap3A_263 = tpu.vector_load %arg5[%swap3A_262] {strides = array<i32>} : memref<4096xf32, #tpu.memory_space<vmem>>, vector<16xf32>,
      tpu.vector_store %arg5[%swap3A_262], %broadcast_in_dim3A_4 {strides = array<i32>} : memref<4096xf32, #tpu.memory_space<vmem>>, vector<16xf32>,
      %swap3A_264 = arith.constant 2080 : index
      %swap3A_265 = tpu.vector_load %arg5[%swap3A_264] {strides = array<i32>} : memref<4096xf32, #tpu.memory_space<vmem>>, vector<16xf32>,
      tpu.vector_store %arg5[%swap3A_264], %broadcast_in_dim3A_4 {strides = array<i32>} : memref<4096xf32, #tpu.memory_space<vmem>>, vector<16xf32>,
      %swap3A_266 = arith.constant 2096 : index
      %swap3A_267 = tpu.vector_load %arg5[%swap3A_266] {strides = array<i32>} : memref<4096xf32, #tpu.memory_space<vmem>>, vector<16xf32>,
      tpu.vector_store %arg5[%swap3A_266], %broadcast_in_dim3A_4 {strides = array<i32>} : memref<4096xf32, #tpu.memory_space<vmem>>, vector<16xf32>,
      %swap3A_268 = arith.constant 2112 : index
      %swap3A_269 = tpu.vector_load %arg5[%swap3A_268] {strides = array<i32>} : memref<4096xf32, #tpu.memory_space<vmem>>, vector<16xf32>,
      tpu.vector_store %arg5[%swap3A_268], %broadcast_in_dim3A_4 {strides = array<i32>} : memref<4096xf32, #tpu.memory_space<vmem>>, vector<16xf32>,
      %swap3A_270 = arith.constant 2128 : index
      %swap3A_271 = tpu.vector_load %arg5[%swap3A_270] {strides = array<i32>} : memref<4096xf32, #tpu.memory_space<vmem>>, vector<16xf32>,
      tpu.vector_store %arg5[%swap3A_270], %broadcast_in_dim3A_4 {strides = array<i32>} : memref<4096xf32, #tpu.memory_space<vmem>>, vector<16xf32>,
      %swap3A_272 = arith.constant 2144 : index
      %swap3A_273 = tpu.vector_load %arg5[%swap3A_272] {strides = array<i32>} : memref<4096xf32, #tpu.memory_space<vmem>>, vector<16xf32>,
      tpu.vector_store %arg5[%swap3A_272], %broadcast_in_dim3A_4 {strides = array<i32>} : memref<4096xf32, #tpu.memory_space<vmem>>, vector<16xf32>,
      %swap3A_274 = arith.constant 2160 : index
      %swap3A_275 = tpu.vector_load %arg5[%swap3A_274] {strides = array<i32>} : memref<4096xf32, #tpu.memory_space<vmem>>, vector<16xf32>,
      tpu.vector_store %arg5[%swap3A_274], %broadcast_in_dim3A_4 {strides = array<i32>} : memref<4096xf32, #tpu.memory_space<vmem>>, vector<16xf32>,
      %swap3A_276 = arith.constant 2176 : index
      %swap3A_277 = tpu.vector_load %arg5[%swap3A_276] {strides = array<i32>} : memref<4096xf32, #tpu.memory_space<vmem>>, vector<16xf32>,
      tpu.vector_store %arg5[%swap3A_276], %broadcast_in_dim3A_4 {strides = array<i32>} : memref<4096xf32, #tpu.memory_space<vmem>>, vector<16xf32>,
      %swap3A_278 = arith.constant 2192 : index
      %swap3A_279 = tpu.vector_load %arg5[%swap3A_278] {strides = array<i32>} : memref<4096xf32, #tpu.memory_space<vmem>>, vector<16xf32>,
      tpu.vector_store %arg5[%swap3A_278], %broadcast_in_dim3A_4 {strides = array<i32>} : memref<4096xf32, #tpu.memory_space<vmem>>, vector<16xf32>,
      %swap3A_280 = arith.constant 2208 : index
      %swap3A_281 = tpu.vector_load %arg5[%swap3A_280] {strides = array<i32>} : memref<4096xf32, #tpu.memory_space<vmem>>, vector<16xf32>,
      tpu.vector_store %arg5[%swap3A_280], %broadcast_in_dim3A_4 {strides = array<i32>} : memref<4096xf32, #tpu.memory_space<vmem>>, vector<16xf32>,
      %swap3A_282 = arith.constant 2224 : index
      %swap3A_283 = tpu.vector_load %arg5[%swap3A_282] {strides = array<i32>} : memref<4096xf32, #tpu.memory_space<vmem>>, vector<16xf32>,
      tpu.vector_store %arg5[%swap3A_282], %broadcast_in_dim3A_4 {strides = array<i32>} : memref<4096xf32, #tpu.memory_space<vmem>>, vector<16xf32>,
      %swap3A_284 = arith.constant 2240 : index
      %swap3A_285 = tpu.vector_load %arg5[%swap3A_284] {strides = array<i32>} : memref<4096xf32, #tpu.memory_space<vmem>>, vector<16xf32>,
      tpu.vector_store %arg5[%swap3A_284], %broadcast_in_dim3A_4 {strides = array<i32>} : memref<4096xf32, #tpu.memory_space<vmem>>, vector<16xf32>,
      %swap3A_286 = arith.constant 2256 : index
      %swap3A_287 = tpu.vector_load %arg5[%swap3A_286] {strides = array<i32>} : memref<4096xf32, #tpu.memory_space<vmem>>, vector<16xf32>,
      tpu.vector_store %arg5[%swap3A_286], %broadcast_in_dim3A_4 {strides = array<i32>} : memref<4096xf32, #tpu.memory_space<vmem>>, vector<16xf32>,
      %swap3A_288 = arith.constant 2272 : index
      %swap3A_289 = tpu.vector_load %arg5[%swap3A_288] {strides = array<i32>} : memref<4096xf32, #tpu.memory_space<vmem>>, vector<16xf32>,
      tpu.vector_store %arg5[%swap3A_288], %broadcast_in_dim3A_4 {strides = array<i32>} : memref<4096xf32, #tpu.memory_space<vmem>>, vector<16xf32>,
      %swap3A_290 = arith.constant 2288 : index
      %swap3A_291 = tpu.vector_load %arg5[%swap3A_290] {strides = array<i32>} : memref<4096xf32, #tpu.memory_space<vmem>>, vector<16xf32>,
      tpu.vector_store %arg5[%swap3A_290], %broadcast_in_dim3A_4 {strides = array<i32>} : memref<4096xf32, #tpu.memory_space<vmem>>, vector<16xf32>,
      %swap3A_292 = arith.constant 2304 : index
      %swap3A_293 = tpu.vector_load %arg5[%swap3A_292] {strides = array<i32>} : memref<4096xf32, #tpu.memory_space<vmem>>, vector<16xf32>,
      tpu.vector_store %arg5[%swap3A_292], %broadcast_in_dim3A_4 {strides = array<i32>} : memref<4096xf32, #tpu.memory_space<vmem>>, vector<16xf32>,
      %swap3A_294 = arith.constant 2320 : index
      %swap3A_295 = tpu.vector_load %arg5[%swap3A_294] {strides = array<i32>} : memref<4096xf32, #tpu.memory_space<vmem>>, vector<16xf32>,
      tpu.vector_store %arg5[%swap3A_294], %broadcast_in_dim3A_4 {strides = array<i32>} : memref<4096xf32, #tpu.memory_space<vmem>>, vector<16xf32>,
      %swap3A_296 = arith.constant 2336 : index
      %swap3A_297 = tpu.vector_load %arg5[%swap3A_296] {strides = array<i32>} : memref<4096xf32, #tpu.memory_space<vmem>>, vector<16xf32>,
      tpu.vector_store %arg5[%swap3A_296], %broadcast_in_dim3A_4 {strides = array<i32>} : memref<4096xf32, #tpu.memory_space<vmem>>, vector<16xf32>,
      %swap3A_298 = arith.constant 2352 : index
      %swap3A_299 = tpu.vector_load %arg5[%swap3A_298] {strides = array<i32>} : memref<4096xf32, #tpu.memory_space<vmem>>, vector<16xf32>,
      tpu.vector_store %arg5[%swap3A_298], %broadcast_in_dim3A_4 {strides = array<i32>} : memref<4096xf32, #tpu.memory_space<vmem>>, vector<16xf32>,
      %swap3A_300 = arith.constant 2368 : index
      %swap3A_301 = tpu.vector_load %arg5[%swap3A_300] {strides = array<i32>} : memref<4096xf32, #tpu.memory_space<vmem>>, vector<16xf32>,
      tpu.vector_store %arg5[%swap3A_300], %broadcast_in_dim3A_4 {strides = array<i32>} : memref<4096xf32, #tpu.memory_space<vmem>>, vector<16xf32>,
      %swap3A_302 = arith.constant 2384 : index
      %swap3A_303 = tpu.vector_load %arg5[%swap3A_302] {strides = array<i32>} : memref<4096xf32, #tpu.memory_space<vmem>>, vector<16xf32>,
      tpu.vector_store %arg5[%swap3A_302], %broadcast_in_dim3A_4 {strides = array<i32>} : memref<4096xf32, #tpu.memory_space<vmem>>, vector<16xf32>,
      %swap3A_304 = arith.constant 2400 : index
      %swap3A_305 = tpu.vector_load %arg5[%swap3A_304] {strides = array<i32>} : memref<4096xf32, #tpu.memory_space<vmem>>, vector<16xf32>,
      tpu.vector_store %arg5[%swap3A_304], %broadcast_in_dim3A_4 {strides = array<i32>} : memref<4096xf32, #tpu.memory_space<vmem>>, vector<16xf32>,
      %swap3A_306 = arith.constant 2416 : index
      %swap3A_307 = tpu.vector_load %arg5[%swap3A_306] {strides = array<i32>} : memref<4096xf32, #tpu.memory_space<vmem>>, vector<16xf32>,
      tpu.vector_store %arg5[%swap3A_306], %broadcast_in_dim3A_4 {strides = array<i32>} : memref<4096xf32, #tpu.memory_space<vmem>>, vector<16xf32>,
      %swap3A_308 = arith.constant 2432 : index
      %swap3A_309 = tpu.vector_load %arg5[%swap3A_308] {strides = array<i32>} : memref<4096xf32, #tpu.memory_space<vmem>>, vector<16xf32>,
      tpu.vector_store %arg5[%swap3A_308], %broadcast_in_dim3A_4 {strides = array<i32>} : memref<4096xf32, #tpu.memory_space<vmem>>, vector<16xf32>,
      %swap3A_310 = arith.constant 2448 : index
      %swap3A_311 = tpu.vector_load %arg5[%swap3A_310] {strides = array<i32>} : memref<4096xf32, #tpu.memory_space<vmem>>, vector<16xf32>,
      tpu.vector_store %arg5[%swap3A_310], %broadcast_in_dim3A_4 {strides = array<i32>} : memref<4096xf32, #tpu.memory_space<vmem>>, vector<16xf32>,
      %swap3A_312 = arith.constant 2464 : index
      %swap3A_313 = tpu.vector_load %arg5[%swap3A_312] {strides = array<i32>} : memref<4096xf32, #tpu.memory_space<vmem>>, vector<16xf32>,
      tpu.vector_store %arg5[%swap3A_312], %broadcast_in_dim3A_4 {strides = array<i32>} : memref<4096xf32, #tpu.memory_space<vmem>>, vector<16xf32>,
      %swap3A_314 = arith.constant 2480 : index
      %swap3A_315 = tpu.vector_load %arg5[%swap3A_314] {strides = array<i32>} : memref<4096xf32, #tpu.memory_space<vmem>>, vector<16xf32>,
      tpu.vector_store %arg5[%swap3A_314], %broadcast_in_dim3A_4 {strides = array<i32>} : memref<4096xf32, #tpu.memory_space<vmem>>, vector<16xf32>,
      %swap3A_316 = arith.constant 2496 : index
      %swap3A_317 = tpu.vector_load %arg5[%swap3A_316] {strides = array<i32>} : memref<4096xf32, #tpu.memory_space<vmem>>, vector<16xf32>,
      tpu.vector_store %arg5[%swap3A_316], %broadcast_in_dim3A_4 {strides = array<i32>} : memref<4096xf32, #tpu.memory_space<vmem>>, vector<16xf32>,
      %swap3A_318 = arith.constant 2512 : index
      %swap3A_319 = tpu.vector_load %arg5[%swap3A_318] {strides = array<i32>} : memref<4096xf32, #tpu.memory_space<vmem>>, vector<16xf32>,
      tpu.vector_store %arg5[%swap3A_318], %broadcast_in_dim3A_4 {strides = array<i32>} : memref<4096xf32, #tpu.memory_space<vmem>>, vector<16xf32>,
      %swap3A_320 = arith.constant 2528 : index
      %swap3A_321 = tpu.vector_load %arg5[%swap3A_320] {strides = array<i32>} : memref<4096xf32, #tpu.memory_space<vmem>>, vector<16xf32>,
      tpu.vector_store %arg5[%swap3A_320], %broadcast_in_dim3A_4 {strides = array<i32>} : memref<4096xf32, #tpu.memory_space<vmem>>, vector<16xf32>,
      %swap3A_322 = arith.constant 2544 : index
      %swap3A_323 = tpu.vector_load %arg5[%swap3A_322] {strides = array<i32>} : memref<4096xf32, #tpu.memory_space<vmem>>, vector<16xf32>,
      tpu.vector_store %arg5[%swap3A_322], %broadcast_in_dim3A_4 {strides = array<i32>} : memref<4096xf32, #tpu.memory_space<vmem>>, vector<16xf32>,
      %swap3A_324 = arith.constant 2560 : index
      %swap3A_325 = tpu.vector_load %arg5[%swap3A_324] {strides = array<i32>} : memref<4096xf32, #tpu.memory_space<vmem>>, vector<16xf32>,
      tpu.vector_store %arg5[%swap3A_324], %broadcast_in_dim3A_4 {strides = array<i32>} : memref<4096xf32, #tpu.memory_space<vmem>>, vector<16xf32>,
      %swap3A_326 = arith.constant 2576 : index
      %swap3A_327 = tpu.vector_load %arg5[%swap3A_326] {strides = array<i32>} : memref<4096xf32, #tpu.memory_space<vmem>>, vector<16xf32>,
      tpu.vector_store %arg5[%swap3A_326], %broadcast_in_dim3A_4 {strides = array<i32>} : memref<4096xf32, #tpu.memory_space<vmem>>, vector<16xf32>,
      %swap3A_328 = arith.constant 2592 : index
      %swap3A_329 = tpu.vector_load %arg5[%swap3A_328] {strides = array<i32>} : memref<4096xf32, #tpu.memory_space<vmem>>, vector<16xf32>,
      tpu.vector_store %arg5[%swap3A_328], %broadcast_in_dim3A_4 {strides = array<i32>} : memref<4096xf32, #tpu.memory_space<vmem>>, vector<16xf32>,
      %swap3A_330 = arith.constant 2608 : index
      %swap3A_331 = tpu.vector_load %arg5[%swap3A_330] {strides = array<i32>} : memref<4096xf32, #tpu.memory_space<vmem>>, vector<16xf32>,
      tpu.vector_store %arg5[%swap3A_330], %broadcast_in_dim3A_4 {strides = array<i32>} : memref<4096xf32, #tpu.memory_space<vmem>>, vector<16xf32>,
      %swap3A_332 = arith.constant 2624 : index
      %swap3A_333 = tpu.vector_load %arg5[%swap3A_332] {strides = array<i32>} : memref<4096xf32, #tpu.memory_space<vmem>>, vector<16xf32>,
      tpu.vector_store %arg5[%swap3A_332], %broadcast_in_dim3A_4 {strides = array<i32>} : memref<4096xf32, #tpu.memory_space<vmem>>, vector<16xf32>,
      %swap3A_334 = arith.constant 2640 : index
      %swap3A_335 = tpu.vector_load %arg5[%swap3A_334] {strides = array<i32>} : memref<4096xf32, #tpu.memory_space<vmem>>, vector<16xf32>,
      tpu.vector_store %arg5[%swap3A_334], %broadcast_in_dim3A_4 {strides = array<i32>} : memref<4096xf32, #tpu.memory_space<vmem>>, vector<16xf32>,
      %swap3A_336 = arith.constant 2656 : index
      %swap3A_337 = tpu.vector_load %arg5[%swap3A_336] {strides = array<i32>} : memref<4096xf32, #tpu.memory_space<vmem>>, vector<16xf32>,
      tpu.vector_store %arg5[%swap3A_336], %broadcast_in_dim3A_4 {strides = array<i32>} : memref<4096xf32, #tpu.memory_space<vmem>>, vector<16xf32>,
      %swap3A_338 = arith.constant 2672 : index
      %swap3A_339 = tpu.vector_load %arg5[%swap3A_338] {strides = array<i32>} : memref<4096xf32, #tpu.memory_space<vmem>>, vector<16xf32>,
      tpu.vector_store %arg5[%swap3A_338], %broadcast_in_dim3A_4 {strides = array<i32>} : memref<4096xf32, #tpu.memory_space<vmem>>, vector<16xf32>,
      %swap3A_340 = arith.constant 2688 : index
      %swap3A_341 = tpu.vector_load %arg5[%swap3A_340] {strides = array<i32>} : memref<4096xf32, #tpu.memory_space<vmem>>, vector<16xf32>,
      tpu.vector_store %arg5[%swap3A_340], %broadcast_in_dim3A_4 {strides = array<i32>} : memref<4096xf32, #tpu.memory_space<vmem>>, vector<16xf32>,
      %swap3A_342 = arith.constant 2704 : index
      %swap3A_343 = tpu.vector_load %arg5[%swap3A_342] {strides = array<i32>} : memref<4096xf32, #tpu.memory_space<vmem>>, vector<16xf32>,
      tpu.vector_store %arg5[%swap3A_342], %broadcast_in_dim3A_4 {strides = array<i32>} : memref<4096xf32, #tpu.memory_space<vmem>>, vector<16xf32>,
      %swap3A_344 = arith.constant 2720 : index
      %swap3A_345 = tpu.vector_load %arg5[%swap3A_344] {strides = array<i32>} : memref<4096xf32, #tpu.memory_space<vmem>>, vector<16xf32>,
      tpu.vector_store %arg5[%swap3A_344], %broadcast_in_dim3A_4 {strides = array<i32>} : memref<4096xf32, #tpu.memory_space<vmem>>, vector<16xf32>,
      %swap3A_346 = arith.constant 2736 : index
      %swap3A_347 = tpu.vector_load %arg5[%swap3A_346] {strides = array<i32>} : memref<4096xf32, #tpu.memory_space<vmem>>, vector<16xf32>,
      tpu.vector_store %arg5[%swap3A_346], %broadcast_in_dim3A_4 {strides = array<i32>} : memref<4096xf32, #tpu.memory_space<vmem>>, vector<16xf32>,
      %swap3A_348 = arith.constant 2752 : index
      %swap3A_349 = tpu.vector_load %arg5[%swap3A_348] {strides = array<i32>} : memref<4096xf32, #tpu.memory_space<vmem>>, vector<16xf32>,
      tpu.vector_store %arg5[%swap3A_348], %broadcast_in_dim3A_4 {strides = array<i32>} : memref<4096xf32, #tpu.memory_space<vmem>>, vector<16xf32>,
      %swap3A_350 = arith.constant 2768 : index
      %swap3A_351 = tpu.vector_load %arg5[%swap3A_350] {strides = array<i32>} : memref<4096xf32, #tpu.memory_space<vmem>>, vector<16xf32>,
      tpu.vector_store %arg5[%swap3A_350], %broadcast_in_dim3A_4 {strides = array<i32>} : memref<4096xf32, #tpu.memory_space<vmem>>, vector<16xf32>,
      %swap3A_352 = arith.constant 2784 : index
      %swap3A_353 = tpu.vector_load %arg5[%swap3A_352] {strides = array<i32>} : memref<4096xf32, #tpu.memory_space<vmem>>, vector<16xf32>,
      tpu.vector_store %arg5[%swap3A_352], %broadcast_in_dim3A_4 {strides = array<i32>} : memref<4096xf32, #tpu.memory_space<vmem>>, vector<16xf32>,
      %swap3A_354 = arith.constant 2800 : index
      %swap3A_355 = tpu.vector_load %arg5[%swap3A_354] {strides = array<i32>} : memref<4096xf32, #tpu.memory_space<vmem>>, vector<16xf32>,
      tpu.vector_store %arg5[%swap3A_354], %broadcast_in_dim3A_4 {strides = array<i32>} : memref<4096xf32, #tpu.memory_space<vmem>>, vector<16xf32>,
      %swap3A_356 = arith.constant 2816 : index
      %swap3A_357 = tpu.vector_load %arg5[%swap3A_356] {strides = array<i32>} : memref<4096xf32, #tpu.memory_space<vmem>>, vector<16xf32>,
      tpu.vector_store %arg5[%swap3A_356], %broadcast_in_dim3A_4 {strides = array<i32>} : memref<4096xf32, #tpu.memory_space<vmem>>, vector<16xf32>,
      %swap3A_358 = arith.constant 2832 : index
      %swap3A_359 = tpu.vector_load %arg5[%swap3A_358] {strides = array<i32>} : memref<4096xf32, #tpu.memory_space<vmem>>, vector<16xf32>,
      tpu.vector_store %arg5[%swap3A_358], %broadcast_in_dim3A_4 {strides = array<i32>} : memref<4096xf32, #tpu.memory_space<vmem>>, vector<16xf32>,
      %swap3A_360 = arith.constant 2848 : index
      %swap3A_361 = tpu.vector_load %arg5[%swap3A_360] {strides = array<i32>} : memref<4096xf32, #tpu.memory_space<vmem>>, vector<16xf32>,
      tpu.vector_store %arg5[%swap3A_360], %broadcast_in_dim3A_4 {strides = array<i32>} : memref<4096xf32, #tpu.memory_space<vmem>>, vector<16xf32>,
      %swap3A_362 = arith.constant 2864 : index
      %swap3A_363 = tpu.vector_load %arg5[%swap3A_362] {strides = array<i32>} : memref<4096xf32, #tpu.memory_space<vmem>>, vector<16xf32>,
      tpu.vector_store %arg5[%swap3A_362], %broadcast_in_dim3A_4 {strides = array<i32>} : memref<4096xf32, #tpu.memory_space<vmem>>, vector<16xf32>,
      %swap3A_364 = arith.constant 2880 : index
      %swap3A_365 = tpu.vector_load %arg5[%swap3A_364] {strides = array<i32>} : memref<4096xf32, #tpu.memory_space<vmem>>, vector<16xf32>,
      tpu.vector_store %arg5[%swap3A_364], %broadcast_in_dim3A_4 {strides = array<i32>} : memref<4096xf32, #tpu.memory_space<vmem>>, vector<16xf32>,
      %swap3A_366 = arith.constant 2896 : index
      %swap3A_367 = tpu.vector_load %arg5[%swap3A_366] {strides = array<i32>} : memref<4096xf32, #tpu.memory_space<vmem>>, vector<16xf32>,
      tpu.vector_store %arg5[%swap3A_366], %broadcast_in_dim3A_4 {strides = array<i32>} : memref<4096xf32, #tpu.memory_space<vmem>>, vector<16xf32>,
      %swap3A_368 = arith.constant 2912 : index
      %swap3A_369 = tpu.vector_load %arg5[%swap3A_368] {strides = array<i32>} : memref<4096xf32, #tpu.memory_space<vmem>>, vector<16xf32>,
      tpu.vector_store %arg5[%swap3A_368], %broadcast_in_dim3A_4 {strides = array<i32>} : memref<4096xf32, #tpu.memory_space<vmem>>, vector<16xf32>,
      %swap3A_370 = arith.constant 2928 : index
      %swap3A_371 = tpu.vector_load %arg5[%swap3A_370] {strides = array<i32>} : memref<4096xf32, #tpu.memory_space<vmem>>, vector<16xf32>,
      tpu.vector_store %arg5[%swap3A_370], %broadcast_in_dim3A_4 {strides = array<i32>} : memref<4096xf32, #tpu.memory_space<vmem>>, vector<16xf32>,
      %swap3A_372 = arith.constant 2944 : index
      %swap3A_373 = tpu.vector_load %arg5[%swap3A_372] {strides = array<i32>} : memref<4096xf32, #tpu.memory_space<vmem>>, vector<16xf32>,
      tpu.vector_store %arg5[%swap3A_372], %broadcast_in_dim3A_4 {strides = array<i32>} : memref<4096xf32, #tpu.memory_space<vmem>>, vector<16xf32>,
      %swap3A_374 = arith.constant 2960 : index
      %swap3A_375 = tpu.vector_load %arg5[%swap3A_374] {strides = array<i32>} : memref<4096xf32, #tpu.memory_space<vmem>>, vector<16xf32>,
      tpu.vector_store %arg5[%swap3A_374], %broadcast_in_dim3A_4 {strides = array<i32>} : memref<4096xf32, #tpu.memory_space<vmem>>, vector<16xf32>,
      %swap3A_376 = arith.constant 2976 : index
      %swap3A_377 = tpu.vector_load %arg5[%swap3A_376] {strides = array<i32>} : memref<4096xf32, #tpu.memory_space<vmem>>, vector<16xf32>,
      tpu.vector_store %arg5[%swap3A_376], %broadcast_in_dim3A_4 {strides = array<i32>} : memref<4096xf32, #tpu.memory_space<vmem>>, vector<16xf32>,
      %swap3A_378 = arith.constant 2992 : index
      %swap3A_379 = tpu.vector_load %arg5[%swap3A_378] {strides = array<i32>} : memref<4096xf32, #tpu.memory_space<vmem>>, vector<16xf32>,
      tpu.vector_store %arg5[%swap3A_378], %broadcast_in_dim3A_4 {strides = array<i32>} : memref<4096xf32, #tpu.memory_space<vmem>>, vector<16xf32>,
      %swap3A_380 = arith.constant 3008 : index
      %swap3A_381 = tpu.vector_load %arg5[%swap3A_380] {strides = array<i32>} : memref<4096xf32, #tpu.memory_space<vmem>>, vector<16xf32>,
      tpu.vector_store %arg5[%swap3A_380], %broadcast_in_dim3A_4 {strides = array<i32>} : memref<4096xf32, #tpu.memory_space<vmem>>, vector<16xf32>,
      %swap3A_382 = arith.constant 3024 : index
      %swap3A_383 = tpu.vector_load %arg5[%swap3A_382] {strides = array<i32>} : memref<4096xf32, #tpu.memory_space<vmem>>, vector<16xf32>,
      tpu.vector_store %arg5[%swap3A_382], %broadcast_in_dim3A_4 {strides = array<i32>} : memref<4096xf32, #tpu.memory_space<vmem>>, vector<16xf32>,
      %swap3A_384 = arith.constant 3040 : index
      %swap3A_385 = tpu.vector_load %arg5[%swap3A_384] {strides = array<i32>} : memref<4096xf32, #tpu.memory_space<vmem>>, vector<16xf32>,
      tpu.vector_store %arg5[%swap3A_384], %broadcast_in_dim3A_4 {strides = array<i32>} : memref<4096xf32, #tpu.memory_space<vmem>>, vector<16xf32>,
      %swap3A_386 = arith.constant 3056 : index
      %swap3A_387 = tpu.vector_load %arg5[%swap3A_386] {strides = array<i32>} : memref<4096xf32, #tpu.memory_space<vmem>>, vector<16xf32>,
      tpu.vector_store %arg5[%swap3A_386], %broadcast_in_dim3A_4 {strides = array<i32>} : memref<4096xf32, #tpu.memory_space<vmem>>, vector<16xf32>,
      %swap3A_388 = arith.constant 3072 : index
      %swap3A_389 = tpu.vector_load %arg5[%swap3A_388] {strides = array<i32>} : memref<4096xf32, #tpu.memory_space<vmem>>, vector<16xf32>,
      tpu.vector_store %arg5[%swap3A_388], %broadcast_in_dim3A_4 {strides = array<i32>} : memref<4096xf32, #tpu.memory_space<vmem>>, vector<16xf32>,
      %swap3A_390 = arith.constant 3088 : index
      %swap3A_391 = tpu.vector_load %arg5[%swap3A_390] {strides = array<i32>} : memref<4096xf32, #tpu.memory_space<vmem>>, vector<16xf32>,
      tpu.vector_store %arg5[%swap3A_390], %broadcast_in_dim3A_4 {strides = array<i32>} : memref<4096xf32, #tpu.memory_space<vmem>>, vector<16xf32>,
      %swap3A_392 = arith.constant 3104 : index
      %swap3A_393 = tpu.vector_load %arg5[%swap3A_392] {strides = array<i32>} : memref<4096xf32, #tpu.memory_space<vmem>>, vector<16xf32>,
      tpu.vector_store %arg5[%swap3A_392], %broadcast_in_dim3A_4 {strides = array<i32>} : memref<4096xf32, #tpu.memory_space<vmem>>, vector<16xf32>,
      %swap3A_394 = arith.constant 3120 : index
      %swap3A_395 = tpu.vector_load %arg5[%swap3A_394] {strides = array<i32>} : memref<4096xf32, #tpu.memory_space<vmem>>, vector<16xf32>,
      tpu.vector_store %arg5[%swap3A_394], %broadcast_in_dim3A_4 {strides = array<i32>} : memref<4096xf32, #tpu.memory_space<vmem>>, vector<16xf32>,
      %swap3A_396 = arith.constant 3136 : index
      %swap3A_397 = tpu.vector_load %arg5[%swap3A_396] {strides = array<i32>} : memref<4096xf32, #tpu.memory_space<vmem>>, vector<16xf32>,
      tpu.vector_store %arg5[%swap3A_396], %broadcast_in_dim3A_4 {strides = array<i32>} : memref<4096xf32, #tpu.memory_space<vmem>>, vector<16xf32>,
      %swap3A_398 = arith.constant 3152 : index
      %swap3A_399 = tpu.vector_load %arg5[%swap3A_398] {strides = array<i32>} : memref<4096xf32, #tpu.memory_space<vmem>>, vector<16xf32>,
      tpu.vector_store %arg5[%swap3A_398], %broadcast_in_dim3A_4 {strides = array<i32>} : memref<4096xf32, #tpu.memory_space<vmem>>, vector<16xf32>,
      %swap3A_400 = arith.constant 3168 : index
      %swap3A_401 = tpu.vector_load %arg5[%swap3A_400] {strides = array<i32>} : memref<4096xf32, #tpu.memory_space<vmem>>, vector<16xf32>,
      tpu.vector_store %arg5[%swap3A_400], %broadcast_in_dim3A_4 {strides = array<i32>} : memref<4096xf32, #tpu.memory_space<vmem>>, vector<16xf32>,
      %swap3A_402 = arith.constant 3184 : index
      %swap3A_403 = tpu.vector_load %arg5[%swap3A_402] {strides = array<i32>} : memref<4096xf32, #tpu.memory_space<vmem>>, vector<16xf32>,
      tpu.vector_store %arg5[%swap3A_402], %broadcast_in_dim3A_4 {strides = array<i32>} : memref<4096xf32, #tpu.memory_space<vmem>>, vector<16xf32>,
      %swap3A_404 = arith.constant 3200 : index
      %swap3A_405 = tpu.vector_load %arg5[%swap3A_404] {strides = array<i32>} : memref<4096xf32, #tpu.memory_space<vmem>>, vector<16xf32>,
      tpu.vector_store %arg5[%swap3A_404], %broadcast_in_dim3A_4 {strides = array<i32>} : memref<4096xf32, #tpu.memory_space<vmem>>, vector<16xf32>,
      %swap3A_406 = arith.constant 3216 : index
      %swap3A_407 = tpu.vector_load %arg5[%swap3A_406] {strides = array<i32>} : memref<4096xf32, #tpu.memory_space<vmem>>, vector<16xf32>,
      tpu.vector_store %arg5[%swap3A_406], %broadcast_in_dim3A_4 {strides = array<i32>} : memref<4096xf32, #tpu.memory_space<vmem>>, vector<16xf32>,
      %swap3A_408 = arith.constant 3232 : index
      %swap3A_409 = tpu.vector_load %arg5[%swap3A_408] {strides = array<i32>} : memref<4096xf32, #tpu.memory_space<vmem>>, vector<16xf32>,
      tpu.vector_store %arg5[%swap3A_408], %broadcast_in_dim3A_4 {strides = array<i32>} : memref<4096xf32, #tpu.memory_space<vmem>>, vector<16xf32>,
      %swap3A_410 = arith.constant 3248 : index
      %swap3A_411 = tpu.vector_load %arg5[%swap3A_410] {strides = array<i32>} : memref<4096xf32, #tpu.memory_space<vmem>>, vector<16xf32>,
      tpu.vector_store %arg5[%swap3A_410], %broadcast_in_dim3A_4 {strides = array<i32>} : memref<4096xf32, #tpu.memory_space<vmem>>, vector<16xf32>,
      %swap3A_412 = arith.constant 3264 : index
      %swap3A_413 = tpu.vector_load %arg5[%swap3A_412] {strides = array<i32>} : memref<4096xf32, #tpu.memory_space<vmem>>, vector<16xf32>,
      tpu.vector_store %arg5[%swap3A_412], %broadcast_in_dim3A_4 {strides = array<i32>} : memref<4096xf32, #tpu.memory_space<vmem>>, vector<16xf32>,
      %swap3A_414 = arith.constant 3280 : index
      %swap3A_415 = tpu.vector_load %arg5[%swap3A_414] {strides = array<i32>} : memref<4096xf32, #tpu.memory_space<vmem>>, vector<16xf32>,
      tpu.vector_store %arg5[%swap3A_414], %broadcast_in_dim3A_4 {strides = array<i32>} : memref<4096xf32, #tpu.memory_space<vmem>>, vector<16xf32>,
      %swap3A_416 = arith.constant 3296 : index
      %swap3A_417 = tpu.vector_load %arg5[%swap3A_416] {strides = array<i32>} : memref<4096xf32, #tpu.memory_space<vmem>>, vector<16xf32>,
      tpu.vector_store %arg5[%swap3A_416], %broadcast_in_dim3A_4 {strides = array<i32>} : memref<4096xf32, #tpu.memory_space<vmem>>, vector<16xf32>,
      %swap3A_418 = arith.constant 3312 : index
      %swap3A_419 = tpu.vector_load %arg5[%swap3A_418] {strides = array<i32>} : memref<4096xf32, #tpu.memory_space<vmem>>, vector<16xf32>,
      tpu.vector_store %arg5[%swap3A_418], %broadcast_in_dim3A_4 {strides = array<i32>} : memref<4096xf32, #tpu.memory_space<vmem>>, vector<16xf32>,
      %swap3A_420 = arith.constant 3328 : index
      %swap3A_421 = tpu.vector_load %arg5[%swap3A_420] {strides = array<i32>} : memref<4096xf32, #tpu.memory_space<vmem>>, vector<16xf32>,
      tpu.vector_store %arg5[%swap3A_420], %broadcast_in_dim3A_4 {strides = array<i32>} : memref<4096xf32, #tpu.memory_space<vmem>>, vector<16xf32>,
      %swap3A_422 = arith.constant 3344 : index
      %swap3A_423 = tpu.vector_load %arg5[%swap3A_422] {strides = array<i32>} : memref<4096xf32, #tpu.memory_space<vmem>>, vector<16xf32>,
      tpu.vector_store %arg5[%swap3A_422], %broadcast_in_dim3A_4 {strides = array<i32>} : memref<4096xf32, #tpu.memory_space<vmem>>, vector<16xf32>,
      %swap3A_424 = arith.constant 3360 : index
      %swap3A_425 = tpu.vector_load %arg5[%swap3A_424] {strides = array<i32>} : memref<4096xf32, #tpu.memory_space<vmem>>, vector<16xf32>,
      tpu.vector_store %arg5[%swap3A_424], %broadcast_in_dim3A_4 {strides = array<i32>} : memref<4096xf32, #tpu.memory_space<vmem>>, vector<16xf32>,
      %swap3A_426 = arith.constant 3376 : index
      %swap3A_427 = tpu.vector_load %arg5[%swap3A_426] {strides = array<i32>} : memref<4096xf32, #tpu.memory_space<vmem>>, vector<16xf32>,
      tpu.vector_store %arg5[%swap3A_426], %broadcast_in_dim3A_4 {strides = array<i32>} : memref<4096xf32, #tpu.memory_space<vmem>>, vector<16xf32>,
      %swap3A_428 = arith.constant 3392 : index
      %swap3A_429 = tpu.vector_load %arg5[%swap3A_428] {strides = array<i32>} : memref<4096xf32, #tpu.memory_space<vmem>>, vector<16xf32>,
      tpu.vector_store %arg5[%swap3A_428], %broadcast_in_dim3A_4 {strides = array<i32>} : memref<4096xf32, #tpu.memory_space<vmem>>, vector<16xf32>,
      %swap3A_430 = arith.constant 3408 : index
      %swap3A_431 = tpu.vector_load %arg5[%swap3A_430] {strides = array<i32>} : memref<4096xf32, #tpu.memory_space<vmem>>, vector<16xf32>,
      tpu.vector_store %arg5[%swap3A_430], %broadcast_in_dim3A_4 {strides = array<i32>} : memref<4096xf32, #tpu.memory_space<vmem>>, vector<16xf32>,
      %swap3A_432 = arith.constant 3424 : index
      %swap3A_433 = tpu.vector_load %arg5[%swap3A_432] {strides = array<i32>} : memref<4096xf32, #tpu.memory_space<vmem>>, vector<16xf32>,
      tpu.vector_store %arg5[%swap3A_432], %broadcast_in_dim3A_4 {strides = array<i32>} : memref<4096xf32, #tpu.memory_space<vmem>>, vector<16xf32>,
      %swap3A_434 = arith.constant 3440 : index
      %swap3A_435 = tpu.vector_load %arg5[%swap3A_434] {strides = array<i32>} : memref<4096xf32, #tpu.memory_space<vmem>>, vector<16xf32>,
      tpu.vector_store %arg5[%swap3A_434], %broadcast_in_dim3A_4 {strides = array<i32>} : memref<4096xf32, #tpu.memory_space<vmem>>, vector<16xf32>,
      %swap3A_436 = arith.constant 3456 : index
      %swap3A_437 = tpu.vector_load %arg5[%swap3A_436] {strides = array<i32>} : memref<4096xf32, #tpu.memory_space<vmem>>, vector<16xf32>,
      tpu.vector_store %arg5[%swap3A_436], %broadcast_in_dim3A_4 {strides = array<i32>} : memref<4096xf32, #tpu.memory_space<vmem>>, vector<16xf32>,
      %swap3A_438 = arith.constant 3472 : index
      %swap3A_439 = tpu.vector_load %arg5[%swap3A_438] {strides = array<i32>} : memref<4096xf32, #tpu.memory_space<vmem>>, vector<16xf32>,
      tpu.vector_store %arg5[%swap3A_438], %broadcast_in_dim3A_4 {strides = array<i32>} : memref<4096xf32, #tpu.memory_space<vmem>>, vector<16xf32>,
      %swap3A_440 = arith.constant 3488 : index
      %swap3A_441 = tpu.vector_load %arg5[%swap3A_440] {strides = array<i32>} : memref<4096xf32, #tpu.memory_space<vmem>>, vector<16xf32>,
      tpu.vector_store %arg5[%swap3A_440], %broadcast_in_dim3A_4 {strides = array<i32>} : memref<4096xf32, #tpu.memory_space<vmem>>, vector<16xf32>,
      %swap3A_442 = arith.constant 3504 : index
      %swap3A_443 = tpu.vector_load %arg5[%swap3A_442] {strides = array<i32>} : memref<4096xf32, #tpu.memory_space<vmem>>, vector<16xf32>,
      tpu.vector_store %arg5[%swap3A_442], %broadcast_in_dim3A_4 {strides = array<i32>} : memref<4096xf32, #tpu.memory_space<vmem>>, vector<16xf32>,
      %swap3A_444 = arith.constant 3520 : index
      %swap3A_445 = tpu.vector_load %arg5[%swap3A_444] {strides = array<i32>} : memref<4096xf32, #tpu.memory_space<vmem>>, vector<16xf32>,
      tpu.vector_store %arg5[%swap3A_444], %broadcast_in_dim3A_4 {strides = array<i32>} : memref<4096xf32, #tpu.memory_space<vmem>>, vector<16xf32>,
      %swap3A_446 = arith.constant 3536 : index
      %swap3A_447 = tpu.vector_load %arg5[%swap3A_446] {strides = array<i32>} : memref<4096xf32, #tpu.memory_space<vmem>>, vector<16xf32>,
      tpu.vector_store %arg5[%swap3A_446], %broadcast_in_dim3A_4 {strides = array<i32>} : memref<4096xf32, #tpu.memory_space<vmem>>, vector<16xf32>,
      %swap3A_448 = arith.constant 3552 : index
      %swap3A_449 = tpu.vector_load %arg5[%swap3A_448] {strides = array<i32>} : memref<4096xf32, #tpu.memory_space<vmem>>, vector<16xf32>,
      tpu.vector_store %arg5[%swap3A_448], %broadcast_in_dim3A_4 {strides = array<i32>} : memref<4096xf32, #tpu.memory_space<vmem>>, vector<16xf32>,
      %swap3A_450 = arith.constant 3568 : index
      %swap3A_451 = tpu.vector_load %arg5[%swap3A_450] {strides = array<i32>} : memref<4096xf32, #tpu.memory_space<vmem>>, vector<16xf32>,
      tpu.vector_store %arg5[%swap3A_450], %broadcast_in_dim3A_4 {strides = array<i32>} : memref<4096xf32, #tpu.memory_space<vmem>>, vector<16xf32>,
      %swap3A_452 = arith.constant 3584 : index
      %swap3A_453 = tpu.vector_load %arg5[%swap3A_452] {strides = array<i32>} : memref<4096xf32, #tpu.memory_space<vmem>>, vector<16xf32>,
      tpu.vector_store %arg5[%swap3A_452], %broadcast_in_dim3A_4 {strides = array<i32>} : memref<4096xf32, #tpu.memory_space<vmem>>, vector<16xf32>,
      %swap3A_454 = arith.constant 3600 : index
      %swap3A_455 = tpu.vector_load %arg5[%swap3A_454] {strides = array<i32>} : memref<4096xf32, #tpu.memory_space<vmem>>, vector<16xf32>,
      tpu.vector_store %arg5[%swap3A_454], %broadcast_in_dim3A_4 {strides = array<i32>} : memref<4096xf32, #tpu.memory_space<vmem>>, vector<16xf32>,
      %swap3A_456 = arith.constant 3616 : index
      %swap3A_457 = tpu.vector_load %arg5[%swap3A_456] {strides = array<i32>} : memref<4096xf32, #tpu.memory_space<vmem>>, vector<16xf32>,
      tpu.vector_store %arg5[%swap3A_456], %broadcast_in_dim3A_4 {strides = array<i32>} : memref<4096xf32, #tpu.memory_space<vmem>>, vector<16xf32>,
      %swap3A_458 = arith.constant 3632 : index
      %swap3A_459 = tpu.vector_load %arg5[%swap3A_458] {strides = array<i32>} : memref<4096xf32, #tpu.memory_space<vmem>>, vector<16xf32>,
      tpu.vector_store %arg5[%swap3A_458], %broadcast_in_dim3A_4 {strides = array<i32>} : memref<4096xf32, #tpu.memory_space<vmem>>, vector<16xf32>,
      %swap3A_460 = arith.constant 3648 : index
      %swap3A_461 = tpu.vector_load %arg5[%swap3A_460] {strides = array<i32>} : memref<4096xf32, #tpu.memory_space<vmem>>, vector<16xf32>,
      tpu.vector_store %arg5[%swap3A_460], %broadcast_in_dim3A_4 {strides = array<i32>} : memref<4096xf32, #tpu.memory_space<vmem>>, vector<16xf32>,
      %swap3A_462 = arith.constant 3664 : index
      %swap3A_463 = tpu.vector_load %arg5[%swap3A_462] {strides = array<i32>} : memref<4096xf32, #tpu.memory_space<vmem>>, vector<16xf32>,
      tpu.vector_store %arg5[%swap3A_462], %broadcast_in_dim3A_4 {strides = array<i32>} : memref<4096xf32, #tpu.memory_space<vmem>>, vector<16xf32>,
      %swap3A_464 = arith.constant 3680 : index
      %swap3A_465 = tpu.vector_load %arg5[%swap3A_464] {strides = array<i32>} : memref<4096xf32, #tpu.memory_space<vmem>>, vector<16xf32>,
      tpu.vector_store %arg5[%swap3A_464], %broadcast_in_dim3A_4 {strides = array<i32>} : memref<4096xf32, #tpu.memory_space<vmem>>, vector<16xf32>,
      %swap3A_466 = arith.constant 3696 : index
      %swap3A_467 = tpu.vector_load %arg5[%swap3A_466] {strides = array<i32>} : memref<4096xf32, #tpu.memory_space<vmem>>, vector<16xf32>,
      tpu.vector_store %arg5[%swap3A_466], %broadcast_in_dim3A_4 {strides = array<i32>} : memref<4096xf32, #tpu.memory_space<vmem>>, vector<16xf32>,
      %swap3A_468 = arith.constant 3712 : index
      %swap3A_469 = tpu.vector_load %arg5[%swap3A_468] {strides = array<i32>} : memref<4096xf32, #tpu.memory_space<vmem>>, vector<16xf32>,
      tpu.vector_store %arg5[%swap3A_468], %broadcast_in_dim3A_4 {strides = array<i32>} : memref<4096xf32, #tpu.memory_space<vmem>>, vector<16xf32>,
      %swap3A_470 = arith.constant 3728 : index
      %swap3A_471 = tpu.vector_load %arg5[%swap3A_470] {strides = array<i32>} : memref<4096xf32, #tpu.memory_space<vmem>>, vector<16xf32>,
      tpu.vector_store %arg5[%swap3A_470], %broadcast_in_dim3A_4 {strides = array<i32>} : memref<4096xf32, #tpu.memory_space<vmem>>, vector<16xf32>,
      %swap3A_472 = arith.constant 3744 : index
      %swap3A_473 = tpu.vector_load %arg5[%swap3A_472] {strides = array<i32>} : memref<4096xf32, #tpu.memory_space<vmem>>, vector<16xf32>,
      tpu.vector_store %arg5[%swap3A_472], %broadcast_in_dim3A_4 {strides = array<i32>} : memref<4096xf32, #tpu.memory_space<vmem>>, vector<16xf32>,
      %swap3A_474 = arith.constant 3760 : index
      %swap3A_475 = tpu.vector_load %arg5[%swap3A_474] {strides = array<i32>} : memref<4096xf32, #tpu.memory_space<vmem>>, vector<16xf32>,
      tpu.vector_store %arg5[%swap3A_474], %broadcast_in_dim3A_4 {strides = array<i32>} : memref<4096xf32, #tpu.memory_space<vmem>>, vector<16xf32>,
      %swap3A_476 = arith.constant 3776 : index
      %swap3A_477 = tpu.vector_load %arg5[%swap3A_476] {strides = array<i32>} : memref<4096xf32, #tpu.memory_space<vmem>>, vector<16xf32>,
      tpu.vector_store %arg5[%swap3A_476], %broadcast_in_dim3A_4 {strides = array<i32>} : memref<4096xf32, #tpu.memory_space<vmem>>, vector<16xf32>,
      %swap3A_478 = arith.constant 3792 : index
      %swap3A_479 = tpu.vector_load %arg5[%swap3A_478] {strides = array<i32>} : memref<4096xf32, #tpu.memory_space<vmem>>, vector<16xf32>,
      tpu.vector_store %arg5[%swap3A_478], %broadcast_in_dim3A_4 {strides = array<i32>} : memref<4096xf32, #tpu.memory_space<vmem>>, vector<16xf32>,
      %swap3A_480 = arith.constant 3808 : index
      %swap3A_481 = tpu.vector_load %arg5[%swap3A_480] {strides = array<i32>} : memref<4096xf32, #tpu.memory_space<vmem>>, vector<16xf32>,
      tpu.vector_store %arg5[%swap3A_480], %broadcast_in_dim3A_4 {strides = array<i32>} : memref<4096xf32, #tpu.memory_space<vmem>>, vector<16xf32>,
      %swap3A_482 = arith.constant 3824 : index
      %swap3A_483 = tpu.vector_load %arg5[%swap3A_482] {strides = array<i32>} : memref<4096xf32, #tpu.memory_space<vmem>>, vector<16xf32>,
      tpu.vector_store %arg5[%swap3A_482], %broadcast_in_dim3A_4 {strides = array<i32>} : memref<4096xf32, #tpu.memory_space<vmem>>, vector<16xf32>,
      %swap3A_484 = arith.constant 3840 : index
      %swap3A_485 = tpu.vector_load %arg5[%swap3A_484] {strides = array<i32>} : memref<4096xf32, #tpu.memory_space<vmem>>, vector<16xf32>,
      tpu.vector_store %arg5[%swap3A_484], %broadcast_in_dim3A_4 {strides = array<i32>} : memref<4096xf32, #tpu.memory_space<vmem>>, vector<16xf32>,
      %swap3A_486 = arith.constant 3856 : index
      %swap3A_487 = tpu.vector_load %arg5[%swap3A_486] {strides = array<i32>} : memref<4096xf32, #tpu.memory_space<vmem>>, vector<16xf32>,
      tpu.vector_store %arg5[%swap3A_486], %broadcast_in_dim3A_4 {strides = array<i32>} : memref<4096xf32, #tpu.memory_space<vmem>>, vector<16xf32>,
      %swap3A_488 = arith.constant 3872 : index
      %swap3A_489 = tpu.vector_load %arg5[%swap3A_488] {strides = array<i32>} : memref<4096xf32, #tpu.memory_space<vmem>>, vector<16xf32>,
      tpu.vector_store %arg5[%swap3A_488], %broadcast_in_dim3A_4 {strides = array<i32>} : memref<4096xf32, #tpu.memory_space<vmem>>, vector<16xf32>,
      %swap3A_490 = arith.constant 3888 : index
      %swap3A_491 = tpu.vector_load %arg5[%swap3A_490] {strides = array<i32>} : memref<4096xf32, #tpu.memory_space<vmem>>, vector<16xf32>,
      tpu.vector_store %arg5[%swap3A_490], %broadcast_in_dim3A_4 {strides = array<i32>} : memref<4096xf32, #tpu.memory_space<vmem>>, vector<16xf32>,
      %swap3A_492 = arith.constant 3904 : index
      %swap3A_493 = tpu.vector_load %arg5[%swap3A_492] {strides = array<i32>} : memref<4096xf32, #tpu.memory_space<vmem>>, vector<16xf32>,
      tpu.vector_store %arg5[%swap3A_492], %broadcast_in_dim3A_4 {strides = array<i32>} : memref<4096xf32, #tpu.memory_space<vmem>>, vector<16xf32>,
      %swap3A_494 = arith.constant 3920 : index
      %swap3A_495 = tpu.vector_load %arg5[%swap3A_494] {strides = array<i32>} : memref<4096xf32, #tpu.memory_space<vmem>>, vector<16xf32>,
      tpu.vector_store %arg5[%swap3A_494], %broadcast_in_dim3A_4 {strides = array<i32>} : memref<4096xf32, #tpu.memory_space<vmem>>, vector<16xf32>,
      %swap3A_496 = arith.constant 3936 : index
      %swap3A_497 = tpu.vector_load %arg5[%swap3A_496] {strides = array<i32>} : memref<4096xf32, #tpu.memory_space<vmem>>, vector<16xf32>,
      tpu.vector_store %arg5[%swap3A_496], %broadcast_in_dim3A_4 {strides = array<i32>} : memref<4096xf32, #tpu.memory_space<vmem>>, vector<16xf32>,
      %swap3A_498 = arith.constant 3952 : index
      %swap3A_499 = tpu.vector_load %arg5[%swap3A_498] {strides = array<i32>} : memref<4096xf32, #tpu.memory_space<vmem>>, vector<16xf32>,
      tpu.vector_store %arg5[%swap3A_498], %broadcast_in_dim3A_4 {strides = array<i32>} : memref<4096xf32, #tpu.memory_space<vmem>>, vector<16xf32>,
      %swap3A_500 = arith.constant 3968 : index
      %swap3A_501 = tpu.vector_load %arg5[%swap3A_500] {strides = array<i32>} : memref<4096xf32, #tpu.memory_space<vmem>>, vector<16xf32>,
      tpu.vector_store %arg5[%swap3A_500], %broadcast_in_dim3A_4 {strides = array<i32>} : memref<4096xf32, #tpu.memory_space<vmem>>, vector<16xf32>,
      %swap3A_502 = arith.constant 3984 : index
      %swap3A_503 = tpu.vector_load %arg5[%swap3A_502] {strides = array<i32>} : memref<4096xf32, #tpu.memory_space<vmem>>, vector<16xf32>,
      tpu.vector_store %arg5[%swap3A_502], %broadcast_in_dim3A_4 {strides = array<i32>} : memref<4096xf32, #tpu.memory_space<vmem>>, vector<16xf32>,
      %swap3A_504 = arith.constant 4000 : index
      %swap3A_505 = tpu.vector_load %arg5[%swap3A_504] {strides = array<i32>} : memref<4096xf32, #tpu.memory_space<vmem>>, vector<16xf32>,
      tpu.vector_store %arg5[%swap3A_504], %broadcast_in_dim3A_4 {strides = array<i32>} : memref<4096xf32, #tpu.memory_space<vmem>>, vector<16xf32>,
      %swap3A_506 = arith.constant 4016 : index
      %swap3A_507 = tpu.vector_load %arg5[%swap3A_506] {strides = array<i32>} : memref<4096xf32, #tpu.memory_space<vmem>>, vector<16xf32>,
      tpu.vector_store %arg5[%swap3A_506], %broadcast_in_dim3A_4 {strides = array<i32>} : memref<4096xf32, #tpu.memory_space<vmem>>, vector<16xf32>,
      %swap3A_508 = arith.constant 4032 : index
      %swap3A_509 = tpu.vector_load %arg5[%swap3A_508] {strides = array<i32>} : memref<4096xf32, #tpu.memory_space<vmem>>, vector<16xf32>,
      tpu.vector_store %arg5[%swap3A_508], %broadcast_in_dim3A_4 {strides = array<i32>} : memref<4096xf32, #tpu.memory_space<vmem>>, vector<16xf32>,
      %swap3A_510 = arith.constant 4048 : index
      %swap3A_511 = tpu.vector_load %arg5[%swap3A_510] {strides = array<i32>} : memref<4096xf32, #tpu.memory_space<vmem>>, vector<16xf32>,
      tpu.vector_store %arg5[%swap3A_510], %broadcast_in_dim3A_4 {strides = array<i32>} : memref<4096xf32, #tpu.memory_space<vmem>>, vector<16xf32>,
      %swap3A_512 = arith.constant 4064 : index
      %swap3A_513 = tpu.vector_load %arg5[%swap3A_512] {strides = array<i32>} : memref<4096xf32, #tpu.memory_space<vmem>>, vector<16xf32>,
      tpu.vector_store %arg5[%swap3A_512], %broadcast_in_dim3A_4 {strides = array<i32>} : memref<4096xf32, #tpu.memory_space<vmem>>, vector<16xf32>,
      %swap3A_514 = arith.constant 4080 : index
      %swap3A_515 = tpu.vector_load %arg5[%swap3A_514] {strides = array<i32>} : memref<4096xf32, #tpu.memory_space<vmem>>, vector<16xf32>,
      tpu.vector_store %arg5[%swap3A_514], %broadcast_in_dim3A_4 {strides = array<i32>} : memref<4096xf32, #tpu.memory_space<vmem>>, vector<16xf32>,
      %get3A = arith.constant 0 : i32
      %get3A_516 = arith.index_cast %get3A : i32 to index
      %get3A_517 = arith.constant 0 : index
      %get3A_518 = tpu.vector_load %arg4[%get3A_516, %get3A_517] {strides = array<i32>} : memref<6x768xi32, #tpu.memory_space<vmem>>, vector<16xi32>,
      %get3A_519 = arith.constant 1 : i32
      %get3A_520 = arith.index_cast %get3A_519 : i32 to index
      %get3A_521 = arith.constant 0 : index
      %get3A_522 = tpu.vector_load %arg4[%get3A_520, %get3A_521] {strides = array<i32>} : memref<6x768xi32, #tpu.memory_space<vmem>>, vector<16xi32>,
      %get3A_523 = arith.constant 2 : i32
      %get3A_524 = arith.index_cast %get3A_523 : i32 to index
      %get3A_525 = arith.constant 0 : index
      %get3A_526 = tpu.vector_load %arg4[%get3A_524, %get3A_525] {strides = array<i32>} : memref<6x768xi32, #tpu.memory_space<vmem>>, vector<16xi32>,
      %bitcast3A = vector.bitcast %get3A_526 : vector<16xi32> to vector<16xf32>
      %mul3A = arith.constant 8 : i32
      %mul3A_527 = vector.broadcast %mul3A : i32 to vector<16xi32>
      %mul3A_528 = arith.muli %get3A_518, %mul3A_527 : vector<16xi32>
      %add3A = arith.constant 0 : i32
      %add3A_529 = vector.broadcast %add3A : i32 to vector<16xi32>
      %add3A_530 = arith.addi %add3A_529, %mul3A_528 : vector<16xi32>
      %sub3A = arith.subi %get3A_522, %get3A_518 : vector<16xi32>
      %add3A_531 = arith.constant 1 : i32
      %add3A_532 = vector.broadcast %add3A_531 : i32 to vector<16xi32>
      %add3A_533 = arith.addi %sub3A, %add3A_532 : vector<16xi32>
      %add3A_534 = arith.addi %add3A_530, %add3A_533 : vector<16xi32>
      tpu.vector_store_idx %arg5[%add3A_534], %bitcast3A : memref<4096xf32, #tpu.memory_space<vmem>>[vector<16xi32>], vector<16xf32>,
      %get3A_535 = arith.constant 0 : i32
      %get3A_536 = arith.index_cast %get3A_535 : i32 to index
      %get3A_537 = arith.constant 16 : index
      %get3A_538 = tpu.vector_load %arg4[%get3A_536, %get3A_537] {strides = array<i32>} : memref<6x768xi32, #tpu.memory_space<vmem>>, vector<16xi32>,
      %get3A_539 = arith.constant 1 : i32
      %get3A_540 = arith.index_cast %get3A_539 : i32 to index
      %get3A_541 = arith.constant 16 : index
      %get3A_542 = tpu.vector_load %arg4[%get3A_540, %get3A_541] {strides = array<i32>} : memref<6x768xi32, #tpu.memory_space<vmem>>, vector<16xi32>,
      %get3A_543 = arith.constant 2 : i32
      %get3A_544 = arith.index_cast %get3A_543 : i32 to index
      %get3A_545 = arith.constant 16 : index
      %get3A_546 = tpu.vector_load %arg4[%get3A_544, %get3A_545] {strides = array<i32>} : memref<6x768xi32, #tpu.memory_space<vmem>>, vector<16xi32>,
      %bitcast3A_547 = vector.bitcast %get3A_546 : vector<16xi32> to vector<16xf32>
      %mul3A_548 = arith.constant 8 : i32
      %mul3A_549 = vector.broadcast %mul3A_548 : i32 to vector<16xi32>
      %mul3A_550 = arith.muli %get3A_538, %mul3A_549 : vector<16xi32>
      %add3A_551 = arith.constant 0 : i32
      %add3A_552 = vector.broadcast %add3A_551 : i32 to vector<16xi32>
      %add3A_553 = arith.addi %add3A_552, %mul3A_550 : vector<16xi32>
      %sub3A_554 = arith.subi %get3A_542, %get3A_538 : vector<16xi32>
      %add3A_555 = arith.constant 1 : i32
      %add3A_556 = vector.broadcast %add3A_555 : i32 to vector<16xi32>
      %add3A_557 = arith.addi %sub3A_554, %add3A_556 : vector<16xi32>
      %add3A_558 = arith.addi %add3A_553, %add3A_557 : vector<16xi32>
      tpu.vector_store_idx %arg5[%add3A_558], %bitcast3A_547 : memref<4096xf32, #tpu.memory_space<vmem>>[vector<16xi32>], vector<16xf32>,
      %get3A_559 = arith.constant 0 : i32
      %get3A_560 = arith.index_cast %get3A_559 : i32 to index
      %get3A_561 = arith.constant 32 : index
      %get3A_562 = tpu.vector_load %arg4[%get3A_560, %get3A_561] {strides = array<i32>} : memref<6x768xi32, #tpu.memory_space<vmem>>, vector<16xi32>,
      %get3A_563 = arith.constant 1 : i32
      %get3A_564 = arith.index_cast %get3A_563 : i32 to index
      %get3A_565 = arith.constant 32 : index
      %get3A_566 = tpu.vector_load %arg4[%get3A_564, %get3A_565] {strides = array<i32>} : memref<6x768xi32, #tpu.memory_space<vmem>>, vector<16xi32>,
      %get3A_567 = arith.constant 2 : i32
      %get3A_568 = arith.index_cast %get3A_567 : i32 to index
      %get3A_569 = arith.constant 32 : index
      %get3A_570 = tpu.vector_load %arg4[%get3A_568, %get3A_569] {strides = array<i32>} : memref<6x768xi32, #tpu.memory_space<vmem>>, vector<16xi32>,
      %bitcast3A_571 = vector.bitcast %get3A_570 : vector<16xi32> to vector<16xf32>
      %mul3A_572 = arith.constant 8 : i32
      %mul3A_573 = vector.broadcast %mul3A_572 : i32 to vector<16xi32>
      %mul3A_574 = arith.muli %get3A_562, %mul3A_573 : vector<16xi32>
      %add3A_575 = arith.constant 0 : i32
      %add3A_576 = vector.broadcast %add3A_575 : i32 to vector<16xi32>
      %add3A_577 = arith.addi %add3A_576, %mul3A_574 : vector<16xi32>
      %sub3A_578 = arith.subi %get3A_566, %get3A_562 : vector<16xi32>
      %add3A_579 = arith.constant 1 : i32
      %add3A_580 = vector.broadcast %add3A_579 : i32 to vector<16xi32>
      %add3A_581 = arith.addi %sub3A_578, %add3A_580 : vector<16xi32>
      %add3A_582 = arith.addi %add3A_577, %add3A_581 : vector<16xi32>
      tpu.vector_store_idx %arg5[%add3A_582], %bitcast3A_571 : memref<4096xf32, #tpu.memory_space<vmem>>[vector<16xi32>], vector<16xf32>,
      %get3A_583 = arith.constant 0 : i32
      %get3A_584 = arith.index_cast %get3A_583 : i32 to index
      %get3A_585 = arith.constant 48 : index
      %get3A_586 = tpu.vector_load %arg4[%get3A_584, %get3A_585] {strides = array<i32>} : memref<6x768xi32, #tpu.memory_space<vmem>>, vector<16xi32>,
      %get3A_587 = arith.constant 1 : i32
      %get3A_588 = arith.index_cast %get3A_587 : i32 to index
      %get3A_589 = arith.constant 48 : index
      %get3A_590 = tpu.vector_load %arg4[%get3A_588, %get3A_589] {strides = array<i32>} : memref<6x768xi32, #tpu.memory_space<vmem>>, vector<16xi32>,
      %get3A_591 = arith.constant 2 : i32
      %get3A_592 = arith.index_cast %get3A_591 : i32 to index
      %get3A_593 = arith.constant 48 : index
      %get3A_594 = tpu.vector_load %arg4[%get3A_592, %get3A_593] {strides = array<i32>} : memref<6x768xi32, #tpu.memory_space<vmem>>, vector<16xi32>,
      %bitcast3A_595 = vector.bitcast %get3A_594 : vector<16xi32> to vector<16xf32>
      %mul3A_596 = arith.constant 8 : i32
      %mul3A_597 = vector.broadcast %mul3A_596 : i32 to vector<16xi32>
      %mul3A_598 = arith.muli %get3A_586, %mul3A_597 : vector<16xi32>
      %add3A_599 = arith.constant 0 : i32
      %add3A_600 = vector.broadcast %add3A_599 : i32 to vector<16xi32>
      %add3A_601 = arith.addi %add3A_600, %mul3A_598 : vector<16xi32>
      %sub3A_602 = arith.subi %get3A_590, %get3A_586 : vector<16xi32>
      %add3A_603 = arith.constant 1 : i32
      %add3A_604 = vector.broadcast %add3A_603 : i32 to vector<16xi32>
      %add3A_605 = arith.addi %sub3A_602, %add3A_604 : vector<16xi32>
      %add3A_606 = arith.addi %add3A_601, %add3A_605 : vector<16xi32>
      tpu.vector_store_idx %arg5[%add3A_606], %bitcast3A_595 : memref<4096xf32, #tpu.memory_space<vmem>>[vector<16xi32>], vector<16xf32>,
      %get3A_607 = arith.constant 0 : i32
      %get3A_608 = arith.index_cast %get3A_607 : i32 to index
      %get3A_609 = arith.constant 64 : index
      %get3A_610 = tpu.vector_load %arg4[%get3A_608, %get3A_609] {strides = array<i32>} : memref<6x768xi32, #tpu.memory_space<vmem>>, vector<16xi32>,
      %get3A_611 = arith.constant 1 : i32
      %get3A_612 = arith.index_cast %get3A_611 : i32 to index
      %get3A_613 = arith.constant 64 : index
      %get3A_614 = tpu.vector_load %arg4[%get3A_612, %get3A_613] {strides = array<i32>} : memref<6x768xi32, #tpu.memory_space<vmem>>, vector<16xi32>,
      %get3A_615 = arith.constant 2 : i32
      %get3A_616 = arith.index_cast %get3A_615 : i32 to index
      %get3A_617 = arith.constant 64 : index
      %get3A_618 = tpu.vector_load %arg4[%get3A_616, %get3A_617] {strides = array<i32>} : memref<6x768xi32, #tpu.memory_space<vmem>>, vector<16xi32>,
      %bitcast3A_619 = vector.bitcast %get3A_618 : vector<16xi32> to vector<16xf32>
      %mul3A_620 = arith.constant 8 : i32
      %mul3A_621 = vector.broadcast %mul3A_620 : i32 to vector<16xi32>
      %mul3A_622 = arith.muli %get3A_610, %mul3A_621 : vector<16xi32>
      %add3A_623 = arith.constant 0 : i32
      %add3A_624 = vector.broadcast %add3A_623 : i32 to vector<16xi32>
      %add3A_625 = arith.addi %add3A_624, %mul3A_622 : vector<16xi32>
      %sub3A_626 = arith.subi %get3A_614, %get3A_610 : vector<16xi32>
      %add3A_627 = arith.constant 1 : i32
      %add3A_628 = vector.broadcast %add3A_627 : i32 to vector<16xi32>
      %add3A_629 = arith.addi %sub3A_626, %add3A_628 : vector<16xi32>
      %add3A_630 = arith.addi %add3A_625, %add3A_629 : vector<16xi32>
      tpu.vector_store_idx %arg5[%add3A_630], %bitcast3A_619 : memref<4096xf32, #tpu.memory_space<vmem>>[vector<16xi32>], vector<16xf32>,
      %get3A_631 = arith.constant 0 : i32
      %get3A_632 = arith.index_cast %get3A_631 : i32 to index
      %get3A_633 = arith.constant 80 : index
      %get3A_634 = tpu.vector_load %arg4[%get3A_632, %get3A_633] {strides = array<i32>} : memref<6x768xi32, #tpu.memory_space<vmem>>, vector<16xi32>,
      %get3A_635 = arith.constant 1 : i32
      %get3A_636 = arith.index_cast %get3A_635 : i32 to index
      %get3A_637 = arith.constant 80 : index
      %get3A_638 = tpu.vector_load %arg4[%get3A_636, %get3A_637] {strides = array<i32>} : memref<6x768xi32, #tpu.memory_space<vmem>>, vector<16xi32>,
      %get3A_639 = arith.constant 2 : i32
      %get3A_640 = arith.index_cast %get3A_639 : i32 to index
      %get3A_641 = arith.constant 80 : index
      %get3A_642 = tpu.vector_load %arg4[%get3A_640, %get3A_641] {strides = array<i32>} : memref<6x768xi32, #tpu.memory_space<vmem>>, vector<16xi32>,
      %bitcast3A_643 = vector.bitcast %get3A_642 : vector<16xi32> to vector<16xf32>
      %mul3A_644 = arith.constant 8 : i32
      %mul3A_645 = vector.broadcast %mul3A_644 : i32 to vector<16xi32>
      %mul3A_646 = arith.muli %get3A_634, %mul3A_645 : vector<16xi32>
      %add3A_647 = arith.constant 0 : i32
      %add3A_648 = vector.broadcast %add3A_647 : i32 to vector<16xi32>
      %add3A_649 = arith.addi %add3A_648, %mul3A_646 : vector<16xi32>
      %sub3A_650 = arith.subi %get3A_638, %get3A_634 : vector<16xi32>
      %add3A_651 = arith.constant 1 : i32
      %add3A_652 = vector.broadcast %add3A_651 : i32 to vector<16xi32>
      %add3A_653 = arith.addi %sub3A_650, %add3A_652 : vector<16xi32>
      %add3A_654 = arith.addi %add3A_649, %add3A_653 : vector<16xi32>
      tpu.vector_store_idx %arg5[%add3A_654], %bitcast3A_643 : memref<4096xf32, #tpu.memory_space<vmem>>[vector<16xi32>], vector<16xf32>,
      %get3A_655 = arith.constant 0 : i32
      %get3A_656 = arith.index_cast %get3A_655 : i32 to index
      %get3A_657 = arith.constant 96 : index
      %get3A_658 = tpu.vector_load %arg4[%get3A_656, %get3A_657] {strides = array<i32>} : memref<6x768xi32, #tpu.memory_space<vmem>>, vector<16xi32>,
      %get3A_659 = arith.constant 1 : i32
      %get3A_660 = arith.index_cast %get3A_659 : i32 to index
      %get3A_661 = arith.constant 96 : index
      %get3A_662 = tpu.vector_load %arg4[%get3A_660, %get3A_661] {strides = array<i32>} : memref<6x768xi32, #tpu.memory_space<vmem>>, vector<16xi32>,
      %get3A_663 = arith.constant 2 : i32
      %get3A_664 = arith.index_cast %get3A_663 : i32 to index
      %get3A_665 = arith.constant 96 : index
      %get3A_666 = tpu.vector_load %arg4[%get3A_664, %get3A_665] {strides = array<i32>} : memref<6x768xi32, #tpu.memory_space<vmem>>, vector<16xi32>,
      %bitcast3A_667 = vector.bitcast %get3A_666 : vector<16xi32> to vector<16xf32>
      %mul3A_668 = arith.constant 8 : i32
      %mul3A_669 = vector.broadcast %mul3A_668 : i32 to vector<16xi32>
      %mul3A_670 = arith.muli %get3A_658, %mul3A_669 : vector<16xi32>
      %add3A_671 = arith.constant 0 : i32
      %add3A_672 = vector.broadcast %add3A_671 : i32 to vector<16xi32>
      %add3A_673 = arith.addi %add3A_672, %mul3A_670 : vector<16xi32>
      %sub3A_674 = arith.subi %get3A_662, %get3A_658 : vector<16xi32>
      %add3A_675 = arith.constant 1 : i32
      %add3A_676 = vector.broadcast %add3A_675 : i32 to vector<16xi32>
      %add3A_677 = arith.addi %sub3A_674, %add3A_676 : vector<16xi32>
      %add3A_678 = arith.addi %add3A_673, %add3A_677 : vector<16xi32>
      tpu.vector_store_idx %arg5[%add3A_678], %bitcast3A_667 : memref<4096xf32, #tpu.memory_space<vmem>>[vector<16xi32>], vector<16xf32>,
      %get3A_679 = arith.constant 0 : i32
      %get3A_680 = arith.index_cast %get3A_679 : i32 to index
      %get3A_681 = arith.constant 112 : index
      %get3A_682 = tpu.vector_load %arg4[%get3A_680, %get3A_681] {strides = array<i32>} : memref<6x768xi32, #tpu.memory_space<vmem>>, vector<16xi32>,
      %get3A_683 = arith.constant 1 : i32
      %get3A_684 = arith.index_cast %get3A_683 : i32 to index
      %get3A_685 = arith.constant 112 : index
      %get3A_686 = tpu.vector_load %arg4[%get3A_684, %get3A_685] {strides = array<i32>} : memref<6x768xi32, #tpu.memory_space<vmem>>, vector<16xi32>,
      %get3A_687 = arith.constant 2 : i32
      %get3A_688 = arith.index_cast %get3A_687 : i32 to index
      %get3A_689 = arith.constant 112 : index
      %get3A_690 = tpu.vector_load %arg4[%get3A_688, %get3A_689] {strides = array<i32>} : memref<6x768xi32, #tpu.memory_space<vmem>>, vector<16xi32>,
      %bitcast3A_691 = vector.bitcast %get3A_690 : vector<16xi32> to vector<16xf32>
      %mul3A_692 = arith.constant 8 : i32
      %mul3A_693 = vector.broadcast %mul3A_692 : i32 to vector<16xi32>
      %mul3A_694 = arith.muli %get3A_682, %mul3A_693 : vector<16xi32>
      %add3A_695 = arith.constant 0 : i32
      %add3A_696 = vector.broadcast %add3A_695 : i32 to vector<16xi32>
      %add3A_697 = arith.addi %add3A_696, %mul3A_694 : vector<16xi32>
      %sub3A_698 = arith.subi %get3A_686, %get3A_682 : vector<16xi32>
      %add3A_699 = arith.constant 1 : i32
      %add3A_700 = vector.broadcast %add3A_699 : i32 to vector<16xi32>
      %add3A_701 = arith.addi %sub3A_698, %add3A_700 : vector<16xi32>
      %add3A_702 = arith.addi %add3A_697, %add3A_701 : vector<16xi32>
      tpu.vector_store_idx %arg5[%add3A_702], %bitcast3A_691 : memref<4096xf32, #tpu.memory_space<vmem>>[vector<16xi32>], vector<16xf32>,
      %get3A_703 = arith.constant 0 : i32
      %get3A_704 = arith.index_cast %get3A_703 : i32 to index
      %get3A_705 = arith.constant 128 : index
      %get3A_706 = tpu.vector_load %arg4[%get3A_704, %get3A_705] {strides = array<i32>} : memref<6x768xi32, #tpu.memory_space<vmem>>, vector<16xi32>,
      %get3A_707 = arith.constant 1 : i32
      %get3A_708 = arith.index_cast %get3A_707 : i32 to index
      %get3A_709 = arith.constant 128 : index
      %get3A_710 = tpu.vector_load %arg4[%get3A_708, %get3A_709] {strides = array<i32>} : memref<6x768xi32, #tpu.memory_space<vmem>>, vector<16xi32>,
      %get3A_711 = arith.constant 2 : i32
      %get3A_712 = arith.index_cast %get3A_711 : i32 to index
      %get3A_713 = arith.constant 128 : index
      %get3A_714 = tpu.vector_load %arg4[%get3A_712, %get3A_713] {strides = array<i32>} : memref<6x768xi32, #tpu.memory_space<vmem>>, vector<16xi32>,
      %bitcast3A_715 = vector.bitcast %get3A_714 : vector<16xi32> to vector<16xf32>
      %mul3A_716 = arith.constant 8 : i32
      %mul3A_717 = vector.broadcast %mul3A_716 : i32 to vector<16xi32>
      %mul3A_718 = arith.muli %get3A_706, %mul3A_717 : vector<16xi32>
      %add3A_719 = arith.constant 0 : i32
      %add3A_720 = vector.broadcast %add3A_719 : i32 to vector<16xi32>
      %add3A_721 = arith.addi %add3A_720, %mul3A_718 : vector<16xi32>
      %sub3A_722 = arith.subi %get3A_710, %get3A_706 : vector<16xi32>
      %add3A_723 = arith.constant 1 : i32
      %add3A_724 = vector.broadcast %add3A_723 : i32 to vector<16xi32>
      %add3A_725 = arith.addi %sub3A_722, %add3A_724 : vector<16xi32>
      %add3A_726 = arith.addi %add3A_721, %add3A_725 : vector<16xi32>
      tpu.vector_store_idx %arg5[%add3A_726], %bitcast3A_715 : memref<4096xf32, #tpu.memory_space<vmem>>[vector<16xi32>], vector<16xf32>,
      %get3A_727 = arith.constant 0 : i32
      %get3A_728 = arith.index_cast %get3A_727 : i32 to index
      %get3A_729 = arith.constant 144 : index
      %get3A_730 = tpu.vector_load %arg4[%get3A_728, %get3A_729] {strides = array<i32>} : memref<6x768xi32, #tpu.memory_space<vmem>>, vector<16xi32>,
      %get3A_731 = arith.constant 1 : i32
      %get3A_732 = arith.index_cast %get3A_731 : i32 to index
      %get3A_733 = arith.constant 144 : index
      %get3A_734 = tpu.vector_load %arg4[%get3A_732, %get3A_733] {strides = array<i32>} : memref<6x768xi32, #tpu.memory_space<vmem>>, vector<16xi32>,
      %get3A_735 = arith.constant 2 : i32
      %get3A_736 = arith.index_cast %get3A_735 : i32 to index
      %get3A_737 = arith.constant 144 : index
      %get3A_738 = tpu.vector_load %arg4[%get3A_736, %get3A_737] {strides = array<i32>} : memref<6x768xi32, #tpu.memory_space<vmem>>, vector<16xi32>,
      %bitcast3A_739 = vector.bitcast %get3A_738 : vector<16xi32> to vector<16xf32>
      %mul3A_740 = arith.constant 8 : i32
      %mul3A_741 = vector.broadcast %mul3A_740 : i32 to vector<16xi32>
      %mul3A_742 = arith.muli %get3A_730, %mul3A_741 : vector<16xi32>
      %add3A_743 = arith.constant 0 : i32
      %add3A_744 = vector.broadcast %add3A_743 : i32 to vector<16xi32>
      %add3A_745 = arith.addi %add3A_744, %mul3A_742 : vector<16xi32>
      %sub3A_746 = arith.subi %get3A_734, %get3A_730 : vector<16xi32>
      %add3A_747 = arith.constant 1 : i32
      %add3A_748 = vector.broadcast %add3A_747 : i32 to vector<16xi32>
      %add3A_749 = arith.addi %sub3A_746, %add3A_748 : vector<16xi32>
      %add3A_750 = arith.addi %add3A_745, %add3A_749 : vector<16xi32>
      tpu.vector_store_idx %arg5[%add3A_750], %bitcast3A_739 : memref<4096xf32, #tpu.memory_space<vmem>>[vector<16xi32>], vector<16xf32>,
      %get3A_751 = arith.constant 0 : i32
      %get3A_752 = arith.index_cast %get3A_751 : i32 to index
      %get3A_753 = arith.constant 160 : index
      %get3A_754 = tpu.vector_load %arg4[%get3A_752, %get3A_753] {strides = array<i32>} : memref<6x768xi32, #tpu.memory_space<vmem>>, vector<16xi32>,
      %get3A_755 = arith.constant 1 : i32
      %get3A_756 = arith.index_cast %get3A_755 : i32 to index
      %get3A_757 = arith.constant 160 : index
      %get3A_758 = tpu.vector_load %arg4[%get3A_756, %get3A_757] {strides = array<i32>} : memref<6x768xi32, #tpu.memory_space<vmem>>, vector<16xi32>,
      %get3A_759 = arith.constant 2 : i32
      %get3A_760 = arith.index_cast %get3A_759 : i32 to index
      %get3A_761 = arith.constant 160 : index
      %get3A_762 = tpu.vector_load %arg4[%get3A_760, %get3A_761] {strides = array<i32>} : memref<6x768xi32, #tpu.memory_space<vmem>>, vector<16xi32>,
      %bitcast3A_763 = vector.bitcast %get3A_762 : vector<16xi32> to vector<16xf32>
      %mul3A_764 = arith.constant 8 : i32
      %mul3A_765 = vector.broadcast %mul3A_764 : i32 to vector<16xi32>
      %mul3A_766 = arith.muli %get3A_754, %mul3A_765 : vector<16xi32>
      %add3A_767 = arith.constant 0 : i32
      %add3A_768 = vector.broadcast %add3A_767 : i32 to vector<16xi32>
      %add3A_769 = arith.addi %add3A_768, %mul3A_766 : vector<16xi32>
      %sub3A_770 = arith.subi %get3A_758, %get3A_754 : vector<16xi32>
      %add3A_771 = arith.constant 1 : i32
      %add3A_772 = vector.broadcast %add3A_771 : i32 to vector<16xi32>
      %add3A_773 = arith.addi %sub3A_770, %add3A_772 : vector<16xi32>
      %add3A_774 = arith.addi %add3A_769, %add3A_773 : vector<16xi32>
      tpu.vector_store_idx %arg5[%add3A_774], %bitcast3A_763 : memref<4096xf32, #tpu.memory_space<vmem>>[vector<16xi32>], vector<16xf32>,
      %get3A_775 = arith.constant 0 : i32
      %get3A_776 = arith.index_cast %get3A_775 : i32 to index
      %get3A_777 = arith.constant 176 : index
      %get3A_778 = tpu.vector_load %arg4[%get3A_776, %get3A_777] {strides = array<i32>} : memref<6x768xi32, #tpu.memory_space<vmem>>, vector<16xi32>,
      %get3A_779 = arith.constant 1 : i32
      %get3A_780 = arith.index_cast %get3A_779 : i32 to index
      %get3A_781 = arith.constant 176 : index
      %get3A_782 = tpu.vector_load %arg4[%get3A_780, %get3A_781] {strides = array<i32>} : memref<6x768xi32, #tpu.memory_space<vmem>>, vector<16xi32>,
      %get3A_783 = arith.constant 2 : i32
      %get3A_784 = arith.index_cast %get3A_783 : i32 to index
      %get3A_785 = arith.constant 176 : index
      %get3A_786 = tpu.vector_load %arg4[%get3A_784, %get3A_785] {strides = array<i32>} : memref<6x768xi32, #tpu.memory_space<vmem>>, vector<16xi32>,
      %bitcast3A_787 = vector.bitcast %get3A_786 : vector<16xi32> to vector<16xf32>
      %mul3A_788 = arith.constant 8 : i32
      %mul3A_789 = vector.broadcast %mul3A_788 : i32 to vector<16xi32>
      %mul3A_790 = arith.muli %get3A_778, %mul3A_789 : vector<16xi32>
      %add3A_791 = arith.constant 0 : i32
      %add3A_792 = vector.broadcast %add3A_791 : i32 to vector<16xi32>
      %add3A_793 = arith.addi %add3A_792, %mul3A_790 : vector<16xi32>
      %sub3A_794 = arith.subi %get3A_782, %get3A_778 : vector<16xi32>
      %add3A_795 = arith.constant 1 : i32
      %add3A_796 = vector.broadcast %add3A_795 : i32 to vector<16xi32>
      %add3A_797 = arith.addi %sub3A_794, %add3A_796 : vector<16xi32>
      %add3A_798 = arith.addi %add3A_793, %add3A_797 : vector<16xi32>
      tpu.vector_store_idx %arg5[%add3A_798], %bitcast3A_787 : memref<4096xf32, #tpu.memory_space<vmem>>[vector<16xi32>], vector<16xf32>,
      %get3A_799 = arith.constant 0 : i32
      %get3A_800 = arith.index_cast %get3A_799 : i32 to index
      %get3A_801 = arith.constant 192 : index
      %get3A_802 = tpu.vector_load %arg4[%get3A_800, %get3A_801] {strides = array<i32>} : memref<6x768xi32, #tpu.memory_space<vmem>>, vector<16xi32>,
      %get3A_803 = arith.constant 1 : i32
      %get3A_804 = arith.index_cast %get3A_803 : i32 to index
      %get3A_805 = arith.constant 192 : index
      %get3A_806 = tpu.vector_load %arg4[%get3A_804, %get3A_805] {strides = array<i32>} : memref<6x768xi32, #tpu.memory_space<vmem>>, vector<16xi32>,
      %get3A_807 = arith.constant 2 : i32
      %get3A_808 = arith.index_cast %get3A_807 : i32 to index
      %get3A_809 = arith.constant 192 : index
      %get3A_810 = tpu.vector_load %arg4[%get3A_808, %get3A_809] {strides = array<i32>} : memref<6x768xi32, #tpu.memory_space<vmem>>, vector<16xi32>,
      %bitcast3A_811 = vector.bitcast %get3A_810 : vector<16xi32> to vector<16xf32>
      %mul3A_812 = arith.constant 8 : i32
      %mul3A_813 = vector.broadcast %mul3A_812 : i32 to vector<16xi32>
      %mul3A_814 = arith.muli %get3A_802, %mul3A_813 : vector<16xi32>
      %add3A_815 = arith.constant 0 : i32
      %add3A_816 = vector.broadcast %add3A_815 : i32 to vector<16xi32>
      %add3A_817 = arith.addi %add3A_816, %mul3A_814 : vector<16xi32>
      %sub3A_818 = arith.subi %get3A_806, %get3A_802 : vector<16xi32>
      %add3A_819 = arith.constant 1 : i32
      %add3A_820 = vector.broadcast %add3A_819 : i32 to vector<16xi32>
      %add3A_821 = arith.addi %sub3A_818, %add3A_820 : vector<16xi32>
      %add3A_822 = arith.addi %add3A_817, %add3A_821 : vector<16xi32>
      tpu.vector_store_idx %arg5[%add3A_822], %bitcast3A_811 : memref<4096xf32, #tpu.memory_space<vmem>>[vector<16xi32>], vector<16xf32>,
      %get3A_823 = arith.constant 0 : i32
      %get3A_824 = arith.index_cast %get3A_823 : i32 to index
      %get3A_825 = arith.constant 208 : index
      %get3A_826 = tpu.vector_load %arg4[%get3A_824, %get3A_825] {strides = array<i32>} : memref<6x768xi32, #tpu.memory_space<vmem>>, vector<16xi32>,
      %get3A_827 = arith.constant 1 : i32
      %get3A_828 = arith.index_cast %get3A_827 : i32 to index
      %get3A_829 = arith.constant 208 : index
      %get3A_830 = tpu.vector_load %arg4[%get3A_828, %get3A_829] {strides = array<i32>} : memref<6x768xi32, #tpu.memory_space<vmem>>, vector<16xi32>,
      %get3A_831 = arith.constant 2 : i32
      %get3A_832 = arith.index_cast %get3A_831 : i32 to index
      %get3A_833 = arith.constant 208 : index
      %get3A_834 = tpu.vector_load %arg4[%get3A_832, %get3A_833] {strides = array<i32>} : memref<6x768xi32, #tpu.memory_space<vmem>>, vector<16xi32>,
      %bitcast3A_835 = vector.bitcast %get3A_834 : vector<16xi32> to vector<16xf32>
      %mul3A_836 = arith.constant 8 : i32
      %mul3A_837 = vector.broadcast %mul3A_836 : i32 to vector<16xi32>
      %mul3A_838 = arith.muli %get3A_826, %mul3A_837 : vector<16xi32>
      %add3A_839 = arith.constant 0 : i32
      %add3A_840 = vector.broadcast %add3A_839 : i32 to vector<16xi32>
      %add3A_841 = arith.addi %add3A_840, %mul3A_838 : vector<16xi32>
      %sub3A_842 = arith.subi %get3A_830, %get3A_826 : vector<16xi32>
      %add3A_843 = arith.constant 1 : i32
      %add3A_844 = vector.broadcast %add3A_843 : i32 to vector<16xi32>
      %add3A_845 = arith.addi %sub3A_842, %add3A_844 : vector<16xi32>
      %add3A_846 = arith.addi %add3A_841, %add3A_845 : vector<16xi32>
      tpu.vector_store_idx %arg5[%add3A_846], %bitcast3A_835 : memref<4096xf32, #tpu.memory_space<vmem>>[vector<16xi32>], vector<16xf32>,
      %get3A_847 = arith.constant 0 : i32
      %get3A_848 = arith.index_cast %get3A_847 : i32 to index
      %get3A_849 = arith.constant 224 : index
      %get3A_850 = tpu.vector_load %arg4[%get3A_848, %get3A_849] {strides = array<i32>} : memref<6x768xi32, #tpu.memory_space<vmem>>, vector<16xi32>,
      %get3A_851 = arith.constant 1 : i32
      %get3A_852 = arith.index_cast %get3A_851 : i32 to index
      %get3A_853 = arith.constant 224 : index
      %get3A_854 = tpu.vector_load %arg4[%get3A_852, %get3A_853] {strides = array<i32>} : memref<6x768xi32, #tpu.memory_space<vmem>>, vector<16xi32>,
      %get3A_855 = arith.constant 2 : i32
      %get3A_856 = arith.index_cast %get3A_855 : i32 to index
      %get3A_857 = arith.constant 224 : index
      %get3A_858 = tpu.vector_load %arg4[%get3A_856, %get3A_857] {strides = array<i32>} : memref<6x768xi32, #tpu.memory_space<vmem>>, vector<16xi32>,
      %bitcast3A_859 = vector.bitcast %get3A_858 : vector<16xi32> to vector<16xf32>
      %mul3A_860 = arith.constant 8 : i32
      %mul3A_861 = vector.broadcast %mul3A_860 : i32 to vector<16xi32>
      %mul3A_862 = arith.muli %get3A_850, %mul3A_861 : vector<16xi32>
      %add3A_863 = arith.constant 0 : i32
      %add3A_864 = vector.broadcast %add3A_863 : i32 to vector<16xi32>
      %add3A_865 = arith.addi %add3A_864, %mul3A_862 : vector<16xi32>
      %sub3A_866 = arith.subi %get3A_854, %get3A_850 : vector<16xi32>
      %add3A_867 = arith.constant 1 : i32
      %add3A_868 = vector.broadcast %add3A_867 : i32 to vector<16xi32>
      %add3A_869 = arith.addi %sub3A_866, %add3A_868 : vector<16xi32>
      %add3A_870 = arith.addi %add3A_865, %add3A_869 : vector<16xi32>
      tpu.vector_store_idx %arg5[%add3A_870], %bitcast3A_859 : memref<4096xf32, #tpu.memory_space<vmem>>[vector<16xi32>], vector<16xf32>,
      %get3A_871 = arith.constant 0 : i32
      %get3A_872 = arith.index_cast %get3A_871 : i32 to index
      %get3A_873 = arith.constant 240 : index
      %get3A_874 = tpu.vector_load %arg4[%get3A_872, %get3A_873] {strides = array<i32>} : memref<6x768xi32, #tpu.memory_space<vmem>>, vector<16xi32>,
      %get3A_875 = arith.constant 1 : i32
      %get3A_876 = arith.index_cast %get3A_875 : i32 to index
      %get3A_877 = arith.constant 240 : index
      %get3A_878 = tpu.vector_load %arg4[%get3A_876, %get3A_877] {strides = array<i32>} : memref<6x768xi32, #tpu.memory_space<vmem>>, vector<16xi32>,
      %get3A_879 = arith.constant 2 : i32
      %get3A_880 = arith.index_cast %get3A_879 : i32 to index
      %get3A_881 = arith.constant 240 : index
      %get3A_882 = tpu.vector_load %arg4[%get3A_880, %get3A_881] {strides = array<i32>} : memref<6x768xi32, #tpu.memory_space<vmem>>, vector<16xi32>,
      %bitcast3A_883 = vector.bitcast %get3A_882 : vector<16xi32> to vector<16xf32>
      %mul3A_884 = arith.constant 8 : i32
      %mul3A_885 = vector.broadcast %mul3A_884 : i32 to vector<16xi32>
      %mul3A_886 = arith.muli %get3A_874, %mul3A_885 : vector<16xi32>
      %add3A_887 = arith.constant 0 : i32
      %add3A_888 = vector.broadcast %add3A_887 : i32 to vector<16xi32>
      %add3A_889 = arith.addi %add3A_888, %mul3A_886 : vector<16xi32>
      %sub3A_890 = arith.subi %get3A_878, %get3A_874 : vector<16xi32>
      %add3A_891 = arith.constant 1 : i32
      %add3A_892 = vector.broadcast %add3A_891 : i32 to vector<16xi32>
      %add3A_893 = arith.addi %sub3A_890, %add3A_892 : vector<16xi32>
      %add3A_894 = arith.addi %add3A_889, %add3A_893 : vector<16xi32>
      tpu.vector_store_idx %arg5[%add3A_894], %bitcast3A_883 : memref<4096xf32, #tpu.memory_space<vmem>>[vector<16xi32>], vector<16xf32>,
      %get3A_895 = arith.constant 0 : i32
      %get3A_896 = arith.index_cast %get3A_895 : i32 to index
      %get3A_897 = arith.constant 256 : index
      %get3A_898 = tpu.vector_load %arg4[%get3A_896, %get3A_897] {strides = array<i32>} : memref<6x768xi32, #tpu.memory_space<vmem>>, vector<16xi32>,
      %get3A_899 = arith.constant 1 : i32
      %get3A_900 = arith.index_cast %get3A_899 : i32 to index
      %get3A_901 = arith.constant 256 : index
      %get3A_902 = tpu.vector_load %arg4[%get3A_900, %get3A_901] {strides = array<i32>} : memref<6x768xi32, #tpu.memory_space<vmem>>, vector<16xi32>,
      %get3A_903 = arith.constant 2 : i32
      %get3A_904 = arith.index_cast %get3A_903 : i32 to index
      %get3A_905 = arith.constant 256 : index
      %get3A_906 = tpu.vector_load %arg4[%get3A_904, %get3A_905] {strides = array<i32>} : memref<6x768xi32, #tpu.memory_space<vmem>>, vector<16xi32>,
      %bitcast3A_907 = vector.bitcast %get3A_906 : vector<16xi32> to vector<16xf32>
      %mul3A_908 = arith.constant 8 : i32
      %mul3A_909 = vector.broadcast %mul3A_908 : i32 to vector<16xi32>
      %mul3A_910 = arith.muli %get3A_898, %mul3A_909 : vector<16xi32>
      %add3A_911 = arith.constant 0 : i32
      %add3A_912 = vector.broadcast %add3A_911 : i32 to vector<16xi32>
      %add3A_913 = arith.addi %add3A_912, %mul3A_910 : vector<16xi32>
      %sub3A_914 = arith.subi %get3A_902, %get3A_898 : vector<16xi32>
      %add3A_915 = arith.constant 1 : i32
      %add3A_916 = vector.broadcast %add3A_915 : i32 to vector<16xi32>
      %add3A_917 = arith.addi %sub3A_914, %add3A_916 : vector<16xi32>
      %add3A_918 = arith.addi %add3A_913, %add3A_917 : vector<16xi32>
      tpu.vector_store_idx %arg5[%add3A_918], %bitcast3A_907 : memref<4096xf32, #tpu.memory_space<vmem>>[vector<16xi32>], vector<16xf32>,
      %get3A_919 = arith.constant 0 : i32
      %get3A_920 = arith.index_cast %get3A_919 : i32 to index
      %get3A_921 = arith.constant 272 : index
      %get3A_922 = tpu.vector_load %arg4[%get3A_920, %get3A_921] {strides = array<i32>} : memref<6x768xi32, #tpu.memory_space<vmem>>, vector<16xi32>,
      %get3A_923 = arith.constant 1 : i32
      %get3A_924 = arith.index_cast %get3A_923 : i32 to index
      %get3A_925 = arith.constant 272 : index
      %get3A_926 = tpu.vector_load %arg4[%get3A_924, %get3A_925] {strides = array<i32>} : memref<6x768xi32, #tpu.memory_space<vmem>>, vector<16xi32>,
      %get3A_927 = arith.constant 2 : i32
      %get3A_928 = arith.index_cast %get3A_927 : i32 to index
      %get3A_929 = arith.constant 272 : index
      %get3A_930 = tpu.vector_load %arg4[%get3A_928, %get3A_929] {strides = array<i32>} : memref<6x768xi32, #tpu.memory_space<vmem>>, vector<16xi32>,
      %bitcast3A_931 = vector.bitcast %get3A_930 : vector<16xi32> to vector<16xf32>
      %mul3A_932 = arith.constant 8 : i32
      %mul3A_933 = vector.broadcast %mul3A_932 : i32 to vector<16xi32>
      %mul3A_934 = arith.muli %get3A_922, %mul3A_933 : vector<16xi32>
      %add3A_935 = arith.constant 0 : i32
      %add3A_936 = vector.broadcast %add3A_935 : i32 to vector<16xi32>
      %add3A_937 = arith.addi %add3A_936, %mul3A_934 : vector<16xi32>
      %sub3A_938 = arith.subi %get3A_926, %get3A_922 : vector<16xi32>
      %add3A_939 = arith.constant 1 : i32
      %add3A_940 = vector.broadcast %add3A_939 : i32 to vector<16xi32>
      %add3A_941 = arith.addi %sub3A_938, %add3A_940 : vector<16xi32>
      %add3A_942 = arith.addi %add3A_937, %add3A_941 : vector<16xi32>
      tpu.vector_store_idx %arg5[%add3A_942], %bitcast3A_931 : memref<4096xf32, #tpu.memory_space<vmem>>[vector<16xi32>], vector<16xf32>,
      %get3A_943 = arith.constant 0 : i32
      %get3A_944 = arith.index_cast %get3A_943 : i32 to index
      %get3A_945 = arith.constant 288 : index
      %get3A_946 = tpu.vector_load %arg4[%get3A_944, %get3A_945] {strides = array<i32>} : memref<6x768xi32, #tpu.memory_space<vmem>>, vector<16xi32>,
      %get3A_947 = arith.constant 1 : i32
      %get3A_948 = arith.index_cast %get3A_947 : i32 to index
      %get3A_949 = arith.constant 288 : index
      %get3A_950 = tpu.vector_load %arg4[%get3A_948, %get3A_949] {strides = array<i32>} : memref<6x768xi32, #tpu.memory_space<vmem>>, vector<16xi32>,
      %get3A_951 = arith.constant 2 : i32
      %get3A_952 = arith.index_cast %get3A_951 : i32 to index
      %get3A_953 = arith.constant 288 : index
      %get3A_954 = tpu.vector_load %arg4[%get3A_952, %get3A_953] {strides = array<i32>} : memref<6x768xi32, #tpu.memory_space<vmem>>, vector<16xi32>,
      %bitcast3A_955 = vector.bitcast %get3A_954 : vector<16xi32> to vector<16xf32>
      %mul3A_956 = arith.constant 8 : i32
      %mul3A_957 = vector.broadcast %mul3A_956 : i32 to vector<16xi32>
      %mul3A_958 = arith.muli %get3A_946, %mul3A_957 : vector<16xi32>
      %add3A_959 = arith.constant 0 : i32
      %add3A_960 = vector.broadcast %add3A_959 : i32 to vector<16xi32>
      %add3A_961 = arith.addi %add3A_960, %mul3A_958 : vector<16xi32>
      %sub3A_962 = arith.subi %get3A_950, %get3A_946 : vector<16xi32>
      %add3A_963 = arith.constant 1 : i32
      %add3A_964 = vector.broadcast %add3A_963 : i32 to vector<16xi32>
      %add3A_965 = arith.addi %sub3A_962, %add3A_964 : vector<16xi32>
      %add3A_966 = arith.addi %add3A_961, %add3A_965 : vector<16xi32>
      tpu.vector_store_idx %arg5[%add3A_966], %bitcast3A_955 : memref<4096xf32, #tpu.memory_space<vmem>>[vector<16xi32>], vector<16xf32>,
      %get3A_967 = arith.constant 0 : i32
      %get3A_968 = arith.index_cast %get3A_967 : i32 to index
      %get3A_969 = arith.constant 304 : index
      %get3A_970 = tpu.vector_load %arg4[%get3A_968, %get3A_969] {strides = array<i32>} : memref<6x768xi32, #tpu.memory_space<vmem>>, vector<16xi32>,
      %get3A_971 = arith.constant 1 : i32
      %get3A_972 = arith.index_cast %get3A_971 : i32 to index
      %get3A_973 = arith.constant 304 : index
      %get3A_974 = tpu.vector_load %arg4[%get3A_972, %get3A_973] {strides = array<i32>} : memref<6x768xi32, #tpu.memory_space<vmem>>, vector<16xi32>,
      %get3A_975 = arith.constant 2 : i32
      %get3A_976 = arith.index_cast %get3A_975 : i32 to index
      %get3A_977 = arith.constant 304 : index
      %get3A_978 = tpu.vector_load %arg4[%get3A_976, %get3A_977] {strides = array<i32>} : memref<6x768xi32, #tpu.memory_space<vmem>>, vector<16xi32>,
      %bitcast3A_979 = vector.bitcast %get3A_978 : vector<16xi32> to vector<16xf32>
      %mul3A_980 = arith.constant 8 : i32
      %mul3A_981 = vector.broadcast %mul3A_980 : i32 to vector<16xi32>
      %mul3A_982 = arith.muli %get3A_970, %mul3A_981 : vector<16xi32>
      %add3A_983 = arith.constant 0 : i32
      %add3A_984 = vector.broadcast %add3A_983 : i32 to vector<16xi32>
      %add3A_985 = arith.addi %add3A_984, %mul3A_982 : vector<16xi32>
      %sub3A_986 = arith.subi %get3A_974, %get3A_970 : vector<16xi32>
      %add3A_987 = arith.constant 1 : i32
      %add3A_988 = vector.broadcast %add3A_987 : i32 to vector<16xi32>
      %add3A_989 = arith.addi %sub3A_986, %add3A_988 : vector<16xi32>
      %add3A_990 = arith.addi %add3A_985, %add3A_989 : vector<16xi32>
      tpu.vector_store_idx %arg5[%add3A_990], %bitcast3A_979 : memref<4096xf32, #tpu.memory_space<vmem>>[vector<16xi32>], vector<16xf32>,
      %get3A_991 = arith.constant 0 : i32
      %get3A_992 = arith.index_cast %get3A_991 : i32 to index
      %get3A_993 = arith.constant 320 : index
      %get3A_994 = tpu.vector_load %arg4[%get3A_992, %get3A_993] {strides = array<i32>} : memref<6x768xi32, #tpu.memory_space<vmem>>, vector<16xi32>,
      %get3A_995 = arith.constant 1 : i32
      %get3A_996 = arith.index_cast %get3A_995 : i32 to index
      %get3A_997 = arith.constant 320 : index
      %get3A_998 = tpu.vector_load %arg4[%get3A_996, %get3A_997] {strides = array<i32>} : memref<6x768xi32, #tpu.memory_space<vmem>>, vector<16xi32>,
      %get3A_999 = arith.constant 2 : i32
      %get3A_1000 = arith.index_cast %get3A_999 : i32 to index
      %get3A_1001 = arith.constant 320 : index
      %get3A_1002 = tpu.vector_load %arg4[%get3A_1000, %get3A_1001] {strides = array<i32>} : memref<6x768xi32, #tpu.memory_space<vmem>>, vector<16xi32>,
      %bitcast3A_1003 = vector.bitcast %get3A_1002 : vector<16xi32> to vector<16xf32>
      %mul3A_1004 = arith.constant 8 : i32
      %mul3A_1005 = vector.broadcast %mul3A_1004 : i32 to vector<16xi32>
      %mul3A_1006 = arith.muli %get3A_994, %mul3A_1005 : vector<16xi32>
      %add3A_1007 = arith.constant 0 : i32
      %add3A_1008 = vector.broadcast %add3A_1007 : i32 to vector<16xi32>
      %add3A_1009 = arith.addi %add3A_1008, %mul3A_1006 : vector<16xi32>
      %sub3A_1010 = arith.subi %get3A_998, %get3A_994 : vector<16xi32>
      %add3A_1011 = arith.constant 1 : i32
      %add3A_1012 = vector.broadcast %add3A_1011 : i32 to vector<16xi32>
      %add3A_1013 = arith.addi %sub3A_1010, %add3A_1012 : vector<16xi32>
      %add3A_1014 = arith.addi %add3A_1009, %add3A_1013 : vector<16xi32>
      tpu.vector_store_idx %arg5[%add3A_1014], %bitcast3A_1003 : memref<4096xf32, #tpu.memory_space<vmem>>[vector<16xi32>], vector<16xf32>,
      %get3A_1015 = arith.constant 0 : i32
      %get3A_1016 = arith.index_cast %get3A_1015 : i32 to index
      %get3A_1017 = arith.constant 336 : index
      %get3A_1018 = tpu.vector_load %arg4[%get3A_1016, %get3A_1017] {strides = array<i32>} : memref<6x768xi32, #tpu.memory_space<vmem>>, vector<16xi32>,
      %get3A_1019 = arith.constant 1 : i32
      %get3A_1020 = arith.index_cast %get3A_1019 : i32 to index
      %get3A_1021 = arith.constant 336 : index
      %get3A_1022 = tpu.vector_load %arg4[%get3A_1020, %get3A_1021] {strides = array<i32>} : memref<6x768xi32, #tpu.memory_space<vmem>>, vector<16xi32>,
      %get3A_1023 = arith.constant 2 : i32
      %get3A_1024 = arith.index_cast %get3A_1023 : i32 to index
      %get3A_1025 = arith.constant 336 : index
      %get3A_1026 = tpu.vector_load %arg4[%get3A_1024, %get3A_1025] {strides = array<i32>} : memref<6x768xi32, #tpu.memory_space<vmem>>, vector<16xi32>,
      %bitcast3A_1027 = vector.bitcast %get3A_1026 : vector<16xi32> to vector<16xf32>
      %mul3A_1028 = arith.constant 8 : i32
      %mul3A_1029 = vector.broadcast %mul3A_1028 : i32 to vector<16xi32>
      %mul3A_1030 = arith.muli %get3A_1018, %mul3A_1029 : vector<16xi32>
      %add3A_1031 = arith.constant 0 : i32
      %add3A_1032 = vector.broadcast %add3A_1031 : i32 to vector<16xi32>
      %add3A_1033 = arith.addi %add3A_1032, %mul3A_1030 : vector<16xi32>
      %sub3A_1034 = arith.subi %get3A_1022, %get3A_1018 : vector<16xi32>
      %add3A_1035 = arith.constant 1 : i32
      %add3A_1036 = vector.broadcast %add3A_1035 : i32 to vector<16xi32>
      %add3A_1037 = arith.addi %sub3A_1034, %add3A_1036 : vector<16xi32>
      %add3A_1038 = arith.addi %add3A_1033, %add3A_1037 : vector<16xi32>
      tpu.vector_store_idx %arg5[%add3A_1038], %bitcast3A_1027 : memref<4096xf32, #tpu.memory_space<vmem>>[vector<16xi32>], vector<16xf32>,
      %get3A_1039 = arith.constant 0 : i32
      %get3A_1040 = arith.index_cast %get3A_1039 : i32 to index
      %get3A_1041 = arith.constant 352 : index
      %get3A_1042 = tpu.vector_load %arg4[%get3A_1040, %get3A_1041] {strides = array<i32>} : memref<6x768xi32, #tpu.memory_space<vmem>>, vector<16xi32>,
      %get3A_1043 = arith.constant 1 : i32
      %get3A_1044 = arith.index_cast %get3A_1043 : i32 to index
      %get3A_1045 = arith.constant 352 : index
      %get3A_1046 = tpu.vector_load %arg4[%get3A_1044, %get3A_1045] {strides = array<i32>} : memref<6x768xi32, #tpu.memory_space<vmem>>, vector<16xi32>,
      %get3A_1047 = arith.constant 2 : i32
      %get3A_1048 = arith.index_cast %get3A_1047 : i32 to index
      %get3A_1049 = arith.constant 352 : index
      %get3A_1050 = tpu.vector_load %arg4[%get3A_1048, %get3A_1049] {strides = array<i32>} : memref<6x768xi32, #tpu.memory_space<vmem>>, vector<16xi32>,
      %bitcast3A_1051 = vector.bitcast %get3A_1050 : vector<16xi32> to vector<16xf32>
      %mul3A_1052 = arith.constant 8 : i32
      %mul3A_1053 = vector.broadcast %mul3A_1052 : i32 to vector<16xi32>
      %mul3A_1054 = arith.muli %get3A_1042, %mul3A_1053 : vector<16xi32>
      %add3A_1055 = arith.constant 0 : i32
      %add3A_1056 = vector.broadcast %add3A_1055 : i32 to vector<16xi32>
      %add3A_1057 = arith.addi %add3A_1056, %mul3A_1054 : vector<16xi32>
      %sub3A_1058 = arith.subi %get3A_1046, %get3A_1042 : vector<16xi32>
      %add3A_1059 = arith.constant 1 : i32
      %add3A_1060 = vector.broadcast %add3A_1059 : i32 to vector<16xi32>
      %add3A_1061 = arith.addi %sub3A_1058, %add3A_1060 : vector<16xi32>
      %add3A_1062 = arith.addi %add3A_1057, %add3A_1061 : vector<16xi32>
      tpu.vector_store_idx %arg5[%add3A_1062], %bitcast3A_1051 : memref<4096xf32, #tpu.memory_space<vmem>>[vector<16xi32>], vector<16xf32>,
      %get3A_1063 = arith.constant 0 : i32
      %get3A_1064 = arith.index_cast %get3A_1063 : i32 to index
      %get3A_1065 = arith.constant 368 : index
      %get3A_1066 = tpu.vector_load %arg4[%get3A_1064, %get3A_1065] {strides = array<i32>} : memref<6x768xi32, #tpu.memory_space<vmem>>, vector<16xi32>,
      %get3A_1067 = arith.constant 1 : i32
      %get3A_1068 = arith.index_cast %get3A_1067 : i32 to index
      %get3A_1069 = arith.constant 368 : index
      %get3A_1070 = tpu.vector_load %arg4[%get3A_1068, %get3A_1069] {strides = array<i32>} : memref<6x768xi32, #tpu.memory_space<vmem>>, vector<16xi32>,
      %get3A_1071 = arith.constant 2 : i32
      %get3A_1072 = arith.index_cast %get3A_1071 : i32 to index
      %get3A_1073 = arith.constant 368 : index
      %get3A_1074 = tpu.vector_load %arg4[%get3A_1072, %get3A_1073] {strides = array<i32>} : memref<6x768xi32, #tpu.memory_space<vmem>>, vector<16xi32>,
      %bitcast3A_1075 = vector.bitcast %get3A_1074 : vector<16xi32> to vector<16xf32>
      %mul3A_1076 = arith.constant 8 : i32
      %mul3A_1077 = vector.broadcast %mul3A_1076 : i32 to vector<16xi32>
      %mul3A_1078 = arith.muli %get3A_1066, %mul3A_1077 : vector<16xi32>
      %add3A_1079 = arith.constant 0 : i32
      %add3A_1080 = vector.broadcast %add3A_1079 : i32 to vector<16xi32>
      %add3A_1081 = arith.addi %add3A_1080, %mul3A_1078 : vector<16xi32>
      %sub3A_1082 = arith.subi %get3A_1070, %get3A_1066 : vector<16xi32>
      %add3A_1083 = arith.constant 1 : i32
      %add3A_1084 = vector.broadcast %add3A_1083 : i32 to vector<16xi32>
      %add3A_1085 = arith.addi %sub3A_1082, %add3A_1084 : vector<16xi32>
      %add3A_1086 = arith.addi %add3A_1081, %add3A_1085 : vector<16xi32>
      tpu.vector_store_idx %arg5[%add3A_1086], %bitcast3A_1075 : memref<4096xf32, #tpu.memory_space<vmem>>[vector<16xi32>], vector<16xf32>,
      %get3A_1087 = arith.constant 0 : i32
      %get3A_1088 = arith.index_cast %get3A_1087 : i32 to index
      %get3A_1089 = arith.constant 384 : index
      %get3A_1090 = tpu.vector_load %arg4[%get3A_1088, %get3A_1089] {strides = array<i32>} : memref<6x768xi32, #tpu.memory_space<vmem>>, vector<16xi32>,
      %get3A_1091 = arith.constant 1 : i32
      %get3A_1092 = arith.index_cast %get3A_1091 : i32 to index
      %get3A_1093 = arith.constant 384 : index
      %get3A_1094 = tpu.vector_load %arg4[%get3A_1092, %get3A_1093] {strides = array<i32>} : memref<6x768xi32, #tpu.memory_space<vmem>>, vector<16xi32>,
      %get3A_1095 = arith.constant 2 : i32
      %get3A_1096 = arith.index_cast %get3A_1095 : i32 to index
      %get3A_1097 = arith.constant 384 : index
      %get3A_1098 = tpu.vector_load %arg4[%get3A_1096, %get3A_1097] {strides = array<i32>} : memref<6x768xi32, #tpu.memory_space<vmem>>, vector<16xi32>,
      %bitcast3A_1099 = vector.bitcast %get3A_1098 : vector<16xi32> to vector<16xf32>
      %mul3A_1100 = arith.constant 8 : i32
      %mul3A_1101 = vector.broadcast %mul3A_1100 : i32 to vector<16xi32>
      %mul3A_1102 = arith.muli %get3A_1090, %mul3A_1101 : vector<16xi32>
      %add3A_1103 = arith.constant 0 : i32
      %add3A_1104 = vector.broadcast %add3A_1103 : i32 to vector<16xi32>
      %add3A_1105 = arith.addi %add3A_1104, %mul3A_1102 : vector<16xi32>
      %sub3A_1106 = arith.subi %get3A_1094, %get3A_1090 : vector<16xi32>
      %add3A_1107 = arith.constant 1 : i32
      %add3A_1108 = vector.broadcast %add3A_1107 : i32 to vector<16xi32>
      %add3A_1109 = arith.addi %sub3A_1106, %add3A_1108 : vector<16xi32>
      %add3A_1110 = arith.addi %add3A_1105, %add3A_1109 : vector<16xi32>
      tpu.vector_store_idx %arg5[%add3A_1110], %bitcast3A_1099 : memref<4096xf32, #tpu.memory_space<vmem>>[vector<16xi32>], vector<16xf32>,
      %get3A_1111 = arith.constant 0 : i32
      %get3A_1112 = arith.index_cast %get3A_1111 : i32 to index
      %get3A_1113 = arith.constant 400 : index
      %get3A_1114 = tpu.vector_load %arg4[%get3A_1112, %get3A_1113] {strides = array<i32>} : memref<6x768xi32, #tpu.memory_space<vmem>>, vector<16xi32>,
      %get3A_1115 = arith.constant 1 : i32
      %get3A_1116 = arith.index_cast %get3A_1115 : i32 to index
      %get3A_1117 = arith.constant 400 : index
      %get3A_1118 = tpu.vector_load %arg4[%get3A_1116, %get3A_1117] {strides = array<i32>} : memref<6x768xi32, #tpu.memory_space<vmem>>, vector<16xi32>,
      %get3A_1119 = arith.constant 2 : i32
      %get3A_1120 = arith.index_cast %get3A_1119 : i32 to index
      %get3A_1121 = arith.constant 400 : index
      %get3A_1122 = tpu.vector_load %arg4[%get3A_1120, %get3A_1121] {strides = array<i32>} : memref<6x768xi32, #tpu.memory_space<vmem>>, vector<16xi32>,
      %bitcast3A_1123 = vector.bitcast %get3A_1122 : vector<16xi32> to vector<16xf32>
      %mul3A_1124 = arith.constant 8 : i32
      %mul3A_1125 = vector.broadcast %mul3A_1124 : i32 to vector<16xi32>
      %mul3A_1126 = arith.muli %get3A_1114, %mul3A_1125 : vector<16xi32>
      %add3A_1127 = arith.constant 0 : i32
      %add3A_1128 = vector.broadcast %add3A_1127 : i32 to vector<16xi32>
      %add3A_1129 = arith.addi %add3A_1128, %mul3A_1126 : vector<16xi32>
      %sub3A_1130 = arith.subi %get3A_1118, %get3A_1114 : vector<16xi32>
      %add3A_1131 = arith.constant 1 : i32
      %add3A_1132 = vector.broadcast %add3A_1131 : i32 to vector<16xi32>
      %add3A_1133 = arith.addi %sub3A_1130, %add3A_1132 : vector<16xi32>
      %add3A_1134 = arith.addi %add3A_1129, %add3A_1133 : vector<16xi32>
      tpu.vector_store_idx %arg5[%add3A_1134], %bitcast3A_1123 : memref<4096xf32, #tpu.memory_space<vmem>>[vector<16xi32>], vector<16xf32>,
      %get3A_1135 = arith.constant 0 : i32
      %get3A_1136 = arith.index_cast %get3A_1135 : i32 to index
      %get3A_1137 = arith.constant 416 : index
      %get3A_1138 = tpu.vector_load %arg4[%get3A_1136, %get3A_1137] {strides = array<i32>} : memref<6x768xi32, #tpu.memory_space<vmem>>, vector<16xi32>,
      %get3A_1139 = arith.constant 1 : i32
      %get3A_1140 = arith.index_cast %get3A_1139 : i32 to index
      %get3A_1141 = arith.constant 416 : index
      %get3A_1142 = tpu.vector_load %arg4[%get3A_1140, %get3A_1141] {strides = array<i32>} : memref<6x768xi32, #tpu.memory_space<vmem>>, vector<16xi32>,
      %get3A_1143 = arith.constant 2 : i32
      %get3A_1144 = arith.index_cast %get3A_1143 : i32 to index
      %get3A_1145 = arith.constant 416 : index
      %get3A_1146 = tpu.vector_load %arg4[%get3A_1144, %get3A_1145] {strides = array<i32>} : memref<6x768xi32, #tpu.memory_space<vmem>>, vector<16xi32>,
      %bitcast3A_1147 = vector.bitcast %get3A_1146 : vector<16xi32> to vector<16xf32>
      %mul3A_1148 = arith.constant 8 : i32
      %mul3A_1149 = vector.broadcast %mul3A_1148 : i32 to vector<16xi32>
      %mul3A_1150 = arith.muli %get3A_1138, %mul3A_1149 : vector<16xi32>
      %add3A_1151 = arith.constant 0 : i32
      %add3A_1152 = vector.broadcast %add3A_1151 : i32 to vector<16xi32>
      %add3A_1153 = arith.addi %add3A_1152, %mul3A_1150 : vector<16xi32>
      %sub3A_1154 = arith.subi %get3A_1142, %get3A_1138 : vector<16xi32>
      %add3A_1155 = arith.constant 1 : i32
      %add3A_1156 = vector.broadcast %add3A_1155 : i32 to vector<16xi32>
      %add3A_1157 = arith.addi %sub3A_1154, %add3A_1156 : vector<16xi32>
      %add3A_1158 = arith.addi %add3A_1153, %add3A_1157 : vector<16xi32>
      tpu.vector_store_idx %arg5[%add3A_1158], %bitcast3A_1147 : memref<4096xf32, #tpu.memory_space<vmem>>[vector<16xi32>], vector<16xf32>,
      %get3A_1159 = arith.constant 0 : i32
      %get3A_1160 = arith.index_cast %get3A_1159 : i32 to index
      %get3A_1161 = arith.constant 432 : index
      %get3A_1162 = tpu.vector_load %arg4[%get3A_1160, %get3A_1161] {strides = array<i32>} : memref<6x768xi32, #tpu.memory_space<vmem>>, vector<16xi32>,
      %get3A_1163 = arith.constant 1 : i32
      %get3A_1164 = arith.index_cast %get3A_1163 : i32 to index
      %get3A_1165 = arith.constant 432 : index
      %get3A_1166 = tpu.vector_load %arg4[%get3A_1164, %get3A_1165] {strides = array<i32>} : memref<6x768xi32, #tpu.memory_space<vmem>>, vector<16xi32>,
      %get3A_1167 = arith.constant 2 : i32
      %get3A_1168 = arith.index_cast %get3A_1167 : i32 to index
      %get3A_1169 = arith.constant 432 : index
      %get3A_1170 = tpu.vector_load %arg4[%get3A_1168, %get3A_1169] {strides = array<i32>} : memref<6x768xi32, #tpu.memory_space<vmem>>, vector<16xi32>,
      %bitcast3A_1171 = vector.bitcast %get3A_1170 : vector<16xi32> to vector<16xf32>
      %mul3A_1172 = arith.constant 8 : i32
      %mul3A_1173 = vector.broadcast %mul3A_1172 : i32 to vector<16xi32>
      %mul3A_1174 = arith.muli %get3A_1162, %mul3A_1173 : vector<16xi32>
      %add3A_1175 = arith.constant 0 : i32
      %add3A_1176 = vector.broadcast %add3A_1175 : i32 to vector<16xi32>
      %add3A_1177 = arith.addi %add3A_1176, %mul3A_1174 : vector<16xi32>
      %sub3A_1178 = arith.subi %get3A_1166, %get3A_1162 : vector<16xi32>
      %add3A_1179 = arith.constant 1 : i32
      %add3A_1180 = vector.broadcast %add3A_1179 : i32 to vector<16xi32>
      %add3A_1181 = arith.addi %sub3A_1178, %add3A_1180 : vector<16xi32>
      %add3A_1182 = arith.addi %add3A_1177, %add3A_1181 : vector<16xi32>
      tpu.vector_store_idx %arg5[%add3A_1182], %bitcast3A_1171 : memref<4096xf32, #tpu.memory_space<vmem>>[vector<16xi32>], vector<16xf32>,
      %get3A_1183 = arith.constant 0 : i32
      %get3A_1184 = arith.index_cast %get3A_1183 : i32 to index
      %get3A_1185 = arith.constant 448 : index
      %get3A_1186 = tpu.vector_load %arg4[%get3A_1184, %get3A_1185] {strides = array<i32>} : memref<6x768xi32, #tpu.memory_space<vmem>>, vector<16xi32>,
      %get3A_1187 = arith.constant 1 : i32
      %get3A_1188 = arith.index_cast %get3A_1187 : i32 to index
      %get3A_1189 = arith.constant 448 : index
      %get3A_1190 = tpu.vector_load %arg4[%get3A_1188, %get3A_1189] {strides = array<i32>} : memref<6x768xi32, #tpu.memory_space<vmem>>, vector<16xi32>,
      %get3A_1191 = arith.constant 2 : i32
      %get3A_1192 = arith.index_cast %get3A_1191 : i32 to index
      %get3A_1193 = arith.constant 448 : index
      %get3A_1194 = tpu.vector_load %arg4[%get3A_1192, %get3A_1193] {strides = array<i32>} : memref<6x768xi32, #tpu.memory_space<vmem>>, vector<16xi32>,
      %bitcast3A_1195 = vector.bitcast %get3A_1194 : vector<16xi32> to vector<16xf32>
      %mul3A_1196 = arith.constant 8 : i32
      %mul3A_1197 = vector.broadcast %mul3A_1196 : i32 to vector<16xi32>
      %mul3A_1198 = arith.muli %get3A_1186, %mul3A_1197 : vector<16xi32>
      %add3A_1199 = arith.constant 0 : i32
      %add3A_1200 = vector.broadcast %add3A_1199 : i32 to vector<16xi32>
      %add3A_1201 = arith.addi %add3A_1200, %mul3A_1198 : vector<16xi32>
      %sub3A_1202 = arith.subi %get3A_1190, %get3A_1186 : vector<16xi32>
      %add3A_1203 = arith.constant 1 : i32
      %add3A_1204 = vector.broadcast %add3A_1203 : i32 to vector<16xi32>
      %add3A_1205 = arith.addi %sub3A_1202, %add3A_1204 : vector<16xi32>
      %add3A_1206 = arith.addi %add3A_1201, %add3A_1205 : vector<16xi32>
      tpu.vector_store_idx %arg5[%add3A_1206], %bitcast3A_1195 : memref<4096xf32, #tpu.memory_space<vmem>>[vector<16xi32>], vector<16xf32>,
      %get3A_1207 = arith.constant 0 : i32
      %get3A_1208 = arith.index_cast %get3A_1207 : i32 to index
      %get3A_1209 = arith.constant 464 : index
      %get3A_1210 = tpu.vector_load %arg4[%get3A_1208, %get3A_1209] {strides = array<i32>} : memref<6x768xi32, #tpu.memory_space<vmem>>, vector<16xi32>,
      %get3A_1211 = arith.constant 1 : i32
      %get3A_1212 = arith.index_cast %get3A_1211 : i32 to index
      %get3A_1213 = arith.constant 464 : index
      %get3A_1214 = tpu.vector_load %arg4[%get3A_1212, %get3A_1213] {strides = array<i32>} : memref<6x768xi32, #tpu.memory_space<vmem>>, vector<16xi32>,
      %get3A_1215 = arith.constant 2 : i32
      %get3A_1216 = arith.index_cast %get3A_1215 : i32 to index
      %get3A_1217 = arith.constant 464 : index
      %get3A_1218 = tpu.vector_load %arg4[%get3A_1216, %get3A_1217] {strides = array<i32>} : memref<6x768xi32, #tpu.memory_space<vmem>>, vector<16xi32>,
      %bitcast3A_1219 = vector.bitcast %get3A_1218 : vector<16xi32> to vector<16xf32>
      %mul3A_1220 = arith.constant 8 : i32
      %mul3A_1221 = vector.broadcast %mul3A_1220 : i32 to vector<16xi32>
      %mul3A_1222 = arith.muli %get3A_1210, %mul3A_1221 : vector<16xi32>
      %add3A_1223 = arith.constant 0 : i32
      %add3A_1224 = vector.broadcast %add3A_1223 : i32 to vector<16xi32>
      %add3A_1225 = arith.addi %add3A_1224, %mul3A_1222 : vector<16xi32>
      %sub3A_1226 = arith.subi %get3A_1214, %get3A_1210 : vector<16xi32>
      %add3A_1227 = arith.constant 1 : i32
      %add3A_1228 = vector.broadcast %add3A_1227 : i32 to vector<16xi32>
      %add3A_1229 = arith.addi %sub3A_1226, %add3A_1228 : vector<16xi32>
      %add3A_1230 = arith.addi %add3A_1225, %add3A_1229 : vector<16xi32>
      tpu.vector_store_idx %arg5[%add3A_1230], %bitcast3A_1219 : memref<4096xf32, #tpu.memory_space<vmem>>[vector<16xi32>], vector<16xf32>,
      %get3A_1231 = arith.constant 0 : i32
      %get3A_1232 = arith.index_cast %get3A_1231 : i32 to index
      %get3A_1233 = arith.constant 480 : index
      %get3A_1234 = tpu.vector_load %arg4[%get3A_1232, %get3A_1233] {strides = array<i32>} : memref<6x768xi32, #tpu.memory_space<vmem>>, vector<16xi32>,
      %get3A_1235 = arith.constant 1 : i32
      %get3A_1236 = arith.index_cast %get3A_1235 : i32 to index
      %get3A_1237 = arith.constant 480 : index
      %get3A_1238 = tpu.vector_load %arg4[%get3A_1236, %get3A_1237] {strides = array<i32>} : memref<6x768xi32, #tpu.memory_space<vmem>>, vector<16xi32>,
      %get3A_1239 = arith.constant 2 : i32
      %get3A_1240 = arith.index_cast %get3A_1239 : i32 to index
      %get3A_1241 = arith.constant 480 : index
      %get3A_1242 = tpu.vector_load %arg4[%get3A_1240, %get3A_1241] {strides = array<i32>} : memref<6x768xi32, #tpu.memory_space<vmem>>, vector<16xi32>,
      %bitcast3A_1243 = vector.bitcast %get3A_1242 : vector<16xi32> to vector<16xf32>
      %mul3A_1244 = arith.constant 8 : i32
      %mul3A_1245 = vector.broadcast %mul3A_1244 : i32 to vector<16xi32>
      %mul3A_1246 = arith.muli %get3A_1234, %mul3A_1245 : vector<16xi32>
      %add3A_1247 = arith.constant 0 : i32
      %add3A_1248 = vector.broadcast %add3A_1247 : i32 to vector<16xi32>
      %add3A_1249 = arith.addi %add3A_1248, %mul3A_1246 : vector<16xi32>
      %sub3A_1250 = arith.subi %get3A_1238, %get3A_1234 : vector<16xi32>
      %add3A_1251 = arith.constant 1 : i32
      %add3A_1252 = vector.broadcast %add3A_1251 : i32 to vector<16xi32>
      %add3A_1253 = arith.addi %sub3A_1250, %add3A_1252 : vector<16xi32>
      %add3A_1254 = arith.addi %add3A_1249, %add3A_1253 : vector<16xi32>
      tpu.vector_store_idx %arg5[%add3A_1254], %bitcast3A_1243 : memref<4096xf32, #tpu.memory_space<vmem>>[vector<16xi32>], vector<16xf32>,
      %get3A_1255 = arith.constant 0 : i32
      %get3A_1256 = arith.index_cast %get3A_1255 : i32 to index
      %get3A_1257 = arith.constant 496 : index
      %get3A_1258 = tpu.vector_load %arg4[%get3A_1256, %get3A_1257] {strides = array<i32>} : memref<6x768xi32, #tpu.memory_space<vmem>>, vector<16xi32>,
      %get3A_1259 = arith.constant 1 : i32
      %get3A_1260 = arith.index_cast %get3A_1259 : i32 to index
      %get3A_1261 = arith.constant 496 : index
      %get3A_1262 = tpu.vector_load %arg4[%get3A_1260, %get3A_1261] {strides = array<i32>} : memref<6x768xi32, #tpu.memory_space<vmem>>, vector<16xi32>,
      %get3A_1263 = arith.constant 2 : i32
      %get3A_1264 = arith.index_cast %get3A_1263 : i32 to index
      %get3A_1265 = arith.constant 496 : index
      %get3A_1266 = tpu.vector_load %arg4[%get3A_1264, %get3A_1265] {strides = array<i32>} : memref<6x768xi32, #tpu.memory_space<vmem>>, vector<16xi32>,
      %bitcast3A_1267 = vector.bitcast %get3A_1266 : vector<16xi32> to vector<16xf32>
      %mul3A_1268 = arith.constant 8 : i32
      %mul3A_1269 = vector.broadcast %mul3A_1268 : i32 to vector<16xi32>
      %mul3A_1270 = arith.muli %get3A_1258, %mul3A_1269 : vector<16xi32>
      %add3A_1271 = arith.constant 0 : i32
      %add3A_1272 = vector.broadcast %add3A_1271 : i32 to vector<16xi32>
      %add3A_1273 = arith.addi %add3A_1272, %mul3A_1270 : vector<16xi32>
      %sub3A_1274 = arith.subi %get3A_1262, %get3A_1258 : vector<16xi32>
      %add3A_1275 = arith.constant 1 : i32
      %add3A_1276 = vector.broadcast %add3A_1275 : i32 to vector<16xi32>
      %add3A_1277 = arith.addi %sub3A_1274, %add3A_1276 : vector<16xi32>
      %add3A_1278 = arith.addi %add3A_1273, %add3A_1277 : vector<16xi32>
      tpu.vector_store_idx %arg5[%add3A_1278], %bitcast3A_1267 : memref<4096xf32, #tpu.memory_space<vmem>>[vector<16xi32>], vector<16xf32>,
      %get3A_1279 = arith.constant 0 : i32
      %get3A_1280 = arith.index_cast %get3A_1279 : i32 to index
      %get3A_1281 = arith.constant 512 : index
      %get3A_1282 = tpu.vector_load %arg4[%get3A_1280, %get3A_1281] {strides = array<i32>} : memref<6x768xi32, #tpu.memory_space<vmem>>, vector<16xi32>,
      %get3A_1283 = arith.constant 1 : i32
      %get3A_1284 = arith.index_cast %get3A_1283 : i32 to index
      %get3A_1285 = arith.constant 512 : index
      %get3A_1286 = tpu.vector_load %arg4[%get3A_1284, %get3A_1285] {strides = array<i32>} : memref<6x768xi32, #tpu.memory_space<vmem>>, vector<16xi32>,
      %get3A_1287 = arith.constant 2 : i32
      %get3A_1288 = arith.index_cast %get3A_1287 : i32 to index
      %get3A_1289 = arith.constant 512 : index
      %get3A_1290 = tpu.vector_load %arg4[%get3A_1288, %get3A_1289] {strides = array<i32>} : memref<6x768xi32, #tpu.memory_space<vmem>>, vector<16xi32>,
      %bitcast3A_1291 = vector.bitcast %get3A_1290 : vector<16xi32> to vector<16xf32>
      %mul3A_1292 = arith.constant 8 : i32
      %mul3A_1293 = vector.broadcast %mul3A_1292 : i32 to vector<16xi32>
      %mul3A_1294 = arith.muli %get3A_1282, %mul3A_1293 : vector<16xi32>
      %add3A_1295 = arith.constant 0 : i32
      %add3A_1296 = vector.broadcast %add3A_1295 : i32 to vector<16xi32>
      %add3A_1297 = arith.addi %add3A_1296, %mul3A_1294 : vector<16xi32>
      %sub3A_1298 = arith.subi %get3A_1286, %get3A_1282 : vector<16xi32>
      %add3A_1299 = arith.constant 1 : i32
      %add3A_1300 = vector.broadcast %add3A_1299 : i32 to vector<16xi32>
      %add3A_1301 = arith.addi %sub3A_1298, %add3A_1300 : vector<16xi32>
      %add3A_1302 = arith.addi %add3A_1297, %add3A_1301 : vector<16xi32>
      tpu.vector_store_idx %arg5[%add3A_1302], %bitcast3A_1291 : memref<4096xf32, #tpu.memory_space<vmem>>[vector<16xi32>], vector<16xf32>,
      %get3A_1303 = arith.constant 0 : i32
      %get3A_1304 = arith.index_cast %get3A_1303 : i32 to index
      %get3A_1305 = arith.constant 528 : index
      %get3A_1306 = tpu.vector_load %arg4[%get3A_1304, %get3A_1305] {strides = array<i32>} : memref<6x768xi32, #tpu.memory_space<vmem>>, vector<16xi32>,
      %get3A_1307 = arith.constant 1 : i32
      %get3A_1308 = arith.index_cast %get3A_1307 : i32 to index
      %get3A_1309 = arith.constant 528 : index
      %get3A_1310 = tpu.vector_load %arg4[%get3A_1308, %get3A_1309] {strides = array<i32>} : memref<6x768xi32, #tpu.memory_space<vmem>>, vector<16xi32>,
      %get3A_1311 = arith.constant 2 : i32
      %get3A_1312 = arith.index_cast %get3A_1311 : i32 to index
      %get3A_1313 = arith.constant 528 : index
      %get3A_1314 = tpu.vector_load %arg4[%get3A_1312, %get3A_1313] {strides = array<i32>} : memref<6x768xi32, #tpu.memory_space<vmem>>, vector<16xi32>,
      %bitcast3A_1315 = vector.bitcast %get3A_1314 : vector<16xi32> to vector<16xf32>
      %mul3A_1316 = arith.constant 8 : i32
      %mul3A_1317 = vector.broadcast %mul3A_1316 : i32 to vector<16xi32>
      %mul3A_1318 = arith.muli %get3A_1306, %mul3A_1317 : vector<16xi32>
      %add3A_1319 = arith.constant 0 : i32
      %add3A_1320 = vector.broadcast %add3A_1319 : i32 to vector<16xi32>
      %add3A_1321 = arith.addi %add3A_1320, %mul3A_1318 : vector<16xi32>
      %sub3A_1322 = arith.subi %get3A_1310, %get3A_1306 : vector<16xi32>
      %add3A_1323 = arith.constant 1 : i32
      %add3A_1324 = vector.broadcast %add3A_1323 : i32 to vector<16xi32>
      %add3A_1325 = arith.addi %sub3A_1322, %add3A_1324 : vector<16xi32>
      %add3A_1326 = arith.addi %add3A_1321, %add3A_1325 : vector<16xi32>
      tpu.vector_store_idx %arg5[%add3A_1326], %bitcast3A_1315 : memref<4096xf32, #tpu.memory_space<vmem>>[vector<16xi32>], vector<16xf32>,
      %get3A_1327 = arith.constant 0 : i32
      %get3A_1328 = arith.index_cast %get3A_1327 : i32 to index
      %get3A_1329 = arith.constant 544 : index
      %get3A_1330 = tpu.vector_load %arg4[%get3A_1328, %get3A_1329] {strides = array<i32>} : memref<6x768xi32, #tpu.memory_space<vmem>>, vector<16xi32>,
      %get3A_1331 = arith.constant 1 : i32
      %get3A_1332 = arith.index_cast %get3A_1331 : i32 to index
      %get3A_1333 = arith.constant 544 : index
      %get3A_1334 = tpu.vector_load %arg4[%get3A_1332, %get3A_1333] {strides = array<i32>} : memref<6x768xi32, #tpu.memory_space<vmem>>, vector<16xi32>,
      %get3A_1335 = arith.constant 2 : i32
      %get3A_1336 = arith.index_cast %get3A_1335 : i32 to index
      %get3A_1337 = arith.constant 544 : index
      %get3A_1338 = tpu.vector_load %arg4[%get3A_1336, %get3A_1337] {strides = array<i32>} : memref<6x768xi32, #tpu.memory_space<vmem>>, vector<16xi32>,
      %bitcast3A_1339 = vector.bitcast %get3A_1338 : vector<16xi32> to vector<16xf32>
      %mul3A_1340 = arith.constant 8 : i32
      %mul3A_1341 = vector.broadcast %mul3A_1340 : i32 to vector<16xi32>
      %mul3A_1342 = arith.muli %get3A_1330, %mul3A_1341 : vector<16xi32>
      %add3A_1343 = arith.constant 0 : i32
      %add3A_1344 = vector.broadcast %add3A_1343 : i32 to vector<16xi32>
      %add3A_1345 = arith.addi %add3A_1344, %mul3A_1342 : vector<16xi32>
      %sub3A_1346 = arith.subi %get3A_1334, %get3A_1330 : vector<16xi32>
      %add3A_1347 = arith.constant 1 : i32
      %add3A_1348 = vector.broadcast %add3A_1347 : i32 to vector<16xi32>
      %add3A_1349 = arith.addi %sub3A_1346, %add3A_1348 : vector<16xi32>
      %add3A_1350 = arith.addi %add3A_1345, %add3A_1349 : vector<16xi32>
      tpu.vector_store_idx %arg5[%add3A_1350], %bitcast3A_1339 : memref<4096xf32, #tpu.memory_space<vmem>>[vector<16xi32>], vector<16xf32>,
      %get3A_1351 = arith.constant 0 : i32
      %get3A_1352 = arith.index_cast %get3A_1351 : i32 to index
      %get3A_1353 = arith.constant 560 : index
      %get3A_1354 = tpu.vector_load %arg4[%get3A_1352, %get3A_1353] {strides = array<i32>} : memref<6x768xi32, #tpu.memory_space<vmem>>, vector<16xi32>,
      %get3A_1355 = arith.constant 1 : i32
      %get3A_1356 = arith.index_cast %get3A_1355 : i32 to index
      %get3A_1357 = arith.constant 560 : index
      %get3A_1358 = tpu.vector_load %arg4[%get3A_1356, %get3A_1357] {strides = array<i32>} : memref<6x768xi32, #tpu.memory_space<vmem>>, vector<16xi32>,
      %get3A_1359 = arith.constant 2 : i32
      %get3A_1360 = arith.index_cast %get3A_1359 : i32 to index
      %get3A_1361 = arith.constant 560 : index
      %get3A_1362 = tpu.vector_load %arg4[%get3A_1360, %get3A_1361] {strides = array<i32>} : memref<6x768xi32, #tpu.memory_space<vmem>>, vector<16xi32>,
      %bitcast3A_1363 = vector.bitcast %get3A_1362 : vector<16xi32> to vector<16xf32>
      %mul3A_1364 = arith.constant 8 : i32
      %mul3A_1365 = vector.broadcast %mul3A_1364 : i32 to vector<16xi32>
      %mul3A_1366 = arith.muli %get3A_1354, %mul3A_1365 : vector<16xi32>
      %add3A_1367 = arith.constant 0 : i32
      %add3A_1368 = vector.broadcast %add3A_1367 : i32 to vector<16xi32>
      %add3A_1369 = arith.addi %add3A_1368, %mul3A_1366 : vector<16xi32>
      %sub3A_1370 = arith.subi %get3A_1358, %get3A_1354 : vector<16xi32>
      %add3A_1371 = arith.constant 1 : i32
      %add3A_1372 = vector.broadcast %add3A_1371 : i32 to vector<16xi32>
      %add3A_1373 = arith.addi %sub3A_1370, %add3A_1372 : vector<16xi32>
      %add3A_1374 = arith.addi %add3A_1369, %add3A_1373 : vector<16xi32>
      tpu.vector_store_idx %arg5[%add3A_1374], %bitcast3A_1363 : memref<4096xf32, #tpu.memory_space<vmem>>[vector<16xi32>], vector<16xf32>,
      %get3A_1375 = arith.constant 0 : i32
      %get3A_1376 = arith.index_cast %get3A_1375 : i32 to index
      %get3A_1377 = arith.constant 576 : index
      %get3A_1378 = tpu.vector_load %arg4[%get3A_1376, %get3A_1377] {strides = array<i32>} : memref<6x768xi32, #tpu.memory_space<vmem>>, vector<16xi32>,
      %get3A_1379 = arith.constant 1 : i32
      %get3A_1380 = arith.index_cast %get3A_1379 : i32 to index
      %get3A_1381 = arith.constant 576 : index
      %get3A_1382 = tpu.vector_load %arg4[%get3A_1380, %get3A_1381] {strides = array<i32>} : memref<6x768xi32, #tpu.memory_space<vmem>>, vector<16xi32>,
      %get3A_1383 = arith.constant 2 : i32
      %get3A_1384 = arith.index_cast %get3A_1383 : i32 to index
      %get3A_1385 = arith.constant 576 : index
      %get3A_1386 = tpu.vector_load %arg4[%get3A_1384, %get3A_1385] {strides = array<i32>} : memref<6x768xi32, #tpu.memory_space<vmem>>, vector<16xi32>,
      %bitcast3A_1387 = vector.bitcast %get3A_1386 : vector<16xi32> to vector<16xf32>
      %mul3A_1388 = arith.constant 8 : i32
      %mul3A_1389 = vector.broadcast %mul3A_1388 : i32 to vector<16xi32>
      %mul3A_1390 = arith.muli %get3A_1378, %mul3A_1389 : vector<16xi32>
      %add3A_1391 = arith.constant 0 : i32
      %add3A_1392 = vector.broadcast %add3A_1391 : i32 to vector<16xi32>
      %add3A_1393 = arith.addi %add3A_1392, %mul3A_1390 : vector<16xi32>
      %sub3A_1394 = arith.subi %get3A_1382, %get3A_1378 : vector<16xi32>
      %add3A_1395 = arith.constant 1 : i32
      %add3A_1396 = vector.broadcast %add3A_1395 : i32 to vector<16xi32>
      %add3A_1397 = arith.addi %sub3A_1394, %add3A_1396 : vector<16xi32>
      %add3A_1398 = arith.addi %add3A_1393, %add3A_1397 : vector<16xi32>
      tpu.vector_store_idx %arg5[%add3A_1398], %bitcast3A_1387 : memref<4096xf32, #tpu.memory_space<vmem>>[vector<16xi32>], vector<16xf32>,
      %get3A_1399 = arith.constant 0 : i32
      %get3A_1400 = arith.index_cast %get3A_1399 : i32 to index
      %get3A_1401 = arith.constant 592 : index
      %get3A_1402 = tpu.vector_load %arg4[%get3A_1400, %get3A_1401] {strides = array<i32>} : memref<6x768xi32, #tpu.memory_space<vmem>>, vector<16xi32>,
      %get3A_1403 = arith.constant 1 : i32
      %get3A_1404 = arith.index_cast %get3A_1403 : i32 to index
      %get3A_1405 = arith.constant 592 : index
      %get3A_1406 = tpu.vector_load %arg4[%get3A_1404, %get3A_1405] {strides = array<i32>} : memref<6x768xi32, #tpu.memory_space<vmem>>, vector<16xi32>,
      %get3A_1407 = arith.constant 2 : i32
      %get3A_1408 = arith.index_cast %get3A_1407 : i32 to index
      %get3A_1409 = arith.constant 592 : index
      %get3A_1410 = tpu.vector_load %arg4[%get3A_1408, %get3A_1409] {strides = array<i32>} : memref<6x768xi32, #tpu.memory_space<vmem>>, vector<16xi32>,
      %bitcast3A_1411 = vector.bitcast %get3A_1410 : vector<16xi32> to vector<16xf32>
      %mul3A_1412 = arith.constant 8 : i32
      %mul3A_1413 = vector.broadcast %mul3A_1412 : i32 to vector<16xi32>
      %mul3A_1414 = arith.muli %get3A_1402, %mul3A_1413 : vector<16xi32>
      %add3A_1415 = arith.constant 0 : i32
      %add3A_1416 = vector.broadcast %add3A_1415 : i32 to vector<16xi32>
      %add3A_1417 = arith.addi %add3A_1416, %mul3A_1414 : vector<16xi32>
      %sub3A_1418 = arith.subi %get3A_1406, %get3A_1402 : vector<16xi32>
      %add3A_1419 = arith.constant 1 : i32
      %add3A_1420 = vector.broadcast %add3A_1419 : i32 to vector<16xi32>
      %add3A_1421 = arith.addi %sub3A_1418, %add3A_1420 : vector<16xi32>
      %add3A_1422 = arith.addi %add3A_1417, %add3A_1421 : vector<16xi32>
      tpu.vector_store_idx %arg5[%add3A_1422], %bitcast3A_1411 : memref<4096xf32, #tpu.memory_space<vmem>>[vector<16xi32>], vector<16xf32>,
      %get3A_1423 = arith.constant 0 : i32
      %get3A_1424 = arith.index_cast %get3A_1423 : i32 to index
      %get3A_1425 = arith.constant 608 : index
      %get3A_1426 = tpu.vector_load %arg4[%get3A_1424, %get3A_1425] {strides = array<i32>} : memref<6x768xi32, #tpu.memory_space<vmem>>, vector<16xi32>,
      %get3A_1427 = arith.constant 1 : i32
      %get3A_1428 = arith.index_cast %get3A_1427 : i32 to index
      %get3A_1429 = arith.constant 608 : index
      %get3A_1430 = tpu.vector_load %arg4[%get3A_1428, %get3A_1429] {strides = array<i32>} : memref<6x768xi32, #tpu.memory_space<vmem>>, vector<16xi32>,
      %get3A_1431 = arith.constant 2 : i32
      %get3A_1432 = arith.index_cast %get3A_1431 : i32 to index
      %get3A_1433 = arith.constant 608 : index
      %get3A_1434 = tpu.vector_load %arg4[%get3A_1432, %get3A_1433] {strides = array<i32>} : memref<6x768xi32, #tpu.memory_space<vmem>>, vector<16xi32>,
      %bitcast3A_1435 = vector.bitcast %get3A_1434 : vector<16xi32> to vector<16xf32>
      %mul3A_1436 = arith.constant 8 : i32
      %mul3A_1437 = vector.broadcast %mul3A_1436 : i32 to vector<16xi32>
      %mul3A_1438 = arith.muli %get3A_1426, %mul3A_1437 : vector<16xi32>
      %add3A_1439 = arith.constant 0 : i32
      %add3A_1440 = vector.broadcast %add3A_1439 : i32 to vector<16xi32>
      %add3A_1441 = arith.addi %add3A_1440, %mul3A_1438 : vector<16xi32>
      %sub3A_1442 = arith.subi %get3A_1430, %get3A_1426 : vector<16xi32>
      %add3A_1443 = arith.constant 1 : i32
      %add3A_1444 = vector.broadcast %add3A_1443 : i32 to vector<16xi32>
      %add3A_1445 = arith.addi %sub3A_1442, %add3A_1444 : vector<16xi32>
      %add3A_1446 = arith.addi %add3A_1441, %add3A_1445 : vector<16xi32>
      tpu.vector_store_idx %arg5[%add3A_1446], %bitcast3A_1435 : memref<4096xf32, #tpu.memory_space<vmem>>[vector<16xi32>], vector<16xf32>,
      %get3A_1447 = arith.constant 0 : i32
      %get3A_1448 = arith.index_cast %get3A_1447 : i32 to index
      %get3A_1449 = arith.constant 624 : index
      %get3A_1450 = tpu.vector_load %arg4[%get3A_1448, %get3A_1449] {strides = array<i32>} : memref<6x768xi32, #tpu.memory_space<vmem>>, vector<16xi32>,
      %get3A_1451 = arith.constant 1 : i32
      %get3A_1452 = arith.index_cast %get3A_1451 : i32 to index
      %get3A_1453 = arith.constant 624 : index
      %get3A_1454 = tpu.vector_load %arg4[%get3A_1452, %get3A_1453] {strides = array<i32>} : memref<6x768xi32, #tpu.memory_space<vmem>>, vector<16xi32>,
      %get3A_1455 = arith.constant 2 : i32
      %get3A_1456 = arith.index_cast %get3A_1455 : i32 to index
      %get3A_1457 = arith.constant 624 : index
      %get3A_1458 = tpu.vector_load %arg4[%get3A_1456, %get3A_1457] {strides = array<i32>} : memref<6x768xi32, #tpu.memory_space<vmem>>, vector<16xi32>,
      %bitcast3A_1459 = vector.bitcast %get3A_1458 : vector<16xi32> to vector<16xf32>
      %mul3A_1460 = arith.constant 8 : i32
      %mul3A_1461 = vector.broadcast %mul3A_1460 : i32 to vector<16xi32>
      %mul3A_1462 = arith.muli %get3A_1450, %mul3A_1461 : vector<16xi32>
      %add3A_1463 = arith.constant 0 : i32
      %add3A_1464 = vector.broadcast %add3A_1463 : i32 to vector<16xi32>
      %add3A_1465 = arith.addi %add3A_1464, %mul3A_1462 : vector<16xi32>
      %sub3A_1466 = arith.subi %get3A_1454, %get3A_1450 : vector<16xi32>
      %add3A_1467 = arith.constant 1 : i32
      %add3A_1468 = vector.broadcast %add3A_1467 : i32 to vector<16xi32>
      %add3A_1469 = arith.addi %sub3A_1466, %add3A_1468 : vector<16xi32>
      %add3A_1470 = arith.addi %add3A_1465, %add3A_1469 : vector<16xi32>
      tpu.vector_store_idx %arg5[%add3A_1470], %bitcast3A_1459 : memref<4096xf32, #tpu.memory_space<vmem>>[vector<16xi32>], vector<16xf32>,
      %get3A_1471 = arith.constant 0 : i32
      %get3A_1472 = arith.index_cast %get3A_1471 : i32 to index
      %get3A_1473 = arith.constant 640 : index
      %get3A_1474 = tpu.vector_load %arg4[%get3A_1472, %get3A_1473] {strides = array<i32>} : memref<6x768xi32, #tpu.memory_space<vmem>>, vector<16xi32>,
      %get3A_1475 = arith.constant 1 : i32
      %get3A_1476 = arith.index_cast %get3A_1475 : i32 to index
      %get3A_1477 = arith.constant 640 : index
      %get3A_1478 = tpu.vector_load %arg4[%get3A_1476, %get3A_1477] {strides = array<i32>} : memref<6x768xi32, #tpu.memory_space<vmem>>, vector<16xi32>,
      %get3A_1479 = arith.constant 2 : i32
      %get3A_1480 = arith.index_cast %get3A_1479 : i32 to index
      %get3A_1481 = arith.constant 640 : index
      %get3A_1482 = tpu.vector_load %arg4[%get3A_1480, %get3A_1481] {strides = array<i32>} : memref<6x768xi32, #tpu.memory_space<vmem>>, vector<16xi32>,
      %bitcast3A_1483 = vector.bitcast %get3A_1482 : vector<16xi32> to vector<16xf32>
      %mul3A_1484 = arith.constant 8 : i32
      %mul3A_1485 = vector.broadcast %mul3A_1484 : i32 to vector<16xi32>
      %mul3A_1486 = arith.muli %get3A_1474, %mul3A_1485 : vector<16xi32>
      %add3A_1487 = arith.constant 0 : i32
      %add3A_1488 = vector.broadcast %add3A_1487 : i32 to vector<16xi32>
      %add3A_1489 = arith.addi %add3A_1488, %mul3A_1486 : vector<16xi32>
      %sub3A_1490 = arith.subi %get3A_1478, %get3A_1474 : vector<16xi32>
      %add3A_1491 = arith.constant 1 : i32
      %add3A_1492 = vector.broadcast %add3A_1491 : i32 to vector<16xi32>
      %add3A_1493 = arith.addi %sub3A_1490, %add3A_1492 : vector<16xi32>
      %add3A_1494 = arith.addi %add3A_1489, %add3A_1493 : vector<16xi32>
      tpu.vector_store_idx %arg5[%add3A_1494], %bitcast3A_1483 : memref<4096xf32, #tpu.memory_space<vmem>>[vector<16xi32>], vector<16xf32>,
      %get3A_1495 = arith.constant 0 : i32
      %get3A_1496 = arith.index_cast %get3A_1495 : i32 to index
      %get3A_1497 = arith.constant 656 : index
      %get3A_1498 = tpu.vector_load %arg4[%get3A_1496, %get3A_1497] {strides = array<i32>} : memref<6x768xi32, #tpu.memory_space<vmem>>, vector<16xi32>,
      %get3A_1499 = arith.constant 1 : i32
      %get3A_1500 = arith.index_cast %get3A_1499 : i32 to index
      %get3A_1501 = arith.constant 656 : index
      %get3A_1502 = tpu.vector_load %arg4[%get3A_1500, %get3A_1501] {strides = array<i32>} : memref<6x768xi32, #tpu.memory_space<vmem>>, vector<16xi32>,
      %get3A_1503 = arith.constant 2 : i32
      %get3A_1504 = arith.index_cast %get3A_1503 : i32 to index
      %get3A_1505 = arith.constant 656 : index
      %get3A_1506 = tpu.vector_load %arg4[%get3A_1504, %get3A_1505] {strides = array<i32>} : memref<6x768xi32, #tpu.memory_space<vmem>>, vector<16xi32>,
      %bitcast3A_1507 = vector.bitcast %get3A_1506 : vector<16xi32> to vector<16xf32>
      %mul3A_1508 = arith.constant 8 : i32
      %mul3A_1509 = vector.broadcast %mul3A_1508 : i32 to vector<16xi32>
      %mul3A_1510 = arith.muli %get3A_1498, %mul3A_1509 : vector<16xi32>
      %add3A_1511 = arith.constant 0 : i32
      %add3A_1512 = vector.broadcast %add3A_1511 : i32 to vector<16xi32>
      %add3A_1513 = arith.addi %add3A_1512, %mul3A_1510 : vector<16xi32>
      %sub3A_1514 = arith.subi %get3A_1502, %get3A_1498 : vector<16xi32>
      %add3A_1515 = arith.constant 1 : i32
      %add3A_1516 = vector.broadcast %add3A_1515 : i32 to vector<16xi32>
      %add3A_1517 = arith.addi %sub3A_1514, %add3A_1516 : vector<16xi32>
      %add3A_1518 = arith.addi %add3A_1513, %add3A_1517 : vector<16xi32>
      tpu.vector_store_idx %arg5[%add3A_1518], %bitcast3A_1507 : memref<4096xf32, #tpu.memory_space<vmem>>[vector<16xi32>], vector<16xf32>,
      %get3A_1519 = arith.constant 0 : i32
      %get3A_1520 = arith.index_cast %get3A_1519 : i32 to index
      %get3A_1521 = arith.constant 672 : index
      %get3A_1522 = tpu.vector_load %arg4[%get3A_1520, %get3A_1521] {strides = array<i32>} : memref<6x768xi32, #tpu.memory_space<vmem>>, vector<16xi32>,
      %get3A_1523 = arith.constant 1 : i32
      %get3A_1524 = arith.index_cast %get3A_1523 : i32 to index
      %get3A_1525 = arith.constant 672 : index
      %get3A_1526 = tpu.vector_load %arg4[%get3A_1524, %get3A_1525] {strides = array<i32>} : memref<6x768xi32, #tpu.memory_space<vmem>>, vector<16xi32>,
      %get3A_1527 = arith.constant 2 : i32
      %get3A_1528 = arith.index_cast %get3A_1527 : i32 to index
      %get3A_1529 = arith.constant 672 : index
      %get3A_1530 = tpu.vector_load %arg4[%get3A_1528, %get3A_1529] {strides = array<i32>} : memref<6x768xi32, #tpu.memory_space<vmem>>, vector<16xi32>,
      %bitcast3A_1531 = vector.bitcast %get3A_1530 : vector<16xi32> to vector<16xf32>
      %mul3A_1532 = arith.constant 8 : i32
      %mul3A_1533 = vector.broadcast %mul3A_1532 : i32 to vector<16xi32>
      %mul3A_1534 = arith.muli %get3A_1522, %mul3A_1533 : vector<16xi32>
      %add3A_1535 = arith.constant 0 : i32
      %add3A_1536 = vector.broadcast %add3A_1535 : i32 to vector<16xi32>
      %add3A_1537 = arith.addi %add3A_1536, %mul3A_1534 : vector<16xi32>
      %sub3A_1538 = arith.subi %get3A_1526, %get3A_1522 : vector<16xi32>
      %add3A_1539 = arith.constant 1 : i32
      %add3A_1540 = vector.broadcast %add3A_1539 : i32 to vector<16xi32>
      %add3A_1541 = arith.addi %sub3A_1538, %add3A_1540 : vector<16xi32>
      %add3A_1542 = arith.addi %add3A_1537, %add3A_1541 : vector<16xi32>
      tpu.vector_store_idx %arg5[%add3A_1542], %bitcast3A_1531 : memref<4096xf32, #tpu.memory_space<vmem>>[vector<16xi32>], vector<16xf32>,
      %get3A_1543 = arith.constant 0 : i32
      %get3A_1544 = arith.index_cast %get3A_1543 : i32 to index
      %get3A_1545 = arith.constant 688 : index
      %get3A_1546 = tpu.vector_load %arg4[%get3A_1544, %get3A_1545] {strides = array<i32>} : memref<6x768xi32, #tpu.memory_space<vmem>>, vector<16xi32>,
      %get3A_1547 = arith.constant 1 : i32
      %get3A_1548 = arith.index_cast %get3A_1547 : i32 to index
      %get3A_1549 = arith.constant 688 : index
      %get3A_1550 = tpu.vector_load %arg4[%get3A_1548, %get3A_1549] {strides = array<i32>} : memref<6x768xi32, #tpu.memory_space<vmem>>, vector<16xi32>,
      %get3A_1551 = arith.constant 2 : i32
      %get3A_1552 = arith.index_cast %get3A_1551 : i32 to index
      %get3A_1553 = arith.constant 688 : index
      %get3A_1554 = tpu.vector_load %arg4[%get3A_1552, %get3A_1553] {strides = array<i32>} : memref<6x768xi32, #tpu.memory_space<vmem>>, vector<16xi32>,
      %bitcast3A_1555 = vector.bitcast %get3A_1554 : vector<16xi32> to vector<16xf32>
      %mul3A_1556 = arith.constant 8 : i32
      %mul3A_1557 = vector.broadcast %mul3A_1556 : i32 to vector<16xi32>
      %mul3A_1558 = arith.muli %get3A_1546, %mul3A_1557 : vector<16xi32>
      %add3A_1559 = arith.constant 0 : i32
      %add3A_1560 = vector.broadcast %add3A_1559 : i32 to vector<16xi32>
      %add3A_1561 = arith.addi %add3A_1560, %mul3A_1558 : vector<16xi32>
      %sub3A_1562 = arith.subi %get3A_1550, %get3A_1546 : vector<16xi32>
      %add3A_1563 = arith.constant 1 : i32
      %add3A_1564 = vector.broadcast %add3A_1563 : i32 to vector<16xi32>
      %add3A_1565 = arith.addi %sub3A_1562, %add3A_1564 : vector<16xi32>
      %add3A_1566 = arith.addi %add3A_1561, %add3A_1565 : vector<16xi32>
      tpu.vector_store_idx %arg5[%add3A_1566], %bitcast3A_1555 : memref<4096xf32, #tpu.memory_space<vmem>>[vector<16xi32>], vector<16xf32>,
      %get3A_1567 = arith.constant 0 : i32
      %get3A_1568 = arith.index_cast %get3A_1567 : i32 to index
      %get3A_1569 = arith.constant 704 : index
      %get3A_1570 = tpu.vector_load %arg4[%get3A_1568, %get3A_1569] {strides = array<i32>} : memref<6x768xi32, #tpu.memory_space<vmem>>, vector<16xi32>,
      %get3A_1571 = arith.constant 1 : i32
      %get3A_1572 = arith.index_cast %get3A_1571 : i32 to index
      %get3A_1573 = arith.constant 704 : index
      %get3A_1574 = tpu.vector_load %arg4[%get3A_1572, %get3A_1573] {strides = array<i32>} : memref<6x768xi32, #tpu.memory_space<vmem>>, vector<16xi32>,
      %get3A_1575 = arith.constant 2 : i32
      %get3A_1576 = arith.index_cast %get3A_1575 : i32 to index
      %get3A_1577 = arith.constant 704 : index
      %get3A_1578 = tpu.vector_load %arg4[%get3A_1576, %get3A_1577] {strides = array<i32>} : memref<6x768xi32, #tpu.memory_space<vmem>>, vector<16xi32>,
      %bitcast3A_1579 = vector.bitcast %get3A_1578 : vector<16xi32> to vector<16xf32>
      %mul3A_1580 = arith.constant 8 : i32
      %mul3A_1581 = vector.broadcast %mul3A_1580 : i32 to vector<16xi32>
      %mul3A_1582 = arith.muli %get3A_1570, %mul3A_1581 : vector<16xi32>
      %add3A_1583 = arith.constant 0 : i32
      %add3A_1584 = vector.broadcast %add3A_1583 : i32 to vector<16xi32>
      %add3A_1585 = arith.addi %add3A_1584, %mul3A_1582 : vector<16xi32>
      %sub3A_1586 = arith.subi %get3A_1574, %get3A_1570 : vector<16xi32>
      %add3A_1587 = arith.constant 1 : i32
      %add3A_1588 = vector.broadcast %add3A_1587 : i32 to vector<16xi32>
      %add3A_1589 = arith.addi %sub3A_1586, %add3A_1588 : vector<16xi32>
      %add3A_1590 = arith.addi %add3A_1585, %add3A_1589 : vector<16xi32>
      tpu.vector_store_idx %arg5[%add3A_1590], %bitcast3A_1579 : memref<4096xf32, #tpu.memory_space<vmem>>[vector<16xi32>], vector<16xf32>,
      %get3A_1591 = arith.constant 0 : i32
      %get3A_1592 = arith.index_cast %get3A_1591 : i32 to index
      %get3A_1593 = arith.constant 720 : index
      %get3A_1594 = tpu.vector_load %arg4[%get3A_1592, %get3A_1593] {strides = array<i32>} : memref<6x768xi32, #tpu.memory_space<vmem>>, vector<16xi32>,
      %get3A_1595 = arith.constant 1 : i32
      %get3A_1596 = arith.index_cast %get3A_1595 : i32 to index
      %get3A_1597 = arith.constant 720 : index
      %get3A_1598 = tpu.vector_load %arg4[%get3A_1596, %get3A_1597] {strides = array<i32>} : memref<6x768xi32, #tpu.memory_space<vmem>>, vector<16xi32>,
      %get3A_1599 = arith.constant 2 : i32
      %get3A_1600 = arith.index_cast %get3A_1599 : i32 to index
      %get3A_1601 = arith.constant 720 : index
      %get3A_1602 = tpu.vector_load %arg4[%get3A_1600, %get3A_1601] {strides = array<i32>} : memref<6x768xi32, #tpu.memory_space<vmem>>, vector<16xi32>,
      %bitcast3A_1603 = vector.bitcast %get3A_1602 : vector<16xi32> to vector<16xf32>
      %mul3A_1604 = arith.constant 8 : i32
      %mul3A_1605 = vector.broadcast %mul3A_1604 : i32 to vector<16xi32>
      %mul3A_1606 = arith.muli %get3A_1594, %mul3A_1605 : vector<16xi32>
      %add3A_1607 = arith.constant 0 : i32
      %add3A_1608 = vector.broadcast %add3A_1607 : i32 to vector<16xi32>
      %add3A_1609 = arith.addi %add3A_1608, %mul3A_1606 : vector<16xi32>
      %sub3A_1610 = arith.subi %get3A_1598, %get3A_1594 : vector<16xi32>
      %add3A_1611 = arith.constant 1 : i32
      %add3A_1612 = vector.broadcast %add3A_1611 : i32 to vector<16xi32>
      %add3A_1613 = arith.addi %sub3A_1610, %add3A_1612 : vector<16xi32>
      %add3A_1614 = arith.addi %add3A_1609, %add3A_1613 : vector<16xi32>
      tpu.vector_store_idx %arg5[%add3A_1614], %bitcast3A_1603 : memref<4096xf32, #tpu.memory_space<vmem>>[vector<16xi32>], vector<16xf32>,
      %get3A_1615 = arith.constant 0 : i32
      %get3A_1616 = arith.index_cast %get3A_1615 : i32 to index
      %get3A_1617 = arith.constant 736 : index
      %get3A_1618 = tpu.vector_load %arg4[%get3A_1616, %get3A_1617] {strides = array<i32>} : memref<6x768xi32, #tpu.memory_space<vmem>>, vector<16xi32>,
      %get3A_1619 = arith.constant 1 : i32
      %get3A_1620 = arith.index_cast %get3A_1619 : i32 to index
      %get3A_1621 = arith.constant 736 : index
      %get3A_1622 = tpu.vector_load %arg4[%get3A_1620, %get3A_1621] {strides = array<i32>} : memref<6x768xi32, #tpu.memory_space<vmem>>, vector<16xi32>,
      %get3A_1623 = arith.constant 2 : i32
      %get3A_1624 = arith.index_cast %get3A_1623 : i32 to index
      %get3A_1625 = arith.constant 736 : index
      %get3A_1626 = tpu.vector_load %arg4[%get3A_1624, %get3A_1625] {strides = array<i32>} : memref<6x768xi32, #tpu.memory_space<vmem>>, vector<16xi32>,
      %bitcast3A_1627 = vector.bitcast %get3A_1626 : vector<16xi32> to vector<16xf32>
      %mul3A_1628 = arith.constant 8 : i32
      %mul3A_1629 = vector.broadcast %mul3A_1628 : i32 to vector<16xi32>
      %mul3A_1630 = arith.muli %get3A_1618, %mul3A_1629 : vector<16xi32>
      %add3A_1631 = arith.constant 0 : i32
      %add3A_1632 = vector.broadcast %add3A_1631 : i32 to vector<16xi32>
      %add3A_1633 = arith.addi %add3A_1632, %mul3A_1630 : vector<16xi32>
      %sub3A_1634 = arith.subi %get3A_1622, %get3A_1618 : vector<16xi32>
      %add3A_1635 = arith.constant 1 : i32
      %add3A_1636 = vector.broadcast %add3A_1635 : i32 to vector<16xi32>
      %add3A_1637 = arith.addi %sub3A_1634, %add3A_1636 : vector<16xi32>
      %add3A_1638 = arith.addi %add3A_1633, %add3A_1637 : vector<16xi32>
      tpu.vector_store_idx %arg5[%add3A_1638], %bitcast3A_1627 : memref<4096xf32, #tpu.memory_space<vmem>>[vector<16xi32>], vector<16xf32>,
      %get3A_1639 = arith.constant 0 : i32
      %get3A_1640 = arith.index_cast %get3A_1639 : i32 to index
      %get3A_1641 = arith.constant 752 : index
      %get3A_1642 = tpu.vector_load %arg4[%get3A_1640, %get3A_1641] {strides = array<i32>} : memref<6x768xi32, #tpu.memory_space<vmem>>, vector<16xi32>,
      %get3A_1643 = arith.constant 1 : i32
      %get3A_1644 = arith.index_cast %get3A_1643 : i32 to index
      %get3A_1645 = arith.constant 752 : index
      %get3A_1646 = tpu.vector_load %arg4[%get3A_1644, %get3A_1645] {strides = array<i32>} : memref<6x768xi32, #tpu.memory_space<vmem>>, vector<16xi32>,
      %get3A_1647 = arith.constant 2 : i32
      %get3A_1648 = arith.index_cast %get3A_1647 : i32 to index
      %get3A_1649 = arith.constant 752 : index
      %get3A_1650 = tpu.vector_load %arg4[%get3A_1648, %get3A_1649] {strides = array<i32>} : memref<6x768xi32, #tpu.memory_space<vmem>>, vector<16xi32>,
      %bitcast3A_1651 = vector.bitcast %get3A_1650 : vector<16xi32> to vector<16xf32>
      %mul3A_1652 = arith.constant 8 : i32
      %mul3A_1653 = vector.broadcast %mul3A_1652 : i32 to vector<16xi32>
      %mul3A_1654 = arith.muli %get3A_1642, %mul3A_1653 : vector<16xi32>
      %add3A_1655 = arith.constant 0 : i32
      %add3A_1656 = vector.broadcast %add3A_1655 : i32 to vector<16xi32>
      %add3A_1657 = arith.addi %add3A_1656, %mul3A_1654 : vector<16xi32>
      %sub3A_1658 = arith.subi %get3A_1646, %get3A_1642 : vector<16xi32>
      %add3A_1659 = arith.constant 1 : i32
      %add3A_1660 = vector.broadcast %add3A_1659 : i32 to vector<16xi32>
      %add3A_1661 = arith.addi %sub3A_1658, %add3A_1660 : vector<16xi32>
      %add3A_1662 = arith.addi %add3A_1657, %add3A_1661 : vector<16xi32>
      tpu.vector_store_idx %arg5[%add3A_1662], %bitcast3A_1651 : memref<4096xf32, #tpu.memory_space<vmem>>[vector<16xi32>], vector<16xf32>,
      %get3A_1663 = arith.constant 3 : i32
      %get3A_1664 = arith.index_cast %get3A_1663 : i32 to index
      %get3A_1665 = arith.constant 0 : index
      %get3A_1666 = tpu.vector_load %arg4[%get3A_1664, %get3A_1665] {strides = array<i32>} : memref<6x768xi32, #tpu.memory_space<vmem>>, vector<16xi32>,
      %get3A_1667 = arith.constant 4 : i32
      %get3A_1668 = arith.index_cast %get3A_1667 : i32 to index
      %get3A_1669 = arith.constant 0 : index
      %get3A_1670 = tpu.vector_load %arg4[%get3A_1668, %get3A_1669] {strides = array<i32>} : memref<6x768xi32, #tpu.memory_space<vmem>>, vector<16xi32>,
      %get3A_1671 = arith.constant 5 : i32
      %get3A_1672 = arith.index_cast %get3A_1671 : i32 to index
      %get3A_1673 = arith.constant 0 : index
      %get3A_1674 = tpu.vector_load %arg4[%get3A_1672, %get3A_1673] {strides = array<i32>} : memref<6x768xi32, #tpu.memory_space<vmem>>, vector<16xi32>,
      %bitcast3A_1675 = vector.bitcast %get3A_1674 : vector<16xi32> to vector<16xf32>
      %mul3A_1676 = arith.constant 8 : i32
      %mul3A_1677 = vector.broadcast %mul3A_1676 : i32 to vector<16xi32>
      %mul3A_1678 = arith.muli %get3A_1666, %mul3A_1677 : vector<16xi32>
      %add3A_1679 = arith.constant 2048 : i32
      %add3A_1680 = vector.broadcast %add3A_1679 : i32 to vector<16xi32>
      %add3A_1681 = arith.addi %add3A_1680, %mul3A_1678 : vector<16xi32>
      %sub3A_1682 = arith.subi %get3A_1670, %get3A_1666 : vector<16xi32>
      %add3A_1683 = arith.constant 1 : i32
      %add3A_1684 = vector.broadcast %add3A_1683 : i32 to vector<16xi32>
      %add3A_1685 = arith.addi %sub3A_1682, %add3A_1684 : vector<16xi32>
      %add3A_1686 = arith.addi %add3A_1681, %add3A_1685 : vector<16xi32>
      tpu.vector_store_idx %arg5[%add3A_1686], %bitcast3A_1675 : memref<4096xf32, #tpu.memory_space<vmem>>[vector<16xi32>], vector<16xf32>,
      %get3A_1687 = arith.constant 3 : i32
      %get3A_1688 = arith.index_cast %get3A_1687 : i32 to index
      %get3A_1689 = arith.constant 16 : index
      %get3A_1690 = tpu.vector_load %arg4[%get3A_1688, %get3A_1689] {strides = array<i32>} : memref<6x768xi32, #tpu.memory_space<vmem>>, vector<16xi32>,
      %get3A_1691 = arith.constant 4 : i32
      %get3A_1692 = arith.index_cast %get3A_1691 : i32 to index
      %get3A_1693 = arith.constant 16 : index
      %get3A_1694 = tpu.vector_load %arg4[%get3A_1692, %get3A_1693] {strides = array<i32>} : memref<6x768xi32, #tpu.memory_space<vmem>>, vector<16xi32>,
      %get3A_1695 = arith.constant 5 : i32
      %get3A_1696 = arith.index_cast %get3A_1695 : i32 to index
      %get3A_1697 = arith.constant 16 : index
      %get3A_1698 = tpu.vector_load %arg4[%get3A_1696, %get3A_1697] {strides = array<i32>} : memref<6x768xi32, #tpu.memory_space<vmem>>, vector<16xi32>,
      %bitcast3A_1699 = vector.bitcast %get3A_1698 : vector<16xi32> to vector<16xf32>
      %mul3A_1700 = arith.constant 8 : i32
      %mul3A_1701 = vector.broadcast %mul3A_1700 : i32 to vector<16xi32>
      %mul3A_1702 = arith.muli %get3A_1690, %mul3A_1701 : vector<16xi32>
      %add3A_1703 = arith.constant 2048 : i32
      %add3A_1704 = vector.broadcast %add3A_1703 : i32 to vector<16xi32>
      %add3A_1705 = arith.addi %add3A_1704, %mul3A_1702 : vector<16xi32>
      %sub3A_1706 = arith.subi %get3A_1694, %get3A_1690 : vector<16xi32>
      %add3A_1707 = arith.constant 1 : i32
      %add3A_1708 = vector.broadcast %add3A_1707 : i32 to vector<16xi32>
      %add3A_1709 = arith.addi %sub3A_1706, %add3A_1708 : vector<16xi32>
      %add3A_1710 = arith.addi %add3A_1705, %add3A_1709 : vector<16xi32>
      tpu.vector_store_idx %arg5[%add3A_1710], %bitcast3A_1699 : memref<4096xf32, #tpu.memory_space<vmem>>[vector<16xi32>], vector<16xf32>,
      %get3A_1711 = arith.constant 3 : i32
      %get3A_1712 = arith.index_cast %get3A_1711 : i32 to index
      %get3A_1713 = arith.constant 32 : index
      %get3A_1714 = tpu.vector_load %arg4[%get3A_1712, %get3A_1713] {strides = array<i32>} : memref<6x768xi32, #tpu.memory_space<vmem>>, vector<16xi32>,
      %get3A_1715 = arith.constant 4 : i32
      %get3A_1716 = arith.index_cast %get3A_1715 : i32 to index
      %get3A_1717 = arith.constant 32 : index
      %get3A_1718 = tpu.vector_load %arg4[%get3A_1716, %get3A_1717] {strides = array<i32>} : memref<6x768xi32, #tpu.memory_space<vmem>>, vector<16xi32>,
      %get3A_1719 = arith.constant 5 : i32
      %get3A_1720 = arith.index_cast %get3A_1719 : i32 to index
      %get3A_1721 = arith.constant 32 : index
      %get3A_1722 = tpu.vector_load %arg4[%get3A_1720, %get3A_1721] {strides = array<i32>} : memref<6x768xi32, #tpu.memory_space<vmem>>, vector<16xi32>,
      %bitcast3A_1723 = vector.bitcast %get3A_1722 : vector<16xi32> to vector<16xf32>
      %mul3A_1724 = arith.constant 8 : i32
      %mul3A_1725 = vector.broadcast %mul3A_1724 : i32 to vector<16xi32>
      %mul3A_1726 = arith.muli %get3A_1714, %mul3A_1725 : vector<16xi32>
      %add3A_1727 = arith.constant 2048 : i32
      %add3A_1728 = vector.broadcast %add3A_1727 : i32 to vector<16xi32>
      %add3A_1729 = arith.addi %add3A_1728, %mul3A_1726 : vector<16xi32>
      %sub3A_1730 = arith.subi %get3A_1718, %get3A_1714 : vector<16xi32>
      %add3A_1731 = arith.constant 1 : i32
      %add3A_1732 = vector.broadcast %add3A_1731 : i32 to vector<16xi32>
      %add3A_1733 = arith.addi %sub3A_1730, %add3A_1732 : vector<16xi32>
      %add3A_1734 = arith.addi %add3A_1729, %add3A_1733 : vector<16xi32>
      tpu.vector_store_idx %arg5[%add3A_1734], %bitcast3A_1723 : memref<4096xf32, #tpu.memory_space<vmem>>[vector<16xi32>], vector<16xf32>,
      %get3A_1735 = arith.constant 3 : i32
      %get3A_1736 = arith.index_cast %get3A_1735 : i32 to index
      %get3A_1737 = arith.constant 48 : index
      %get3A_1738 = tpu.vector_load %arg4[%get3A_1736, %get3A_1737] {strides = array<i32>} : memref<6x768xi32, #tpu.memory_space<vmem>>, vector<16xi32>,
      %get3A_1739 = arith.constant 4 : i32
      %get3A_1740 = arith.index_cast %get3A_1739 : i32 to index
      %get3A_1741 = arith.constant 48 : index
      %get3A_1742 = tpu.vector_load %arg4[%get3A_1740, %get3A_1741] {strides = array<i32>} : memref<6x768xi32, #tpu.memory_space<vmem>>, vector<16xi32>,
      %get3A_1743 = arith.constant 5 : i32
      %get3A_1744 = arith.index_cast %get3A_1743 : i32 to index
      %get3A_1745 = arith.constant 48 : index
      %get3A_1746 = tpu.vector_load %arg4[%get3A_1744, %get3A_1745] {strides = array<i32>} : memref<6x768xi32, #tpu.memory_space<vmem>>, vector<16xi32>,
      %bitcast3A_1747 = vector.bitcast %get3A_1746 : vector<16xi32> to vector<16xf32>
      %mul3A_1748 = arith.constant 8 : i32
      %mul3A_1749 = vector.broadcast %mul3A_1748 : i32 to vector<16xi32>
      %mul3A_1750 = arith.muli %get3A_1738, %mul3A_1749 : vector<16xi32>
      %add3A_1751 = arith.constant 2048 : i32
      %add3A_1752 = vector.broadcast %add3A_1751 : i32 to vector<16xi32>
      %add3A_1753 = arith.addi %add3A_1752, %mul3A_1750 : vector<16xi32>
      %sub3A_1754 = arith.subi %get3A_1742, %get3A_1738 : vector<16xi32>
      %add3A_1755 = arith.constant 1 : i32
      %add3A_1756 = vector.broadcast %add3A_1755 : i32 to vector<16xi32>
      %add3A_1757 = arith.addi %sub3A_1754, %add3A_1756 : vector<16xi32>
      %add3A_1758 = arith.addi %add3A_1753, %add3A_1757 : vector<16xi32>
      tpu.vector_store_idx %arg5[%add3A_1758], %bitcast3A_1747 : memref<4096xf32, #tpu.memory_space<vmem>>[vector<16xi32>], vector<16xf32>,
      %get3A_1759 = arith.constant 3 : i32
      %get3A_1760 = arith.index_cast %get3A_1759 : i32 to index
      %get3A_1761 = arith.constant 64 : index
      %get3A_1762 = tpu.vector_load %arg4[%get3A_1760, %get3A_1761] {strides = array<i32>} : memref<6x768xi32, #tpu.memory_space<vmem>>, vector<16xi32>,
      %get3A_1763 = arith.constant 4 : i32
      %get3A_1764 = arith.index_cast %get3A_1763 : i32 to index
      %get3A_1765 = arith.constant 64 : index
      %get3A_1766 = tpu.vector_load %arg4[%get3A_1764, %get3A_1765] {strides = array<i32>} : memref<6x768xi32, #tpu.memory_space<vmem>>, vector<16xi32>,
      %get3A_1767 = arith.constant 5 : i32
      %get3A_1768 = arith.index_cast %get3A_1767 : i32 to index
      %get3A_1769 = arith.constant 64 : index
      %get3A_1770 = tpu.vector_load %arg4[%get3A_1768, %get3A_1769] {strides = array<i32>} : memref<6x768xi32, #tpu.memory_space<vmem>>, vector<16xi32>,
      %bitcast3A_1771 = vector.bitcast %get3A_1770 : vector<16xi32> to vector<16xf32>
      %mul3A_1772 = arith.constant 8 : i32
      %mul3A_1773 = vector.broadcast %mul3A_1772 : i32 to vector<16xi32>
      %mul3A_1774 = arith.muli %get3A_1762, %mul3A_1773 : vector<16xi32>
      %add3A_1775 = arith.constant 2048 : i32
      %add3A_1776 = vector.broadcast %add3A_1775 : i32 to vector<16xi32>
      %add3A_1777 = arith.addi %add3A_1776, %mul3A_1774 : vector<16xi32>
      %sub3A_1778 = arith.subi %get3A_1766, %get3A_1762 : vector<16xi32>
      %add3A_1779 = arith.constant 1 : i32
      %add3A_1780 = vector.broadcast %add3A_1779 : i32 to vector<16xi32>
      %add3A_1781 = arith.addi %sub3A_1778, %add3A_1780 : vector<16xi32>
      %add3A_1782 = arith.addi %add3A_1777, %add3A_1781 : vector<16xi32>
      tpu.vector_store_idx %arg5[%add3A_1782], %bitcast3A_1771 : memref<4096xf32, #tpu.memory_space<vmem>>[vector<16xi32>], vector<16xf32>,
      %get3A_1783 = arith.constant 3 : i32
      %get3A_1784 = arith.index_cast %get3A_1783 : i32 to index
      %get3A_1785 = arith.constant 80 : index
      %get3A_1786 = tpu.vector_load %arg4[%get3A_1784, %get3A_1785] {strides = array<i32>} : memref<6x768xi32, #tpu.memory_space<vmem>>, vector<16xi32>,
      %get3A_1787 = arith.constant 4 : i32
      %get3A_1788 = arith.index_cast %get3A_1787 : i32 to index
      %get3A_1789 = arith.constant 80 : index
      %get3A_1790 = tpu.vector_load %arg4[%get3A_1788, %get3A_1789] {strides = array<i32>} : memref<6x768xi32, #tpu.memory_space<vmem>>, vector<16xi32>,
      %get3A_1791 = arith.constant 5 : i32
      %get3A_1792 = arith.index_cast %get3A_1791 : i32 to index
      %get3A_1793 = arith.constant 80 : index
      %get3A_1794 = tpu.vector_load %arg4[%get3A_1792, %get3A_1793] {strides = array<i32>} : memref<6x768xi32, #tpu.memory_space<vmem>>, vector<16xi32>,
      %bitcast3A_1795 = vector.bitcast %get3A_1794 : vector<16xi32> to vector<16xf32>
      %mul3A_1796 = arith.constant 8 : i32
      %mul3A_1797 = vector.broadcast %mul3A_1796 : i32 to vector<16xi32>
      %mul3A_1798 = arith.muli %get3A_1786, %mul3A_1797 : vector<16xi32>
      %add3A_1799 = arith.constant 2048 : i32
      %add3A_1800 = vector.broadcast %add3A_1799 : i32 to vector<16xi32>
      %add3A_1801 = arith.addi %add3A_1800, %mul3A_1798 : vector<16xi32>
      %sub3A_1802 = arith.subi %get3A_1790, %get3A_1786 : vector<16xi32>
      %add3A_1803 = arith.constant 1 : i32
      %add3A_1804 = vector.broadcast %add3A_1803 : i32 to vector<16xi32>
      %add3A_1805 = arith.addi %sub3A_1802, %add3A_1804 : vector<16xi32>
      %add3A_1806 = arith.addi %add3A_1801, %add3A_1805 : vector<16xi32>
      tpu.vector_store_idx %arg5[%add3A_1806], %bitcast3A_1795 : memref<4096xf32, #tpu.memory_space<vmem>>[vector<16xi32>], vector<16xf32>,
      %get3A_1807 = arith.constant 3 : i32
      %get3A_1808 = arith.index_cast %get3A_1807 : i32 to index
      %get3A_1809 = arith.constant 96 : index
      %get3A_1810 = tpu.vector_load %arg4[%get3A_1808, %get3A_1809] {strides = array<i32>} : memref<6x768xi32, #tpu.memory_space<vmem>>, vector<16xi32>,
      %get3A_1811 = arith.constant 4 : i32
      %get3A_1812 = arith.index_cast %get3A_1811 : i32 to index
      %get3A_1813 = arith.constant 96 : index
      %get3A_1814 = tpu.vector_load %arg4[%get3A_1812, %get3A_1813] {strides = array<i32>} : memref<6x768xi32, #tpu.memory_space<vmem>>, vector<16xi32>,
      %get3A_1815 = arith.constant 5 : i32
      %get3A_1816 = arith.index_cast %get3A_1815 : i32 to index
      %get3A_1817 = arith.constant 96 : index
      %get3A_1818 = tpu.vector_load %arg4[%get3A_1816, %get3A_1817] {strides = array<i32>} : memref<6x768xi32, #tpu.memory_space<vmem>>, vector<16xi32>,
      %bitcast3A_1819 = vector.bitcast %get3A_1818 : vector<16xi32> to vector<16xf32>
      %mul3A_1820 = arith.constant 8 : i32
      %mul3A_1821 = vector.broadcast %mul3A_1820 : i32 to vector<16xi32>
      %mul3A_1822 = arith.muli %get3A_1810, %mul3A_1821 : vector<16xi32>
      %add3A_1823 = arith.constant 2048 : i32
      %add3A_1824 = vector.broadcast %add3A_1823 : i32 to vector<16xi32>
      %add3A_1825 = arith.addi %add3A_1824, %mul3A_1822 : vector<16xi32>
      %sub3A_1826 = arith.subi %get3A_1814, %get3A_1810 : vector<16xi32>
      %add3A_1827 = arith.constant 1 : i32
      %add3A_1828 = vector.broadcast %add3A_1827 : i32 to vector<16xi32>
      %add3A_1829 = arith.addi %sub3A_1826, %add3A_1828 : vector<16xi32>
      %add3A_1830 = arith.addi %add3A_1825, %add3A_1829 : vector<16xi32>
      tpu.vector_store_idx %arg5[%add3A_1830], %bitcast3A_1819 : memref<4096xf32, #tpu.memory_space<vmem>>[vector<16xi32>], vector<16xf32>,
      %get3A_1831 = arith.constant 3 : i32
      %get3A_1832 = arith.index_cast %get3A_1831 : i32 to index
      %get3A_1833 = arith.constant 112 : index
      %get3A_1834 = tpu.vector_load %arg4[%get3A_1832, %get3A_1833] {strides = array<i32>} : memref<6x768xi32, #tpu.memory_space<vmem>>, vector<16xi32>,
      %get3A_1835 = arith.constant 4 : i32
      %get3A_1836 = arith.index_cast %get3A_1835 : i32 to index
      %get3A_1837 = arith.constant 112 : index
      %get3A_1838 = tpu.vector_load %arg4[%get3A_1836, %get3A_1837] {strides = array<i32>} : memref<6x768xi32, #tpu.memory_space<vmem>>, vector<16xi32>,
      %get3A_1839 = arith.constant 5 : i32
      %get3A_1840 = arith.index_cast %get3A_1839 : i32 to index
      %get3A_1841 = arith.constant 112 : index
      %get3A_1842 = tpu.vector_load %arg4[%get3A_1840, %get3A_1841] {strides = array<i32>} : memref<6x768xi32, #tpu.memory_space<vmem>>, vector<16xi32>,
      %bitcast3A_1843 = vector.bitcast %get3A_1842 : vector<16xi32> to vector<16xf32>
      %mul3A_1844 = arith.constant 8 : i32
      %mul3A_1845 = vector.broadcast %mul3A_1844 : i32 to vector<16xi32>
      %mul3A_1846 = arith.muli %get3A_1834, %mul3A_1845 : vector<16xi32>
      %add3A_1847 = arith.constant 2048 : i32
      %add3A_1848 = vector.broadcast %add3A_1847 : i32 to vector<16xi32>
      %add3A_1849 = arith.addi %add3A_1848, %mul3A_1846 : vector<16xi32>
      %sub3A_1850 = arith.subi %get3A_1838, %get3A_1834 : vector<16xi32>
      %add3A_1851 = arith.constant 1 : i32
      %add3A_1852 = vector.broadcast %add3A_1851 : i32 to vector<16xi32>
      %add3A_1853 = arith.addi %sub3A_1850, %add3A_1852 : vector<16xi32>
      %add3A_1854 = arith.addi %add3A_1849, %add3A_1853 : vector<16xi32>
      tpu.vector_store_idx %arg5[%add3A_1854], %bitcast3A_1843 : memref<4096xf32, #tpu.memory_space<vmem>>[vector<16xi32>], vector<16xf32>,
      %get3A_1855 = arith.constant 3 : i32
      %get3A_1856 = arith.index_cast %get3A_1855 : i32 to index
      %get3A_1857 = arith.constant 128 : index
      %get3A_1858 = tpu.vector_load %arg4[%get3A_1856, %get3A_1857] {strides = array<i32>} : memref<6x768xi32, #tpu.memory_space<vmem>>, vector<16xi32>,
      %get3A_1859 = arith.constant 4 : i32
      %get3A_1860 = arith.index_cast %get3A_1859 : i32 to index
      %get3A_1861 = arith.constant 128 : index
      %get3A_1862 = tpu.vector_load %arg4[%get3A_1860, %get3A_1861] {strides = array<i32>} : memref<6x768xi32, #tpu.memory_space<vmem>>, vector<16xi32>,
      %get3A_1863 = arith.constant 5 : i32
      %get3A_1864 = arith.index_cast %get3A_1863 : i32 to index
      %get3A_1865 = arith.constant 128 : index
      %get3A_1866 = tpu.vector_load %arg4[%get3A_1864, %get3A_1865] {strides = array<i32>} : memref<6x768xi32, #tpu.memory_space<vmem>>, vector<16xi32>,
      %bitcast3A_1867 = vector.bitcast %get3A_1866 : vector<16xi32> to vector<16xf32>
      %mul3A_1868 = arith.constant 8 : i32
      %mul3A_1869 = vector.broadcast %mul3A_1868 : i32 to vector<16xi32>
      %mul3A_1870 = arith.muli %get3A_1858, %mul3A_1869 : vector<16xi32>
      %add3A_1871 = arith.constant 2048 : i32
      %add3A_1872 = vector.broadcast %add3A_1871 : i32 to vector<16xi32>
      %add3A_1873 = arith.addi %add3A_1872, %mul3A_1870 : vector<16xi32>
      %sub3A_1874 = arith.subi %get3A_1862, %get3A_1858 : vector<16xi32>
      %add3A_1875 = arith.constant 1 : i32
      %add3A_1876 = vector.broadcast %add3A_1875 : i32 to vector<16xi32>
      %add3A_1877 = arith.addi %sub3A_1874, %add3A_1876 : vector<16xi32>
      %add3A_1878 = arith.addi %add3A_1873, %add3A_1877 : vector<16xi32>
      tpu.vector_store_idx %arg5[%add3A_1878], %bitcast3A_1867 : memref<4096xf32, #tpu.memory_space<vmem>>[vector<16xi32>], vector<16xf32>,
      %get3A_1879 = arith.constant 3 : i32
      %get3A_1880 = arith.index_cast %get3A_1879 : i32 to index
      %get3A_1881 = arith.constant 144 : index
      %get3A_1882 = tpu.vector_load %arg4[%get3A_1880, %get3A_1881] {strides = array<i32>} : memref<6x768xi32, #tpu.memory_space<vmem>>, vector<16xi32>,
      %get3A_1883 = arith.constant 4 : i32
      %get3A_1884 = arith.index_cast %get3A_1883 : i32 to index
      %get3A_1885 = arith.constant 144 : index
      %get3A_1886 = tpu.vector_load %arg4[%get3A_1884, %get3A_1885] {strides = array<i32>} : memref<6x768xi32, #tpu.memory_space<vmem>>, vector<16xi32>,
      %get3A_1887 = arith.constant 5 : i32
      %get3A_1888 = arith.index_cast %get3A_1887 : i32 to index
      %get3A_1889 = arith.constant 144 : index
      %get3A_1890 = tpu.vector_load %arg4[%get3A_1888, %get3A_1889] {strides = array<i32>} : memref<6x768xi32, #tpu.memory_space<vmem>>, vector<16xi32>,
      %bitcast3A_1891 = vector.bitcast %get3A_1890 : vector<16xi32> to vector<16xf32>
      %mul3A_1892 = arith.constant 8 : i32
      %mul3A_1893 = vector.broadcast %mul3A_1892 : i32 to vector<16xi32>
      %mul3A_1894 = arith.muli %get3A_1882, %mul3A_1893 : vector<16xi32>
      %add3A_1895 = arith.constant 2048 : i32
      %add3A_1896 = vector.broadcast %add3A_1895 : i32 to vector<16xi32>
      %add3A_1897 = arith.addi %add3A_1896, %mul3A_1894 : vector<16xi32>
      %sub3A_1898 = arith.subi %get3A_1886, %get3A_1882 : vector<16xi32>
      %add3A_1899 = arith.constant 1 : i32
      %add3A_1900 = vector.broadcast %add3A_1899 : i32 to vector<16xi32>
      %add3A_1901 = arith.addi %sub3A_1898, %add3A_1900 : vector<16xi32>
      %add3A_1902 = arith.addi %add3A_1897, %add3A_1901 : vector<16xi32>
      tpu.vector_store_idx %arg5[%add3A_1902], %bitcast3A_1891 : memref<4096xf32, #tpu.memory_space<vmem>>[vector<16xi32>], vector<16xf32>,
      %get3A_1903 = arith.constant 3 : i32
      %get3A_1904 = arith.index_cast %get3A_1903 : i32 to index
      %get3A_1905 = arith.constant 160 : index
      %get3A_1906 = tpu.vector_load %arg4[%get3A_1904, %get3A_1905] {strides = array<i32>} : memref<6x768xi32, #tpu.memory_space<vmem>>, vector<16xi32>,
      %get3A_1907 = arith.constant 4 : i32
      %get3A_1908 = arith.index_cast %get3A_1907 : i32 to index
      %get3A_1909 = arith.constant 160 : index
      %get3A_1910 = tpu.vector_load %arg4[%get3A_1908, %get3A_1909] {strides = array<i32>} : memref<6x768xi32, #tpu.memory_space<vmem>>, vector<16xi32>,
      %get3A_1911 = arith.constant 5 : i32
      %get3A_1912 = arith.index_cast %get3A_1911 : i32 to index
      %get3A_1913 = arith.constant 160 : index
      %get3A_1914 = tpu.vector_load %arg4[%get3A_1912, %get3A_1913] {strides = array<i32>} : memref<6x768xi32, #tpu.memory_space<vmem>>, vector<16xi32>,
      %bitcast3A_1915 = vector.bitcast %get3A_1914 : vector<16xi32> to vector<16xf32>
      %mul3A_1916 = arith.constant 8 : i32
      %mul3A_1917 = vector.broadcast %mul3A_1916 : i32 to vector<16xi32>
      %mul3A_1918 = arith.muli %get3A_1906, %mul3A_1917 : vector<16xi32>
      %add3A_1919 = arith.constant 2048 : i32
      %add3A_1920 = vector.broadcast %add3A_1919 : i32 to vector<16xi32>
      %add3A_1921 = arith.addi %add3A_1920, %mul3A_1918 : vector<16xi32>
      %sub3A_1922 = arith.subi %get3A_1910, %get3A_1906 : vector<16xi32>
      %add3A_1923 = arith.constant 1 : i32
      %add3A_1924 = vector.broadcast %add3A_1923 : i32 to vector<16xi32>
      %add3A_1925 = arith.addi %sub3A_1922, %add3A_1924 : vector<16xi32>
      %add3A_1926 = arith.addi %add3A_1921, %add3A_1925 : vector<16xi32>
      tpu.vector_store_idx %arg5[%add3A_1926], %bitcast3A_1915 : memref<4096xf32, #tpu.memory_space<vmem>>[vector<16xi32>], vector<16xf32>,
      %get3A_1927 = arith.constant 3 : i32
      %get3A_1928 = arith.index_cast %get3A_1927 : i32 to index
      %get3A_1929 = arith.constant 176 : index
      %get3A_1930 = tpu.vector_load %arg4[%get3A_1928, %get3A_1929] {strides = array<i32>} : memref<6x768xi32, #tpu.memory_space<vmem>>, vector<16xi32>,
      %get3A_1931 = arith.constant 4 : i32
      %get3A_1932 = arith.index_cast %get3A_1931 : i32 to index
      %get3A_1933 = arith.constant 176 : index
      %get3A_1934 = tpu.vector_load %arg4[%get3A_1932, %get3A_1933] {strides = array<i32>} : memref<6x768xi32, #tpu.memory_space<vmem>>, vector<16xi32>,
      %get3A_1935 = arith.constant 5 : i32
      %get3A_1936 = arith.index_cast %get3A_1935 : i32 to index
      %get3A_1937 = arith.constant 176 : index
      %get3A_1938 = tpu.vector_load %arg4[%get3A_1936, %get3A_1937] {strides = array<i32>} : memref<6x768xi32, #tpu.memory_space<vmem>>, vector<16xi32>,
      %bitcast3A_1939 = vector.bitcast %get3A_1938 : vector<16xi32> to vector<16xf32>
      %mul3A_1940 = arith.constant 8 : i32
      %mul3A_1941 = vector.broadcast %mul3A_1940 : i32 to vector<16xi32>
      %mul3A_1942 = arith.muli %get3A_1930, %mul3A_1941 : vector<16xi32>
      %add3A_1943 = arith.constant 2048 : i32
      %add3A_1944 = vector.broadcast %add3A_1943 : i32 to vector<16xi32>
      %add3A_1945 = arith.addi %add3A_1944, %mul3A_1942 : vector<16xi32>
      %sub3A_1946 = arith.subi %get3A_1934, %get3A_1930 : vector<16xi32>
      %add3A_1947 = arith.constant 1 : i32
      %add3A_1948 = vector.broadcast %add3A_1947 : i32 to vector<16xi32>
      %add3A_1949 = arith.addi %sub3A_1946, %add3A_1948 : vector<16xi32>
      %add3A_1950 = arith.addi %add3A_1945, %add3A_1949 : vector<16xi32>
      tpu.vector_store_idx %arg5[%add3A_1950], %bitcast3A_1939 : memref<4096xf32, #tpu.memory_space<vmem>>[vector<16xi32>], vector<16xf32>,
      %get3A_1951 = arith.constant 3 : i32
      %get3A_1952 = arith.index_cast %get3A_1951 : i32 to index
      %get3A_1953 = arith.constant 192 : index
      %get3A_1954 = tpu.vector_load %arg4[%get3A_1952, %get3A_1953] {strides = array<i32>} : memref<6x768xi32, #tpu.memory_space<vmem>>, vector<16xi32>,
      %get3A_1955 = arith.constant 4 : i32
      %get3A_1956 = arith.index_cast %get3A_1955 : i32 to index
      %get3A_1957 = arith.constant 192 : index
      %get3A_1958 = tpu.vector_load %arg4[%get3A_1956, %get3A_1957] {strides = array<i32>} : memref<6x768xi32, #tpu.memory_space<vmem>>, vector<16xi32>,
      %get3A_1959 = arith.constant 5 : i32
      %get3A_1960 = arith.index_cast %get3A_1959 : i32 to index
      %get3A_1961 = arith.constant 192 : index
      %get3A_1962 = tpu.vector_load %arg4[%get3A_1960, %get3A_1961] {strides = array<i32>} : memref<6x768xi32, #tpu.memory_space<vmem>>, vector<16xi32>,
      %bitcast3A_1963 = vector.bitcast %get3A_1962 : vector<16xi32> to vector<16xf32>
      %mul3A_1964 = arith.constant 8 : i32
      %mul3A_1965 = vector.broadcast %mul3A_1964 : i32 to vector<16xi32>
      %mul3A_1966 = arith.muli %get3A_1954, %mul3A_1965 : vector<16xi32>
      %add3A_1967 = arith.constant 2048 : i32
      %add3A_1968 = vector.broadcast %add3A_1967 : i32 to vector<16xi32>
      %add3A_1969 = arith.addi %add3A_1968, %mul3A_1966 : vector<16xi32>
      %sub3A_1970 = arith.subi %get3A_1958, %get3A_1954 : vector<16xi32>
      %add3A_1971 = arith.constant 1 : i32
      %add3A_1972 = vector.broadcast %add3A_1971 : i32 to vector<16xi32>
      %add3A_1973 = arith.addi %sub3A_1970, %add3A_1972 : vector<16xi32>
      %add3A_1974 = arith.addi %add3A_1969, %add3A_1973 : vector<16xi32>
      tpu.vector_store_idx %arg5[%add3A_1974], %bitcast3A_1963 : memref<4096xf32, #tpu.memory_space<vmem>>[vector<16xi32>], vector<16xf32>,
      %get3A_1975 = arith.constant 3 : i32
      %get3A_1976 = arith.index_cast %get3A_1975 : i32 to index
      %get3A_1977 = arith.constant 208 : index
      %get3A_1978 = tpu.vector_load %arg4[%get3A_1976, %get3A_1977] {strides = array<i32>} : memref<6x768xi32, #tpu.memory_space<vmem>>, vector<16xi32>,
      %get3A_1979 = arith.constant 4 : i32
      %get3A_1980 = arith.index_cast %get3A_1979 : i32 to index
      %get3A_1981 = arith.constant 208 : index
      %get3A_1982 = tpu.vector_load %arg4[%get3A_1980, %get3A_1981] {strides = array<i32>} : memref<6x768xi32, #tpu.memory_space<vmem>>, vector<16xi32>,
      %get3A_1983 = arith.constant 5 : i32
      %get3A_1984 = arith.index_cast %get3A_1983 : i32 to index
      %get3A_1985 = arith.constant 208 : index
      %get3A_1986 = tpu.vector_load %arg4[%get3A_1984, %get3A_1985] {strides = array<i32>} : memref<6x768xi32, #tpu.memory_space<vmem>>, vector<16xi32>,
      %bitcast3A_1987 = vector.bitcast %get3A_1986 : vector<16xi32> to vector<16xf32>
      %mul3A_1988 = arith.constant 8 : i32
      %mul3A_1989 = vector.broadcast %mul3A_1988 : i32 to vector<16xi32>
      %mul3A_1990 = arith.muli %get3A_1978, %mul3A_1989 : vector<16xi32>
      %add3A_1991 = arith.constant 2048 : i32
      %add3A_1992 = vector.broadcast %add3A_1991 : i32 to vector<16xi32>
      %add3A_1993 = arith.addi %add3A_1992, %mul3A_1990 : vector<16xi32>
      %sub3A_1994 = arith.subi %get3A_1982, %get3A_1978 : vector<16xi32>
      %add3A_1995 = arith.constant 1 : i32
      %add3A_1996 = vector.broadcast %add3A_1995 : i32 to vector<16xi32>
      %add3A_1997 = arith.addi %sub3A_1994, %add3A_1996 : vector<16xi32>
      %add3A_1998 = arith.addi %add3A_1993, %add3A_1997 : vector<16xi32>
      tpu.vector_store_idx %arg5[%add3A_1998], %bitcast3A_1987 : memref<4096xf32, #tpu.memory_space<vmem>>[vector<16xi32>], vector<16xf32>,
      %get3A_1999 = arith.constant 3 : i32
      %get3A_2000 = arith.index_cast %get3A_1999 : i32 to index
      %get3A_2001 = arith.constant 224 : index
      %get3A_2002 = tpu.vector_load %arg4[%get3A_2000, %get3A_2001] {strides = array<i32>} : memref<6x768xi32, #tpu.memory_space<vmem>>, vector<16xi32>,
      %get3A_2003 = arith.constant 4 : i32
      %get3A_2004 = arith.index_cast %get3A_2003 : i32 to index
      %get3A_2005 = arith.constant 224 : index
      %get3A_2006 = tpu.vector_load %arg4[%get3A_2004, %get3A_2005] {strides = array<i32>} : memref<6x768xi32, #tpu.memory_space<vmem>>, vector<16xi32>,
      %get3A_2007 = arith.constant 5 : i32
      %get3A_2008 = arith.index_cast %get3A_2007 : i32 to index
      %get3A_2009 = arith.constant 224 : index
      %get3A_2010 = tpu.vector_load %arg4[%get3A_2008, %get3A_2009] {strides = array<i32>} : memref<6x768xi32, #tpu.memory_space<vmem>>, vector<16xi32>,
      %bitcast3A_2011 = vector.bitcast %get3A_2010 : vector<16xi32> to vector<16xf32>
      %mul3A_2012 = arith.constant 8 : i32
      %mul3A_2013 = vector.broadcast %mul3A_2012 : i32 to vector<16xi32>
      %mul3A_2014 = arith.muli %get3A_2002, %mul3A_2013 : vector<16xi32>
      %add3A_2015 = arith.constant 2048 : i32
      %add3A_2016 = vector.broadcast %add3A_2015 : i32 to vector<16xi32>
      %add3A_2017 = arith.addi %add3A_2016, %mul3A_2014 : vector<16xi32>
      %sub3A_2018 = arith.subi %get3A_2006, %get3A_2002 : vector<16xi32>
      %add3A_2019 = arith.constant 1 : i32
      %add3A_2020 = vector.broadcast %add3A_2019 : i32 to vector<16xi32>
      %add3A_2021 = arith.addi %sub3A_2018, %add3A_2020 : vector<16xi32>
      %add3A_2022 = arith.addi %add3A_2017, %add3A_2021 : vector<16xi32>
      tpu.vector_store_idx %arg5[%add3A_2022], %bitcast3A_2011 : memref<4096xf32, #tpu.memory_space<vmem>>[vector<16xi32>], vector<16xf32>,
      %get3A_2023 = arith.constant 3 : i32
      %get3A_2024 = arith.index_cast %get3A_2023 : i32 to index
      %get3A_2025 = arith.constant 240 : index
      %get3A_2026 = tpu.vector_load %arg4[%get3A_2024, %get3A_2025] {strides = array<i32>} : memref<6x768xi32, #tpu.memory_space<vmem>>, vector<16xi32>,
      %get3A_2027 = arith.constant 4 : i32
      %get3A_2028 = arith.index_cast %get3A_2027 : i32 to index
      %get3A_2029 = arith.constant 240 : index
      %get3A_2030 = tpu.vector_load %arg4[%get3A_2028, %get3A_2029] {strides = array<i32>} : memref<6x768xi32, #tpu.memory_space<vmem>>, vector<16xi32>,
      %get3A_2031 = arith.constant 5 : i32
      %get3A_2032 = arith.index_cast %get3A_2031 : i32 to index
      %get3A_2033 = arith.constant 240 : index
      %get3A_2034 = tpu.vector_load %arg4[%get3A_2032, %get3A_2033] {strides = array<i32>} : memref<6x768xi32, #tpu.memory_space<vmem>>, vector<16xi32>,
      %bitcast3A_2035 = vector.bitcast %get3A_2034 : vector<16xi32> to vector<16xf32>
      %mul3A_2036 = arith.constant 8 : i32
      %mul3A_2037 = vector.broadcast %mul3A_2036 : i32 to vector<16xi32>
      %mul3A_2038 = arith.muli %get3A_2026, %mul3A_2037 : vector<16xi32>
      %add3A_2039 = arith.constant 2048 : i32
      %add3A_2040 = vector.broadcast %add3A_2039 : i32 to vector<16xi32>
      %add3A_2041 = arith.addi %add3A_2040, %mul3A_2038 : vector<16xi32>
      %sub3A_2042 = arith.subi %get3A_2030, %get3A_2026 : vector<16xi32>
      %add3A_2043 = arith.constant 1 : i32
      %add3A_2044 = vector.broadcast %add3A_2043 : i32 to vector<16xi32>
      %add3A_2045 = arith.addi %sub3A_2042, %add3A_2044 : vector<16xi32>
      %add3A_2046 = arith.addi %add3A_2041, %add3A_2045 : vector<16xi32>
      tpu.vector_store_idx %arg5[%add3A_2046], %bitcast3A_2035 : memref<4096xf32, #tpu.memory_space<vmem>>[vector<16xi32>], vector<16xf32>,
      %get3A_2047 = arith.constant 3 : i32
      %get3A_2048 = arith.index_cast %get3A_2047 : i32 to index
      %get3A_2049 = arith.constant 256 : index
      %get3A_2050 = tpu.vector_load %arg4[%get3A_2048, %get3A_2049] {strides = array<i32>} : memref<6x768xi32, #tpu.memory_space<vmem>>, vector<16xi32>,
      %get3A_2051 = arith.constant 4 : i32
      %get3A_2052 = arith.index_cast %get3A_2051 : i32 to index
      %get3A_2053 = arith.constant 256 : index
      %get3A_2054 = tpu.vector_load %arg4[%get3A_2052, %get3A_2053] {strides = array<i32>} : memref<6x768xi32, #tpu.memory_space<vmem>>, vector<16xi32>,
      %get3A_2055 = arith.constant 5 : i32
      %get3A_2056 = arith.index_cast %get3A_2055 : i32 to index
      %get3A_2057 = arith.constant 256 : index
      %get3A_2058 = tpu.vector_load %arg4[%get3A_2056, %get3A_2057] {strides = array<i32>} : memref<6x768xi32, #tpu.memory_space<vmem>>, vector<16xi32>,
      %bitcast3A_2059 = vector.bitcast %get3A_2058 : vector<16xi32> to vector<16xf32>
      %mul3A_2060 = arith.constant 8 : i32
      %mul3A_2061 = vector.broadcast %mul3A_2060 : i32 to vector<16xi32>
      %mul3A_2062 = arith.muli %get3A_2050, %mul3A_2061 : vector<16xi32>
      %add3A_2063 = arith.constant 2048 : i32
      %add3A_2064 = vector.broadcast %add3A_2063 : i32 to vector<16xi32>
      %add3A_2065 = arith.addi %add3A_2064, %mul3A_2062 : vector<16xi32>
      %sub3A_2066 = arith.subi %get3A_2054, %get3A_2050 : vector<16xi32>
      %add3A_2067 = arith.constant 1 : i32
      %add3A_2068 = vector.broadcast %add3A_2067 : i32 to vector<16xi32>
      %add3A_2069 = arith.addi %sub3A_2066, %add3A_2068 : vector<16xi32>
      %add3A_2070 = arith.addi %add3A_2065, %add3A_2069 : vector<16xi32>
      tpu.vector_store_idx %arg5[%add3A_2070], %bitcast3A_2059 : memref<4096xf32, #tpu.memory_space<vmem>>[vector<16xi32>], vector<16xf32>,
      %get3A_2071 = arith.constant 3 : i32
      %get3A_2072 = arith.index_cast %get3A_2071 : i32 to index
      %get3A_2073 = arith.constant 272 : index
      %get3A_2074 = tpu.vector_load %arg4[%get3A_2072, %get3A_2073] {strides = array<i32>} : memref<6x768xi32, #tpu.memory_space<vmem>>, vector<16xi32>,
      %get3A_2075 = arith.constant 4 : i32
      %get3A_2076 = arith.index_cast %get3A_2075 : i32 to index
      %get3A_2077 = arith.constant 272 : index
      %get3A_2078 = tpu.vector_load %arg4[%get3A_2076, %get3A_2077] {strides = array<i32>} : memref<6x768xi32, #tpu.memory_space<vmem>>, vector<16xi32>,
      %get3A_2079 = arith.constant 5 : i32
      %get3A_2080 = arith.index_cast %get3A_2079 : i32 to index
      %get3A_2081 = arith.constant 272 : index
      %get3A_2082 = tpu.vector_load %arg4[%get3A_2080, %get3A_2081] {strides = array<i32>} : memref<6x768xi32, #tpu.memory_space<vmem>>, vector<16xi32>,
      %bitcast3A_2083 = vector.bitcast %get3A_2082 : vector<16xi32> to vector<16xf32>
      %mul3A_2084 = arith.constant 8 : i32
      %mul3A_2085 = vector.broadcast %mul3A_2084 : i32 to vector<16xi32>
      %mul3A_2086 = arith.muli %get3A_2074, %mul3A_2085 : vector<16xi32>
      %add3A_2087 = arith.constant 2048 : i32
      %add3A_2088 = vector.broadcast %add3A_2087 : i32 to vector<16xi32>
      %add3A_2089 = arith.addi %add3A_2088, %mul3A_2086 : vector<16xi32>
      %sub3A_2090 = arith.subi %get3A_2078, %get3A_2074 : vector<16xi32>
      %add3A_2091 = arith.constant 1 : i32
      %add3A_2092 = vector.broadcast %add3A_2091 : i32 to vector<16xi32>
      %add3A_2093 = arith.addi %sub3A_2090, %add3A_2092 : vector<16xi32>
      %add3A_2094 = arith.addi %add3A_2089, %add3A_2093 : vector<16xi32>
      tpu.vector_store_idx %arg5[%add3A_2094], %bitcast3A_2083 : memref<4096xf32, #tpu.memory_space<vmem>>[vector<16xi32>], vector<16xf32>,
      %get3A_2095 = arith.constant 3 : i32
      %get3A_2096 = arith.index_cast %get3A_2095 : i32 to index
      %get3A_2097 = arith.constant 288 : index
      %get3A_2098 = tpu.vector_load %arg4[%get3A_2096, %get3A_2097] {strides = array<i32>} : memref<6x768xi32, #tpu.memory_space<vmem>>, vector<16xi32>,
      %get3A_2099 = arith.constant 4 : i32
      %get3A_2100 = arith.index_cast %get3A_2099 : i32 to index
      %get3A_2101 = arith.constant 288 : index
      %get3A_2102 = tpu.vector_load %arg4[%get3A_2100, %get3A_2101] {strides = array<i32>} : memref<6x768xi32, #tpu.memory_space<vmem>>, vector<16xi32>,
      %get3A_2103 = arith.constant 5 : i32
      %get3A_2104 = arith.index_cast %get3A_2103 : i32 to index
      %get3A_2105 = arith.constant 288 : index
      %get3A_2106 = tpu.vector_load %arg4[%get3A_2104, %get3A_2105] {strides = array<i32>} : memref<6x768xi32, #tpu.memory_space<vmem>>, vector<16xi32>,
      %bitcast3A_2107 = vector.bitcast %get3A_2106 : vector<16xi32> to vector<16xf32>
      %mul3A_2108 = arith.constant 8 : i32
      %mul3A_2109 = vector.broadcast %mul3A_2108 : i32 to vector<16xi32>
      %mul3A_2110 = arith.muli %get3A_2098, %mul3A_2109 : vector<16xi32>
      %add3A_2111 = arith.constant 2048 : i32
      %add3A_2112 = vector.broadcast %add3A_2111 : i32 to vector<16xi32>
      %add3A_2113 = arith.addi %add3A_2112, %mul3A_2110 : vector<16xi32>
      %sub3A_2114 = arith.subi %get3A_2102, %get3A_2098 : vector<16xi32>
      %add3A_2115 = arith.constant 1 : i32
      %add3A_2116 = vector.broadcast %add3A_2115 : i32 to vector<16xi32>
      %add3A_2117 = arith.addi %sub3A_2114, %add3A_2116 : vector<16xi32>
      %add3A_2118 = arith.addi %add3A_2113, %add3A_2117 : vector<16xi32>
      tpu.vector_store_idx %arg5[%add3A_2118], %bitcast3A_2107 : memref<4096xf32, #tpu.memory_space<vmem>>[vector<16xi32>], vector<16xf32>,
      %get3A_2119 = arith.constant 3 : i32
      %get3A_2120 = arith.index_cast %get3A_2119 : i32 to index
      %get3A_2121 = arith.constant 304 : index
      %get3A_2122 = tpu.vector_load %arg4[%get3A_2120, %get3A_2121] {strides = array<i32>} : memref<6x768xi32, #tpu.memory_space<vmem>>, vector<16xi32>,
      %get3A_2123 = arith.constant 4 : i32
      %get3A_2124 = arith.index_cast %get3A_2123 : i32 to index
      %get3A_2125 = arith.constant 304 : index
      %get3A_2126 = tpu.vector_load %arg4[%get3A_2124, %get3A_2125] {strides = array<i32>} : memref<6x768xi32, #tpu.memory_space<vmem>>, vector<16xi32>,
      %get3A_2127 = arith.constant 5 : i32
      %get3A_2128 = arith.index_cast %get3A_2127 : i32 to index
      %get3A_2129 = arith.constant 304 : index
      %get3A_2130 = tpu.vector_load %arg4[%get3A_2128, %get3A_2129] {strides = array<i32>} : memref<6x768xi32, #tpu.memory_space<vmem>>, vector<16xi32>,
      %bitcast3A_2131 = vector.bitcast %get3A_2130 : vector<16xi32> to vector<16xf32>
      %mul3A_2132 = arith.constant 8 : i32
      %mul3A_2133 = vector.broadcast %mul3A_2132 : i32 to vector<16xi32>
      %mul3A_2134 = arith.muli %get3A_2122, %mul3A_2133 : vector<16xi32>
      %add3A_2135 = arith.constant 2048 : i32
      %add3A_2136 = vector.broadcast %add3A_2135 : i32 to vector<16xi32>
      %add3A_2137 = arith.addi %add3A_2136, %mul3A_2134 : vector<16xi32>
      %sub3A_2138 = arith.subi %get3A_2126, %get3A_2122 : vector<16xi32>
      %add3A_2139 = arith.constant 1 : i32
      %add3A_2140 = vector.broadcast %add3A_2139 : i32 to vector<16xi32>
      %add3A_2141 = arith.addi %sub3A_2138, %add3A_2140 : vector<16xi32>
      %add3A_2142 = arith.addi %add3A_2137, %add3A_2141 : vector<16xi32>
      tpu.vector_store_idx %arg5[%add3A_2142], %bitcast3A_2131 : memref<4096xf32, #tpu.memory_space<vmem>>[vector<16xi32>], vector<16xf32>,
      %get3A_2143 = arith.constant 3 : i32
      %get3A_2144 = arith.index_cast %get3A_2143 : i32 to index
      %get3A_2145 = arith.constant 320 : index
      %get3A_2146 = tpu.vector_load %arg4[%get3A_2144, %get3A_2145] {strides = array<i32>} : memref<6x768xi32, #tpu.memory_space<vmem>>, vector<16xi32>,
      %get3A_2147 = arith.constant 4 : i32
      %get3A_2148 = arith.index_cast %get3A_2147 : i32 to index
      %get3A_2149 = arith.constant 320 : index
      %get3A_2150 = tpu.vector_load %arg4[%get3A_2148, %get3A_2149] {strides = array<i32>} : memref<6x768xi32, #tpu.memory_space<vmem>>, vector<16xi32>,
      %get3A_2151 = arith.constant 5 : i32
      %get3A_2152 = arith.index_cast %get3A_2151 : i32 to index
      %get3A_2153 = arith.constant 320 : index
      %get3A_2154 = tpu.vector_load %arg4[%get3A_2152, %get3A_2153] {strides = array<i32>} : memref<6x768xi32, #tpu.memory_space<vmem>>, vector<16xi32>,
      %bitcast3A_2155 = vector.bitcast %get3A_2154 : vector<16xi32> to vector<16xf32>
      %mul3A_2156 = arith.constant 8 : i32
      %mul3A_2157 = vector.broadcast %mul3A_2156 : i32 to vector<16xi32>
      %mul3A_2158 = arith.muli %get3A_2146, %mul3A_2157 : vector<16xi32>
      %add3A_2159 = arith.constant 2048 : i32
      %add3A_2160 = vector.broadcast %add3A_2159 : i32 to vector<16xi32>
      %add3A_2161 = arith.addi %add3A_2160, %mul3A_2158 : vector<16xi32>
      %sub3A_2162 = arith.subi %get3A_2150, %get3A_2146 : vector<16xi32>
      %add3A_2163 = arith.constant 1 : i32
      %add3A_2164 = vector.broadcast %add3A_2163 : i32 to vector<16xi32>
      %add3A_2165 = arith.addi %sub3A_2162, %add3A_2164 : vector<16xi32>
      %add3A_2166 = arith.addi %add3A_2161, %add3A_2165 : vector<16xi32>
      tpu.vector_store_idx %arg5[%add3A_2166], %bitcast3A_2155 : memref<4096xf32, #tpu.memory_space<vmem>>[vector<16xi32>], vector<16xf32>,
      %get3A_2167 = arith.constant 3 : i32
      %get3A_2168 = arith.index_cast %get3A_2167 : i32 to index
      %get3A_2169 = arith.constant 336 : index
      %get3A_2170 = tpu.vector_load %arg4[%get3A_2168, %get3A_2169] {strides = array<i32>} : memref<6x768xi32, #tpu.memory_space<vmem>>, vector<16xi32>,
      %get3A_2171 = arith.constant 4 : i32
      %get3A_2172 = arith.index_cast %get3A_2171 : i32 to index
      %get3A_2173 = arith.constant 336 : index
      %get3A_2174 = tpu.vector_load %arg4[%get3A_2172, %get3A_2173] {strides = array<i32>} : memref<6x768xi32, #tpu.memory_space<vmem>>, vector<16xi32>,
      %get3A_2175 = arith.constant 5 : i32
      %get3A_2176 = arith.index_cast %get3A_2175 : i32 to index
      %get3A_2177 = arith.constant 336 : index
      %get3A_2178 = tpu.vector_load %arg4[%get3A_2176, %get3A_2177] {strides = array<i32>} : memref<6x768xi32, #tpu.memory_space<vmem>>, vector<16xi32>,
      %bitcast3A_2179 = vector.bitcast %get3A_2178 : vector<16xi32> to vector<16xf32>
      %mul3A_2180 = arith.constant 8 : i32
      %mul3A_2181 = vector.broadcast %mul3A_2180 : i32 to vector<16xi32>
      %mul3A_2182 = arith.muli %get3A_2170, %mul3A_2181 : vector<16xi32>
      %add3A_2183 = arith.constant 2048 : i32
      %add3A_2184 = vector.broadcast %add3A_2183 : i32 to vector<16xi32>
      %add3A_2185 = arith.addi %add3A_2184, %mul3A_2182 : vector<16xi32>
      %sub3A_2186 = arith.subi %get3A_2174, %get3A_2170 : vector<16xi32>
      %add3A_2187 = arith.constant 1 : i32
      %add3A_2188 = vector.broadcast %add3A_2187 : i32 to vector<16xi32>
      %add3A_2189 = arith.addi %sub3A_2186, %add3A_2188 : vector<16xi32>
      %add3A_2190 = arith.addi %add3A_2185, %add3A_2189 : vector<16xi32>
      tpu.vector_store_idx %arg5[%add3A_2190], %bitcast3A_2179 : memref<4096xf32, #tpu.memory_space<vmem>>[vector<16xi32>], vector<16xf32>,
      %get3A_2191 = arith.constant 3 : i32
      %get3A_2192 = arith.index_cast %get3A_2191 : i32 to index
      %get3A_2193 = arith.constant 352 : index
      %get3A_2194 = tpu.vector_load %arg4[%get3A_2192, %get3A_2193] {strides = array<i32>} : memref<6x768xi32, #tpu.memory_space<vmem>>, vector<16xi32>,
      %get3A_2195 = arith.constant 4 : i32
      %get3A_2196 = arith.index_cast %get3A_2195 : i32 to index
      %get3A_2197 = arith.constant 352 : index
      %get3A_2198 = tpu.vector_load %arg4[%get3A_2196, %get3A_2197] {strides = array<i32>} : memref<6x768xi32, #tpu.memory_space<vmem>>, vector<16xi32>,
      %get3A_2199 = arith.constant 5 : i32
      %get3A_2200 = arith.index_cast %get3A_2199 : i32 to index
      %get3A_2201 = arith.constant 352 : index
      %get3A_2202 = tpu.vector_load %arg4[%get3A_2200, %get3A_2201] {strides = array<i32>} : memref<6x768xi32, #tpu.memory_space<vmem>>, vector<16xi32>,
      %bitcast3A_2203 = vector.bitcast %get3A_2202 : vector<16xi32> to vector<16xf32>
      %mul3A_2204 = arith.constant 8 : i32
      %mul3A_2205 = vector.broadcast %mul3A_2204 : i32 to vector<16xi32>
      %mul3A_2206 = arith.muli %get3A_2194, %mul3A_2205 : vector<16xi32>
      %add3A_2207 = arith.constant 2048 : i32
      %add3A_2208 = vector.broadcast %add3A_2207 : i32 to vector<16xi32>
      %add3A_2209 = arith.addi %add3A_2208, %mul3A_2206 : vector<16xi32>
      %sub3A_2210 = arith.subi %get3A_2198, %get3A_2194 : vector<16xi32>
      %add3A_2211 = arith.constant 1 : i32
      %add3A_2212 = vector.broadcast %add3A_2211 : i32 to vector<16xi32>
      %add3A_2213 = arith.addi %sub3A_2210, %add3A_2212 : vector<16xi32>
      %add3A_2214 = arith.addi %add3A_2209, %add3A_2213 : vector<16xi32>
      tpu.vector_store_idx %arg5[%add3A_2214], %bitcast3A_2203 : memref<4096xf32, #tpu.memory_space<vmem>>[vector<16xi32>], vector<16xf32>,
      %get3A_2215 = arith.constant 3 : i32
      %get3A_2216 = arith.index_cast %get3A_2215 : i32 to index
      %get3A_2217 = arith.constant 368 : index
      %get3A_2218 = tpu.vector_load %arg4[%get3A_2216, %get3A_2217] {strides = array<i32>} : memref<6x768xi32, #tpu.memory_space<vmem>>, vector<16xi32>,
      %get3A_2219 = arith.constant 4 : i32
      %get3A_2220 = arith.index_cast %get3A_2219 : i32 to index
      %get3A_2221 = arith.constant 368 : index
      %get3A_2222 = tpu.vector_load %arg4[%get3A_2220, %get3A_2221] {strides = array<i32>} : memref<6x768xi32, #tpu.memory_space<vmem>>, vector<16xi32>,
      %get3A_2223 = arith.constant 5 : i32
      %get3A_2224 = arith.index_cast %get3A_2223 : i32 to index
      %get3A_2225 = arith.constant 368 : index
      %get3A_2226 = tpu.vector_load %arg4[%get3A_2224, %get3A_2225] {strides = array<i32>} : memref<6x768xi32, #tpu.memory_space<vmem>>, vector<16xi32>,
      %bitcast3A_2227 = vector.bitcast %get3A_2226 : vector<16xi32> to vector<16xf32>
      %mul3A_2228 = arith.constant 8 : i32
      %mul3A_2229 = vector.broadcast %mul3A_2228 : i32 to vector<16xi32>
      %mul3A_2230 = arith.muli %get3A_2218, %mul3A_2229 : vector<16xi32>
      %add3A_2231 = arith.constant 2048 : i32
      %add3A_2232 = vector.broadcast %add3A_2231 : i32 to vector<16xi32>
      %add3A_2233 = arith.addi %add3A_2232, %mul3A_2230 : vector<16xi32>
      %sub3A_2234 = arith.subi %get3A_2222, %get3A_2218 : vector<16xi32>
      %add3A_2235 = arith.constant 1 : i32
      %add3A_2236 = vector.broadcast %add3A_2235 : i32 to vector<16xi32>
      %add3A_2237 = arith.addi %sub3A_2234, %add3A_2236 : vector<16xi32>
      %add3A_2238 = arith.addi %add3A_2233, %add3A_2237 : vector<16xi32>
      tpu.vector_store_idx %arg5[%add3A_2238], %bitcast3A_2227 : memref<4096xf32, #tpu.memory_space<vmem>>[vector<16xi32>], vector<16xf32>,
      %get3A_2239 = arith.constant 3 : i32
      %get3A_2240 = arith.index_cast %get3A_2239 : i32 to index
      %get3A_2241 = arith.constant 384 : index
      %get3A_2242 = tpu.vector_load %arg4[%get3A_2240, %get3A_2241] {strides = array<i32>} : memref<6x768xi32, #tpu.memory_space<vmem>>, vector<16xi32>,
      %get3A_2243 = arith.constant 4 : i32
      %get3A_2244 = arith.index_cast %get3A_2243 : i32 to index
      %get3A_2245 = arith.constant 384 : index
      %get3A_2246 = tpu.vector_load %arg4[%get3A_2244, %get3A_2245] {strides = array<i32>} : memref<6x768xi32, #tpu.memory_space<vmem>>, vector<16xi32>,
      %get3A_2247 = arith.constant 5 : i32
      %get3A_2248 = arith.index_cast %get3A_2247 : i32 to index
      %get3A_2249 = arith.constant 384 : index
      %get3A_2250 = tpu.vector_load %arg4[%get3A_2248, %get3A_2249] {strides = array<i32>} : memref<6x768xi32, #tpu.memory_space<vmem>>, vector<16xi32>,
      %bitcast3A_2251 = vector.bitcast %get3A_2250 : vector<16xi32> to vector<16xf32>
      %mul3A_2252 = arith.constant 8 : i32
      %mul3A_2253 = vector.broadcast %mul3A_2252 : i32 to vector<16xi32>
      %mul3A_2254 = arith.muli %get3A_2242, %mul3A_2253 : vector<16xi32>
      %add3A_2255 = arith.constant 2048 : i32
      %add3A_2256 = vector.broadcast %add3A_2255 : i32 to vector<16xi32>
      %add3A_2257 = arith.addi %add3A_2256, %mul3A_2254 : vector<16xi32>
      %sub3A_2258 = arith.subi %get3A_2246, %get3A_2242 : vector<16xi32>
      %add3A_2259 = arith.constant 1 : i32
      %add3A_2260 = vector.broadcast %add3A_2259 : i32 to vector<16xi32>
      %add3A_2261 = arith.addi %sub3A_2258, %add3A_2260 : vector<16xi32>
      %add3A_2262 = arith.addi %add3A_2257, %add3A_2261 : vector<16xi32>
      tpu.vector_store_idx %arg5[%add3A_2262], %bitcast3A_2251 : memref<4096xf32, #tpu.memory_space<vmem>>[vector<16xi32>], vector<16xf32>,
      %get3A_2263 = arith.constant 3 : i32
      %get3A_2264 = arith.index_cast %get3A_2263 : i32 to index
      %get3A_2265 = arith.constant 400 : index
      %get3A_2266 = tpu.vector_load %arg4[%get3A_2264, %get3A_2265] {strides = array<i32>} : memref<6x768xi32, #tpu.memory_space<vmem>>, vector<16xi32>,
      %get3A_2267 = arith.constant 4 : i32
      %get3A_2268 = arith.index_cast %get3A_2267 : i32 to index
      %get3A_2269 = arith.constant 400 : index
      %get3A_2270 = tpu.vector_load %arg4[%get3A_2268, %get3A_2269] {strides = array<i32>} : memref<6x768xi32, #tpu.memory_space<vmem>>, vector<16xi32>,
      %get3A_2271 = arith.constant 5 : i32
      %get3A_2272 = arith.index_cast %get3A_2271 : i32 to index
      %get3A_2273 = arith.constant 400 : index
      %get3A_2274 = tpu.vector_load %arg4[%get3A_2272, %get3A_2273] {strides = array<i32>} : memref<6x768xi32, #tpu.memory_space<vmem>>, vector<16xi32>,
      %bitcast3A_2275 = vector.bitcast %get3A_2274 : vector<16xi32> to vector<16xf32>
      %mul3A_2276 = arith.constant 8 : i32
      %mul3A_2277 = vector.broadcast %mul3A_2276 : i32 to vector<16xi32>
      %mul3A_2278 = arith.muli %get3A_2266, %mul3A_2277 : vector<16xi32>
      %add3A_2279 = arith.constant 2048 : i32
      %add3A_2280 = vector.broadcast %add3A_2279 : i32 to vector<16xi32>
      %add3A_2281 = arith.addi %add3A_2280, %mul3A_2278 : vector<16xi32>
      %sub3A_2282 = arith.subi %get3A_2270, %get3A_2266 : vector<16xi32>
      %add3A_2283 = arith.constant 1 : i32
      %add3A_2284 = vector.broadcast %add3A_2283 : i32 to vector<16xi32>
      %add3A_2285 = arith.addi %sub3A_2282, %add3A_2284 : vector<16xi32>
      %add3A_2286 = arith.addi %add3A_2281, %add3A_2285 : vector<16xi32>
      tpu.vector_store_idx %arg5[%add3A_2286], %bitcast3A_2275 : memref<4096xf32, #tpu.memory_space<vmem>>[vector<16xi32>], vector<16xf32>,
      %get3A_2287 = arith.constant 3 : i32
      %get3A_2288 = arith.index_cast %get3A_2287 : i32 to index
      %get3A_2289 = arith.constant 416 : index
      %get3A_2290 = tpu.vector_load %arg4[%get3A_2288, %get3A_2289] {strides = array<i32>} : memref<6x768xi32, #tpu.memory_space<vmem>>, vector<16xi32>,
      %get3A_2291 = arith.constant 4 : i32
      %get3A_2292 = arith.index_cast %get3A_2291 : i32 to index
      %get3A_2293 = arith.constant 416 : index
      %get3A_2294 = tpu.vector_load %arg4[%get3A_2292, %get3A_2293] {strides = array<i32>} : memref<6x768xi32, #tpu.memory_space<vmem>>, vector<16xi32>,
      %get3A_2295 = arith.constant 5 : i32
      %get3A_2296 = arith.index_cast %get3A_2295 : i32 to index
      %get3A_2297 = arith.constant 416 : index
      %get3A_2298 = tpu.vector_load %arg4[%get3A_2296, %get3A_2297] {strides = array<i32>} : memref<6x768xi32, #tpu.memory_space<vmem>>, vector<16xi32>,
      %bitcast3A_2299 = vector.bitcast %get3A_2298 : vector<16xi32> to vector<16xf32>
      %mul3A_2300 = arith.constant 8 : i32
      %mul3A_2301 = vector.broadcast %mul3A_2300 : i32 to vector<16xi32>
      %mul3A_2302 = arith.muli %get3A_2290, %mul3A_2301 : vector<16xi32>
      %add3A_2303 = arith.constant 2048 : i32
      %add3A_2304 = vector.broadcast %add3A_2303 : i32 to vector<16xi32>
      %add3A_2305 = arith.addi %add3A_2304, %mul3A_2302 : vector<16xi32>
      %sub3A_2306 = arith.subi %get3A_2294, %get3A_2290 : vector<16xi32>
      %add3A_2307 = arith.constant 1 : i32
      %add3A_2308 = vector.broadcast %add3A_2307 : i32 to vector<16xi32>
      %add3A_2309 = arith.addi %sub3A_2306, %add3A_2308 : vector<16xi32>
      %add3A_2310 = arith.addi %add3A_2305, %add3A_2309 : vector<16xi32>
      tpu.vector_store_idx %arg5[%add3A_2310], %bitcast3A_2299 : memref<4096xf32, #tpu.memory_space<vmem>>[vector<16xi32>], vector<16xf32>,
      %get3A_2311 = arith.constant 3 : i32
      %get3A_2312 = arith.index_cast %get3A_2311 : i32 to index
      %get3A_2313 = arith.constant 432 : index
      %get3A_2314 = tpu.vector_load %arg4[%get3A_2312, %get3A_2313] {strides = array<i32>} : memref<6x768xi32, #tpu.memory_space<vmem>>, vector<16xi32>,
      %get3A_2315 = arith.constant 4 : i32
      %get3A_2316 = arith.index_cast %get3A_2315 : i32 to index
      %get3A_2317 = arith.constant 432 : index
      %get3A_2318 = tpu.vector_load %arg4[%get3A_2316, %get3A_2317] {strides = array<i32>} : memref<6x768xi32, #tpu.memory_space<vmem>>, vector<16xi32>,
      %get3A_2319 = arith.constant 5 : i32
      %get3A_2320 = arith.index_cast %get3A_2319 : i32 to index
      %get3A_2321 = arith.constant 432 : index
      %get3A_2322 = tpu.vector_load %arg4[%get3A_2320, %get3A_2321] {strides = array<i32>} : memref<6x768xi32, #tpu.memory_space<vmem>>, vector<16xi32>,
      %bitcast3A_2323 = vector.bitcast %get3A_2322 : vector<16xi32> to vector<16xf32>
      %mul3A_2324 = arith.constant 8 : i32
      %mul3A_2325 = vector.broadcast %mul3A_2324 : i32 to vector<16xi32>
      %mul3A_2326 = arith.muli %get3A_2314, %mul3A_2325 : vector<16xi32>
      %add3A_2327 = arith.constant 2048 : i32
      %add3A_2328 = vector.broadcast %add3A_2327 : i32 to vector<16xi32>
      %add3A_2329 = arith.addi %add3A_2328, %mul3A_2326 : vector<16xi32>
      %sub3A_2330 = arith.subi %get3A_2318, %get3A_2314 : vector<16xi32>
      %add3A_2331 = arith.constant 1 : i32
      %add3A_2332 = vector.broadcast %add3A_2331 : i32 to vector<16xi32>
      %add3A_2333 = arith.addi %sub3A_2330, %add3A_2332 : vector<16xi32>
      %add3A_2334 = arith.addi %add3A_2329, %add3A_2333 : vector<16xi32>
      tpu.vector_store_idx %arg5[%add3A_2334], %bitcast3A_2323 : memref<4096xf32, #tpu.memory_space<vmem>>[vector<16xi32>], vector<16xf32>,
      %get3A_2335 = arith.constant 3 : i32
      %get3A_2336 = arith.index_cast %get3A_2335 : i32 to index
      %get3A_2337 = arith.constant 448 : index
      %get3A_2338 = tpu.vector_load %arg4[%get3A_2336, %get3A_2337] {strides = array<i32>} : memref<6x768xi32, #tpu.memory_space<vmem>>, vector<16xi32>,
      %get3A_2339 = arith.constant 4 : i32
      %get3A_2340 = arith.index_cast %get3A_2339 : i32 to index
      %get3A_2341 = arith.constant 448 : index
      %get3A_2342 = tpu.vector_load %arg4[%get3A_2340, %get3A_2341] {strides = array<i32>} : memref<6x768xi32, #tpu.memory_space<vmem>>, vector<16xi32>,
      %get3A_2343 = arith.constant 5 : i32
      %get3A_2344 = arith.index_cast %get3A_2343 : i32 to index
      %get3A_2345 = arith.constant 448 : index
      %get3A_2346 = tpu.vector_load %arg4[%get3A_2344, %get3A_2345] {strides = array<i32>} : memref<6x768xi32, #tpu.memory_space<vmem>>, vector<16xi32>,
      %bitcast3A_2347 = vector.bitcast %get3A_2346 : vector<16xi32> to vector<16xf32>
      %mul3A_2348 = arith.constant 8 : i32
      %mul3A_2349 = vector.broadcast %mul3A_2348 : i32 to vector<16xi32>
      %mul3A_2350 = arith.muli %get3A_2338, %mul3A_2349 : vector<16xi32>
      %add3A_2351 = arith.constant 2048 : i32
      %add3A_2352 = vector.broadcast %add3A_2351 : i32 to vector<16xi32>
      %add3A_2353 = arith.addi %add3A_2352, %mul3A_2350 : vector<16xi32>
      %sub3A_2354 = arith.subi %get3A_2342, %get3A_2338 : vector<16xi32>
      %add3A_2355 = arith.constant 1 : i32
      %add3A_2356 = vector.broadcast %add3A_2355 : i32 to vector<16xi32>
      %add3A_2357 = arith.addi %sub3A_2354, %add3A_2356 : vector<16xi32>
      %add3A_2358 = arith.addi %add3A_2353, %add3A_2357 : vector<16xi32>
      tpu.vector_store_idx %arg5[%add3A_2358], %bitcast3A_2347 : memref<4096xf32, #tpu.memory_space<vmem>>[vector<16xi32>], vector<16xf32>,
      %get3A_2359 = arith.constant 3 : i32
      %get3A_2360 = arith.index_cast %get3A_2359 : i32 to index
      %get3A_2361 = arith.constant 464 : index
      %get3A_2362 = tpu.vector_load %arg4[%get3A_2360, %get3A_2361] {strides = array<i32>} : memref<6x768xi32, #tpu.memory_space<vmem>>, vector<16xi32>,
      %get3A_2363 = arith.constant 4 : i32
      %get3A_2364 = arith.index_cast %get3A_2363 : i32 to index
      %get3A_2365 = arith.constant 464 : index
      %get3A_2366 = tpu.vector_load %arg4[%get3A_2364, %get3A_2365] {strides = array<i32>} : memref<6x768xi32, #tpu.memory_space<vmem>>, vector<16xi32>,
      %get3A_2367 = arith.constant 5 : i32
      %get3A_2368 = arith.index_cast %get3A_2367 : i32 to index
      %get3A_2369 = arith.constant 464 : index
      %get3A_2370 = tpu.vector_load %arg4[%get3A_2368, %get3A_2369] {strides = array<i32>} : memref<6x768xi32, #tpu.memory_space<vmem>>, vector<16xi32>,
      %bitcast3A_2371 = vector.bitcast %get3A_2370 : vector<16xi32> to vector<16xf32>
      %mul3A_2372 = arith.constant 8 : i32
      %mul3A_2373 = vector.broadcast %mul3A_2372 : i32 to vector<16xi32>
      %mul3A_2374 = arith.muli %get3A_2362, %mul3A_2373 : vector<16xi32>
      %add3A_2375 = arith.constant 2048 : i32
      %add3A_2376 = vector.broadcast %add3A_2375 : i32 to vector<16xi32>
      %add3A_2377 = arith.addi %add3A_2376, %mul3A_2374 : vector<16xi32>
      %sub3A_2378 = arith.subi %get3A_2366, %get3A_2362 : vector<16xi32>
      %add3A_2379 = arith.constant 1 : i32
      %add3A_2380 = vector.broadcast %add3A_2379 : i32 to vector<16xi32>
      %add3A_2381 = arith.addi %sub3A_2378, %add3A_2380 : vector<16xi32>
      %add3A_2382 = arith.addi %add3A_2377, %add3A_2381 : vector<16xi32>
      tpu.vector_store_idx %arg5[%add3A_2382], %bitcast3A_2371 : memref<4096xf32, #tpu.memory_space<vmem>>[vector<16xi32>], vector<16xf32>,
      %get3A_2383 = arith.constant 3 : i32
      %get3A_2384 = arith.index_cast %get3A_2383 : i32 to index
      %get3A_2385 = arith.constant 480 : index
      %get3A_2386 = tpu.vector_load %arg4[%get3A_2384, %get3A_2385] {strides = array<i32>} : memref<6x768xi32, #tpu.memory_space<vmem>>, vector<16xi32>,
      %get3A_2387 = arith.constant 4 : i32
      %get3A_2388 = arith.index_cast %get3A_2387 : i32 to index
      %get3A_2389 = arith.constant 480 : index
      %get3A_2390 = tpu.vector_load %arg4[%get3A_2388, %get3A_2389] {strides = array<i32>} : memref<6x768xi32, #tpu.memory_space<vmem>>, vector<16xi32>,
      %get3A_2391 = arith.constant 5 : i32
      %get3A_2392 = arith.index_cast %get3A_2391 : i32 to index
      %get3A_2393 = arith.constant 480 : index
      %get3A_2394 = tpu.vector_load %arg4[%get3A_2392, %get3A_2393] {strides = array<i32>} : memref<6x768xi32, #tpu.memory_space<vmem>>, vector<16xi32>,
      %bitcast3A_2395 = vector.bitcast %get3A_2394 : vector<16xi32> to vector<16xf32>
      %mul3A_2396 = arith.constant 8 : i32
      %mul3A_2397 = vector.broadcast %mul3A_2396 : i32 to vector<16xi32>
      %mul3A_2398 = arith.muli %get3A_2386, %mul3A_2397 : vector<16xi32>
      %add3A_2399 = arith.constant 2048 : i32
      %add3A_2400 = vector.broadcast %add3A_2399 : i32 to vector<16xi32>
      %add3A_2401 = arith.addi %add3A_2400, %mul3A_2398 : vector<16xi32>
      %sub3A_2402 = arith.subi %get3A_2390, %get3A_2386 : vector<16xi32>
      %add3A_2403 = arith.constant 1 : i32
      %add3A_2404 = vector.broadcast %add3A_2403 : i32 to vector<16xi32>
      %add3A_2405 = arith.addi %sub3A_2402, %add3A_2404 : vector<16xi32>
      %add3A_2406 = arith.addi %add3A_2401, %add3A_2405 : vector<16xi32>
      tpu.vector_store_idx %arg5[%add3A_2406], %bitcast3A_2395 : memref<4096xf32, #tpu.memory_space<vmem>>[vector<16xi32>], vector<16xf32>,
      %get3A_2407 = arith.constant 3 : i32
      %get3A_2408 = arith.index_cast %get3A_2407 : i32 to index
      %get3A_2409 = arith.constant 496 : index
      %get3A_2410 = tpu.vector_load %arg4[%get3A_2408, %get3A_2409] {strides = array<i32>} : memref<6x768xi32, #tpu.memory_space<vmem>>, vector<16xi32>,
      %get3A_2411 = arith.constant 4 : i32
      %get3A_2412 = arith.index_cast %get3A_2411 : i32 to index
      %get3A_2413 = arith.constant 496 : index
      %get3A_2414 = tpu.vector_load %arg4[%get3A_2412, %get3A_2413] {strides = array<i32>} : memref<6x768xi32, #tpu.memory_space<vmem>>, vector<16xi32>,
      %get3A_2415 = arith.constant 5 : i32
      %get3A_2416 = arith.index_cast %get3A_2415 : i32 to index
      %get3A_2417 = arith.constant 496 : index
      %get3A_2418 = tpu.vector_load %arg4[%get3A_2416, %get3A_2417] {strides = array<i32>} : memref<6x768xi32, #tpu.memory_space<vmem>>, vector<16xi32>,
      %bitcast3A_2419 = vector.bitcast %get3A_2418 : vector<16xi32> to vector<16xf32>
      %mul3A_2420 = arith.constant 8 : i32
      %mul3A_2421 = vector.broadcast %mul3A_2420 : i32 to vector<16xi32>
      %mul3A_2422 = arith.muli %get3A_2410, %mul3A_2421 : vector<16xi32>
      %add3A_2423 = arith.constant 2048 : i32
      %add3A_2424 = vector.broadcast %add3A_2423 : i32 to vector<16xi32>
      %add3A_2425 = arith.addi %add3A_2424, %mul3A_2422 : vector<16xi32>
      %sub3A_2426 = arith.subi %get3A_2414, %get3A_2410 : vector<16xi32>
      %add3A_2427 = arith.constant 1 : i32
      %add3A_2428 = vector.broadcast %add3A_2427 : i32 to vector<16xi32>
      %add3A_2429 = arith.addi %sub3A_2426, %add3A_2428 : vector<16xi32>
      %add3A_2430 = arith.addi %add3A_2425, %add3A_2429 : vector<16xi32>
      tpu.vector_store_idx %arg5[%add3A_2430], %bitcast3A_2419 : memref<4096xf32, #tpu.memory_space<vmem>>[vector<16xi32>], vector<16xf32>,
      %get3A_2431 = arith.constant 3 : i32
      %get3A_2432 = arith.index_cast %get3A_2431 : i32 to index
      %get3A_2433 = arith.constant 512 : index
      %get3A_2434 = tpu.vector_load %arg4[%get3A_2432, %get3A_2433] {strides = array<i32>} : memref<6x768xi32, #tpu.memory_space<vmem>>, vector<16xi32>,
      %get3A_2435 = arith.constant 4 : i32
      %get3A_2436 = arith.index_cast %get3A_2435 : i32 to index
      %get3A_2437 = arith.constant 512 : index
      %get3A_2438 = tpu.vector_load %arg4[%get3A_2436, %get3A_2437] {strides = array<i32>} : memref<6x768xi32, #tpu.memory_space<vmem>>, vector<16xi32>,
      %get3A_2439 = arith.constant 5 : i32
      %get3A_2440 = arith.index_cast %get3A_2439 : i32 to index
      %get3A_2441 = arith.constant 512 : index
      %get3A_2442 = tpu.vector_load %arg4[%get3A_2440, %get3A_2441] {strides = array<i32>} : memref<6x768xi32, #tpu.memory_space<vmem>>, vector<16xi32>,
      %bitcast3A_2443 = vector.bitcast %get3A_2442 : vector<16xi32> to vector<16xf32>
      %mul3A_2444 = arith.constant 8 : i32
      %mul3A_2445 = vector.broadcast %mul3A_2444 : i32 to vector<16xi32>
      %mul3A_2446 = arith.muli %get3A_2434, %mul3A_2445 : vector<16xi32>
      %add3A_2447 = arith.constant 2048 : i32
      %add3A_2448 = vector.broadcast %add3A_2447 : i32 to vector<16xi32>
      %add3A_2449 = arith.addi %add3A_2448, %mul3A_2446 : vector<16xi32>
      %sub3A_2450 = arith.subi %get3A_2438, %get3A_2434 : vector<16xi32>
      %add3A_2451 = arith.constant 1 : i32
      %add3A_2452 = vector.broadcast %add3A_2451 : i32 to vector<16xi32>
      %add3A_2453 = arith.addi %sub3A_2450, %add3A_2452 : vector<16xi32>
      %add3A_2454 = arith.addi %add3A_2449, %add3A_2453 : vector<16xi32>
      tpu.vector_store_idx %arg5[%add3A_2454], %bitcast3A_2443 : memref<4096xf32, #tpu.memory_space<vmem>>[vector<16xi32>], vector<16xf32>,
      %get3A_2455 = arith.constant 3 : i32
      %get3A_2456 = arith.index_cast %get3A_2455 : i32 to index
      %get3A_2457 = arith.constant 528 : index
      %get3A_2458 = tpu.vector_load %arg4[%get3A_2456, %get3A_2457] {strides = array<i32>} : memref<6x768xi32, #tpu.memory_space<vmem>>, vector<16xi32>,
      %get3A_2459 = arith.constant 4 : i32
      %get3A_2460 = arith.index_cast %get3A_2459 : i32 to index
      %get3A_2461 = arith.constant 528 : index
      %get3A_2462 = tpu.vector_load %arg4[%get3A_2460, %get3A_2461] {strides = array<i32>} : memref<6x768xi32, #tpu.memory_space<vmem>>, vector<16xi32>,
      %get3A_2463 = arith.constant 5 : i32
      %get3A_2464 = arith.index_cast %get3A_2463 : i32 to index
      %get3A_2465 = arith.constant 528 : index
      %get3A_2466 = tpu.vector_load %arg4[%get3A_2464, %get3A_2465] {strides = array<i32>} : memref<6x768xi32, #tpu.memory_space<vmem>>, vector<16xi32>,
      %bitcast3A_2467 = vector.bitcast %get3A_2466 : vector<16xi32> to vector<16xf32>
      %mul3A_2468 = arith.constant 8 : i32
      %mul3A_2469 = vector.broadcast %mul3A_2468 : i32 to vector<16xi32>
      %mul3A_2470 = arith.muli %get3A_2458, %mul3A_2469 : vector<16xi32>
      %add3A_2471 = arith.constant 2048 : i32
      %add3A_2472 = vector.broadcast %add3A_2471 : i32 to vector<16xi32>
      %add3A_2473 = arith.addi %add3A_2472, %mul3A_2470 : vector<16xi32>
      %sub3A_2474 = arith.subi %get3A_2462, %get3A_2458 : vector<16xi32>
      %add3A_2475 = arith.constant 1 : i32
      %add3A_2476 = vector.broadcast %add3A_2475 : i32 to vector<16xi32>
      %add3A_2477 = arith.addi %sub3A_2474, %add3A_2476 : vector<16xi32>
      %add3A_2478 = arith.addi %add3A_2473, %add3A_2477 : vector<16xi32>
      tpu.vector_store_idx %arg5[%add3A_2478], %bitcast3A_2467 : memref<4096xf32, #tpu.memory_space<vmem>>[vector<16xi32>], vector<16xf32>,
      %get3A_2479 = arith.constant 3 : i32
      %get3A_2480 = arith.index_cast %get3A_2479 : i32 to index
      %get3A_2481 = arith.constant 544 : index
      %get3A_2482 = tpu.vector_load %arg4[%get3A_2480, %get3A_2481] {strides = array<i32>} : memref<6x768xi32, #tpu.memory_space<vmem>>, vector<16xi32>,
      %get3A_2483 = arith.constant 4 : i32
      %get3A_2484 = arith.index_cast %get3A_2483 : i32 to index
      %get3A_2485 = arith.constant 544 : index
      %get3A_2486 = tpu.vector_load %arg4[%get3A_2484, %get3A_2485] {strides = array<i32>} : memref<6x768xi32, #tpu.memory_space<vmem>>, vector<16xi32>,
      %get3A_2487 = arith.constant 5 : i32
      %get3A_2488 = arith.index_cast %get3A_2487 : i32 to index
      %get3A_2489 = arith.constant 544 : index
      %get3A_2490 = tpu.vector_load %arg4[%get3A_2488, %get3A_2489] {strides = array<i32>} : memref<6x768xi32, #tpu.memory_space<vmem>>, vector<16xi32>,
      %bitcast3A_2491 = vector.bitcast %get3A_2490 : vector<16xi32> to vector<16xf32>
      %mul3A_2492 = arith.constant 8 : i32
      %mul3A_2493 = vector.broadcast %mul3A_2492 : i32 to vector<16xi32>
      %mul3A_2494 = arith.muli %get3A_2482, %mul3A_2493 : vector<16xi32>
      %add3A_2495 = arith.constant 2048 : i32
      %add3A_2496 = vector.broadcast %add3A_2495 : i32 to vector<16xi32>
      %add3A_2497 = arith.addi %add3A_2496, %mul3A_2494 : vector<16xi32>
      %sub3A_2498 = arith.subi %get3A_2486, %get3A_2482 : vector<16xi32>
      %add3A_2499 = arith.constant 1 : i32
      %add3A_2500 = vector.broadcast %add3A_2499 : i32 to vector<16xi32>
      %add3A_2501 = arith.addi %sub3A_2498, %add3A_2500 : vector<16xi32>
      %add3A_2502 = arith.addi %add3A_2497, %add3A_2501 : vector<16xi32>
      tpu.vector_store_idx %arg5[%add3A_2502], %bitcast3A_2491 : memref<4096xf32, #tpu.memory_space<vmem>>[vector<16xi32>], vector<16xf32>,
      %get3A_2503 = arith.constant 3 : i32
      %get3A_2504 = arith.index_cast %get3A_2503 : i32 to index
      %get3A_2505 = arith.constant 560 : index
      %get3A_2506 = tpu.vector_load %arg4[%get3A_2504, %get3A_2505] {strides = array<i32>} : memref<6x768xi32, #tpu.memory_space<vmem>>, vector<16xi32>,
      %get3A_2507 = arith.constant 4 : i32
      %get3A_2508 = arith.index_cast %get3A_2507 : i32 to index
      %get3A_2509 = arith.constant 560 : index
      %get3A_2510 = tpu.vector_load %arg4[%get3A_2508, %get3A_2509] {strides = array<i32>} : memref<6x768xi32, #tpu.memory_space<vmem>>, vector<16xi32>,
      %get3A_2511 = arith.constant 5 : i32
      %get3A_2512 = arith.index_cast %get3A_2511 : i32 to index
      %get3A_2513 = arith.constant 560 : index
      %get3A_2514 = tpu.vector_load %arg4[%get3A_2512, %get3A_2513] {strides = array<i32>} : memref<6x768xi32, #tpu.memory_space<vmem>>, vector<16xi32>,
      %bitcast3A_2515 = vector.bitcast %get3A_2514 : vector<16xi32> to vector<16xf32>
      %mul3A_2516 = arith.constant 8 : i32
      %mul3A_2517 = vector.broadcast %mul3A_2516 : i32 to vector<16xi32>
      %mul3A_2518 = arith.muli %get3A_2506, %mul3A_2517 : vector<16xi32>
      %add3A_2519 = arith.constant 2048 : i32
      %add3A_2520 = vector.broadcast %add3A_2519 : i32 to vector<16xi32>
      %add3A_2521 = arith.addi %add3A_2520, %mul3A_2518 : vector<16xi32>
      %sub3A_2522 = arith.subi %get3A_2510, %get3A_2506 : vector<16xi32>
      %add3A_2523 = arith.constant 1 : i32
      %add3A_2524 = vector.broadcast %add3A_2523 : i32 to vector<16xi32>
      %add3A_2525 = arith.addi %sub3A_2522, %add3A_2524 : vector<16xi32>
      %add3A_2526 = arith.addi %add3A_2521, %add3A_2525 : vector<16xi32>
      tpu.vector_store_idx %arg5[%add3A_2526], %bitcast3A_2515 : memref<4096xf32, #tpu.memory_space<vmem>>[vector<16xi32>], vector<16xf32>,
      %get3A_2527 = arith.constant 3 : i32
      %get3A_2528 = arith.index_cast %get3A_2527 : i32 to index
      %get3A_2529 = arith.constant 576 : index
      %get3A_2530 = tpu.vector_load %arg4[%get3A_2528, %get3A_2529] {strides = array<i32>} : memref<6x768xi32, #tpu.memory_space<vmem>>, vector<16xi32>,
      %get3A_2531 = arith.constant 4 : i32
      %get3A_2532 = arith.index_cast %get3A_2531 : i32 to index
      %get3A_2533 = arith.constant 576 : index
      %get3A_2534 = tpu.vector_load %arg4[%get3A_2532, %get3A_2533] {strides = array<i32>} : memref<6x768xi32, #tpu.memory_space<vmem>>, vector<16xi32>,
      %get3A_2535 = arith.constant 5 : i32
      %get3A_2536 = arith.index_cast %get3A_2535 : i32 to index
      %get3A_2537 = arith.constant 576 : index
      %get3A_2538 = tpu.vector_load %arg4[%get3A_2536, %get3A_2537] {strides = array<i32>} : memref<6x768xi32, #tpu.memory_space<vmem>>, vector<16xi32>,
      %bitcast3A_2539 = vector.bitcast %get3A_2538 : vector<16xi32> to vector<16xf32>
      %mul3A_2540 = arith.constant 8 : i32
      %mul3A_2541 = vector.broadcast %mul3A_2540 : i32 to vector<16xi32>
      %mul3A_2542 = arith.muli %get3A_2530, %mul3A_2541 : vector<16xi32>
      %add3A_2543 = arith.constant 2048 : i32
      %add3A_2544 = vector.broadcast %add3A_2543 : i32 to vector<16xi32>
      %add3A_2545 = arith.addi %add3A_2544, %mul3A_2542 : vector<16xi32>
      %sub3A_2546 = arith.subi %get3A_2534, %get3A_2530 : vector<16xi32>
      %add3A_2547 = arith.constant 1 : i32
      %add3A_2548 = vector.broadcast %add3A_2547 : i32 to vector<16xi32>
      %add3A_2549 = arith.addi %sub3A_2546, %add3A_2548 : vector<16xi32>
      %add3A_2550 = arith.addi %add3A_2545, %add3A_2549 : vector<16xi32>
      tpu.vector_store_idx %arg5[%add3A_2550], %bitcast3A_2539 : memref<4096xf32, #tpu.memory_space<vmem>>[vector<16xi32>], vector<16xf32>,
      %get3A_2551 = arith.constant 3 : i32
      %get3A_2552 = arith.index_cast %get3A_2551 : i32 to index
      %get3A_2553 = arith.constant 592 : index
      %get3A_2554 = tpu.vector_load %arg4[%get3A_2552, %get3A_2553] {strides = array<i32>} : memref<6x768xi32, #tpu.memory_space<vmem>>, vector<16xi32>,
      %get3A_2555 = arith.constant 4 : i32
      %get3A_2556 = arith.index_cast %get3A_2555 : i32 to index
      %get3A_2557 = arith.constant 592 : index
      %get3A_2558 = tpu.vector_load %arg4[%get3A_2556, %get3A_2557] {strides = array<i32>} : memref<6x768xi32, #tpu.memory_space<vmem>>, vector<16xi32>,
      %get3A_2559 = arith.constant 5 : i32
      %get3A_2560 = arith.index_cast %get3A_2559 : i32 to index
      %get3A_2561 = arith.constant 592 : index
      %get3A_2562 = tpu.vector_load %arg4[%get3A_2560, %get3A_2561] {strides = array<i32>} : memref<6x768xi32, #tpu.memory_space<vmem>>, vector<16xi32>,
      %bitcast3A_2563 = vector.bitcast %get3A_2562 : vector<16xi32> to vector<16xf32>
      %mul3A_2564 = arith.constant 8 : i32
      %mul3A_2565 = vector.broadcast %mul3A_2564 : i32 to vector<16xi32>
      %mul3A_2566 = arith.muli %get3A_2554, %mul3A_2565 : vector<16xi32>
      %add3A_2567 = arith.constant 2048 : i32
      %add3A_2568 = vector.broadcast %add3A_2567 : i32 to vector<16xi32>
      %add3A_2569 = arith.addi %add3A_2568, %mul3A_2566 : vector<16xi32>
      %sub3A_2570 = arith.subi %get3A_2558, %get3A_2554 : vector<16xi32>
      %add3A_2571 = arith.constant 1 : i32
      %add3A_2572 = vector.broadcast %add3A_2571 : i32 to vector<16xi32>
      %add3A_2573 = arith.addi %sub3A_2570, %add3A_2572 : vector<16xi32>
      %add3A_2574 = arith.addi %add3A_2569, %add3A_2573 : vector<16xi32>
      tpu.vector_store_idx %arg5[%add3A_2574], %bitcast3A_2563 : memref<4096xf32, #tpu.memory_space<vmem>>[vector<16xi32>], vector<16xf32>,
      %get3A_2575 = arith.constant 3 : i32
      %get3A_2576 = arith.index_cast %get3A_2575 : i32 to index
      %get3A_2577 = arith.constant 608 : index
      %get3A_2578 = tpu.vector_load %arg4[%get3A_2576, %get3A_2577] {strides = array<i32>} : memref<6x768xi32, #tpu.memory_space<vmem>>, vector<16xi32>,
      %get3A_2579 = arith.constant 4 : i32
      %get3A_2580 = arith.index_cast %get3A_2579 : i32 to index
      %get3A_2581 = arith.constant 608 : index
      %get3A_2582 = tpu.vector_load %arg4[%get3A_2580, %get3A_2581] {strides = array<i32>} : memref<6x768xi32, #tpu.memory_space<vmem>>, vector<16xi32>,
      %get3A_2583 = arith.constant 5 : i32
      %get3A_2584 = arith.index_cast %get3A_2583 : i32 to index
      %get3A_2585 = arith.constant 608 : index
      %get3A_2586 = tpu.vector_load %arg4[%get3A_2584, %get3A_2585] {strides = array<i32>} : memref<6x768xi32, #tpu.memory_space<vmem>>, vector<16xi32>,
      %bitcast3A_2587 = vector.bitcast %get3A_2586 : vector<16xi32> to vector<16xf32>
      %mul3A_2588 = arith.constant 8 : i32
      %mul3A_2589 = vector.broadcast %mul3A_2588 : i32 to vector<16xi32>
      %mul3A_2590 = arith.muli %get3A_2578, %mul3A_2589 : vector<16xi32>
      %add3A_2591 = arith.constant 2048 : i32
      %add3A_2592 = vector.broadcast %add3A_2591 : i32 to vector<16xi32>
      %add3A_2593 = arith.addi %add3A_2592, %mul3A_2590 : vector<16xi32>
      %sub3A_2594 = arith.subi %get3A_2582, %get3A_2578 : vector<16xi32>
      %add3A_2595 = arith.constant 1 : i32
      %add3A_2596 = vector.broadcast %add3A_2595 : i32 to vector<16xi32>
      %add3A_2597 = arith.addi %sub3A_2594, %add3A_2596 : vector<16xi32>
      %add3A_2598 = arith.addi %add3A_2593, %add3A_2597 : vector<16xi32>
      tpu.vector_store_idx %arg5[%add3A_2598], %bitcast3A_2587 : memref<4096xf32, #tpu.memory_space<vmem>>[vector<16xi32>], vector<16xf32>,
      %get3A_2599 = arith.constant 3 : i32
      %get3A_2600 = arith.index_cast %get3A_2599 : i32 to index
      %get3A_2601 = arith.constant 624 : index
      %get3A_2602 = tpu.vector_load %arg4[%get3A_2600, %get3A_2601] {strides = array<i32>} : memref<6x768xi32, #tpu.memory_space<vmem>>, vector<16xi32>,
      %get3A_2603 = arith.constant 4 : i32
      %get3A_2604 = arith.index_cast %get3A_2603 : i32 to index
      %get3A_2605 = arith.constant 624 : index
      %get3A_2606 = tpu.vector_load %arg4[%get3A_2604, %get3A_2605] {strides = array<i32>} : memref<6x768xi32, #tpu.memory_space<vmem>>, vector<16xi32>,
      %get3A_2607 = arith.constant 5 : i32
      %get3A_2608 = arith.index_cast %get3A_2607 : i32 to index
      %get3A_2609 = arith.constant 624 : index
      %get3A_2610 = tpu.vector_load %arg4[%get3A_2608, %get3A_2609] {strides = array<i32>} : memref<6x768xi32, #tpu.memory_space<vmem>>, vector<16xi32>,
      %bitcast3A_2611 = vector.bitcast %get3A_2610 : vector<16xi32> to vector<16xf32>
      %mul3A_2612 = arith.constant 8 : i32
      %mul3A_2613 = vector.broadcast %mul3A_2612 : i32 to vector<16xi32>
      %mul3A_2614 = arith.muli %get3A_2602, %mul3A_2613 : vector<16xi32>
      %add3A_2615 = arith.constant 2048 : i32
      %add3A_2616 = vector.broadcast %add3A_2615 : i32 to vector<16xi32>
      %add3A_2617 = arith.addi %add3A_2616, %mul3A_2614 : vector<16xi32>
      %sub3A_2618 = arith.subi %get3A_2606, %get3A_2602 : vector<16xi32>
      %add3A_2619 = arith.constant 1 : i32
      %add3A_2620 = vector.broadcast %add3A_2619 : i32 to vector<16xi32>
      %add3A_2621 = arith.addi %sub3A_2618, %add3A_2620 : vector<16xi32>
      %add3A_2622 = arith.addi %add3A_2617, %add3A_2621 : vector<16xi32>
      tpu.vector_store_idx %arg5[%add3A_2622], %bitcast3A_2611 : memref<4096xf32, #tpu.memory_space<vmem>>[vector<16xi32>], vector<16xf32>,
      %get3A_2623 = arith.constant 3 : i32
      %get3A_2624 = arith.index_cast %get3A_2623 : i32 to index
      %get3A_2625 = arith.constant 640 : index
      %get3A_2626 = tpu.vector_load %arg4[%get3A_2624, %get3A_2625] {strides = array<i32>} : memref<6x768xi32, #tpu.memory_space<vmem>>, vector<16xi32>,
      %get3A_2627 = arith.constant 4 : i32
      %get3A_2628 = arith.index_cast %get3A_2627 : i32 to index
      %get3A_2629 = arith.constant 640 : index
      %get3A_2630 = tpu.vector_load %arg4[%get3A_2628, %get3A_2629] {strides = array<i32>} : memref<6x768xi32, #tpu.memory_space<vmem>>, vector<16xi32>,
      %get3A_2631 = arith.constant 5 : i32
      %get3A_2632 = arith.index_cast %get3A_2631 : i32 to index
      %get3A_2633 = arith.constant 640 : index
      %get3A_2634 = tpu.vector_load %arg4[%get3A_2632, %get3A_2633] {strides = array<i32>} : memref<6x768xi32, #tpu.memory_space<vmem>>, vector<16xi32>,
      %bitcast3A_2635 = vector.bitcast %get3A_2634 : vector<16xi32> to vector<16xf32>
      %mul3A_2636 = arith.constant 8 : i32
      %mul3A_2637 = vector.broadcast %mul3A_2636 : i32 to vector<16xi32>
      %mul3A_2638 = arith.muli %get3A_2626, %mul3A_2637 : vector<16xi32>
      %add3A_2639 = arith.constant 2048 : i32
      %add3A_2640 = vector.broadcast %add3A_2639 : i32 to vector<16xi32>
      %add3A_2641 = arith.addi %add3A_2640, %mul3A_2638 : vector<16xi32>
      %sub3A_2642 = arith.subi %get3A_2630, %get3A_2626 : vector<16xi32>
      %add3A_2643 = arith.constant 1 : i32
      %add3A_2644 = vector.broadcast %add3A_2643 : i32 to vector<16xi32>
      %add3A_2645 = arith.addi %sub3A_2642, %add3A_2644 : vector<16xi32>
      %add3A_2646 = arith.addi %add3A_2641, %add3A_2645 : vector<16xi32>
      tpu.vector_store_idx %arg5[%add3A_2646], %bitcast3A_2635 : memref<4096xf32, #tpu.memory_space<vmem>>[vector<16xi32>], vector<16xf32>,
      %get3A_2647 = arith.constant 3 : i32
      %get3A_2648 = arith.index_cast %get3A_2647 : i32 to index
      %get3A_2649 = arith.constant 656 : index
      %get3A_2650 = tpu.vector_load %arg4[%get3A_2648, %get3A_2649] {strides = array<i32>} : memref<6x768xi32, #tpu.memory_space<vmem>>, vector<16xi32>,
      %get3A_2651 = arith.constant 4 : i32
      %get3A_2652 = arith.index_cast %get3A_2651 : i32 to index
      %get3A_2653 = arith.constant 656 : index
      %get3A_2654 = tpu.vector_load %arg4[%get3A_2652, %get3A_2653] {strides = array<i32>} : memref<6x768xi32, #tpu.memory_space<vmem>>, vector<16xi32>,
      %get3A_2655 = arith.constant 5 : i32
      %get3A_2656 = arith.index_cast %get3A_2655 : i32 to index
      %get3A_2657 = arith.constant 656 : index
      %get3A_2658 = tpu.vector_load %arg4[%get3A_2656, %get3A_2657] {strides = array<i32>} : memref<6x768xi32, #tpu.memory_space<vmem>>, vector<16xi32>,
      %bitcast3A_2659 = vector.bitcast %get3A_2658 : vector<16xi32> to vector<16xf32>
      %mul3A_2660 = arith.constant 8 : i32
      %mul3A_2661 = vector.broadcast %mul3A_2660 : i32 to vector<16xi32>
      %mul3A_2662 = arith.muli %get3A_2650, %mul3A_2661 : vector<16xi32>
      %add3A_2663 = arith.constant 2048 : i32
      %add3A_2664 = vector.broadcast %add3A_2663 : i32 to vector<16xi32>
      %add3A_2665 = arith.addi %add3A_2664, %mul3A_2662 : vector<16xi32>
      %sub3A_2666 = arith.subi %get3A_2654, %get3A_2650 : vector<16xi32>
      %add3A_2667 = arith.constant 1 : i32
      %add3A_2668 = vector.broadcast %add3A_2667 : i32 to vector<16xi32>
      %add3A_2669 = arith.addi %sub3A_2666, %add3A_2668 : vector<16xi32>
      %add3A_2670 = arith.addi %add3A_2665, %add3A_2669 : vector<16xi32>
      tpu.vector_store_idx %arg5[%add3A_2670], %bitcast3A_2659 : memref<4096xf32, #tpu.memory_space<vmem>>[vector<16xi32>], vector<16xf32>,
      %get3A_2671 = arith.constant 3 : i32
      %get3A_2672 = arith.index_cast %get3A_2671 : i32 to index
      %get3A_2673 = arith.constant 672 : index
      %get3A_2674 = tpu.vector_load %arg4[%get3A_2672, %get3A_2673] {strides = array<i32>} : memref<6x768xi32, #tpu.memory_space<vmem>>, vector<16xi32>,
      %get3A_2675 = arith.constant 4 : i32
      %get3A_2676 = arith.index_cast %get3A_2675 : i32 to index
      %get3A_2677 = arith.constant 672 : index
      %get3A_2678 = tpu.vector_load %arg4[%get3A_2676, %get3A_2677] {strides = array<i32>} : memref<6x768xi32, #tpu.memory_space<vmem>>, vector<16xi32>,
      %get3A_2679 = arith.constant 5 : i32
      %get3A_2680 = arith.index_cast %get3A_2679 : i32 to index
      %get3A_2681 = arith.constant 672 : index
      %get3A_2682 = tpu.vector_load %arg4[%get3A_2680, %get3A_2681] {strides = array<i32>} : memref<6x768xi32, #tpu.memory_space<vmem>>, vector<16xi32>,
      %bitcast3A_2683 = vector.bitcast %get3A_2682 : vector<16xi32> to vector<16xf32>
      %mul3A_2684 = arith.constant 8 : i32
      %mul3A_2685 = vector.broadcast %mul3A_2684 : i32 to vector<16xi32>
      %mul3A_2686 = arith.muli %get3A_2674, %mul3A_2685 : vector<16xi32>
      %add3A_2687 = arith.constant 2048 : i32
      %add3A_2688 = vector.broadcast %add3A_2687 : i32 to vector<16xi32>
      %add3A_2689 = arith.addi %add3A_2688, %mul3A_2686 : vector<16xi32>
      %sub3A_2690 = arith.subi %get3A_2678, %get3A_2674 : vector<16xi32>
      %add3A_2691 = arith.constant 1 : i32
      %add3A_2692 = vector.broadcast %add3A_2691 : i32 to vector<16xi32>
      %add3A_2693 = arith.addi %sub3A_2690, %add3A_2692 : vector<16xi32>
      %add3A_2694 = arith.addi %add3A_2689, %add3A_2693 : vector<16xi32>
      tpu.vector_store_idx %arg5[%add3A_2694], %bitcast3A_2683 : memref<4096xf32, #tpu.memory_space<vmem>>[vector<16xi32>], vector<16xf32>,
      %get3A_2695 = arith.constant 3 : i32
      %get3A_2696 = arith.index_cast %get3A_2695 : i32 to index
      %get3A_2697 = arith.constant 688 : index
      %get3A_2698 = tpu.vector_load %arg4[%get3A_2696, %get3A_2697] {strides = array<i32>} : memref<6x768xi32, #tpu.memory_space<vmem>>, vector<16xi32>,
      %get3A_2699 = arith.constant 4 : i32
      %get3A_2700 = arith.index_cast %get3A_2699 : i32 to index
      %get3A_2701 = arith.constant 688 : index
      %get3A_2702 = tpu.vector_load %arg4[%get3A_2700, %get3A_2701] {strides = array<i32>} : memref<6x768xi32, #tpu.memory_space<vmem>>, vector<16xi32>,
      %get3A_2703 = arith.constant 5 : i32
      %get3A_2704 = arith.index_cast %get3A_2703 : i32 to index
      %get3A_2705 = arith.constant 688 : index
      %get3A_2706 = tpu.vector_load %arg4[%get3A_2704, %get3A_2705] {strides = array<i32>} : memref<6x768xi32, #tpu.memory_space<vmem>>, vector<16xi32>,
      %bitcast3A_2707 = vector.bitcast %get3A_2706 : vector<16xi32> to vector<16xf32>
      %mul3A_2708 = arith.constant 8 : i32
      %mul3A_2709 = vector.broadcast %mul3A_2708 : i32 to vector<16xi32>
      %mul3A_2710 = arith.muli %get3A_2698, %mul3A_2709 : vector<16xi32>
      %add3A_2711 = arith.constant 2048 : i32
      %add3A_2712 = vector.broadcast %add3A_2711 : i32 to vector<16xi32>
      %add3A_2713 = arith.addi %add3A_2712, %mul3A_2710 : vector<16xi32>
      %sub3A_2714 = arith.subi %get3A_2702, %get3A_2698 : vector<16xi32>
      %add3A_2715 = arith.constant 1 : i32
      %add3A_2716 = vector.broadcast %add3A_2715 : i32 to vector<16xi32>
      %add3A_2717 = arith.addi %sub3A_2714, %add3A_2716 : vector<16xi32>
      %add3A_2718 = arith.addi %add3A_2713, %add3A_2717 : vector<16xi32>
      tpu.vector_store_idx %arg5[%add3A_2718], %bitcast3A_2707 : memref<4096xf32, #tpu.memory_space<vmem>>[vector<16xi32>], vector<16xf32>,
      %get3A_2719 = arith.constant 3 : i32
      %get3A_2720 = arith.index_cast %get3A_2719 : i32 to index
      %get3A_2721 = arith.constant 704 : index
      %get3A_2722 = tpu.vector_load %arg4[%get3A_2720, %get3A_2721] {strides = array<i32>} : memref<6x768xi32, #tpu.memory_space<vmem>>, vector<16xi32>,
      %get3A_2723 = arith.constant 4 : i32
      %get3A_2724 = arith.index_cast %get3A_2723 : i32 to index
      %get3A_2725 = arith.constant 704 : index
      %get3A_2726 = tpu.vector_load %arg4[%get3A_2724, %get3A_2725] {strides = array<i32>} : memref<6x768xi32, #tpu.memory_space<vmem>>, vector<16xi32>,
      %get3A_2727 = arith.constant 5 : i32
      %get3A_2728 = arith.index_cast %get3A_2727 : i32 to index
      %get3A_2729 = arith.constant 704 : index
      %get3A_2730 = tpu.vector_load %arg4[%get3A_2728, %get3A_2729] {strides = array<i32>} : memref<6x768xi32, #tpu.memory_space<vmem>>, vector<16xi32>,
      %bitcast3A_2731 = vector.bitcast %get3A_2730 : vector<16xi32> to vector<16xf32>
      %mul3A_2732 = arith.constant 8 : i32
      %mul3A_2733 = vector.broadcast %mul3A_2732 : i32 to vector<16xi32>
      %mul3A_2734 = arith.muli %get3A_2722, %mul3A_2733 : vector<16xi32>
      %add3A_2735 = arith.constant 2048 : i32
      %add3A_2736 = vector.broadcast %add3A_2735 : i32 to vector<16xi32>
      %add3A_2737 = arith.addi %add3A_2736, %mul3A_2734 : vector<16xi32>
      %sub3A_2738 = arith.subi %get3A_2726, %get3A_2722 : vector<16xi32>
      %add3A_2739 = arith.constant 1 : i32
      %add3A_2740 = vector.broadcast %add3A_2739 : i32 to vector<16xi32>
      %add3A_2741 = arith.addi %sub3A_2738, %add3A_2740 : vector<16xi32>
      %add3A_2742 = arith.addi %add3A_2737, %add3A_2741 : vector<16xi32>
      tpu.vector_store_idx %arg5[%add3A_2742], %bitcast3A_2731 : memref<4096xf32, #tpu.memory_space<vmem>>[vector<16xi32>], vector<16xf32>,
      %get3A_2743 = arith.constant 3 : i32
      %get3A_2744 = arith.index_cast %get3A_2743 : i32 to index
      %get3A_2745 = arith.constant 720 : index
      %get3A_2746 = tpu.vector_load %arg4[%get3A_2744, %get3A_2745] {strides = array<i32>} : memref<6x768xi32, #tpu.memory_space<vmem>>, vector<16xi32>,
      %get3A_2747 = arith.constant 4 : i32
      %get3A_2748 = arith.index_cast %get3A_2747 : i32 to index
      %get3A_2749 = arith.constant 720 : index
      %get3A_2750 = tpu.vector_load %arg4[%get3A_2748, %get3A_2749] {strides = array<i32>} : memref<6x768xi32, #tpu.memory_space<vmem>>, vector<16xi32>,
      %get3A_2751 = arith.constant 5 : i32
      %get3A_2752 = arith.index_cast %get3A_2751 : i32 to index
      %get3A_2753 = arith.constant 720 : index
      %get3A_2754 = tpu.vector_load %arg4[%get3A_2752, %get3A_2753] {strides = array<i32>} : memref<6x768xi32, #tpu.memory_space<vmem>>, vector<16xi32>,
      %bitcast3A_2755 = vector.bitcast %get3A_2754 : vector<16xi32> to vector<16xf32>
      %mul3A_2756 = arith.constant 8 : i32
      %mul3A_2757 = vector.broadcast %mul3A_2756 : i32 to vector<16xi32>
      %mul3A_2758 = arith.muli %get3A_2746, %mul3A_2757 : vector<16xi32>
      %add3A_2759 = arith.constant 2048 : i32
      %add3A_2760 = vector.broadcast %add3A_2759 : i32 to vector<16xi32>
      %add3A_2761 = arith.addi %add3A_2760, %mul3A_2758 : vector<16xi32>
      %sub3A_2762 = arith.subi %get3A_2750, %get3A_2746 : vector<16xi32>
      %add3A_2763 = arith.constant 1 : i32
      %add3A_2764 = vector.broadcast %add3A_2763 : i32 to vector<16xi32>
      %add3A_2765 = arith.addi %sub3A_2762, %add3A_2764 : vector<16xi32>
      %add3A_2766 = arith.addi %add3A_2761, %add3A_2765 : vector<16xi32>
      tpu.vector_store_idx %arg5[%add3A_2766], %bitcast3A_2755 : memref<4096xf32, #tpu.memory_space<vmem>>[vector<16xi32>], vector<16xf32>,
      %get3A_2767 = arith.constant 3 : i32
      %get3A_2768 = arith.index_cast %get3A_2767 : i32 to index
      %get3A_2769 = arith.constant 736 : index
      %get3A_2770 = tpu.vector_load %arg4[%get3A_2768, %get3A_2769] {strides = array<i32>} : memref<6x768xi32, #tpu.memory_space<vmem>>, vector<16xi32>,
      %get3A_2771 = arith.constant 4 : i32
      %get3A_2772 = arith.index_cast %get3A_2771 : i32 to index
      %get3A_2773 = arith.constant 736 : index
      %get3A_2774 = tpu.vector_load %arg4[%get3A_2772, %get3A_2773] {strides = array<i32>} : memref<6x768xi32, #tpu.memory_space<vmem>>, vector<16xi32>,
      %get3A_2775 = arith.constant 5 : i32
      %get3A_2776 = arith.index_cast %get3A_2775 : i32 to index
      %get3A_2777 = arith.constant 736 : index
      %get3A_2778 = tpu.vector_load %arg4[%get3A_2776, %get3A_2777] {strides = array<i32>} : memref<6x768xi32, #tpu.memory_space<vmem>>, vector<16xi32>,
      %bitcast3A_2779 = vector.bitcast %get3A_2778 : vector<16xi32> to vector<16xf32>
      %mul3A_2780 = arith.constant 8 : i32
      %mul3A_2781 = vector.broadcast %mul3A_2780 : i32 to vector<16xi32>
      %mul3A_2782 = arith.muli %get3A_2770, %mul3A_2781 : vector<16xi32>
      %add3A_2783 = arith.constant 2048 : i32
      %add3A_2784 = vector.broadcast %add3A_2783 : i32 to vector<16xi32>
      %add3A_2785 = arith.addi %add3A_2784, %mul3A_2782 : vector<16xi32>
      %sub3A_2786 = arith.subi %get3A_2774, %get3A_2770 : vector<16xi32>
      %add3A_2787 = arith.constant 1 : i32
      %add3A_2788 = vector.broadcast %add3A_2787 : i32 to vector<16xi32>
      %add3A_2789 = arith.addi %sub3A_2786, %add3A_2788 : vector<16xi32>
      %add3A_2790 = arith.addi %add3A_2785, %add3A_2789 : vector<16xi32>
      tpu.vector_store_idx %arg5[%add3A_2790], %bitcast3A_2779 : memref<4096xf32, #tpu.memory_space<vmem>>[vector<16xi32>], vector<16xf32>,
      %get3A_2791 = arith.constant 3 : i32
      %get3A_2792 = arith.index_cast %get3A_2791 : i32 to index
      %get3A_2793 = arith.constant 752 : index
      %get3A_2794 = tpu.vector_load %arg4[%get3A_2792, %get3A_2793] {strides = array<i32>} : memref<6x768xi32, #tpu.memory_space<vmem>>, vector<16xi32>,
      %get3A_2795 = arith.constant 4 : i32
      %get3A_2796 = arith.index_cast %get3A_2795 : i32 to index
      %get3A_2797 = arith.constant 752 : index
      %get3A_2798 = tpu.vector_load %arg4[%get3A_2796, %get3A_2797] {strides = array<i32>} : memref<6x768xi32, #tpu.memory_space<vmem>>, vector<16xi32>,
      %get3A_2799 = arith.constant 5 : i32
      %get3A_2800 = arith.index_cast %get3A_2799 : i32 to index
      %get3A_2801 = arith.constant 752 : index
      %get3A_2802 = tpu.vector_load %arg4[%get3A_2800, %get3A_2801] {strides = array<i32>} : memref<6x768xi32, #tpu.memory_space<vmem>>, vector<16xi32>,
      %bitcast3A_2803 = vector.bitcast %get3A_2802 : vector<16xi32> to vector<16xf32>
      %mul3A_2804 = arith.constant 8 : i32
      %mul3A_2805 = vector.broadcast %mul3A_2804 : i32 to vector<16xi32>
      %mul3A_2806 = arith.muli %get3A_2794, %mul3A_2805 : vector<16xi32>
      %add3A_2807 = arith.constant 2048 : i32
      %add3A_2808 = vector.broadcast %add3A_2807 : i32 to vector<16xi32>
      %add3A_2809 = arith.addi %add3A_2808, %mul3A_2806 : vector<16xi32>
      %sub3A_2810 = arith.subi %get3A_2798, %get3A_2794 : vector<16xi32>
      %add3A_2811 = arith.constant 1 : i32
      %add3A_2812 = vector.broadcast %add3A_2811 : i32 to vector<16xi32>
      %add3A_2813 = arith.addi %sub3A_2810, %add3A_2812 : vector<16xi32>
      %add3A_2814 = arith.addi %add3A_2809, %add3A_2813 : vector<16xi32>
      tpu.vector_store_idx %arg5[%add3A_2814], %bitcast3A_2803 : memref<4096xf32, #tpu.memory_space<vmem>>[vector<16xi32>], vector<16xf32>,
      "tpu.region"() ({
        %run_scoped3A = tpu.sem_alloc : memref<!tpu.dma_semaphore, #tpu.memory_space<semaphore_mem>>
        tpu.enqueue_dma source(%arg5 : memref<4096xf32, #tpu.memory_space<vmem>>) target(%arg3 : memref<4096xf32, #tpu.memory_space<hbm>>) target_semaphore(%run_scoped3A : memref<!tpu.dma_semaphore, #tpu.memory_space<semaphore_mem>>)
        tpu.wait_dma2 semaphore(%run_scoped3A : memref<!tpu.dma_semaphore, #tpu.memory_space<semaphore_mem>>) src(%arg5 : memref<4096xf32, #tpu.memory_space<vmem>>) dst(%arg3 : memref<4096xf32, #tpu.memory_space<hbm>>)
        tpu.yield
      }) : () -> ()
    } else {
    }
    return
  }
}

module attributes {stable_mosaic.version = 14 : i64} {
  func.func @body(%arg0: i32, %arg1: memref<256x8xf32, #tpu.memory_space<vmem>>, %arg2: memref<256x8xf32, #tpu.memory_space<vmem>>, %arg3: memref<4080x2xf32, #tpu.memory_space<vmem>>, %arg4: memref<2x400xf32, #tpu.memory_space<vmem>>, %arg5: memref<1x400xf32, #tpu.memory_space<vmem>>, %arg6: memref<400x300xf32, #tpu.memory_space<vmem>>, %arg7: memref<1x300xf32, #tpu.memory_space<vmem>>, %arg8: memref<300x100xf32, #tpu.memory_space<vmem>>, %arg9: memref<1x100xf32, #tpu.memory_space<vmem>>, %arg10: memref<100x300xf32, #tpu.memory_space<vmem>>, %arg11: memref<1x300xf32, #tpu.memory_space<vmem>>, %arg12: memref<300x400xf32, #tpu.memory_space<vmem>>, %arg13: memref<1x400xf32, #tpu.memory_space<vmem>>, %arg14: memref<400x2xf32, #tpu.memory_space<vmem>>, %arg15: memref<1x2xf32, #tpu.memory_space<vmem>>, %arg16: memref<4080x2xf32, #tpu.memory_space<vmem>>, %arg17: memref<4080x8xf32, #tpu.memory_space<vmem>>, %arg18: memref<4080x8xf32, #tpu.memory_space<vmem>>) attributes {dimension_semantics = [#tpu.dimension_semantics<arbitrary>], iteration_bounds = array<i64: 4>, scalar_prefetch = 0 : i64, scratch_operands = 2 : i64, tpu.core_type = #tpu.core_type<tc>, window_params = [{pipeline_mode = #tpu.pipeline_mode<synchronous>, transform_indices = @transform_0, window_bounds = array<i64: 256, 8>}, {pipeline_mode = #tpu.pipeline_mode<synchronous>, transform_indices = @transform_1, window_bounds = array<i64: 256, 8>}, {transform_indices = @transform_2, window_bounds = array<i64: 4080, 2>}, {pipeline_mode = #tpu.pipeline_mode<synchronous>, transform_indices = @transform_3, window_bounds = array<i64: 2, 400>}, {pipeline_mode = #tpu.pipeline_mode<synchronous>, transform_indices = @transform_4, window_bounds = array<i64: 1, 400>}, {pipeline_mode = #tpu.pipeline_mode<synchronous>, transform_indices = @transform_5, window_bounds = array<i64: 400, 300>}, {pipeline_mode = #tpu.pipeline_mode<synchronous>, transform_indices = @transform_6, window_bounds = array<i64: 1, 300>}, {pipeline_mode = #tpu.pipeline_mode<synchronous>, transform_indices = @transform_7, window_bounds = array<i64: 300, 100>}, {pipeline_mode = #tpu.pipeline_mode<synchronous>, transform_indices = @transform_8, window_bounds = array<i64: 1, 100>}, {pipeline_mode = #tpu.pipeline_mode<synchronous>, transform_indices = @transform_9, window_bounds = array<i64: 100, 300>}, {pipeline_mode = #tpu.pipeline_mode<synchronous>, transform_indices = @transform_10, window_bounds = array<i64: 1, 300>}, {pipeline_mode = #tpu.pipeline_mode<synchronous>, transform_indices = @transform_11, window_bounds = array<i64: 300, 400>}, {pipeline_mode = #tpu.pipeline_mode<synchronous>, transform_indices = @transform_12, window_bounds = array<i64: 1, 400>}, {pipeline_mode = #tpu.pipeline_mode<synchronous>, transform_indices = @transform_13, window_bounds = array<i64: 400, 2>}, {pipeline_mode = #tpu.pipeline_mode<synchronous>, transform_indices = @transform_14, window_bounds = array<i64: 1, 2>}, {transform_indices = @transform_15, window_bounds = array<i64: 4080, 2>}]} {
    %eq3A = arith.constant 0 : i32
    %eq3A_0 = arith.cmpi eq, %arg0, %eq3A : i32
    %convert_element_type3A = arith.extui %eq3A_0 : i1 to i32
    %cond3A = arith.constant 0 : i32
    %cond3A_1 = arith.cmpi ne, %convert_element_type3A, %cond3A : i32
    scf.if %cond3A_1 {
      %get3A_186 = arith.constant 0 : index
      %get3A_187 = arith.constant 0 : index
      %get3A_188 = vector.load %arg1[%get3A_186, %get3A_187] : memref<256x8xf32, #tpu.memory_space<vmem>>, vector<256x8xf32>
      %slice3A_189 = vector.extract_strided_slice %get3A_188 {offsets = [0, 0], sizes = [255, 8], strides = [1, 1]} : vector<256x8xf32> to vector<255x8xf32>
      %concatenate3A_190 = tpu.concatenate %slice3A_189, %slice3A_189, %slice3A_189, %slice3A_189, %slice3A_189, %slice3A_189, %slice3A_189, %slice3A_189, %slice3A_189, %slice3A_189, %slice3A_189, %slice3A_189, %slice3A_189, %slice3A_189, %slice3A_189, %slice3A_189 in 0 : vector<255x8xf32>, vector<255x8xf32>, vector<255x8xf32>, vector<255x8xf32>, vector<255x8xf32>, vector<255x8xf32>, vector<255x8xf32>, vector<255x8xf32>, vector<255x8xf32>, vector<255x8xf32>, vector<255x8xf32>, vector<255x8xf32>, vector<255x8xf32>, vector<255x8xf32>, vector<255x8xf32>, vector<255x8xf32> -> vector<4080x8xf32>
      %swap3A_191 = arith.constant 0 : index
      %swap3A_192 = arith.constant 0 : index
      %swap3A_193 = vector.load %arg17[%swap3A_191, %swap3A_192] : memref<4080x8xf32, #tpu.memory_space<vmem>>, vector<4080x8xf32>
      tpu.vector_store %arg17[%swap3A_191, %swap3A_192], %concatenate3A_190 {strides = array<i32>} : memref<4080x8xf32, #tpu.memory_space<vmem>>, vector<4080x8xf32>,
      %get3A_194 = arith.constant 0 : index
      %get3A_195 = arith.constant 0 : index
      %get3A_196 = vector.load %arg2[%get3A_194, %get3A_195] : memref<256x8xf32, #tpu.memory_space<vmem>>, vector<256x8xf32>
      %slice3A_197 = vector.extract_strided_slice %get3A_196 {offsets = [0, 0], sizes = [255, 8], strides = [1, 1]} : vector<256x8xf32> to vector<255x8xf32>
      %concatenate3A_198 = tpu.concatenate %slice3A_197, %slice3A_197, %slice3A_197, %slice3A_197, %slice3A_197, %slice3A_197, %slice3A_197, %slice3A_197, %slice3A_197, %slice3A_197, %slice3A_197, %slice3A_197, %slice3A_197, %slice3A_197, %slice3A_197, %slice3A_197 in 0 : vector<255x8xf32>, vector<255x8xf32>, vector<255x8xf32>, vector<255x8xf32>, vector<255x8xf32>, vector<255x8xf32>, vector<255x8xf32>, vector<255x8xf32>, vector<255x8xf32>, vector<255x8xf32>, vector<255x8xf32>, vector<255x8xf32>, vector<255x8xf32>, vector<255x8xf32>, vector<255x8xf32>, vector<255x8xf32> -> vector<4080x8xf32>
      %swap3A_199 = arith.constant 0 : index
      %swap3A_200 = arith.constant 0 : index
      %swap3A_201 = vector.load %arg18[%swap3A_199, %swap3A_200] : memref<4080x8xf32, #tpu.memory_space<vmem>>, vector<4080x8xf32>
      tpu.vector_store %arg18[%swap3A_199, %swap3A_200], %concatenate3A_198 {strides = array<i32>} : memref<4080x8xf32, #tpu.memory_space<vmem>>, vector<4080x8xf32>,
    } else {
    }
    %get3A = arith.constant 0 : index
    %get3A_2 = arith.constant 0 : index
    %get3A_3 = vector.load %arg17[%get3A, %get3A_2] : memref<4080x8xf32, #tpu.memory_space<vmem>>, vector<4080x8xf32>
    %get3A_4 = arith.constant 0 : index
    %get3A_5 = arith.constant 0 : index
    %get3A_6 = vector.load %arg18[%get3A_4, %get3A_5] : memref<4080x8xf32, #tpu.memory_space<vmem>>, vector<4080x8xf32>
    %get3A_7 = arith.constant 0 : index
    %get3A_8 = arith.constant 0 : index
    %get3A_9 = vector.load %arg3[%get3A_7, %get3A_8] : memref<4080x2xf32, #tpu.memory_space<vmem>>, vector<4080x2xf32>
    %get3A_10 = arith.constant 0 : index
    %get3A_11 = arith.constant 0 : index
    %get3A_12 = vector.load %arg4[%get3A_10, %get3A_11] : memref<2x400xf32, #tpu.memory_space<vmem>>, vector<2x400xf32>
    %dot_general3A = arith.constant dense<0.000000e+00> : vector<4080x400xf32>
    %dot_general3A_13 = tpu.matmul %get3A_9, %get3A_12, %dot_general3A {dimension_numbers = #tpu.dot_dimension_numbers<[1], [0], [0], [1], [0, 0, 1, 1], [], []>, transpose_lhs_hint = false} : vector<4080x2xf32>, vector<2x400xf32>, vector<4080x400xf32> -> vector<4080x400xf32>
    %get3A_14 = arith.constant 0 : index
    %get3A_15 = arith.constant 0 : index
    %get3A_16 = vector.load %arg5[%get3A_14, %get3A_15] : memref<1x400xf32, #tpu.memory_space<vmem>>, vector<1x400xf32>
    %add3A = vector.broadcast %get3A_16 : vector<1x400xf32> to vector<4080x400xf32>
    %add3A_17 = arith.addf %dot_general3A_13, %add3A : vector<4080x400xf32>
    %slice3A = vector.extract_strided_slice %get3A_3 {offsets = [0, 0], sizes = [4080, 1], strides = [1, 1]} : vector<4080x8xf32> to vector<4080x1xf32>
    %slice3A_18 = vector.extract_strided_slice %add3A_17 {offsets = [4079, 0], sizes = [1, 400], strides = [1, 1]} : vector<4080x400xf32> to vector<1x400xf32>
    %slice3A_19 = vector.extract_strided_slice %add3A_17 {offsets = [0, 0], sizes = [4079, 400], strides = [1, 1]} : vector<4080x400xf32> to vector<4079x400xf32>
    %concatenate3A = tpu.concatenate %slice3A_18, %slice3A_19 in 0 : vector<1x400xf32>, vector<4079x400xf32> -> vector<4080x400xf32>
    %mul3A = vector.broadcast %slice3A : vector<4080x1xf32> to vector<4080x400xf32>
    %mul3A_20 = arith.mulf %mul3A, %concatenate3A : vector<4080x400xf32>
    %slice3A_21 = vector.extract_strided_slice %get3A_3 {offsets = [0, 1], sizes = [4080, 1], strides = [1, 1]} : vector<4080x8xf32> to vector<4080x1xf32>
    %mul3A_22 = vector.broadcast %slice3A_21 : vector<4080x1xf32> to vector<4080x400xf32>
    %mul3A_23 = arith.mulf %mul3A_22, %add3A_17 : vector<4080x400xf32>
    %add3A_24 = arith.addf %mul3A_20, %mul3A_23 : vector<4080x400xf32>
    %slice3A_25 = vector.extract_strided_slice %get3A_3 {offsets = [0, 2], sizes = [4080, 1], strides = [1, 1]} : vector<4080x8xf32> to vector<4080x1xf32>
    %slice3A_26 = vector.extract_strided_slice %add3A_17 {offsets = [1, 0], sizes = [4079, 400], strides = [1, 1]} : vector<4080x400xf32> to vector<4079x400xf32>
    %slice3A_27 = vector.extract_strided_slice %add3A_17 {offsets = [0, 0], sizes = [1, 400], strides = [1, 1]} : vector<4080x400xf32> to vector<1x400xf32>
    %concatenate3A_28 = tpu.concatenate %slice3A_26, %slice3A_27 in 0 : vector<4079x400xf32>, vector<1x400xf32> -> vector<4080x400xf32>
    %mul3A_29 = vector.broadcast %slice3A_25 : vector<4080x1xf32> to vector<4080x400xf32>
    %mul3A_30 = arith.mulf %mul3A_29, %concatenate3A_28 : vector<4080x400xf32>
    %add3A_31 = arith.addf %add3A_24, %mul3A_30 : vector<4080x400xf32>
    %max3A = arith.constant 0.000000e+00 : f32
    %max3A_32 = vector.broadcast %max3A : f32 to vector<4080x400xf32>
    %max3A_33 = arith.maximumf %add3A_31, %max3A_32 : vector<4080x400xf32>
    %get3A_34 = arith.constant 0 : index
    %get3A_35 = arith.constant 0 : index
    %get3A_36 = vector.load %arg6[%get3A_34, %get3A_35] : memref<400x300xf32, #tpu.memory_space<vmem>>, vector<400x300xf32>
    %dot_general3A_37 = arith.constant dense<0.000000e+00> : vector<4080x300xf32>
    %dot_general3A_38 = tpu.matmul %max3A_33, %get3A_36, %dot_general3A_37 {dimension_numbers = #tpu.dot_dimension_numbers<[1], [0], [0], [1], [0, 0, 1, 1], [], []>, transpose_lhs_hint = false} : vector<4080x400xf32>, vector<400x300xf32>, vector<4080x300xf32> -> vector<4080x300xf32>
    %get3A_39 = arith.constant 0 : index
    %get3A_40 = arith.constant 0 : index
    %get3A_41 = vector.load %arg7[%get3A_39, %get3A_40] : memref<1x300xf32, #tpu.memory_space<vmem>>, vector<1x300xf32>
    %add3A_42 = vector.broadcast %get3A_41 : vector<1x300xf32> to vector<4080x300xf32>
    %add3A_43 = arith.addf %dot_general3A_38, %add3A_42 : vector<4080x300xf32>
    %slice3A_44 = vector.extract_strided_slice %get3A_3 {offsets = [0, 0], sizes = [4080, 1], strides = [1, 1]} : vector<4080x8xf32> to vector<4080x1xf32>
    %slice3A_45 = vector.extract_strided_slice %add3A_43 {offsets = [4079, 0], sizes = [1, 300], strides = [1, 1]} : vector<4080x300xf32> to vector<1x300xf32>
    %slice3A_46 = vector.extract_strided_slice %add3A_43 {offsets = [0, 0], sizes = [4079, 300], strides = [1, 1]} : vector<4080x300xf32> to vector<4079x300xf32>
    %concatenate3A_47 = tpu.concatenate %slice3A_45, %slice3A_46 in 0 : vector<1x300xf32>, vector<4079x300xf32> -> vector<4080x300xf32>
    %mul3A_48 = vector.broadcast %slice3A_44 : vector<4080x1xf32> to vector<4080x300xf32>
    %mul3A_49 = arith.mulf %mul3A_48, %concatenate3A_47 : vector<4080x300xf32>
    %slice3A_50 = vector.extract_strided_slice %get3A_3 {offsets = [0, 1], sizes = [4080, 1], strides = [1, 1]} : vector<4080x8xf32> to vector<4080x1xf32>
    %mul3A_51 = vector.broadcast %slice3A_50 : vector<4080x1xf32> to vector<4080x300xf32>
    %mul3A_52 = arith.mulf %mul3A_51, %add3A_43 : vector<4080x300xf32>
    %add3A_53 = arith.addf %mul3A_49, %mul3A_52 : vector<4080x300xf32>
    %slice3A_54 = vector.extract_strided_slice %get3A_3 {offsets = [0, 2], sizes = [4080, 1], strides = [1, 1]} : vector<4080x8xf32> to vector<4080x1xf32>
    %slice3A_55 = vector.extract_strided_slice %add3A_43 {offsets = [1, 0], sizes = [4079, 300], strides = [1, 1]} : vector<4080x300xf32> to vector<4079x300xf32>
    %slice3A_56 = vector.extract_strided_slice %add3A_43 {offsets = [0, 0], sizes = [1, 300], strides = [1, 1]} : vector<4080x300xf32> to vector<1x300xf32>
    %concatenate3A_57 = tpu.concatenate %slice3A_55, %slice3A_56 in 0 : vector<4079x300xf32>, vector<1x300xf32> -> vector<4080x300xf32>
    %mul3A_58 = vector.broadcast %slice3A_54 : vector<4080x1xf32> to vector<4080x300xf32>
    %mul3A_59 = arith.mulf %mul3A_58, %concatenate3A_57 : vector<4080x300xf32>
    %add3A_60 = arith.addf %add3A_53, %mul3A_59 : vector<4080x300xf32>
    %max3A_61 = arith.constant 0.000000e+00 : f32
    %max3A_62 = vector.broadcast %max3A_61 : f32 to vector<4080x300xf32>
    %max3A_63 = arith.maximumf %add3A_60, %max3A_62 : vector<4080x300xf32>
    %get3A_64 = arith.constant 0 : index
    %get3A_65 = arith.constant 0 : index
    %get3A_66 = vector.load %arg8[%get3A_64, %get3A_65] : memref<300x100xf32, #tpu.memory_space<vmem>>, vector<300x100xf32>
    %dot_general3A_67 = arith.constant dense<0.000000e+00> : vector<4080x100xf32>
    %dot_general3A_68 = tpu.matmul %max3A_63, %get3A_66, %dot_general3A_67 {dimension_numbers = #tpu.dot_dimension_numbers<[1], [0], [0], [1], [0, 0, 1, 1], [], []>, transpose_lhs_hint = false} : vector<4080x300xf32>, vector<300x100xf32>, vector<4080x100xf32> -> vector<4080x100xf32>
    %get3A_69 = arith.constant 0 : index
    %get3A_70 = arith.constant 0 : index
    %get3A_71 = vector.load %arg9[%get3A_69, %get3A_70] : memref<1x100xf32, #tpu.memory_space<vmem>>, vector<1x100xf32>
    %add3A_72 = vector.broadcast %get3A_71 : vector<1x100xf32> to vector<4080x100xf32>
    %add3A_73 = arith.addf %dot_general3A_68, %add3A_72 : vector<4080x100xf32>
    %slice3A_74 = vector.extract_strided_slice %get3A_3 {offsets = [0, 0], sizes = [4080, 1], strides = [1, 1]} : vector<4080x8xf32> to vector<4080x1xf32>
    %slice3A_75 = vector.extract_strided_slice %add3A_73 {offsets = [4079, 0], sizes = [1, 100], strides = [1, 1]} : vector<4080x100xf32> to vector<1x100xf32>
    %slice3A_76 = vector.extract_strided_slice %add3A_73 {offsets = [0, 0], sizes = [4079, 100], strides = [1, 1]} : vector<4080x100xf32> to vector<4079x100xf32>
    %concatenate3A_77 = tpu.concatenate %slice3A_75, %slice3A_76 in 0 : vector<1x100xf32>, vector<4079x100xf32> -> vector<4080x100xf32>
    %mul3A_78 = vector.broadcast %slice3A_74 : vector<4080x1xf32> to vector<4080x100xf32>
    %mul3A_79 = arith.mulf %mul3A_78, %concatenate3A_77 : vector<4080x100xf32>
    %slice3A_80 = vector.extract_strided_slice %get3A_3 {offsets = [0, 1], sizes = [4080, 1], strides = [1, 1]} : vector<4080x8xf32> to vector<4080x1xf32>
    %mul3A_81 = vector.broadcast %slice3A_80 : vector<4080x1xf32> to vector<4080x100xf32>
    %mul3A_82 = arith.mulf %mul3A_81, %add3A_73 : vector<4080x100xf32>
    %add3A_83 = arith.addf %mul3A_79, %mul3A_82 : vector<4080x100xf32>
    %slice3A_84 = vector.extract_strided_slice %get3A_3 {offsets = [0, 2], sizes = [4080, 1], strides = [1, 1]} : vector<4080x8xf32> to vector<4080x1xf32>
    %slice3A_85 = vector.extract_strided_slice %add3A_73 {offsets = [1, 0], sizes = [4079, 100], strides = [1, 1]} : vector<4080x100xf32> to vector<4079x100xf32>
    %slice3A_86 = vector.extract_strided_slice %add3A_73 {offsets = [0, 0], sizes = [1, 100], strides = [1, 1]} : vector<4080x100xf32> to vector<1x100xf32>
    %concatenate3A_87 = tpu.concatenate %slice3A_85, %slice3A_86 in 0 : vector<4079x100xf32>, vector<1x100xf32> -> vector<4080x100xf32>
    %mul3A_88 = vector.broadcast %slice3A_84 : vector<4080x1xf32> to vector<4080x100xf32>
    %mul3A_89 = arith.mulf %mul3A_88, %concatenate3A_87 : vector<4080x100xf32>
    %add3A_90 = arith.addf %add3A_83, %mul3A_89 : vector<4080x100xf32>
    %max3A_91 = arith.constant 0.000000e+00 : f32
    %max3A_92 = vector.broadcast %max3A_91 : f32 to vector<4080x100xf32>
    %max3A_93 = arith.maximumf %add3A_90, %max3A_92 : vector<4080x100xf32>
    %get3A_94 = arith.constant 0 : index
    %get3A_95 = arith.constant 0 : index
    %get3A_96 = vector.load %arg10[%get3A_94, %get3A_95] : memref<100x300xf32, #tpu.memory_space<vmem>>, vector<100x300xf32>
    %dot_general3A_97 = arith.constant dense<0.000000e+00> : vector<4080x300xf32>
    %dot_general3A_98 = tpu.matmul %max3A_93, %get3A_96, %dot_general3A_97 {dimension_numbers = #tpu.dot_dimension_numbers<[1], [0], [0], [1], [0, 0, 1, 1], [], []>, transpose_lhs_hint = false} : vector<4080x100xf32>, vector<100x300xf32>, vector<4080x300xf32> -> vector<4080x300xf32>
    %get3A_99 = arith.constant 0 : index
    %get3A_100 = arith.constant 0 : index
    %get3A_101 = vector.load %arg11[%get3A_99, %get3A_100] : memref<1x300xf32, #tpu.memory_space<vmem>>, vector<1x300xf32>
    %add3A_102 = vector.broadcast %get3A_101 : vector<1x300xf32> to vector<4080x300xf32>
    %add3A_103 = arith.addf %dot_general3A_98, %add3A_102 : vector<4080x300xf32>
    %slice3A_104 = vector.extract_strided_slice %get3A_6 {offsets = [0, 0], sizes = [4080, 1], strides = [1, 1]} : vector<4080x8xf32> to vector<4080x1xf32>
    %slice3A_105 = vector.extract_strided_slice %add3A_103 {offsets = [4079, 0], sizes = [1, 300], strides = [1, 1]} : vector<4080x300xf32> to vector<1x300xf32>
    %slice3A_106 = vector.extract_strided_slice %add3A_103 {offsets = [0, 0], sizes = [4079, 300], strides = [1, 1]} : vector<4080x300xf32> to vector<4079x300xf32>
    %concatenate3A_107 = tpu.concatenate %slice3A_105, %slice3A_106 in 0 : vector<1x300xf32>, vector<4079x300xf32> -> vector<4080x300xf32>
    %mul3A_108 = vector.broadcast %slice3A_104 : vector<4080x1xf32> to vector<4080x300xf32>
    %mul3A_109 = arith.mulf %mul3A_108, %concatenate3A_107 : vector<4080x300xf32>
    %slice3A_110 = vector.extract_strided_slice %get3A_6 {offsets = [0, 1], sizes = [4080, 1], strides = [1, 1]} : vector<4080x8xf32> to vector<4080x1xf32>
    %mul3A_111 = vector.broadcast %slice3A_110 : vector<4080x1xf32> to vector<4080x300xf32>
    %mul3A_112 = arith.mulf %mul3A_111, %add3A_103 : vector<4080x300xf32>
    %add3A_113 = arith.addf %mul3A_109, %mul3A_112 : vector<4080x300xf32>
    %slice3A_114 = vector.extract_strided_slice %get3A_6 {offsets = [0, 2], sizes = [4080, 1], strides = [1, 1]} : vector<4080x8xf32> to vector<4080x1xf32>
    %slice3A_115 = vector.extract_strided_slice %add3A_103 {offsets = [1, 0], sizes = [4079, 300], strides = [1, 1]} : vector<4080x300xf32> to vector<4079x300xf32>
    %slice3A_116 = vector.extract_strided_slice %add3A_103 {offsets = [0, 0], sizes = [1, 300], strides = [1, 1]} : vector<4080x300xf32> to vector<1x300xf32>
    %concatenate3A_117 = tpu.concatenate %slice3A_115, %slice3A_116 in 0 : vector<4079x300xf32>, vector<1x300xf32> -> vector<4080x300xf32>
    %mul3A_118 = vector.broadcast %slice3A_114 : vector<4080x1xf32> to vector<4080x300xf32>
    %mul3A_119 = arith.mulf %mul3A_118, %concatenate3A_117 : vector<4080x300xf32>
    %add3A_120 = arith.addf %add3A_113, %mul3A_119 : vector<4080x300xf32>
    %max3A_121 = arith.constant 0.000000e+00 : f32
    %max3A_122 = vector.broadcast %max3A_121 : f32 to vector<4080x300xf32>
    %max3A_123 = arith.maximumf %add3A_120, %max3A_122 : vector<4080x300xf32>
    %get3A_124 = arith.constant 0 : index
    %get3A_125 = arith.constant 0 : index
    %get3A_126 = vector.load %arg12[%get3A_124, %get3A_125] : memref<300x400xf32, #tpu.memory_space<vmem>>, vector<300x400xf32>
    %dot_general3A_127 = arith.constant dense<0.000000e+00> : vector<4080x400xf32>
    %dot_general3A_128 = tpu.matmul %max3A_123, %get3A_126, %dot_general3A_127 {dimension_numbers = #tpu.dot_dimension_numbers<[1], [0], [0], [1], [0, 0, 1, 1], [], []>, transpose_lhs_hint = false} : vector<4080x300xf32>, vector<300x400xf32>, vector<4080x400xf32> -> vector<4080x400xf32>
    %get3A_129 = arith.constant 0 : index
    %get3A_130 = arith.constant 0 : index
    %get3A_131 = vector.load %arg13[%get3A_129, %get3A_130] : memref<1x400xf32, #tpu.memory_space<vmem>>, vector<1x400xf32>
    %add3A_132 = vector.broadcast %get3A_131 : vector<1x400xf32> to vector<4080x400xf32>
    %add3A_133 = arith.addf %dot_general3A_128, %add3A_132 : vector<4080x400xf32>
    %slice3A_134 = vector.extract_strided_slice %get3A_6 {offsets = [0, 0], sizes = [4080, 1], strides = [1, 1]} : vector<4080x8xf32> to vector<4080x1xf32>
    %slice3A_135 = vector.extract_strided_slice %add3A_133 {offsets = [4079, 0], sizes = [1, 400], strides = [1, 1]} : vector<4080x400xf32> to vector<1x400xf32>
    %slice3A_136 = vector.extract_strided_slice %add3A_133 {offsets = [0, 0], sizes = [4079, 400], strides = [1, 1]} : vector<4080x400xf32> to vector<4079x400xf32>
    %concatenate3A_137 = tpu.concatenate %slice3A_135, %slice3A_136 in 0 : vector<1x400xf32>, vector<4079x400xf32> -> vector<4080x400xf32>
    %mul3A_138 = vector.broadcast %slice3A_134 : vector<4080x1xf32> to vector<4080x400xf32>
    %mul3A_139 = arith.mulf %mul3A_138, %concatenate3A_137 : vector<4080x400xf32>
    %slice3A_140 = vector.extract_strided_slice %get3A_6 {offsets = [0, 1], sizes = [4080, 1], strides = [1, 1]} : vector<4080x8xf32> to vector<4080x1xf32>
    %mul3A_141 = vector.broadcast %slice3A_140 : vector<4080x1xf32> to vector<4080x400xf32>
    %mul3A_142 = arith.mulf %mul3A_141, %add3A_133 : vector<4080x400xf32>
    %add3A_143 = arith.addf %mul3A_139, %mul3A_142 : vector<4080x400xf32>
    %slice3A_144 = vector.extract_strided_slice %get3A_6 {offsets = [0, 2], sizes = [4080, 1], strides = [1, 1]} : vector<4080x8xf32> to vector<4080x1xf32>
    %slice3A_145 = vector.extract_strided_slice %add3A_133 {offsets = [1, 0], sizes = [4079, 400], strides = [1, 1]} : vector<4080x400xf32> to vector<4079x400xf32>
    %slice3A_146 = vector.extract_strided_slice %add3A_133 {offsets = [0, 0], sizes = [1, 400], strides = [1, 1]} : vector<4080x400xf32> to vector<1x400xf32>
    %concatenate3A_147 = tpu.concatenate %slice3A_145, %slice3A_146 in 0 : vector<4079x400xf32>, vector<1x400xf32> -> vector<4080x400xf32>
    %mul3A_148 = vector.broadcast %slice3A_144 : vector<4080x1xf32> to vector<4080x400xf32>
    %mul3A_149 = arith.mulf %mul3A_148, %concatenate3A_147 : vector<4080x400xf32>
    %add3A_150 = arith.addf %add3A_143, %mul3A_149 : vector<4080x400xf32>
    %max3A_151 = arith.constant 0.000000e+00 : f32
    %max3A_152 = vector.broadcast %max3A_151 : f32 to vector<4080x400xf32>
    %max3A_153 = arith.maximumf %add3A_150, %max3A_152 : vector<4080x400xf32>
    %get3A_154 = arith.constant 0 : index
    %get3A_155 = arith.constant 0 : index
    %get3A_156 = vector.load %arg14[%get3A_154, %get3A_155] : memref<400x2xf32, #tpu.memory_space<vmem>>, vector<400x2xf32>
    %dot_general3A_157 = arith.constant dense<0.000000e+00> : vector<4080x2xf32>
    %dot_general3A_158 = tpu.matmul %max3A_153, %get3A_156, %dot_general3A_157 {dimension_numbers = #tpu.dot_dimension_numbers<[1], [0], [0], [1], [0, 0, 1, 1], [], []>, transpose_lhs_hint = false} : vector<4080x400xf32>, vector<400x2xf32>, vector<4080x2xf32> -> vector<4080x2xf32>
    %get3A_159 = arith.constant 0 : index
    %get3A_160 = arith.constant 0 : index
    %get3A_161 = vector.load %arg15[%get3A_159, %get3A_160] : memref<1x2xf32, #tpu.memory_space<vmem>>, vector<1x2xf32>
    %add3A_162 = vector.broadcast %get3A_161 : vector<1x2xf32> to vector<4080x2xf32>
    %add3A_163 = arith.addf %dot_general3A_158, %add3A_162 : vector<4080x2xf32>
    %slice3A_164 = vector.extract_strided_slice %get3A_6 {offsets = [0, 0], sizes = [4080, 1], strides = [1, 1]} : vector<4080x8xf32> to vector<4080x1xf32>
    %slice3A_165 = vector.extract_strided_slice %add3A_163 {offsets = [4079, 0], sizes = [1, 2], strides = [1, 1]} : vector<4080x2xf32> to vector<1x2xf32>
    %slice3A_166 = vector.extract_strided_slice %add3A_163 {offsets = [0, 0], sizes = [4079, 2], strides = [1, 1]} : vector<4080x2xf32> to vector<4079x2xf32>
    %concatenate3A_167 = tpu.concatenate %slice3A_165, %slice3A_166 in 0 : vector<1x2xf32>, vector<4079x2xf32> -> vector<4080x2xf32>
    %mul3A_168 = vector.broadcast %slice3A_164 : vector<4080x1xf32> to vector<4080x2xf32>
    %mul3A_169 = arith.mulf %mul3A_168, %concatenate3A_167 : vector<4080x2xf32>
    %slice3A_170 = vector.extract_strided_slice %get3A_6 {offsets = [0, 1], sizes = [4080, 1], strides = [1, 1]} : vector<4080x8xf32> to vector<4080x1xf32>
    %mul3A_171 = vector.broadcast %slice3A_170 : vector<4080x1xf32> to vector<4080x2xf32>
    %mul3A_172 = arith.mulf %mul3A_171, %add3A_163 : vector<4080x2xf32>
    %add3A_173 = arith.addf %mul3A_169, %mul3A_172 : vector<4080x2xf32>
    %slice3A_174 = vector.extract_strided_slice %get3A_6 {offsets = [0, 2], sizes = [4080, 1], strides = [1, 1]} : vector<4080x8xf32> to vector<4080x1xf32>
    %slice3A_175 = vector.extract_strided_slice %add3A_163 {offsets = [1, 0], sizes = [4079, 2], strides = [1, 1]} : vector<4080x2xf32> to vector<4079x2xf32>
    %slice3A_176 = vector.extract_strided_slice %add3A_163 {offsets = [0, 0], sizes = [1, 2], strides = [1, 1]} : vector<4080x2xf32> to vector<1x2xf32>
    %concatenate3A_177 = tpu.concatenate %slice3A_175, %slice3A_176 in 0 : vector<4079x2xf32>, vector<1x2xf32> -> vector<4080x2xf32>
    %mul3A_178 = vector.broadcast %slice3A_174 : vector<4080x1xf32> to vector<4080x2xf32>
    %mul3A_179 = arith.mulf %mul3A_178, %concatenate3A_177 : vector<4080x2xf32>
    %add3A_180 = arith.addf %add3A_173, %mul3A_179 : vector<4080x2xf32>
    %max3A_181 = arith.constant 0.000000e+00 : f32
    %max3A_182 = vector.broadcast %max3A_181 : f32 to vector<4080x2xf32>
    %max3A_183 = arith.maximumf %add3A_180, %max3A_182 : vector<4080x2xf32>
    %swap3A = arith.constant 0 : index
    %swap3A_184 = arith.constant 0 : index
    %swap3A_185 = vector.load %arg16[%swap3A, %swap3A_184] : memref<4080x2xf32, #tpu.memory_space<vmem>>, vector<4080x2xf32>
    tpu.vector_store %arg16[%swap3A, %swap3A_184], %max3A_183 {strides = array<i32>} : memref<4080x2xf32, #tpu.memory_space<vmem>>, vector<4080x2xf32>,
    return
  }
  func.func @transform_0(%arg0: i32) -> (i32, i32) {
    %c0_i32 = arith.constant 0 : i32
    %c0_i32_0 = arith.constant 0 : i32
    %c0_i32_1 = arith.constant 0 : i32
    return %c0_i32, %c0_i32_0 : i32, i32
  }
  func.func @transform_1(%arg0: i32) -> (i32, i32) {
    %c0_i32 = arith.constant 0 : i32
    %c0_i32_0 = arith.constant 0 : i32
    %c0_i32_1 = arith.constant 0 : i32
    return %c0_i32, %c0_i32_0 : i32, i32
  }
  func.func @transform_2(%arg0: i32) -> (i32, i32) {
    %c0_i32 = arith.constant 0 : i32
    %c0_i32_0 = arith.constant 0 : i32
    return %arg0, %c0_i32 : i32, i32
  }
  func.func @transform_3(%arg0: i32) -> (i32, i32) {
    %c0_i32 = arith.constant 0 : i32
    %c0_i32_0 = arith.constant 0 : i32
    %c0_i32_1 = arith.constant 0 : i32
    return %c0_i32, %c0_i32_0 : i32, i32
  }
  func.func @transform_4(%arg0: i32) -> (i32, i32) {
    %c0_i32 = arith.constant 0 : i32
    %c0_i32_0 = arith.constant 0 : i32
    %c0_i32_1 = arith.constant 0 : i32
    return %c0_i32, %c0_i32_0 : i32, i32
  }
  func.func @transform_5(%arg0: i32) -> (i32, i32) {
    %c0_i32 = arith.constant 0 : i32
    %c0_i32_0 = arith.constant 0 : i32
    %c0_i32_1 = arith.constant 0 : i32
    return %c0_i32, %c0_i32_0 : i32, i32
  }
  func.func @transform_6(%arg0: i32) -> (i32, i32) {
    %c0_i32 = arith.constant 0 : i32
    %c0_i32_0 = arith.constant 0 : i32
    %c0_i32_1 = arith.constant 0 : i32
    return %c0_i32, %c0_i32_0 : i32, i32
  }
  func.func @transform_7(%arg0: i32) -> (i32, i32) {
    %c0_i32 = arith.constant 0 : i32
    %c0_i32_0 = arith.constant 0 : i32
    %c0_i32_1 = arith.constant 0 : i32
    return %c0_i32, %c0_i32_0 : i32, i32
  }
  func.func @transform_8(%arg0: i32) -> (i32, i32) {
    %c0_i32 = arith.constant 0 : i32
    %c0_i32_0 = arith.constant 0 : i32
    %c0_i32_1 = arith.constant 0 : i32
    return %c0_i32, %c0_i32_0 : i32, i32
  }
  func.func @transform_9(%arg0: i32) -> (i32, i32) {
    %c0_i32 = arith.constant 0 : i32
    %c0_i32_0 = arith.constant 0 : i32
    %c0_i32_1 = arith.constant 0 : i32
    return %c0_i32, %c0_i32_0 : i32, i32
  }
  func.func @transform_10(%arg0: i32) -> (i32, i32) {
    %c0_i32 = arith.constant 0 : i32
    %c0_i32_0 = arith.constant 0 : i32
    %c0_i32_1 = arith.constant 0 : i32
    return %c0_i32, %c0_i32_0 : i32, i32
  }
  func.func @transform_11(%arg0: i32) -> (i32, i32) {
    %c0_i32 = arith.constant 0 : i32
    %c0_i32_0 = arith.constant 0 : i32
    %c0_i32_1 = arith.constant 0 : i32
    return %c0_i32, %c0_i32_0 : i32, i32
  }
  func.func @transform_12(%arg0: i32) -> (i32, i32) {
    %c0_i32 = arith.constant 0 : i32
    %c0_i32_0 = arith.constant 0 : i32
    %c0_i32_1 = arith.constant 0 : i32
    return %c0_i32, %c0_i32_0 : i32, i32
  }
  func.func @transform_13(%arg0: i32) -> (i32, i32) {
    %c0_i32 = arith.constant 0 : i32
    %c0_i32_0 = arith.constant 0 : i32
    %c0_i32_1 = arith.constant 0 : i32
    return %c0_i32, %c0_i32_0 : i32, i32
  }
  func.func @transform_14(%arg0: i32) -> (i32, i32) {
    %c0_i32 = arith.constant 0 : i32
    %c0_i32_0 = arith.constant 0 : i32
    %c0_i32_1 = arith.constant 0 : i32
    return %c0_i32, %c0_i32_0 : i32, i32
  }
  func.func @transform_15(%arg0: i32) -> (i32, i32) {
    %c0_i32 = arith.constant 0 : i32
    %c0_i32_0 = arith.constant 0 : i32
    return %arg0, %c0_i32 : i32, i32
  }
}

</mosaic_0001>

<sc_bundles>
// kernel: kernel.4.cloned.1.call-start
scs
__scs_entry_jumppad:
0x0: {  	(pc) =	sbr.rel $0x88, $3  }
0x1: {  	(tag) =	ssettag $0x0;
	lr =	simm.s32 $0x1  }
0x2: {  	[smem:$0x3F8E] =	sst lr;
	_ =	strace $0xD0000000  }
0x3: {  	_ = 	snop  }
0x4: {  	_ = 	snop  }
0x5: {  	_ = 	snop  }
0x6: {  	_ = 	snop  }
0x7: {  	_ = 	snop  }
__scs_overlays_trampoline_lowered:
0x8: {  	[smem:$0x3F9D] =	sst s0  }
0x9: {  	[smem:$0x3F9E] =	sst s1  }
0xa: {  	[smem:$0x3F9F] =	sst s2  }
0xb: {  	[smem:$0x3FA0] =	sst s3  }
0xc: {  	[smem:$0x3FA1] =	sst s4  }
0xd: {  	[smem:$0x3FA2] =	sst s5  }
0xe: {  	[smem:$0x3FA3] =	sst s6  }
0xf: {  	[smem:$0x3FA4] =	sst s7  }
0x10: {  	[smem:$0x3FA5] =	sst s8  }
0x11: {  	[smem:$0x3FA6] =	sst s9;
	s0 =	simm.s32 @!p0 $0x0  }
0x12: {  	s1 =	sld [smem:$0x3F8C];
	s0 =	simm.s32 @p0 $0x1  }
0x13: {  	[smem:$0x3FA7] =	sst s0;
	s0 =	simm.s32 @!p1 $0x0  }
0x14: {  	s2 =	sld [smem:$0x3F8B];
	s0 =	simm.s32 @p1 $0x1  }
0x15: {  	[smem:$0x3FA8] =	sst s0;
	s0 =	simm.s32 @!p2 $0x0  }
0x16: {  	s3 =	sld [smem:$0x3FDB];
	s0 =	simm.s32 @p2 $0x1  }
0x17: {  	s4 =	simm.s32 $0x1BF5;
	[smem:$0x3FAA] =	sst s0  }
0x18: {  	s0 =	sld [smem:$0x3F8D];
	_ =	swait.ge [sflag:s4], $0x0  }
0x19: {  	s7 =	sld [smem:$0x3F8E]  }
0x1a: {  	s8 =	sadd.s32 $0xFFFFE003, lr  }
0x1b: {  	s9 =	sadd.s32 $0xFFFFFEF7, lr;
	s5 =	simm.s32 $0xFFFFFFFF;
	p2 =	slt.u32 s8, $0xFFFFF086  }
0x1c: {  	p1 =	slt.u32 s9, $0xF7A;
	s5 =	simm.s32 @!p2 $0x0  }
0x1d: {  	s5 =	simm.s32 @p1 $0x1;
	p0 =	seq.s32 s7, s2  }
0x1e: {  	s7 =	smul.u32 @!p0 $0xF7A, s2;
	p2 =	seq.s32 @!p0 s5, $0x0  }
0x1f: {  	s9 =	smul.u32 $0xF7A, s1;
	s8 =	simm.s32 @!p0 $0x1BF5;
	p2 =	por !p2, p0  }
0x20: {  	[sflag:s8] =	ssyncset.s32 @!p0 $0xFFFFF086;
	s6 =	sadd.s32 @!p0 s3, s7;
	s7 =	simm.s32 @!p0 $0x108  }
0x21: {  	s3 =	sadd.s32 s3, s9;
	s6 =	sadd.s32 @!p0 $0x88, s6;
	s7 =	simm.s32 @p2 $0x1082  }
0x22: {  	[simem:s7], [sflag:s8] =	dma.local @!p0 [hbm:s6], $0xF7A  }
0x23: {  	s9 =	sor.u32 $0xD0000000, s2;
	s6 =	simm.s32 $0x108;
	_ =	swait.ge @!p0 [sflag:s8], $0x0  }
0x24: {  	s3 =	sadd.s32 $0x88, s3;
	s6 =	simm.s32 @!p1 $0x1082;
	[sflag:s4] =	ssyncset.s32 $0xFFFFF086  }
0x25: {  	[simem:s6], [sflag:s4] =	dma.local [hbm:s3], $0xF7A  }
0x26: {  	[smem:$0x3F8E] =	sst s1;
	(tag) =	ssettag s2;
	_ =	strace s9  }
0x27: {  	s1 =	sld [smem:$0x3F9E]  }
0x28: {  	s2 =	sld [smem:$0x3F9F]  }
0x29: {  	s4 =	sld [smem:$0x3FA1]  }
0x2a: {  	p0 =	seq.s32 s5, $0x0;
	s5 =	sld [smem:$0x3FA2]  }
0x2b: {  	s6 =	sld [smem:$0x3FA3]  }
0x2c: {  	s7 =	sld [smem:$0x3FA4]  }
0x2d: {  	s3 =	simm.s32 $0x108;
	s8 =	sld [smem:$0x3FA5]  }
0x2e: {  	s3 =	simm.s32 @!p0 $0x1082;
	s9 =	sld [smem:$0x3FA6]  }
0x2f: {  	lr =	sadd.s32 s0, s3;
	s0 =	sld [smem:$0x3F9D]  }
0x30: {  	s3 =	sld [smem:$0x3FA0]  }
0x31: {  	[smem:$0x3FA9] =	sst s10  }
0x32: {  	s10 =	sld [smem:$0x3FA7];
	_ =	sdelay $0x3  }
0x33: {  	p0 =	seq.s32 s10, $0x1;
	s10 =	sld [smem:$0x3FA9];
	_ =	sdelay $0x3  }
0x34: {  	[smem:$0x3FA9] =	sst s10  }
0x35: {  	s10 =	sld [smem:$0x3FA8];
	_ =	sdelay $0x3  }
0x36: {  	p1 =	seq.s32 s10, $0x1;
	s10 =	sld [smem:$0x3FA9];
	_ =	sdelay $0x3  }
0x37: {  	[smem:$0x3FA9] =	sst s10  }
0x38: {  	s10 =	sld [smem:$0x3FAA]  }
0x39: {  	_ = 	snop;
	(pc) =	sbr.ind lr, $3  }
0x3a: {  	_ = 	snop  }
0x3b: {  	_ = 	snop  }
0x3c: {  	p2 =	seq.s32 s10, $0x1;
	s10 =	sld [smem:$0x3FA9]  }
0x3d: {  	_ =	shalt  }
0x3e: {  	_ =	shalt  }
0x3f: {  	_ =	shalt  }
0x40: {  	_ =	shalt  }
0x41: {  	_ =	shalt  }
0x42: {  	_ =	shalt  }
0x43: {  	_ =	shalt  }
0x44: {  	_ =	shalt  }
0x45: {  	_ =	shalt  }
0x46: {  	_ =	shalt  }
0x47: {  	_ =	shalt  }
0x48: {  	_ =	shalt  }
0x49: {  	_ =	shalt  }
0x4a: {  	_ =	shalt  }
0x4b: {  	_ =	shalt  }
0x4c: {  	_ =	shalt  }
0x4d: {  	_ =	shalt  }
0x4e: {  	_ =	shalt  }
0x4f: {  	_ =	shalt  }
0x50: {  	_ =	shalt  }
0x51: {  	_ =	shalt  }
0x52: {  	_ =	shalt  }
0x53: {  	_ =	shalt  }
0x54: {  	_ =	shalt  }
0x55: {  	_ =	shalt  }
0x56: {  	_ =	shalt  }
0x57: {  	_ =	shalt  }
0x58: {  	_ =	shalt  }
0x59: {  	_ =	shalt  }
0x5a: {  	_ =	shalt  }
0x5b: {  	_ =	shalt  }
0x5c: {  	_ =	shalt  }
0x5d: {  	_ =	shalt  }
0x5e: {  	_ =	shalt  }
0x5f: {  	_ =	shalt  }
0x60: {  	_ =	shalt  }
0x61: {  	_ =	shalt  }
0x62: {  	_ =	shalt  }
0x63: {  	_ =	shalt  }
0x64: {  	_ =	shalt  }
0x65: {  	_ =	shalt  }
0x66: {  	_ =	shalt  }
0x67: {  	_ =	shalt  }
0x68: {  	_ =	shalt  }
0x69: {  	_ =	shalt  }
0x6a: {  	_ =	shalt  }
0x6b: {  	_ =	shalt  }
0x6c: {  	_ =	shalt  }
0x6d: {  	_ =	shalt  }
0x6e: {  	_ =	shalt  }
0x6f: {  	_ =	shalt  }
0x70: {  	_ =	shalt  }
0x71: {  	_ =	shalt  }
0x72: {  	_ =	shalt  }
0x73: {  	_ =	shalt  }
0x74: {  	_ =	shalt  }
0x75: {  	_ =	shalt  }
0x76: {  	_ =	shalt  }
0x77: {  	_ =	shalt  }
0x78: {  	_ =	shalt  }
0x79: {  	_ =	shalt  }
0x7a: {  	_ =	shalt  }
0x7b: {  	_ =	shalt  }
0x7c: {  	_ =	shalt  }
0x7d: {  	_ =	shalt  }
0x7e: {  	_ =	shalt  }
0x7f: {  	_ =	shalt  }
0x80: {  	_ =	shalt  }
0x81: {  	_ =	shalt  }
0x82: {  	_ =	shalt  }
0x83: {  	_ =	shalt  }
0x84: {  	_ =	shalt  }
0x85: {  	_ =	shalt  }
0x86: {  	_ =	shalt  }
0x87: {  	_ =	shalt  }
.Lfunc_end0:
.L_simem_size_0:
called_computation_lowered:
.L_overlay_start_0:
0x88: {  	s2 =	sld [smem:$0x3FD9]  }
0x89: {  	s3 =	sld [smem:$0x3FFE];
	_ =	sdelay $0x1  }
0x8a: {  	s1 =	srdreg.scid  }
0x8b: {  	s0 =	sand.u32 $0x1, s1  }
0x8c: {  	s17 =	sshll.u32 s0, $0xA;
	s2 =	sadd.s32 s3, s2  }
0x8d: {  	s2 =	sadd.s32 s2, s17  }
0x8e: {  	[smem:$0x3FB5] =	sst s2  }
0x8f: {  	_ = 	snop  }
0x90: {  	s2 =	sld [smem:$0x3FD0];
	(tm) =	ssettm $0x1  }
0x91: {  	s18 =	sld [smem:$0x3FFB];
	_ =	sdelay $0x3  }
0x92: {  	_ =	strace s18  }
0x93: {  	s3 =	sld [smem:$0x3FFC];
	_ =	sdelay $0x3  }
0x94: {  	_ =	strace s3  }
0x95: {  	s3 =	sld [smem:$0x3FFD];
	_ =	sdelay $0x3  }
0x96: {  	_ =	strace s3  }
0x97: {  	_ =	strace $0x8FFFFFFF  }
0x98: {  	s19 =	sld [smem:$0x3FDB];
	_ =	sdelay $0x1  }
0x99: {  	s4 =	simm.s32 $_scs_section_size  }
0x9a: {  	s5 =	simm.s32 $_size__tile_overlayer_lowered;
	s6 =	simm.s32 $_tile_overlayer_lowered  }
0x9b: {  	s22 =	simm.s32 $0x1BFF;
	s21 =	sshll.u32 s6, $0x1;
	s3 =	sadd.s32 s4, s19  }
0x9c: {  	s7 =	simm.s32 $0x0;
	s20 =	sshll.u32 s5, $0x1;
	s5 =	sadd.s32 s21, s3  }
0x9d: {  	[timem:s7], [sflag:s22] =	dma.local [hbm:s5], s20  }
0x9e: {  	_ =	swait.ge [sflag:s22], s20  }
0x9f: {  	s4 =	ssub.s32 $0x0, s20;
	[sflag:s22] =	ssyncset.done $0x0  }
0xa0: {  	[sflag:s22] =	ssyncadd.s32 s4;
	_ =	sdelay $0x1  }
0xa1: {  	s23 =	simm.s32 $0x1B8B  }
0xa2: {  	_ =	swait.ge [sflag:s23], $0x1  }
0xa3: {  	[sflag:s23] =	ssyncset.done $0x0  }
0xa4: {  	s25 =	simm.s32 $0x1B8E;
	s24 =	sld [smem:$0x3FFE];
	[sflag:s23] =	ssyncadd.s32 $0xFFFFFFFF  }
0xa5: {  	s26 =	simm.s32 $execute0_lowered;
	[smem:$0x3FD2] =	sst s25  }
0xa6: {  	s5 =	sshll.u32 s26, $0x1;
	_ =	strace $0x80000046;
	[dreg:$0x1] =	wrdreg $0xFFFFFFFF  }
0xa7: {  	s28 =	simm.s32 $_size_execute0_lowered;
	s3 =	sadd.s32 s3, s5;
	[dreg:$0x0] =	wrdreg $0x0  }
0xa8: {  	s5 =	sshll.u32 s28, $0x1;
	[dreg:$0x2] =	wrdreg s3  }
0xa9: {  	[dreg:$0x3] =	wrdreg s5  }
0xaa: {  	[dreg:$0x4] =	wrdreg $0xC0  }
0xab: {  	_ =	task [dreg:s7], $0x5FFFF  }
0xac: {  	[dreg:$0x1] =	wrdreg $0xFFFFFFFF  }
0xad: {  	[dreg:$0x0] =	wrdreg $0x60  }
0xae: {  	[dreg:$0x2] =	wrdreg s2  }
0xaf: {  	[dreg:$0x3] =	wrdreg s24  }
0xb0: {  	[dreg:$0x4] =	wrdreg $0x9  }
0xb1: {  	_ =	task.clear_ibuf [dreg:s7], $0x5FFFF;
	_ =	strace $0x90000046  }
0xb2: {  	s29 =	simm.s32 $0x9;
	_ =	strace $0x80000048  }
0xb3: {  	_ =	swait.ge [sflag:s29], $0x1  }
0xb4: {  	[sflag:s29] =	ssyncadd.s32 $0xFFFFFFFF  }
0xb5: {  	_ =	strace $0x90000048  }
0xb6: {  	_ =	sfence  }
0xb7: {  	s30 =	sld [smem:$0x0];
	_ =	sdelay $0x2  }
0xb8: {  	s31 =	sshll.u32 s1, $0xD;
	s1 =	sshrl.u32 s1, $0x2  }
0xb9: {  	s3 =	sand.u32 $0x4000, s31;
	s1 =	sadd.s32 s1, s30  }
0xba: {  	s0 =	sor.u32 s3, s0;
	s1 =	sshll.u32 s1, $0x11  }
0xbb: {  	s0 =	sor.u32 s1, s0  }
0xbc: {  	s0 =	sadd.s32 $0x8F2B, s0  }
0xbd: {  	[sflag:s0] =	ssyncadd.remote.s32 $0x1  }
0xbe: {  	_ =	sfence.sel $0xFFFF  }
0xbf: {  	[dreg:$0x0] =	wrdreg $0xFFFFFFFF;
	(pc) =	sbr.abs _section_cstart, $3  }
0xc0: {  	[dreg:$0x1] =	wrdreg $0xFFFFFFFF  }
0xc1: {  	_ =	task.clear_ibuf [dreg:s7], $0x2FFFF;
	_ =	strace $0x9FFFFFFF  }
0xc2: {  	(tm) =	ssettm $0x7FFFFFFF  }
0xc3: {  	_ =	shalt  }
tec
execute0_lowered:
.L_overlay_start_1:
0x0: {  	(tag) =	ssettag $0x1  }
0x1: {  	s0 =	srdreg.scid  }
0x2: {  	s4 =	sand.u32 $0x1, s0;
	s0 =	stileid.u32  }
0x3: {  	s5 =	sor.u32 s0, s4  }
0x4: {  	p0 =	sne.s32 s5, $0x0  }
.Ltmp0:
0x5: {  	_ = 	snop;
	(pc) =	sbr.rel @p0 .LBB2_3-.Ltmp0, $4  }
0x6: {  	_ = 	snop  }
0x7: {  	s2 =	rddreg [dreg:$0x0]  }
0x8: {  	s3 =	rddreg [dreg:$0x1]  }
0x9: {  	s1 =	rddreg [dreg:$0x2];
	_ =	strace $0x80000047  }
0xa: {  	s4 =	ssub.s32 $0x2, s4  }
0xb: {  	s3 =	sadd.s32 $0x1200, s3;
	s6 =	simm.s32 $0x1;
	s5 =	sshrl.u32 s4, $0x1  }
0xc: {  	v0 =	vimm.f32 $0.0e+00;
	s7 =	simm.s32 $0x1800;
	s4 =	ssub.s32 s4, s5;
	s5 =	simm.s32 $0x0  }
.LBB2_2:
0xd: {  	[tilespmem:s5], [sflag:$0x1] =	stream.linear.gather [hbm4b:s2+s5], $0x1800, $0x38;
	[tilespmem:$0x2800] =	vst v63  }
0xe: {  	_ =	swait.ge [sflag:s6], $0x1800  }
0xf: {  	[sflag:s6] =	ssyncset.done $0x0  }
0x10: {  	[sflag:s6] =	ssyncadd.s32 $0xFFFFE800  }
0x11: {  	[tilespmem:$0x1800] =	vst v0  }
0x12: {  	[tilespmem:$0x1810] =	vst v0  }
0x13: {  	[tilespmem:$0x1820] =	vst v0  }
0x14: {  	[tilespmem:$0x1830] =	vst v0  }
0x15: {  	[tilespmem:$0x1840] =	vst v0  }
0x16: {  	[tilespmem:$0x1850] =	vst v0  }
0x17: {  	[tilespmem:$0x1860] =	vst v0  }
0x18: {  	[tilespmem:$0x1870] =	vst v0  }
0x19: {  	[tilespmem:$0x1880] =	vst v0  }
0x1a: {  	[tilespmem:$0x1890] =	vst v0  }
0x1b: {  	[tilespmem:$0x18A0] =	vst v0  }
0x1c: {  	[tilespmem:$0x18B0] =	vst v0  }
0x1d: {  	[tilespmem:$0x18C0] =	vst v0  }
0x1e: {  	[tilespmem:$0x18D0] =	vst v0  }
0x1f: {  	[tilespmem:$0x18E0] =	vst v0  }
0x20: {  	[tilespmem:$0x18F0] =	vst v0  }
0x21: {  	[tilespmem:$0x1900] =	vst v0  }
0x22: {  	[tilespmem:$0x1910] =	vst v0  }
0x23: {  	[tilespmem:$0x1920] =	vst v0  }
0x24: {  	[tilespmem:$0x1930] =	vst v0  }
0x25: {  	[tilespmem:$0x1940] =	vst v0  }
0x26: {  	[tilespmem:$0x1950] =	vst v0  }
0x27: {  	[tilespmem:$0x1960] =	vst v0  }
0x28: {  	[tilespmem:$0x1970] =	vst v0  }
0x29: {  	[tilespmem:$0x1980] =	vst v0  }
0x2a: {  	[tilespmem:$0x1990] =	vst v0  }
0x2b: {  	[tilespmem:$0x19A0] =	vst v0  }
0x2c: {  	[tilespmem:$0x19B0] =	vst v0  }
0x2d: {  	[tilespmem:$0x19C0] =	vst v0  }
0x2e: {  	[tilespmem:$0x19D0] =	vst v0  }
0x2f: {  	[tilespmem:$0x19E0] =	vst v0  }
0x30: {  	[tilespmem:$0x19F0] =	vst v0  }
0x31: {  	[tilespmem:$0x1A00] =	vst v0  }
0x32: {  	[tilespmem:$0x1A10] =	vst v0  }
0x33: {  	[tilespmem:$0x1A20] =	vst v0  }
0x34: {  	[tilespmem:$0x1A30] =	vst v0  }
0x35: {  	[tilespmem:$0x1A40] =	vst v0  }
0x36: {  	[tilespmem:$0x1A50] =	vst v0  }
0x37: {  	[tilespmem:$0x1A60] =	vst v0  }
0x38: {  	[tilespmem:$0x1A70] =	vst v0  }
0x39: {  	[tilespmem:$0x1A80] =	vst v0  }
0x3a: {  	[tilespmem:$0x1A90] =	vst v0  }
0x3b: {  	[tilespmem:$0x1AA0] =	vst v0  }
0x3c: {  	[tilespmem:$0x1AB0] =	vst v0  }
0x3d: {  	[tilespmem:$0x1AC0] =	vst v0  }
0x3e: {  	[tilespmem:$0x1AD0] =	vst v0  }
0x3f: {  	[tilespmem:$0x1AE0] =	vst v0  }
0x40: {  	[tilespmem:$0x1AF0] =	vst v0  }
0x41: {  	[tilespmem:$0x1B00] =	vst v0  }
0x42: {  	[tilespmem:$0x1B10] =	vst v0  }
0x43: {  	[tilespmem:$0x1B20] =	vst v0  }
0x44: {  	[tilespmem:$0x1B30] =	vst v0  }
0x45: {  	[tilespmem:$0x1B40] =	vst v0  }
0x46: {  	[tilespmem:$0x1B50] =	vst v0  }
0x47: {  	[tilespmem:$0x1B60] =	vst v0  }
0x48: {  	[tilespmem:$0x1B70] =	vst v0  }
0x49: {  	[tilespmem:$0x1B80] =	vst v0  }
0x4a: {  	[tilespmem:$0x1B90] =	vst v0  }
0x4b: {  	[tilespmem:$0x1BA0] =	vst v0  }
0x4c: {  	[tilespmem:$0x1BB0] =	vst v0  }
0x4d: {  	[tilespmem:$0x1BC0] =	vst v0  }
0x4e: {  	[tilespmem:$0x1BD0] =	vst v0  }
0x4f: {  	[tilespmem:$0x1BE0] =	vst v0  }
0x50: {  	[tilespmem:$0x1BF0] =	vst v0  }
0x51: {  	[tilespmem:$0x1C00] =	vst v0  }
0x52: {  	[tilespmem:$0x1C10] =	vst v0  }
0x53: {  	[tilespmem:$0x1C20] =	vst v0  }
0x54: {  	[tilespmem:$0x1C30] =	vst v0  }
0x55: {  	[tilespmem:$0x1C40] =	vst v0  }
0x56: {  	[tilespmem:$0x1C50] =	vst v0  }
0x57: {  	[tilespmem:$0x1C60] =	vst v0  }
0x58: {  	[tilespmem:$0x1C70] =	vst v0  }
0x59: {  	[tilespmem:$0x1C80] =	vst v0  }
0x5a: {  	[tilespmem:$0x1C90] =	vst v0  }
0x5b: {  	[tilespmem:$0x1CA0] =	vst v0  }
0x5c: {  	[tilespmem:$0x1CB0] =	vst v0  }
0x5d: {  	[tilespmem:$0x1CC0] =	vst v0  }
0x5e: {  	[tilespmem:$0x1CD0] =	vst v0  }
0x5f: {  	[tilespmem:$0x1CE0] =	vst v0  }
0x60: {  	[tilespmem:$0x1CF0] =	vst v0  }
0x61: {  	[tilespmem:$0x1D00] =	vst v0  }
0x62: {  	[tilespmem:$0x1D10] =	vst v0  }
0x63: {  	[tilespmem:$0x1D20] =	vst v0  }
0x64: {  	[tilespmem:$0x1D30] =	vst v0  }
0x65: {  	[tilespmem:$0x1D40] =	vst v0  }
0x66: {  	[tilespmem:$0x1D50] =	vst v0  }
0x67: {  	[tilespmem:$0x1D60] =	vst v0  }
0x68: {  	[tilespmem:$0x1D70] =	vst v0  }
0x69: {  	[tilespmem:$0x1D80] =	vst v0  }
0x6a: {  	[tilespmem:$0x1D90] =	vst v0  }
0x6b: {  	[tilespmem:$0x1DA0] =	vst v0  }
0x6c: {  	[tilespmem:$0x1DB0] =	vst v0  }
0x6d: {  	[tilespmem:$0x1DC0] =	vst v0  }
0x6e: {  	[tilespmem:$0x1DD0] =	vst v0  }
0x6f: {  	[tilespmem:$0x1DE0] =	vst v0  }
0x70: {  	[tilespmem:$0x1DF0] =	vst v0  }
0x71: {  	[tilespmem:$0x1E00] =	vst v0  }
0x72: {  	[tilespmem:$0x1E10] =	vst v0  }
0x73: {  	[tilespmem:$0x1E20] =	vst v0  }
0x74: {  	[tilespmem:$0x1E30] =	vst v0  }
0x75: {  	[tilespmem:$0x1E40] =	vst v0  }
0x76: {  	[tilespmem:$0x1E50] =	vst v0  }
0x77: {  	[tilespmem:$0x1E60] =	vst v0  }
0x78: {  	[tilespmem:$0x1E70] =	vst v0  }
0x79: {  	[tilespmem:$0x1E80] =	vst v0  }
0x7a: {  	[tilespmem:$0x1E90] =	vst v0  }
0x7b: {  	[tilespmem:$0x1EA0] =	vst v0  }
0x7c: {  	[tilespmem:$0x1EB0] =	vst v0  }
0x7d: {  	[tilespmem:$0x1EC0] =	vst v0  }
0x7e: {  	[tilespmem:$0x1ED0] =	vst v0  }
0x7f: {  	[tilespmem:$0x1EE0] =	vst v0  }
0x80: {  	[tilespmem:$0x1EF0] =	vst v0  }
0x81: {  	[tilespmem:$0x1F00] =	vst v0  }
0x82: {  	[tilespmem:$0x1F10] =	vst v0  }
0x83: {  	[tilespmem:$0x1F20] =	vst v0  }
0x84: {  	[tilespmem:$0x1F30] =	vst v0  }
0x85: {  	[tilespmem:$0x1F40] =	vst v0  }
0x86: {  	[tilespmem:$0x1F50] =	vst v0  }
0x87: {  	[tilespmem:$0x1F60] =	vst v0  }
0x88: {  	[tilespmem:$0x1F70] =	vst v0  }
0x89: {  	[tilespmem:$0x1F80] =	vst v0  }
0x8a: {  	[tilespmem:$0x1F90] =	vst v0  }
0x8b: {  	[tilespmem:$0x1FA0] =	vst v0  }
0x8c: {  	[tilespmem:$0x1FB0] =	vst v0  }
0x8d: {  	[tilespmem:$0x1FC0] =	vst v0  }
0x8e: {  	[tilespmem:$0x1FD0] =	vst v0  }
0x8f: {  	[tilespmem:$0x1FE0] =	vst v0  }
0x90: {  	[tilespmem:$0x1FF0] =	vst v0  }
0x91: {  	[tilespmem:$0x2000] =	vst v0  }
0x92: {  	[tilespmem:$0x2010] =	vst v0  }
0x93: {  	[tilespmem:$0x2020] =	vst v0  }
0x94: {  	[tilespmem:$0x2030] =	vst v0  }
0x95: {  	[tilespmem:$0x2040] =	vst v0  }
0x96: {  	[tilespmem:$0x2050] =	vst v0  }
0x97: {  	[tilespmem:$0x2060] =	vst v0  }
0x98: {  	[tilespmem:$0x2070] =	vst v0  }
0x99: {  	[tilespmem:$0x2080] =	vst v0  }
0x9a: {  	[tilespmem:$0x2090] =	vst v0  }
0x9b: {  	[tilespmem:$0x20A0] =	vst v0  }
0x9c: {  	[tilespmem:$0x20B0] =	vst v0  }
0x9d: {  	[tilespmem:$0x20C0] =	vst v0  }
0x9e: {  	[tilespmem:$0x20D0] =	vst v0  }
0x9f: {  	[tilespmem:$0x20E0] =	vst v0  }
0xa0: {  	[tilespmem:$0x20F0] =	vst v0  }
0xa1: {  	[tilespmem:$0x2100] =	vst v0  }
0xa2: {  	[tilespmem:$0x2110] =	vst v0  }
0xa3: {  	[tilespmem:$0x2120] =	vst v0  }
0xa4: {  	[tilespmem:$0x2130] =	vst v0  }
0xa5: {  	[tilespmem:$0x2140] =	vst v0  }
0xa6: {  	[tilespmem:$0x2150] =	vst v0  }
0xa7: {  	[tilespmem:$0x2160] =	vst v0  }
0xa8: {  	[tilespmem:$0x2170] =	vst v0  }
0xa9: {  	[tilespmem:$0x2180] =	vst v0  }
0xaa: {  	[tilespmem:$0x2190] =	vst v0  }
0xab: {  	[tilespmem:$0x21A0] =	vst v0  }
0xac: {  	[tilespmem:$0x21B0] =	vst v0  }
0xad: {  	[tilespmem:$0x21C0] =	vst v0  }
0xae: {  	[tilespmem:$0x21D0] =	vst v0  }
0xaf: {  	[tilespmem:$0x21E0] =	vst v0  }
0xb0: {  	[tilespmem:$0x21F0] =	vst v0  }
0xb1: {  	[tilespmem:$0x2200] =	vst v0  }
0xb2: {  	[tilespmem:$0x2210] =	vst v0  }
0xb3: {  	[tilespmem:$0x2220] =	vst v0  }
0xb4: {  	[tilespmem:$0x2230] =	vst v0  }
0xb5: {  	[tilespmem:$0x2240] =	vst v0  }
0xb6: {  	[tilespmem:$0x2250] =	vst v0  }
0xb7: {  	[tilespmem:$0x2260] =	vst v0  }
0xb8: {  	[tilespmem:$0x2270] =	vst v0  }
0xb9: {  	[tilespmem:$0x2280] =	vst v0  }
0xba: {  	[tilespmem:$0x2290] =	vst v0  }
0xbb: {  	[tilespmem:$0x22A0] =	vst v0  }
0xbc: {  	[tilespmem:$0x22B0] =	vst v0  }
0xbd: {  	[tilespmem:$0x22C0] =	vst v0  }
0xbe: {  	[tilespmem:$0x22D0] =	vst v0  }
0xbf: {  	[tilespmem:$0x22E0] =	vst v0  }
0xc0: {  	[tilespmem:$0x22F0] =	vst v0  }
0xc1: {  	[tilespmem:$0x2300] =	vst v0  }
0xc2: {  	[tilespmem:$0x2310] =	vst v0  }
0xc3: {  	[tilespmem:$0x2320] =	vst v0  }
0xc4: {  	[tilespmem:$0x2330] =	vst v0  }
0xc5: {  	[tilespmem:$0x2340] =	vst v0  }
0xc6: {  	[tilespmem:$0x2350] =	vst v0  }
0xc7: {  	[tilespmem:$0x2360] =	vst v0  }
0xc8: {  	[tilespmem:$0x2370] =	vst v0  }
0xc9: {  	[tilespmem:$0x2380] =	vst v0  }
0xca: {  	[tilespmem:$0x2390] =	vst v0  }
0xcb: {  	[tilespmem:$0x23A0] =	vst v0  }
0xcc: {  	[tilespmem:$0x23B0] =	vst v0  }
0xcd: {  	[tilespmem:$0x23C0] =	vst v0  }
0xce: {  	[tilespmem:$0x23D0] =	vst v0  }
0xcf: {  	[tilespmem:$0x23E0] =	vst v0  }
0xd0: {  	[tilespmem:$0x23F0] =	vst v0  }
0xd1: {  	[tilespmem:$0x2400] =	vst v0  }
0xd2: {  	[tilespmem:$0x2410] =	vst v0  }
0xd3: {  	[tilespmem:$0x2420] =	vst v0  }
0xd4: {  	[tilespmem:$0x2430] =	vst v0  }
0xd5: {  	[tilespmem:$0x2440] =	vst v0  }
0xd6: {  	[tilespmem:$0x2450] =	vst v0  }
0xd7: {  	[tilespmem:$0x2460] =	vst v0  }
0xd8: {  	[tilespmem:$0x2470] =	vst v0  }
0xd9: {  	[tilespmem:$0x2480] =	vst v0  }
0xda: {  	[tilespmem:$0x2490] =	vst v0  }
0xdb: {  	[tilespmem:$0x24A0] =	vst v0  }
0xdc: {  	[tilespmem:$0x24B0] =	vst v0  }
0xdd: {  	[tilespmem:$0x24C0] =	vst v0  }
0xde: {  	[tilespmem:$0x24D0] =	vst v0  }
0xdf: {  	[tilespmem:$0x24E0] =	vst v0  }
0xe0: {  	[tilespmem:$0x24F0] =	vst v0  }
0xe1: {  	[tilespmem:$0x2500] =	vst v0  }
0xe2: {  	[tilespmem:$0x2510] =	vst v0  }
0xe3: {  	[tilespmem:$0x2520] =	vst v0  }
0xe4: {  	[tilespmem:$0x2530] =	vst v0  }
0xe5: {  	[tilespmem:$0x2540] =	vst v0  }
0xe6: {  	[tilespmem:$0x2550] =	vst v0  }
0xe7: {  	[tilespmem:$0x2560] =	vst v0  }
0xe8: {  	[tilespmem:$0x2570] =	vst v0  }
0xe9: {  	[tilespmem:$0x2580] =	vst v0  }
0xea: {  	[tilespmem:$0x2590] =	vst v0  }
0xeb: {  	[tilespmem:$0x25A0] =	vst v0  }
0xec: {  	[tilespmem:$0x25B0] =	vst v0  }
0xed: {  	[tilespmem:$0x25C0] =	vst v0  }
0xee: {  	[tilespmem:$0x25D0] =	vst v0  }
0xef: {  	[tilespmem:$0x25E0] =	vst v0  }
0xf0: {  	[tilespmem:$0x25F0] =	vst v0  }
0xf1: {  	[tilespmem:$0x2600] =	vst v0  }
0xf2: {  	[tilespmem:$0x2610] =	vst v0  }
0xf3: {  	[tilespmem:$0x2620] =	vst v0  }
0xf4: {  	[tilespmem:$0x2630] =	vst v0  }
0xf5: {  	[tilespmem:$0x2640] =	vst v0  }
0xf6: {  	[tilespmem:$0x2650] =	vst v0  }
0xf7: {  	[tilespmem:$0x2660] =	vst v0  }
0xf8: {  	[tilespmem:$0x2670] =	vst v0  }
0xf9: {  	[tilespmem:$0x2680] =	vst v0  }
0xfa: {  	[tilespmem:$0x2690] =	vst v0  }
0xfb: {  	[tilespmem:$0x26A0] =	vst v0  }
0xfc: {  	[tilespmem:$0x26B0] =	vst v0  }
0xfd: {  	[tilespmem:$0x26C0] =	vst v0  }
0xfe: {  	[tilespmem:$0x26D0] =	vst v0  }
0xff: {  	[tilespmem:$0x26E0] =	vst v0  }
0x100: {  	[tilespmem:$0x26F0] =	vst v0  }
0x101: {  	[tilespmem:$0x2700] =	vst v0  }
0x102: {  	[tilespmem:$0x2710] =	vst v0  }
0x103: {  	[tilespmem:$0x2720] =	vst v0  }
0x104: {  	[tilespmem:$0x2730] =	vst v0;
	v1 =	vld [tilespmem:$0x0]  }
0x105: {  	[tilespmem:$0x2740] =	vst v0;
	v2 =	vld [tilespmem:$0x80]  }
0x106: {  	[tilespmem:$0x2750] =	vst v0  }
0x107: {  	[tilespmem:$0x2760] =	vst v0  }
0x108: {  	[tilespmem:$0x2770] =	vst v0  }
0x109: {  	[tilespmem:$0x2780] =	vst v0  }
0x10a: {  	[tilespmem:$0x2790] =	vst v0;
	v3 =	vshll.u32 v1, $0x3;
	v1 =	vsub.s32 v2, v1  }
0x10b: {  	[tilespmem:$0x27A0] =	vst v0;
	v1 =	vadd.s32 v3, v1  }
0x10c: {  	[tilespmem:$0x27B0] =	vst v0;
	v2 =	vld [tilespmem:$0x100];
	v1 =	vadd.s32 $0x1, v1  }
0x10d: {  	[tilespmem:$0x27C0] =	vst v0  }
0x10e: {  	[tilespmem:$0x27D0] =	vst v0  }
0x10f: {  	[tilespmem:$0x27E0] =	vst v0  }
0x110: {  	[tilespmem:$0x27F0] =	vst v0  }
0x111: {  	[tilespmem:v1+s7+$0x0] =	vst.idx.msk $0xffff, v2  }
0x112: {  	v1 =	vld [tilespmem:$0x10]  }
0x113: {  	v2 =	vld [tilespmem:$0x90];
	_ =	sdelay $0x4  }
0x114: {  	v3 =	vshll.u32 v1, $0x3;
	v1 =	vsub.s32 v2, v1  }
0x115: {  	v1 =	vadd.s32 v3, v1  }
0x116: {  	v2 =	vld [tilespmem:$0x110];
	v1 =	vadd.s32 $0x1, v1;
	_ =	sdelay $0x4  }
0x117: {  	[tilespmem:v1+s7+$0x0] =	vst.idx.msk $0xffff, v2  }
0x118: {  	v1 =	vld [tilespmem:$0x20]  }
0x119: {  	v2 =	vld [tilespmem:$0xA0];
	_ =	sdelay $0x4  }
0x11a: {  	v3 =	vshll.u32 v1, $0x3;
	v1 =	vsub.s32 v2, v1  }
0x11b: {  	v1 =	vadd.s32 v3, v1  }
0x11c: {  	v2 =	vld [tilespmem:$0x120];
	v1 =	vadd.s32 $0x1, v1;
	_ =	sdelay $0x4  }
0x11d: {  	[tilespmem:v1+s7+$0x0] =	vst.idx.msk $0xffff, v2  }
0x11e: {  	v1 =	vld [tilespmem:$0x30]  }
0x11f: {  	v2 =	vld [tilespmem:$0xB0];
	_ =	sdelay $0x4  }
0x120: {  	v3 =	vshll.u32 v1, $0x3;
	v1 =	vsub.s32 v2, v1  }
0x121: {  	v1 =	vadd.s32 v3, v1  }
0x122: {  	v2 =	vld [tilespmem:$0x130];
	v1 =	vadd.s32 $0x1, v1;
	_ =	sdelay $0x4  }
0x123: {  	[tilespmem:v1+s7+$0x0] =	vst.idx.msk $0xffff, v2  }
0x124: {  	v1 =	vld [tilespmem:$0x40]  }
0x125: {  	v2 =	vld [tilespmem:$0xC0];
	_ =	sdelay $0x4  }
0x126: {  	v3 =	vshll.u32 v1, $0x3;
	v1 =	vsub.s32 v2, v1  }
0x127: {  	v1 =	vadd.s32 v3, v1  }
0x128: {  	v2 =	vld [tilespmem:$0x140];
	v1 =	vadd.s32 $0x1, v1;
	_ =	sdelay $0x4  }
0x129: {  	[tilespmem:v1+s7+$0x0] =	vst.idx.msk $0xffff, v2  }
0x12a: {  	v1 =	vld [tilespmem:$0x50]  }
0x12b: {  	v2 =	vld [tilespmem:$0xD0];
	_ =	sdelay $0x4  }
0x12c: {  	v3 =	vshll.u32 v1, $0x3;
	v1 =	vsub.s32 v2, v1  }
0x12d: {  	v1 =	vadd.s32 v3, v1  }
0x12e: {  	v2 =	vld [tilespmem:$0x150];
	v1 =	vadd.s32 $0x1, v1;
	_ =	sdelay $0x4  }
0x12f: {  	[tilespmem:v1+s7+$0x0] =	vst.idx.msk $0xffff, v2  }
0x130: {  	v1 =	vld [tilespmem:$0x60]  }
0x131: {  	v2 =	vld [tilespmem:$0xE0];
	_ =	sdelay $0x4  }
0x132: {  	v3 =	vshll.u32 v1, $0x3;
	v1 =	vsub.s32 v2, v1  }
0x133: {  	v1 =	vadd.s32 v3, v1  }
0x134: {  	v2 =	vld [tilespmem:$0x160];
	v1 =	vadd.s32 $0x1, v1;
	_ =	sdelay $0x4  }
0x135: {  	[tilespmem:v1+s7+$0x0] =	vst.idx.msk $0xffff, v2  }
0x136: {  	v1 =	vld [tilespmem:$0x70]  }
0x137: {  	v2 =	vld [tilespmem:$0xF0];
	_ =	sdelay $0x4  }
0x138: {  	v3 =	vshll.u32 v1, $0x3;
	v1 =	vsub.s32 v2, v1  }
0x139: {  	v1 =	vadd.s32 v3, v1  }
0x13a: {  	v2 =	vld [tilespmem:$0x170];
	v1 =	vadd.s32 $0x1, v1;
	_ =	sdelay $0x4  }
0x13b: {  	[tilespmem:v1+s7+$0x0] =	vst.idx.msk $0xffff, v2  }
0x13c: {  	v1 =	vld [tilespmem:$0x400]  }
0x13d: {  	v2 =	vld [tilespmem:$0x480];
	_ =	sdelay $0x4  }
0x13e: {  	v3 =	vshll.u32 v1, $0x3;
	v1 =	vsub.s32 v2, v1  }
0x13f: {  	v1 =	vadd.s32 v3, v1  }
0x140: {  	v2 =	vld [tilespmem:$0x500];
	v1 =	vadd.s32 $0x1, v1;
	_ =	sdelay $0x4  }
0x141: {  	[tilespmem:v1+s7+$0x0] =	vst.idx.msk $0xffff, v2  }
0x142: {  	v1 =	vld [tilespmem:$0x410]  }
0x143: {  	v2 =	vld [tilespmem:$0x490];
	_ =	sdelay $0x4  }
0x144: {  	v3 =	vshll.u32 v1, $0x3;
	v1 =	vsub.s32 v2, v1  }
0x145: {  	v1 =	vadd.s32 v3, v1  }
0x146: {  	v2 =	vld [tilespmem:$0x510];
	v1 =	vadd.s32 $0x1, v1;
	_ =	sdelay $0x4  }
0x147: {  	[tilespmem:v1+s7+$0x0] =	vst.idx.msk $0xffff, v2  }
0x148: {  	v1 =	vld [tilespmem:$0x420]  }
0x149: {  	v2 =	vld [tilespmem:$0x4A0];
	_ =	sdelay $0x4  }
0x14a: {  	v3 =	vshll.u32 v1, $0x3;
	v1 =	vsub.s32 v2, v1  }
0x14b: {  	v1 =	vadd.s32 v3, v1  }
0x14c: {  	v2 =	vld [tilespmem:$0x520];
	v1 =	vadd.s32 $0x1, v1;
	_ =	sdelay $0x4  }
0x14d: {  	[tilespmem:v1+s7+$0x0] =	vst.idx.msk $0xffff, v2  }
0x14e: {  	v1 =	vld [tilespmem:$0x430]  }
0x14f: {  	v2 =	vld [tilespmem:$0x4B0];
	_ =	sdelay $0x4  }
0x150: {  	v3 =	vshll.u32 v1, $0x3;
	v1 =	vsub.s32 v2, v1  }
0x151: {  	v1 =	vadd.s32 v3, v1  }
0x152: {  	v2 =	vld [tilespmem:$0x530];
	v1 =	vadd.s32 $0x1, v1;
	_ =	sdelay $0x4  }
0x153: {  	[tilespmem:v1+s7+$0x0] =	vst.idx.msk $0xffff, v2  }
0x154: {  	v1 =	vld [tilespmem:$0x440]  }
0x155: {  	v2 =	vld [tilespmem:$0x4C0];
	_ =	sdelay $0x4  }
0x156: {  	v3 =	vshll.u32 v1, $0x3;
	v1 =	vsub.s32 v2, v1  }
0x157: {  	v1 =	vadd.s32 v3, v1  }
0x158: {  	v2 =	vld [tilespmem:$0x540];
	v1 =	vadd.s32 $0x1, v1;
	_ =	sdelay $0x4  }
0x159: {  	[tilespmem:v1+s7+$0x0] =	vst.idx.msk $0xffff, v2  }
0x15a: {  	v1 =	vld [tilespmem:$0x450]  }
0x15b: {  	v2 =	vld [tilespmem:$0x4D0];
	_ =	sdelay $0x4  }
0x15c: {  	v3 =	vshll.u32 v1, $0x3;
	v1 =	vsub.s32 v2, v1  }
0x15d: {  	v1 =	vadd.s32 v3, v1  }
0x15e: {  	v2 =	vld [tilespmem:$0x550];
	v1 =	vadd.s32 $0x1, v1;
	_ =	sdelay $0x4  }
0x15f: {  	[tilespmem:v1+s7+$0x0] =	vst.idx.msk $0xffff, v2  }
0x160: {  	v1 =	vld [tilespmem:$0x460]  }
0x161: {  	v2 =	vld [tilespmem:$0x4E0];
	_ =	sdelay $0x4  }
0x162: {  	v3 =	vshll.u32 v1, $0x3;
	v1 =	vsub.s32 v2, v1  }
0x163: {  	v1 =	vadd.s32 v3, v1  }
0x164: {  	v2 =	vld [tilespmem:$0x560];
	v1 =	vadd.s32 $0x1, v1;
	_ =	sdelay $0x4  }
0x165: {  	[tilespmem:v1+s7+$0x0] =	vst.idx.msk $0xffff, v2  }
0x166: {  	v1 =	vld [tilespmem:$0x470]  }
0x167: {  	v2 =	vld [tilespmem:$0x4F0];
	_ =	sdelay $0x4  }
0x168: {  	v3 =	vshll.u32 v1, $0x3;
	v1 =	vsub.s32 v2, v1  }
0x169: {  	v1 =	vadd.s32 v3, v1  }
0x16a: {  	v2 =	vld [tilespmem:$0x570];
	v1 =	vadd.s32 $0x1, v1;
	_ =	sdelay $0x4  }
0x16b: {  	[tilespmem:v1+s7+$0x0] =	vst.idx.msk $0xffff, v2  }
0x16c: {  	v1 =	vld [tilespmem:$0x800]  }
0x16d: {  	v2 =	vld [tilespmem:$0x880];
	_ =	sdelay $0x4  }
0x16e: {  	v3 =	vshll.u32 v1, $0x3;
	v1 =	vsub.s32 v2, v1  }
0x16f: {  	v1 =	vadd.s32 v3, v1  }
0x170: {  	v2 =	vld [tilespmem:$0x900];
	v1 =	vadd.s32 $0x1, v1;
	_ =	sdelay $0x4  }
0x171: {  	[tilespmem:v1+s7+$0x0] =	vst.idx.msk $0xffff, v2  }
0x172: {  	v1 =	vld [tilespmem:$0x810]  }
0x173: {  	v2 =	vld [tilespmem:$0x890];
	_ =	sdelay $0x4  }
0x174: {  	v3 =	vshll.u32 v1, $0x3;
	v1 =	vsub.s32 v2, v1  }
0x175: {  	v1 =	vadd.s32 v3, v1  }
0x176: {  	v2 =	vld [tilespmem:$0x910];
	v1 =	vadd.s32 $0x1, v1;
	_ =	sdelay $0x4  }
0x177: {  	[tilespmem:v1+s7+$0x0] =	vst.idx.msk $0xffff, v2  }
0x178: {  	v1 =	vld [tilespmem:$0x820]  }
0x179: {  	v2 =	vld [tilespmem:$0x8A0];
	_ =	sdelay $0x4  }
0x17a: {  	v3 =	vshll.u32 v1, $0x3;
	v1 =	vsub.s32 v2, v1  }
0x17b: {  	v1 =	vadd.s32 v3, v1  }
0x17c: {  	v2 =	vld [tilespmem:$0x920];
	v1 =	vadd.s32 $0x1, v1;
	_ =	sdelay $0x4  }
0x17d: {  	[tilespmem:v1+s7+$0x0] =	vst.idx.msk $0xffff, v2  }
0x17e: {  	v1 =	vld [tilespmem:$0x830]  }
0x17f: {  	v2 =	vld [tilespmem:$0x8B0];
	_ =	sdelay $0x4  }
0x180: {  	v3 =	vshll.u32 v1, $0x3;
	v1 =	vsub.s32 v2, v1  }
0x181: {  	v1 =	vadd.s32 v3, v1  }
0x182: {  	v2 =	vld [tilespmem:$0x930];
	v1 =	vadd.s32 $0x1, v1;
	_ =	sdelay $0x4  }
0x183: {  	[tilespmem:v1+s7+$0x0] =	vst.idx.msk $0xffff, v2  }
0x184: {  	v1 =	vld [tilespmem:$0x840]  }
0x185: {  	v2 =	vld [tilespmem:$0x8C0];
	_ =	sdelay $0x4  }
0x186: {  	v3 =	vshll.u32 v1, $0x3;
	v1 =	vsub.s32 v2, v1  }
0x187: {  	v1 =	vadd.s32 v3, v1  }
0x188: {  	v2 =	vld [tilespmem:$0x940];
	v1 =	vadd.s32 $0x1, v1;
	_ =	sdelay $0x4  }
0x189: {  	[tilespmem:v1+s7+$0x0] =	vst.idx.msk $0xffff, v2  }
0x18a: {  	v1 =	vld [tilespmem:$0x850]  }
0x18b: {  	v2 =	vld [tilespmem:$0x8D0];
	_ =	sdelay $0x4  }
0x18c: {  	v3 =	vshll.u32 v1, $0x3;
	v1 =	vsub.s32 v2, v1  }
0x18d: {  	v1 =	vadd.s32 v3, v1  }
0x18e: {  	v2 =	vld [tilespmem:$0x950];
	v1 =	vadd.s32 $0x1, v1;
	_ =	sdelay $0x4  }
0x18f: {  	[tilespmem:v1+s7+$0x0] =	vst.idx.msk $0xffff, v2  }
0x190: {  	v1 =	vld [tilespmem:$0x860]  }
0x191: {  	v2 =	vld [tilespmem:$0x8E0];
	_ =	sdelay $0x4  }
0x192: {  	v3 =	vshll.u32 v1, $0x3;
	v1 =	vsub.s32 v2, v1  }
0x193: {  	v1 =	vadd.s32 v3, v1  }
0x194: {  	v2 =	vld [tilespmem:$0x960];
	v1 =	vadd.s32 $0x1, v1;
	_ =	sdelay $0x4  }
0x195: {  	[tilespmem:v1+s7+$0x0] =	vst.idx.msk $0xffff, v2  }
0x196: {  	v1 =	vld [tilespmem:$0x870]  }
0x197: {  	v2 =	vld [tilespmem:$0x8F0];
	_ =	sdelay $0x4  }
0x198: {  	v3 =	vshll.u32 v1, $0x3;
	v1 =	vsub.s32 v2, v1  }
0x199: {  	v1 =	vadd.s32 v3, v1  }
0x19a: {  	v2 =	vld [tilespmem:$0x970];
	v1 =	vadd.s32 $0x1, v1;
	_ =	sdelay $0x4  }
0x19b: {  	[tilespmem:v1+s7+$0x0] =	vst.idx.msk $0xffff, v2  }
0x19c: {  	v1 =	vld [tilespmem:$0xC00]  }
0x19d: {  	v2 =	vld [tilespmem:$0xC80];
	_ =	sdelay $0x4  }
0x19e: {  	v3 =	vshll.u32 v1, $0x3;
	v1 =	vsub.s32 v2, v1  }
0x19f: {  	v1 =	vadd.s32 v3, v1  }
0x1a0: {  	v2 =	vld [tilespmem:$0xD00];
	v1 =	vadd.s32 $0x1, v1;
	_ =	sdelay $0x4  }
0x1a1: {  	[tilespmem:v1+s7+$0x0] =	vst.idx.msk $0xffff, v2  }
0x1a2: {  	v1 =	vld [tilespmem:$0xC10]  }
0x1a3: {  	v2 =	vld [tilespmem:$0xC90];
	_ =	sdelay $0x4  }
0x1a4: {  	v3 =	vshll.u32 v1, $0x3;
	v1 =	vsub.s32 v2, v1  }
0x1a5: {  	v1 =	vadd.s32 v3, v1  }
0x1a6: {  	v2 =	vld [tilespmem:$0xD10];
	v1 =	vadd.s32 $0x1, v1;
	_ =	sdelay $0x4  }
0x1a7: {  	[tilespmem:v1+s7+$0x0] =	vst.idx.msk $0xffff, v2  }
0x1a8: {  	v1 =	vld [tilespmem:$0xC20]  }
0x1a9: {  	v2 =	vld [tilespmem:$0xCA0];
	_ =	sdelay $0x4  }
0x1aa: {  	v3 =	vshll.u32 v1, $0x3;
	v1 =	vsub.s32 v2, v1  }
0x1ab: {  	v1 =	vadd.s32 v3, v1  }
0x1ac: {  	v2 =	vld [tilespmem:$0xD20];
	v1 =	vadd.s32 $0x1, v1;
	_ =	sdelay $0x4  }
0x1ad: {  	[tilespmem:v1+s7+$0x0] =	vst.idx.msk $0xffff, v2  }
0x1ae: {  	v1 =	vld [tilespmem:$0xC30]  }
0x1af: {  	v2 =	vld [tilespmem:$0xCB0];
	_ =	sdelay $0x4  }
0x1b0: {  	v3 =	vshll.u32 v1, $0x3;
	v1 =	vsub.s32 v2, v1  }
0x1b1: {  	v1 =	vadd.s32 v3, v1  }
0x1b2: {  	v2 =	vld [tilespmem:$0xD30];
	v1 =	vadd.s32 $0x1, v1;
	_ =	sdelay $0x4  }
0x1b3: {  	[tilespmem:v1+s7+$0x0] =	vst.idx.msk $0xffff, v2  }
0x1b4: {  	v1 =	vld [tilespmem:$0xC40]  }
0x1b5: {  	v2 =	vld [tilespmem:$0xCC0];
	_ =	sdelay $0x4  }
0x1b6: {  	v3 =	vshll.u32 v1, $0x3;
	v1 =	vsub.s32 v2, v1  }
0x1b7: {  	v1 =	vadd.s32 v3, v1  }
0x1b8: {  	v2 =	vld [tilespmem:$0xD40];
	v1 =	vadd.s32 $0x1, v1;
	_ =	sdelay $0x4  }
0x1b9: {  	[tilespmem:v1+s7+$0x0] =	vst.idx.msk $0xffff, v2  }
0x1ba: {  	v1 =	vld [tilespmem:$0xC50]  }
0x1bb: {  	v2 =	vld [tilespmem:$0xCD0];
	_ =	sdelay $0x4  }
0x1bc: {  	v3 =	vshll.u32 v1, $0x3;
	v1 =	vsub.s32 v2, v1  }
0x1bd: {  	v1 =	vadd.s32 v3, v1  }
0x1be: {  	v2 =	vld [tilespmem:$0xD50];
	v1 =	vadd.s32 $0x1, v1;
	_ =	sdelay $0x4  }
0x1bf: {  	[tilespmem:v1+s7+$0x0] =	vst.idx.msk $0xffff, v2  }
0x1c0: {  	v1 =	vld [tilespmem:$0xC60]  }
0x1c1: {  	v2 =	vld [tilespmem:$0xCE0];
	_ =	sdelay $0x4  }
0x1c2: {  	v3 =	vshll.u32 v1, $0x3;
	v1 =	vsub.s32 v2, v1  }
0x1c3: {  	v1 =	vadd.s32 v3, v1  }
0x1c4: {  	v2 =	vld [tilespmem:$0xD60];
	v1 =	vadd.s32 $0x1, v1;
	_ =	sdelay $0x4  }
0x1c5: {  	[tilespmem:v1+s7+$0x0] =	vst.idx.msk $0xffff, v2  }
0x1c6: {  	v1 =	vld [tilespmem:$0xC70]  }
0x1c7: {  	v2 =	vld [tilespmem:$0xCF0];
	_ =	sdelay $0x4  }
0x1c8: {  	v3 =	vshll.u32 v1, $0x3;
	v1 =	vsub.s32 v2, v1  }
0x1c9: {  	v1 =	vadd.s32 v3, v1  }
0x1ca: {  	v2 =	vld [tilespmem:$0xD70];
	v1 =	vadd.s32 $0x1, v1;
	_ =	sdelay $0x4  }
0x1cb: {  	[tilespmem:v1+s7+$0x0] =	vst.idx.msk $0xffff, v2  }
0x1cc: {  	v1 =	vld [tilespmem:$0x1000]  }
0x1cd: {  	v2 =	vld [tilespmem:$0x1080];
	_ =	sdelay $0x4  }
0x1ce: {  	v3 =	vshll.u32 v1, $0x3;
	v1 =	vsub.s32 v2, v1  }
0x1cf: {  	v1 =	vadd.s32 v3, v1  }
0x1d0: {  	v2 =	vld [tilespmem:$0x1100];
	v1 =	vadd.s32 $0x1, v1;
	_ =	sdelay $0x4  }
0x1d1: {  	[tilespmem:v1+s7+$0x0] =	vst.idx.msk $0xffff, v2  }
0x1d2: {  	v1 =	vld [tilespmem:$0x1010]  }
0x1d3: {  	v2 =	vld [tilespmem:$0x1090];
	_ =	sdelay $0x4  }
0x1d4: {  	v3 =	vshll.u32 v1, $0x3;
	v1 =	vsub.s32 v2, v1  }
0x1d5: {  	v1 =	vadd.s32 v3, v1  }
0x1d6: {  	v2 =	vld [tilespmem:$0x1110];
	v1 =	vadd.s32 $0x1, v1;
	_ =	sdelay $0x4  }
0x1d7: {  	[tilespmem:v1+s7+$0x0] =	vst.idx.msk $0xffff, v2  }
0x1d8: {  	v1 =	vld [tilespmem:$0x1020]  }
0x1d9: {  	v2 =	vld [tilespmem:$0x10A0];
	_ =	sdelay $0x4  }
0x1da: {  	v3 =	vshll.u32 v1, $0x3;
	v1 =	vsub.s32 v2, v1  }
0x1db: {  	v1 =	vadd.s32 v3, v1  }
0x1dc: {  	v2 =	vld [tilespmem:$0x1120];
	v1 =	vadd.s32 $0x1, v1;
	_ =	sdelay $0x4  }
0x1dd: {  	[tilespmem:v1+s7+$0x0] =	vst.idx.msk $0xffff, v2  }
0x1de: {  	v1 =	vld [tilespmem:$0x1030]  }
0x1df: {  	v2 =	vld [tilespmem:$0x10B0];
	_ =	sdelay $0x4  }
0x1e0: {  	v3 =	vshll.u32 v1, $0x3;
	v1 =	vsub.s32 v2, v1  }
0x1e1: {  	v1 =	vadd.s32 v3, v1  }
0x1e2: {  	v2 =	vld [tilespmem:$0x1130];
	v1 =	vadd.s32 $0x1, v1;
	_ =	sdelay $0x4  }
0x1e3: {  	[tilespmem:v1+s7+$0x0] =	vst.idx.msk $0xffff, v2  }
0x1e4: {  	v1 =	vld [tilespmem:$0x1040]  }
0x1e5: {  	v2 =	vld [tilespmem:$0x10C0];
	_ =	sdelay $0x4  }
0x1e6: {  	v3 =	vshll.u32 v1, $0x3;
	v1 =	vsub.s32 v2, v1  }
0x1e7: {  	v1 =	vadd.s32 v3, v1  }
0x1e8: {  	v2 =	vld [tilespmem:$0x1140];
	v1 =	vadd.s32 $0x1, v1;
	_ =	sdelay $0x4  }
0x1e9: {  	[tilespmem:v1+s7+$0x0] =	vst.idx.msk $0xffff, v2  }
0x1ea: {  	v1 =	vld [tilespmem:$0x1050]  }
0x1eb: {  	v2 =	vld [tilespmem:$0x10D0];
	_ =	sdelay $0x4  }
0x1ec: {  	v3 =	vshll.u32 v1, $0x3;
	v1 =	vsub.s32 v2, v1  }
0x1ed: {  	v1 =	vadd.s32 v3, v1  }
0x1ee: {  	v2 =	vld [tilespmem:$0x1150];
	v1 =	vadd.s32 $0x1, v1;
	_ =	sdelay $0x4  }
0x1ef: {  	[tilespmem:v1+s7+$0x0] =	vst.idx.msk $0xffff, v2  }
0x1f0: {  	v1 =	vld [tilespmem:$0x1060]  }
0x1f1: {  	v2 =	vld [tilespmem:$0x10E0];
	_ =	sdelay $0x4  }
0x1f2: {  	v3 =	vshll.u32 v1, $0x3;
	v1 =	vsub.s32 v2, v1  }
0x1f3: {  	v1 =	vadd.s32 v3, v1  }
0x1f4: {  	v2 =	vld [tilespmem:$0x1160];
	v1 =	vadd.s32 $0x1, v1;
	_ =	sdelay $0x4  }
0x1f5: {  	[tilespmem:v1+s7+$0x0] =	vst.idx.msk $0xffff, v2  }
0x1f6: {  	v1 =	vld [tilespmem:$0x1070]  }
0x1f7: {  	v2 =	vld [tilespmem:$0x10F0];
	_ =	sdelay $0x4  }
0x1f8: {  	v3 =	vshll.u32 v1, $0x3;
	v1 =	vsub.s32 v2, v1  }
0x1f9: {  	v1 =	vadd.s32 v3, v1  }
0x1fa: {  	v2 =	vld [tilespmem:$0x1170];
	v1 =	vadd.s32 $0x1, v1;
	_ =	sdelay $0x4  }
0x1fb: {  	[tilespmem:v1+s7+$0x0] =	vst.idx.msk $0xffff, v2  }
0x1fc: {  	v1 =	vld [tilespmem:$0x1400]  }
0x1fd: {  	v2 =	vld [tilespmem:$0x1480];
	_ =	sdelay $0x4  }
0x1fe: {  	v3 =	vshll.u32 v1, $0x3;
	v1 =	vsub.s32 v2, v1  }
0x1ff: {  	v1 =	vadd.s32 v3, v1  }
0x200: {  	v2 =	vld [tilespmem:$0x1500];
	v1 =	vadd.s32 $0x1, v1;
	_ =	sdelay $0x4  }
0x201: {  	[tilespmem:v1+s7+$0x0] =	vst.idx.msk $0xffff, v2  }
0x202: {  	v1 =	vld [tilespmem:$0x1410]  }
0x203: {  	v2 =	vld [tilespmem:$0x1490];
	_ =	sdelay $0x4  }
0x204: {  	v3 =	vshll.u32 v1, $0x3;
	v1 =	vsub.s32 v2, v1  }
0x205: {  	v1 =	vadd.s32 v3, v1  }
0x206: {  	v2 =	vld [tilespmem:$0x1510];
	v1 =	vadd.s32 $0x1, v1;
	_ =	sdelay $0x4  }
0x207: {  	[tilespmem:v1+s7+$0x0] =	vst.idx.msk $0xffff, v2  }
0x208: {  	v1 =	vld [tilespmem:$0x1420]  }
0x209: {  	v2 =	vld [tilespmem:$0x14A0];
	_ =	sdelay $0x4  }
0x20a: {  	v3 =	vshll.u32 v1, $0x3;
	v1 =	vsub.s32 v2, v1  }
0x20b: {  	v1 =	vadd.s32 v3, v1  }
0x20c: {  	v2 =	vld [tilespmem:$0x1520];
	v1 =	vadd.s32 $0x1, v1;
	_ =	sdelay $0x4  }
0x20d: {  	[tilespmem:v1+s7+$0x0] =	vst.idx.msk $0xffff, v2  }
0x20e: {  	v1 =	vld [tilespmem:$0x1430]  }
0x20f: {  	v2 =	vld [tilespmem:$0x14B0];
	_ =	sdelay $0x4  }
0x210: {  	v3 =	vshll.u32 v1, $0x3;
	v1 =	vsub.s32 v2, v1  }
0x211: {  	v1 =	vadd.s32 v3, v1  }
0x212: {  	v2 =	vld [tilespmem:$0x1530];
	v1 =	vadd.s32 $0x1, v1;
	_ =	sdelay $0x4  }
0x213: {  	[tilespmem:v1+s7+$0x0] =	vst.idx.msk $0xffff, v2  }
0x214: {  	v1 =	vld [tilespmem:$0x1440]  }
0x215: {  	v2 =	vld [tilespmem:$0x14C0];
	_ =	sdelay $0x4  }
0x216: {  	v3 =	vshll.u32 v1, $0x3;
	v1 =	vsub.s32 v2, v1  }
0x217: {  	v1 =	vadd.s32 v3, v1  }
0x218: {  	v2 =	vld [tilespmem:$0x1540];
	v1 =	vadd.s32 $0x1, v1;
	_ =	sdelay $0x4  }
0x219: {  	[tilespmem:v1+s7+$0x0] =	vst.idx.msk $0xffff, v2  }
0x21a: {  	v1 =	vld [tilespmem:$0x1450]  }
0x21b: {  	v2 =	vld [tilespmem:$0x14D0];
	_ =	sdelay $0x4  }
0x21c: {  	v3 =	vshll.u32 v1, $0x3;
	v1 =	vsub.s32 v2, v1  }
0x21d: {  	v1 =	vadd.s32 v3, v1  }
0x21e: {  	v2 =	vld [tilespmem:$0x1550];
	v1 =	vadd.s32 $0x1, v1;
	_ =	sdelay $0x4  }
0x21f: {  	[tilespmem:v1+s7+$0x0] =	vst.idx.msk $0xffff, v2  }
0x220: {  	v1 =	vld [tilespmem:$0x1460]  }
0x221: {  	v2 =	vld [tilespmem:$0x14E0];
	_ =	sdelay $0x4  }
0x222: {  	v3 =	vshll.u32 v1, $0x3;
	v1 =	vsub.s32 v2, v1  }
0x223: {  	v1 =	vadd.s32 v3, v1  }
0x224: {  	v2 =	vld [tilespmem:$0x1560];
	v1 =	vadd.s32 $0x1, v1;
	_ =	sdelay $0x4  }
0x225: {  	[tilespmem:v1+s7+$0x0] =	vst.idx.msk $0xffff, v2  }
0x226: {  	v1 =	vld [tilespmem:$0x1470]  }
0x227: {  	v2 =	vld [tilespmem:$0x14F0];
	_ =	sdelay $0x4  }
0x228: {  	v3 =	vshll.u32 v1, $0x3;
	v1 =	vsub.s32 v2, v1  }
0x229: {  	v1 =	vadd.s32 v3, v1  }
0x22a: {  	v2 =	vld [tilespmem:$0x1570];
	v1 =	vadd.s32 $0x1, v1;
	_ =	sdelay $0x4  }
0x22b: {  	[tilespmem:v1+s7+$0x0] =	vst.idx.msk $0xffff, v2  }
0x22c: {  	v1 =	vld [tilespmem:$0x180]  }
0x22d: {  	v2 =	vld [tilespmem:$0x200];
	_ =	sdelay $0x4  }
0x22e: {  	v3 =	vshll.u32 v1, $0x3;
	v1 =	vsub.s32 v2, v1  }
0x22f: {  	v1 =	vadd.s32 v3, v1  }
0x230: {  	v2 =	vld [tilespmem:$0x280];
	v1 =	vadd.s32 $0x801, v1;
	_ =	sdelay $0x4  }
0x231: {  	[tilespmem:v1+s7+$0x0] =	vst.idx.msk $0xffff, v2  }
0x232: {  	v1 =	vld [tilespmem:$0x190]  }
0x233: {  	v2 =	vld [tilespmem:$0x210];
	_ =	sdelay $0x4  }
0x234: {  	v3 =	vshll.u32 v1, $0x3;
	v1 =	vsub.s32 v2, v1  }
0x235: {  	v1 =	vadd.s32 v3, v1  }
0x236: {  	v2 =	vld [tilespmem:$0x290];
	v1 =	vadd.s32 $0x801, v1;
	_ =	sdelay $0x4  }
0x237: {  	[tilespmem:v1+s7+$0x0] =	vst.idx.msk $0xffff, v2  }
0x238: {  	v1 =	vld [tilespmem:$0x1A0]  }
0x239: {  	v2 =	vld [tilespmem:$0x220];
	_ =	sdelay $0x4  }
0x23a: {  	v3 =	vshll.u32 v1, $0x3;
	v1 =	vsub.s32 v2, v1  }
0x23b: {  	v1 =	vadd.s32 v3, v1  }
0x23c: {  	v2 =	vld [tilespmem:$0x2A0];
	v1 =	vadd.s32 $0x801, v1;
	_ =	sdelay $0x4  }
0x23d: {  	[tilespmem:v1+s7+$0x0] =	vst.idx.msk $0xffff, v2  }
0x23e: {  	v1 =	vld [tilespmem:$0x1B0]  }
0x23f: {  	v2 =	vld [tilespmem:$0x230];
	_ =	sdelay $0x4  }
0x240: {  	v3 =	vshll.u32 v1, $0x3;
	v1 =	vsub.s32 v2, v1  }
0x241: {  	v1 =	vadd.s32 v3, v1  }
0x242: {  	v2 =	vld [tilespmem:$0x2B0];
	v1 =	vadd.s32 $0x801, v1;
	_ =	sdelay $0x4  }
0x243: {  	[tilespmem:v1+s7+$0x0] =	vst.idx.msk $0xffff, v2  }
0x244: {  	v1 =	vld [tilespmem:$0x1C0]  }
0x245: {  	v2 =	vld [tilespmem:$0x240];
	_ =	sdelay $0x4  }
0x246: {  	v3 =	vshll.u32 v1, $0x3;
	v1 =	vsub.s32 v2, v1  }
0x247: {  	v1 =	vadd.s32 v3, v1  }
0x248: {  	v2 =	vld [tilespmem:$0x2C0];
	v1 =	vadd.s32 $0x801, v1;
	_ =	sdelay $0x4  }
0x249: {  	[tilespmem:v1+s7+$0x0] =	vst.idx.msk $0xffff, v2  }
0x24a: {  	v1 =	vld [tilespmem:$0x1D0]  }
0x24b: {  	v2 =	vld [tilespmem:$0x250];
	_ =	sdelay $0x4  }
0x24c: {  	v3 =	vshll.u32 v1, $0x3;
	v1 =	vsub.s32 v2, v1  }
0x24d: {  	v1 =	vadd.s32 v3, v1  }
0x24e: {  	v2 =	vld [tilespmem:$0x2D0];
	v1 =	vadd.s32 $0x801, v1;
	_ =	sdelay $0x4  }
0x24f: {  	[tilespmem:v1+s7+$0x0] =	vst.idx.msk $0xffff, v2  }
0x250: {  	v1 =	vld [tilespmem:$0x1E0]  }
0x251: {  	v2 =	vld [tilespmem:$0x260];
	_ =	sdelay $0x4  }
0x252: {  	v3 =	vshll.u32 v1, $0x3;
	v1 =	vsub.s32 v2, v1  }
0x253: {  	v1 =	vadd.s32 v3, v1  }
0x254: {  	v2 =	vld [tilespmem:$0x2E0];
	v1 =	vadd.s32 $0x801, v1;
	_ =	sdelay $0x4  }
0x255: {  	[tilespmem:v1+s7+$0x0] =	vst.idx.msk $0xffff, v2  }
0x256: {  	v1 =	vld [tilespmem:$0x1F0]  }
0x257: {  	v2 =	vld [tilespmem:$0x270];
	_ =	sdelay $0x4  }
0x258: {  	v3 =	vshll.u32 v1, $0x3;
	v1 =	vsub.s32 v2, v1  }
0x259: {  	v1 =	vadd.s32 v3, v1  }
0x25a: {  	v2 =	vld [tilespmem:$0x2F0];
	v1 =	vadd.s32 $0x801, v1;
	_ =	sdelay $0x4  }
0x25b: {  	[tilespmem:v1+s7+$0x0] =	vst.idx.msk $0xffff, v2  }
0x25c: {  	v1 =	vld [tilespmem:$0x580]  }
0x25d: {  	v2 =	vld [tilespmem:$0x600];
	_ =	sdelay $0x4  }
0x25e: {  	v3 =	vshll.u32 v1, $0x3;
	v1 =	vsub.s32 v2, v1  }
0x25f: {  	v1 =	vadd.s32 v3, v1  }
0x260: {  	v2 =	vld [tilespmem:$0x680];
	v1 =	vadd.s32 $0x801, v1;
	_ =	sdelay $0x4  }
0x261: {  	[tilespmem:v1+s7+$0x0] =	vst.idx.msk $0xffff, v2  }
0x262: {  	v1 =	vld [tilespmem:$0x590]  }
0x263: {  	v2 =	vld [tilespmem:$0x610];
	_ =	sdelay $0x4  }
0x264: {  	v3 =	vshll.u32 v1, $0x3;
	v1 =	vsub.s32 v2, v1  }
0x265: {  	v1 =	vadd.s32 v3, v1  }
0x266: {  	v2 =	vld [tilespmem:$0x690];
	v1 =	vadd.s32 $0x801, v1;
	_ =	sdelay $0x4  }
0x267: {  	[tilespmem:v1+s7+$0x0] =	vst.idx.msk $0xffff, v2  }
0x268: {  	v1 =	vld [tilespmem:$0x5A0]  }
0x269: {  	v2 =	vld [tilespmem:$0x620];
	_ =	sdelay $0x4  }
0x26a: {  	v3 =	vshll.u32 v1, $0x3;
	v1 =	vsub.s32 v2, v1  }
0x26b: {  	v1 =	vadd.s32 v3, v1  }
0x26c: {  	v2 =	vld [tilespmem:$0x6A0];
	v1 =	vadd.s32 $0x801, v1;
	_ =	sdelay $0x4  }
0x26d: {  	[tilespmem:v1+s7+$0x0] =	vst.idx.msk $0xffff, v2  }
0x26e: {  	v1 =	vld [tilespmem:$0x5B0]  }
0x26f: {  	v2 =	vld [tilespmem:$0x630];
	_ =	sdelay $0x4  }
0x270: {  	v3 =	vshll.u32 v1, $0x3;
	v1 =	vsub.s32 v2, v1  }
0x271: {  	v1 =	vadd.s32 v3, v1  }
0x272: {  	v2 =	vld [tilespmem:$0x6B0];
	v1 =	vadd.s32 $0x801, v1;
	_ =	sdelay $0x4  }
0x273: {  	[tilespmem:v1+s7+$0x0] =	vst.idx.msk $0xffff, v2  }
0x274: {  	v1 =	vld [tilespmem:$0x5C0]  }
0x275: {  	v2 =	vld [tilespmem:$0x640];
	_ =	sdelay $0x4  }
0x276: {  	v3 =	vshll.u32 v1, $0x3;
	v1 =	vsub.s32 v2, v1  }
0x277: {  	v1 =	vadd.s32 v3, v1  }
0x278: {  	v2 =	vld [tilespmem:$0x6C0];
	v1 =	vadd.s32 $0x801, v1;
	_ =	sdelay $0x4  }
0x279: {  	[tilespmem:v1+s7+$0x0] =	vst.idx.msk $0xffff, v2  }
0x27a: {  	v1 =	vld [tilespmem:$0x5D0]  }
0x27b: {  	v2 =	vld [tilespmem:$0x650];
	_ =	sdelay $0x4  }
0x27c: {  	v3 =	vshll.u32 v1, $0x3;
	v1 =	vsub.s32 v2, v1  }
0x27d: {  	v1 =	vadd.s32 v3, v1  }
0x27e: {  	v2 =	vld [tilespmem:$0x6D0];
	v1 =	vadd.s32 $0x801, v1;
	_ =	sdelay $0x4  }
0x27f: {  	[tilespmem:v1+s7+$0x0] =	vst.idx.msk $0xffff, v2  }
0x280: {  	v1 =	vld [tilespmem:$0x5E0]  }
0x281: {  	v2 =	vld [tilespmem:$0x660];
	_ =	sdelay $0x4  }
0x282: {  	v3 =	vshll.u32 v1, $0x3;
	v1 =	vsub.s32 v2, v1  }
0x283: {  	v1 =	vadd.s32 v3, v1  }
0x284: {  	v2 =	vld [tilespmem:$0x6E0];
	v1 =	vadd.s32 $0x801, v1;
	_ =	sdelay $0x4  }
0x285: {  	[tilespmem:v1+s7+$0x0] =	vst.idx.msk $0xffff, v2  }
0x286: {  	v1 =	vld [tilespmem:$0x5F0]  }
0x287: {  	v2 =	vld [tilespmem:$0x670];
	_ =	sdelay $0x4  }
0x288: {  	v3 =	vshll.u32 v1, $0x3;
	v1 =	vsub.s32 v2, v1  }
0x289: {  	v1 =	vadd.s32 v3, v1  }
0x28a: {  	v2 =	vld [tilespmem:$0x6F0];
	v1 =	vadd.s32 $0x801, v1;
	_ =	sdelay $0x4  }
0x28b: {  	[tilespmem:v1+s7+$0x0] =	vst.idx.msk $0xffff, v2  }
0x28c: {  	v1 =	vld [tilespmem:$0x980]  }
0x28d: {  	v2 =	vld [tilespmem:$0xA00];
	_ =	sdelay $0x4  }
0x28e: {  	v3 =	vshll.u32 v1, $0x3;
	v1 =	vsub.s32 v2, v1  }
0x28f: {  	v1 =	vadd.s32 v3, v1  }
0x290: {  	v2 =	vld [tilespmem:$0xA80];
	v1 =	vadd.s32 $0x801, v1;
	_ =	sdelay $0x4  }
0x291: {  	[tilespmem:v1+s7+$0x0] =	vst.idx.msk $0xffff, v2  }
0x292: {  	v1 =	vld [tilespmem:$0x990]  }
0x293: {  	v2 =	vld [tilespmem:$0xA10];
	_ =	sdelay $0x4  }
0x294: {  	v3 =	vshll.u32 v1, $0x3;
	v1 =	vsub.s32 v2, v1  }
0x295: {  	v1 =	vadd.s32 v3, v1  }
0x296: {  	v2 =	vld [tilespmem:$0xA90];
	v1 =	vadd.s32 $0x801, v1;
	_ =	sdelay $0x4  }
0x297: {  	[tilespmem:v1+s7+$0x0] =	vst.idx.msk $0xffff, v2  }
0x298: {  	v1 =	vld [tilespmem:$0x9A0]  }
0x299: {  	v2 =	vld [tilespmem:$0xA20];
	_ =	sdelay $0x4  }
0x29a: {  	v3 =	vshll.u32 v1, $0x3;
	v1 =	vsub.s32 v2, v1  }
0x29b: {  	v1 =	vadd.s32 v3, v1  }
0x29c: {  	v2 =	vld [tilespmem:$0xAA0];
	v1 =	vadd.s32 $0x801, v1;
	_ =	sdelay $0x4  }
0x29d: {  	[tilespmem:v1+s7+$0x0] =	vst.idx.msk $0xffff, v2  }
0x29e: {  	v1 =	vld [tilespmem:$0x9B0]  }
0x29f: {  	v2 =	vld [tilespmem:$0xA30];
	_ =	sdelay $0x4  }
0x2a0: {  	v3 =	vshll.u32 v1, $0x3;
	v1 =	vsub.s32 v2, v1  }
0x2a1: {  	v1 =	vadd.s32 v3, v1  }
0x2a2: {  	v2 =	vld [tilespmem:$0xAB0];
	v1 =	vadd.s32 $0x801, v1;
	_ =	sdelay $0x4  }
0x2a3: {  	[tilespmem:v1+s7+$0x0] =	vst.idx.msk $0xffff, v2  }
0x2a4: {  	v1 =	vld [tilespmem:$0x9C0]  }
0x2a5: {  	v2 =	vld [tilespmem:$0xA40];
	_ =	sdelay $0x4  }
0x2a6: {  	v3 =	vshll.u32 v1, $0x3;
	v1 =	vsub.s32 v2, v1  }
0x2a7: {  	v1 =	vadd.s32 v3, v1  }
0x2a8: {  	v2 =	vld [tilespmem:$0xAC0];
	v1 =	vadd.s32 $0x801, v1;
	_ =	sdelay $0x4  }
0x2a9: {  	[tilespmem:v1+s7+$0x0] =	vst.idx.msk $0xffff, v2  }
0x2aa: {  	v1 =	vld [tilespmem:$0x9D0]  }
0x2ab: {  	v2 =	vld [tilespmem:$0xA50];
	_ =	sdelay $0x4  }
0x2ac: {  	v3 =	vshll.u32 v1, $0x3;
	v1 =	vsub.s32 v2, v1  }
0x2ad: {  	v1 =	vadd.s32 v3, v1  }
0x2ae: {  	v2 =	vld [tilespmem:$0xAD0];
	v1 =	vadd.s32 $0x801, v1;
	_ =	sdelay $0x4  }
0x2af: {  	[tilespmem:v1+s7+$0x0] =	vst.idx.msk $0xffff, v2  }
0x2b0: {  	v1 =	vld [tilespmem:$0x9E0]  }
0x2b1: {  	v2 =	vld [tilespmem:$0xA60];
	_ =	sdelay $0x4  }
0x2b2: {  	v3 =	vshll.u32 v1, $0x3;
	v1 =	vsub.s32 v2, v1  }
0x2b3: {  	v1 =	vadd.s32 v3, v1  }
0x2b4: {  	v2 =	vld [tilespmem:$0xAE0];
	v1 =	vadd.s32 $0x801, v1;
	_ =	sdelay $0x4  }
0x2b5: {  	[tilespmem:v1+s7+$0x0] =	vst.idx.msk $0xffff, v2  }
0x2b6: {  	v1 =	vld [tilespmem:$0x9F0]  }
0x2b7: {  	v2 =	vld [tilespmem:$0xA70];
	_ =	sdelay $0x4  }
0x2b8: {  	v3 =	vshll.u32 v1, $0x3;
	v1 =	vsub.s32 v2, v1  }
0x2b9: {  	v1 =	vadd.s32 v3, v1  }
0x2ba: {  	v2 =	vld [tilespmem:$0xAF0];
	v1 =	vadd.s32 $0x801, v1;
	_ =	sdelay $0x4  }
0x2bb: {  	[tilespmem:v1+s7+$0x0] =	vst.idx.msk $0xffff, v2  }
0x2bc: {  	v1 =	vld [tilespmem:$0xD80]  }
0x2bd: {  	v2 =	vld [tilespmem:$0xE00];
	_ =	sdelay $0x4  }
0x2be: {  	v3 =	vshll.u32 v1, $0x3;
	v1 =	vsub.s32 v2, v1  }
0x2bf: {  	v1 =	vadd.s32 v3, v1  }
0x2c0: {  	v2 =	vld [tilespmem:$0xE80];
	v1 =	vadd.s32 $0x801, v1;
	_ =	sdelay $0x4  }
0x2c1: {  	[tilespmem:v1+s7+$0x0] =	vst.idx.msk $0xffff, v2  }
0x2c2: {  	v1 =	vld [tilespmem:$0xD90]  }
0x2c3: {  	v2 =	vld [tilespmem:$0xE10];
	_ =	sdelay $0x4  }
0x2c4: {  	v3 =	vshll.u32 v1, $0x3;
	v1 =	vsub.s32 v2, v1  }
0x2c5: {  	v1 =	vadd.s32 v3, v1  }
0x2c6: {  	v2 =	vld [tilespmem:$0xE90];
	v1 =	vadd.s32 $0x801, v1;
	_ =	sdelay $0x4  }
0x2c7: {  	[tilespmem:v1+s7+$0x0] =	vst.idx.msk $0xffff, v2  }
0x2c8: {  	v1 =	vld [tilespmem:$0xDA0]  }
0x2c9: {  	v2 =	vld [tilespmem:$0xE20];
	_ =	sdelay $0x4  }
0x2ca: {  	v3 =	vshll.u32 v1, $0x3;
	v1 =	vsub.s32 v2, v1  }
0x2cb: {  	v1 =	vadd.s32 v3, v1  }
0x2cc: {  	v2 =	vld [tilespmem:$0xEA0];
	v1 =	vadd.s32 $0x801, v1;
	_ =	sdelay $0x4  }
0x2cd: {  	[tilespmem:v1+s7+$0x0] =	vst.idx.msk $0xffff, v2  }
0x2ce: {  	v1 =	vld [tilespmem:$0xDB0]  }
0x2cf: {  	v2 =	vld [tilespmem:$0xE30];
	_ =	sdelay $0x4  }
0x2d0: {  	v3 =	vshll.u32 v1, $0x3;
	v1 =	vsub.s32 v2, v1  }
0x2d1: {  	v1 =	vadd.s32 v3, v1  }
0x2d2: {  	v2 =	vld [tilespmem:$0xEB0];
	v1 =	vadd.s32 $0x801, v1;
	_ =	sdelay $0x4  }
0x2d3: {  	[tilespmem:v1+s7+$0x0] =	vst.idx.msk $0xffff, v2  }
0x2d4: {  	v1 =	vld [tilespmem:$0xDC0]  }
0x2d5: {  	v2 =	vld [tilespmem:$0xE40];
	_ =	sdelay $0x4  }
0x2d6: {  	v3 =	vshll.u32 v1, $0x3;
	v1 =	vsub.s32 v2, v1  }
0x2d7: {  	v1 =	vadd.s32 v3, v1  }
0x2d8: {  	v2 =	vld [tilespmem:$0xEC0];
	v1 =	vadd.s32 $0x801, v1;
	_ =	sdelay $0x4  }
0x2d9: {  	[tilespmem:v1+s7+$0x0] =	vst.idx.msk $0xffff, v2  }
0x2da: {  	v1 =	vld [tilespmem:$0xDD0]  }
0x2db: {  	v2 =	vld [tilespmem:$0xE50];
	_ =	sdelay $0x4  }
0x2dc: {  	v3 =	vshll.u32 v1, $0x3;
	v1 =	vsub.s32 v2, v1  }
0x2dd: {  	v1 =	vadd.s32 v3, v1  }
0x2de: {  	v2 =	vld [tilespmem:$0xED0];
	v1 =	vadd.s32 $0x801, v1;
	_ =	sdelay $0x4  }
0x2df: {  	[tilespmem:v1+s7+$0x0] =	vst.idx.msk $0xffff, v2  }
0x2e0: {  	v1 =	vld [tilespmem:$0xDE0]  }
0x2e1: {  	v2 =	vld [tilespmem:$0xE60];
	_ =	sdelay $0x4  }
0x2e2: {  	v3 =	vshll.u32 v1, $0x3;
	v1 =	vsub.s32 v2, v1  }
0x2e3: {  	v1 =	vadd.s32 v3, v1  }
0x2e4: {  	v2 =	vld [tilespmem:$0xEE0];
	v1 =	vadd.s32 $0x801, v1;
	_ =	sdelay $0x4  }
0x2e5: {  	[tilespmem:v1+s7+$0x0] =	vst.idx.msk $0xffff, v2  }
0x2e6: {  	v1 =	vld [tilespmem:$0xDF0]  }
0x2e7: {  	v2 =	vld [tilespmem:$0xE70];
	_ =	sdelay $0x4  }
0x2e8: {  	v3 =	vshll.u32 v1, $0x3;
	v1 =	vsub.s32 v2, v1  }
0x2e9: {  	v1 =	vadd.s32 v3, v1  }
0x2ea: {  	v2 =	vld [tilespmem:$0xEF0];
	v1 =	vadd.s32 $0x801, v1;
	_ =	sdelay $0x4  }
0x2eb: {  	[tilespmem:v1+s7+$0x0] =	vst.idx.msk $0xffff, v2  }
0x2ec: {  	v1 =	vld [tilespmem:$0x1180]  }
0x2ed: {  	v2 =	vld [tilespmem:$0x1200];
	_ =	sdelay $0x4  }
0x2ee: {  	v3 =	vshll.u32 v1, $0x3;
	v1 =	vsub.s32 v2, v1  }
0x2ef: {  	v1 =	vadd.s32 v3, v1  }
0x2f0: {  	v2 =	vld [tilespmem:$0x1280];
	v1 =	vadd.s32 $0x801, v1;
	_ =	sdelay $0x4  }
0x2f1: {  	[tilespmem:v1+s7+$0x0] =	vst.idx.msk $0xffff, v2  }
0x2f2: {  	v1 =	vld [tilespmem:$0x1190]  }
0x2f3: {  	v2 =	vld [tilespmem:$0x1210];
	_ =	sdelay $0x4  }
0x2f4: {  	v3 =	vshll.u32 v1, $0x3;
	v1 =	vsub.s32 v2, v1  }
0x2f5: {  	v1 =	vadd.s32 v3, v1  }
0x2f6: {  	v2 =	vld [tilespmem:$0x1290];
	v1 =	vadd.s32 $0x801, v1;
	_ =	sdelay $0x4  }
0x2f7: {  	[tilespmem:v1+s7+$0x0] =	vst.idx.msk $0xffff, v2  }
0x2f8: {  	v1 =	vld [tilespmem:$0x11A0]  }
0x2f9: {  	v2 =	vld [tilespmem:$0x1220];
	_ =	sdelay $0x4  }
0x2fa: {  	v3 =	vshll.u32 v1, $0x3;
	v1 =	vsub.s32 v2, v1  }
0x2fb: {  	v1 =	vadd.s32 v3, v1  }
0x2fc: {  	v2 =	vld [tilespmem:$0x12A0];
	v1 =	vadd.s32 $0x801, v1;
	_ =	sdelay $0x4  }
0x2fd: {  	[tilespmem:v1+s7+$0x0] =	vst.idx.msk $0xffff, v2  }
0x2fe: {  	v1 =	vld [tilespmem:$0x11B0]  }
0x2ff: {  	v2 =	vld [tilespmem:$0x1230];
	_ =	sdelay $0x4  }
0x300: {  	v3 =	vshll.u32 v1, $0x3;
	v1 =	vsub.s32 v2, v1  }
0x301: {  	v1 =	vadd.s32 v3, v1  }
0x302: {  	v2 =	vld [tilespmem:$0x12B0];
	v1 =	vadd.s32 $0x801, v1;
	_ =	sdelay $0x4  }
0x303: {  	[tilespmem:v1+s7+$0x0] =	vst.idx.msk $0xffff, v2  }
0x304: {  	v1 =	vld [tilespmem:$0x11C0]  }
0x305: {  	v2 =	vld [tilespmem:$0x1240];
	_ =	sdelay $0x4  }
0x306: {  	v3 =	vshll.u32 v1, $0x3;
	v1 =	vsub.s32 v2, v1  }
0x307: {  	v1 =	vadd.s32 v3, v1  }
0x308: {  	v2 =	vld [tilespmem:$0x12C0];
	v1 =	vadd.s32 $0x801, v1;
	_ =	sdelay $0x4  }
0x309: {  	[tilespmem:v1+s7+$0x0] =	vst.idx.msk $0xffff, v2  }
0x30a: {  	v1 =	vld [tilespmem:$0x11D0]  }
0x30b: {  	v2 =	vld [tilespmem:$0x1250];
	_ =	sdelay $0x4  }
0x30c: {  	v3 =	vshll.u32 v1, $0x3;
	v1 =	vsub.s32 v2, v1  }
0x30d: {  	v1 =	vadd.s32 v3, v1  }
0x30e: {  	v2 =	vld [tilespmem:$0x12D0];
	v1 =	vadd.s32 $0x801, v1;
	_ =	sdelay $0x4  }
0x30f: {  	[tilespmem:v1+s7+$0x0] =	vst.idx.msk $0xffff, v2  }
0x310: {  	v1 =	vld [tilespmem:$0x11E0]  }
0x311: {  	v2 =	vld [tilespmem:$0x1260];
	_ =	sdelay $0x4  }
0x312: {  	v3 =	vshll.u32 v1, $0x3;
	v1 =	vsub.s32 v2, v1  }
0x313: {  	v1 =	vadd.s32 v3, v1  }
0x314: {  	v2 =	vld [tilespmem:$0x12E0];
	v1 =	vadd.s32 $0x801, v1;
	_ =	sdelay $0x4  }
0x315: {  	[tilespmem:v1+s7+$0x0] =	vst.idx.msk $0xffff, v2  }
0x316: {  	v1 =	vld [tilespmem:$0x11F0]  }
0x317: {  	v2 =	vld [tilespmem:$0x1270];
	_ =	sdelay $0x4  }
0x318: {  	v3 =	vshll.u32 v1, $0x3;
	v1 =	vsub.s32 v2, v1  }
0x319: {  	v1 =	vadd.s32 v3, v1  }
0x31a: {  	v2 =	vld [tilespmem:$0x12F0];
	v1 =	vadd.s32 $0x801, v1;
	_ =	sdelay $0x4  }
0x31b: {  	[tilespmem:v1+s7+$0x0] =	vst.idx.msk $0xffff, v2  }
0x31c: {  	v1 =	vld [tilespmem:$0x1580]  }
0x31d: {  	v2 =	vld [tilespmem:$0x1600];
	_ =	sdelay $0x4  }
0x31e: {  	v3 =	vshll.u32 v1, $0x3;
	v1 =	vsub.s32 v2, v1  }
0x31f: {  	v1 =	vadd.s32 v3, v1  }
0x320: {  	v2 =	vld [tilespmem:$0x1680];
	v1 =	vadd.s32 $0x801, v1;
	_ =	sdelay $0x4  }
0x321: {  	[tilespmem:v1+s7+$0x0] =	vst.idx.msk $0xffff, v2  }
0x322: {  	v1 =	vld [tilespmem:$0x1590]  }
0x323: {  	v2 =	vld [tilespmem:$0x1610];
	_ =	sdelay $0x4  }
0x324: {  	v3 =	vshll.u32 v1, $0x3;
	v1 =	vsub.s32 v2, v1  }
0x325: {  	v1 =	vadd.s32 v3, v1  }
0x326: {  	v2 =	vld [tilespmem:$0x1690];
	v1 =	vadd.s32 $0x801, v1;
	_ =	sdelay $0x4  }
0x327: {  	[tilespmem:v1+s7+$0x0] =	vst.idx.msk $0xffff, v2  }
0x328: {  	v1 =	vld [tilespmem:$0x15A0]  }
0x329: {  	v2 =	vld [tilespmem:$0x1620];
	_ =	sdelay $0x4  }
0x32a: {  	v3 =	vshll.u32 v1, $0x3;
	v1 =	vsub.s32 v2, v1  }
0x32b: {  	v1 =	vadd.s32 v3, v1  }
0x32c: {  	v2 =	vld [tilespmem:$0x16A0];
	v1 =	vadd.s32 $0x801, v1;
	_ =	sdelay $0x4  }
0x32d: {  	[tilespmem:v1+s7+$0x0] =	vst.idx.msk $0xffff, v2  }
0x32e: {  	v1 =	vld [tilespmem:$0x15B0]  }
0x32f: {  	v2 =	vld [tilespmem:$0x1630];
	_ =	sdelay $0x4  }
0x330: {  	v3 =	vshll.u32 v1, $0x3;
	v1 =	vsub.s32 v2, v1  }
0x331: {  	v1 =	vadd.s32 v3, v1  }
0x332: {  	v2 =	vld [tilespmem:$0x16B0];
	v1 =	vadd.s32 $0x801, v1;
	_ =	sdelay $0x4  }
0x333: {  	[tilespmem:v1+s7+$0x0] =	vst.idx.msk $0xffff, v2  }
0x334: {  	v1 =	vld [tilespmem:$0x15C0]  }
0x335: {  	v2 =	vld [tilespmem:$0x1640];
	_ =	sdelay $0x4  }
0x336: {  	v3 =	vshll.u32 v1, $0x3;
	v1 =	vsub.s32 v2, v1  }
0x337: {  	v1 =	vadd.s32 v3, v1  }
0x338: {  	v2 =	vld [tilespmem:$0x16C0];
	v1 =	vadd.s32 $0x801, v1;
	_ =	sdelay $0x4  }
0x339: {  	[tilespmem:v1+s7+$0x0] =	vst.idx.msk $0xffff, v2  }
0x33a: {  	v1 =	vld [tilespmem:$0x15D0]  }
0x33b: {  	v2 =	vld [tilespmem:$0x1650];
	_ =	sdelay $0x4  }
0x33c: {  	v3 =	vshll.u32 v1, $0x3;
	v1 =	vsub.s32 v2, v1  }
0x33d: {  	v1 =	vadd.s32 v3, v1  }
0x33e: {  	v2 =	vld [tilespmem:$0x16D0];
	v1 =	vadd.s32 $0x801, v1;
	_ =	sdelay $0x4  }
0x33f: {  	[tilespmem:v1+s7+$0x0] =	vst.idx.msk $0xffff, v2  }
0x340: {  	v1 =	vld [tilespmem:$0x15E0]  }
0x341: {  	v2 =	vld [tilespmem:$0x1660];
	_ =	sdelay $0x4  }
0x342: {  	v3 =	vshll.u32 v1, $0x3;
	v1 =	vsub.s32 v2, v1  }
0x343: {  	v1 =	vadd.s32 v3, v1  }
0x344: {  	v2 =	vld [tilespmem:$0x16E0];
	v1 =	vadd.s32 $0x801, v1;
	_ =	sdelay $0x4  }
0x345: {  	[tilespmem:v1+s7+$0x0] =	vst.idx.msk $0xffff, v2  }
0x346: {  	v1 =	vld [tilespmem:$0x15F0]  }
0x347: {  	v2 =	vld [tilespmem:$0x1670];
	_ =	sdelay $0x4  }
0x348: {  	v3 =	vshll.u32 v1, $0x3;
	v1 =	vsub.s32 v2, v1  }
0x349: {  	v1 =	vadd.s32 v3, v1  }
0x34a: {  	v2 =	vld [tilespmem:$0x16F0];
	v1 =	vadd.s32 $0x801, v1;
	_ =	sdelay $0x3  }
0x34b: {  	p0 =	sne.s32 s4, $0x1  }
.Ltmp1:
0x34c: {  	[tilespmem:v1+s7+$0x0] =	vst.idx.msk $0xffff, v2;
	(pc) =	sbr.rel @p0 .LBB2_2-.Ltmp1, $4  }
0x34d: {  	[hbm4b:s3+s5] =	stream.linear.scatter [tilespmem:s7], [sflag:$0x1], $0x1000, $0x38;
	[tilespmem:$0x2800] =	vst v63  }
0x34e: {  	_ =	swait.ge [sflag:s6], $0x1000  }
0x34f: {  	[sflag:s6] =	ssyncset.done $0x0  }
0x350: {  	s4 =	sadd.s32 $0xFFFFFFFF, s4;
	[sflag:s6] =	ssyncadd.s32 $0xFFFFF000  }
.LBB2_3:
0x351: {  	_ =	sfence.sel $0x180000  }
0x352: {  	[bflag:$0x0] =	sbarrier.arrive $0xFFFF  }
0x353: {  	p0 =	sne.s32 s0, $0x0;
	_ =	strace $0x90000047  }
0x354: {  	s0 =	sadd.s32 @!p0 $0x100000, s1;
	[bflag:$0x2] =	sbarrier.arrive $0xFFFF  }
0x355: {  	[sflag:s0] =	ssyncadd.tile.s32 @!p0 $0x1;
	_ =	shalt  }
.Lfunc_end2:
_tile_overlayer_lowered:
.L_overlay_start_2:
0x356: {  	(tag) =	ssettag $0x2  }
0x357: {  	s0 =	rddreg [dreg:$0x0];
	s2 =	stileid.u32  }
0x358: {  	s1 =	rddreg [dreg:$0x1];
	p0 =	sne.s32 s2, $0x0  }
0x359: {  	s3 =	rddreg [dreg:$0x2];
	[bflag:$0x3] =	sbarrier.arrive $0xFFFF;
	s2 =	simm.s32 @!p0 $0x1C01  }
0x35a: {  	[timem:s3], [sflag:s2] =	dma.local @!p0 [hbm:s0], s1  }
0x35b: {  	s0 =	simm.s32 @!p0 $0x1  }
0x35c: {  	_ =	swait.ge @!p0 [sflag:s0], s1  }
0x35d: {  	s1 =	ssub.s32 @!p0 $0x0, s1;
	[sflag:s0] =	ssyncset.done @!p0 $0x0  }
0x35e: {  	[sflag:s0] =	ssyncadd.s32 @!p0 s1  }
0x35f: {  	[bflag:$0x3] =	sbarrier.arrive $0xFFFF  }
0x360: {  	_ =	shalt  }

</sc_bundles>
